<compile_context>
chip_gen: v7x
topology: tpu7x:2x2x1
jax: 0.10.2.dev20260603
libtpu: 0.0.44.dev20260713+nightly
codegen_flags: <defaults>
</compile_context>

<pallas_src>
import jax
import jax.numpy as jnp
from jax import lax
from jax.experimental import pallas as pl
from jax.experimental.pallas import tpu as pltpu
from jax.experimental.pallas import tpu_sc as plsc

N_NODES = 10000
N_EDGES = 320000
D_FEAT = 128
D_HID = 16
N_CLASSES = 10

NC, NS = 2, 16
NW = NC * NS
CHUNK = 128
NBUF = 8
GAHEAD = 4
K0 = 96
K1 = 64
CH_TOT = NS * (K0 + K1)
CH_PAD = NS * K0 + NS * K1 + (K0 - K1)
E_PAD = CH_PAD * CHUNK

ACC_ROWS_PER_SUBCORE = 632
ACC_ROWS = NS * ACC_ROWS_PER_SUBCORE
FROWS = ACC_ROWS * D_HID // 128
FROWS_REAL = N_NODES * D_HID // 128
XF_COLS = 8 * D_FEAT

_mesh = plsc.VectorSubcoreMesh(core_axis_name="c", subcore_axis_name="s")
_f32 = jnp.float32


def _edge_pass_kernel(g_hbm, src_hbm, dst_hbm, zeros_hbm, out_hbm,
                      acc_sh, g_sh, src_v, dst_v,
                      r0, r1, r2, r3, r4, r5, r6, r7,
                      g0, g1, g2, g3, g4, g5, g6, g7,
                      t0, t1, t2, t3, t4, t5, t6, t7):
    rows = (r0, r1, r2, r3, r4, r5, r6, r7)
    gsems = (g0, g1, g2, g3, g4, g5, g6, g7)
    ssems = (t0, t1, t2, t3, t4, t5, t6, t7)
    c = lax.axis_index("c")
    s = lax.axis_index("s")
    kc = jnp.where(c == 0, K0, K1)
    base = s * K0 + c * (NS * K0) + c * s * (K1 - K0)
    row0 = s * ACC_ROWS_PER_SUBCORE
    pltpu.sync_copy(zeros_hbm.at[pl.ds(row0, ACC_ROWS_PER_SUBCORE)],
                    acc_sh.at[pl.ds(row0, ACC_ROWS_PER_SUBCORE)])
    pltpu.sync_copy(g_hbm.at[pl.ds(row0, ACC_ROWS_PER_SUBCORE)],
                    g_sh.at[pl.ds(row0, ACC_ROWS_PER_SUBCORE)])
    pltpu.sync_copy(src_hbm.at[pl.ds(base, K0)], src_v)
    pltpu.sync_copy(dst_hbm.at[pl.ds(base, K0)], dst_v)
    plsc.subcore_barrier()

    def gather_start(j, b):
        pltpu.async_copy(g_sh.at[src_v.at[j]], rows[b], gsems[b])

    def gather_wait(j, b):
        pltpu.make_async_copy(g_sh.at[src_v.at[j]], rows[b], gsems[b]).wait()

    def scatter_start(j, b):
        pltpu.async_copy(rows[b], acc_sh.at[dst_v.at[j]], ssems[b], add=True)

    def scatter_wait(j, b):
        pltpu.make_async_copy(rows[b], acc_sh.at[dst_v.at[j]],
                              ssems[b]).wait()

    for b in range(GAHEAD):
        gather_start(b, b)
    for b in range(NBUF):
        j = b
        gather_wait(j, b)
        scatter_start(j, b)
        if j >= GAHEAD:
            scatter_wait(j - GAHEAD, (j - GAHEAD) % NBUF)
        gather_start(j + GAHEAD, (j + GAHEAD) % NBUF)

    @pl.loop(1, kc // NBUF - 1)
    def _(g):
        gbase = g * NBUF
        for b in range(NBUF):
            j = gbase + b
            gather_wait(j, b)
            scatter_start(j, b)
            scatter_wait(j - GAHEAD, (b - GAHEAD) % NBUF)
            gather_start(j + GAHEAD, (b + GAHEAD) % NBUF)

    tail = kc - NBUF
    for b in range(NBUF):
        j = tail + b
        gather_wait(j, b)
        scatter_start(j, b)
        scatter_wait(j - GAHEAD, (b - GAHEAD) % NBUF)
        if b + GAHEAD < NBUF:
            gather_start(j + GAHEAD, (b + GAHEAD) % NBUF)
    for b in range(GAHEAD):
        j = kc - GAHEAD + b
        scatter_wait(j, (b + GAHEAD) % NBUF)

    plsc.subcore_barrier()
    pltpu.sync_copy(acc_sh.at[pl.ds(row0, ACC_ROWS_PER_SUBCORE)],
                    out_hbm.at[c, pl.ds(row0, ACC_ROWS_PER_SUBCORE)])


_edge_pass = pl.kernel(
    _edge_pass_kernel,
    out_type=jax.ShapeDtypeStruct((NC, ACC_ROWS, D_HID), _f32),
    mesh=_mesh,
    scratch_types=(
        [pltpu.VMEM_SHARED((ACC_ROWS, D_HID), _f32),
         pltpu.VMEM_SHARED((ACC_ROWS, D_HID), _f32),
         pltpu.VMEM((K0, CHUNK), jnp.int32),
         pltpu.VMEM((K0, CHUNK), jnp.int32)]
        + [pltpu.VMEM((CHUNK, D_HID), _f32)] * NBUF
        + [pltpu.SemaphoreType.DMA] * (2 * NBUF)
    ),
    compiler_params=pltpu.CompilerParams(use_tc_tiling_on_sc=False),
)


def _deg_pass_kernel(dst_hbm, zeros_hbm, ones_hbm, out_hbm,
                     acc_sh, dst_v, ones_v, sem):
    c = lax.axis_index("c")
    s = lax.axis_index("s")
    kc = jnp.where(c == 0, K0, K1)
    base0 = s * K0 + c * (NS * K0) + c * s * (K1 - K0)
    row0 = s * ACC_ROWS_PER_SUBCORE
    pltpu.sync_copy(zeros_hbm.at[pl.ds(row0, ACC_ROWS_PER_SUBCORE)],
                    acc_sh.at[pl.ds(row0, ACC_ROWS_PER_SUBCORE)])
    pltpu.sync_copy(dst_hbm.at[pl.ds(base0, K0)], dst_v)
    pltpu.sync_copy(ones_hbm, ones_v)
    plsc.subcore_barrier()

    @pl.loop(0, kc // 8)
    def _(g):
        gbase = g * 8
        for b in range(8):
            pltpu.async_copy(ones_v, acc_sh.at[dst_v.at[gbase + b]], sem,
                             add=True)
        for b in range(8):
            pltpu.make_async_copy(ones_v, acc_sh.at[dst_v.at[gbase + b]],
                                  sem).wait()

    plsc.subcore_barrier()
    pltpu.sync_copy(acc_sh.at[pl.ds(row0, ACC_ROWS_PER_SUBCORE)],
                    out_hbm.at[c, pl.ds(row0, ACC_ROWS_PER_SUBCORE)])


_deg_pass = pl.kernel(
    _deg_pass_kernel,
    out_type=jax.ShapeDtypeStruct((NC, ACC_ROWS, D_HID), _f32),
    mesh=_mesh,
    scratch_types=[
        pltpu.VMEM_SHARED((ACC_ROWS, D_HID), _f32),
        pltpu.VMEM((K0, CHUNK), jnp.int32),
        pltpu.VMEM((CHUNK, D_HID), _f32),
        pltpu.SemaphoreType.DMA,
    ],
    compiler_params=pltpu.CompilerParams(use_tc_tiling_on_sc=False),
)



def _mm1_body(xf_ref, w1bd_ref, hf_ref):
    hf_ref[...] = jnp.dot(xf_ref[...], w1bd_ref[...],
                          preferred_element_type=_f32)


def _prep2_body(degpf_ref, h1f_ref, dinvf_ref, g1f_ref):
    deg = degpf_ref[0] + degpf_ref[1] + 1.0
    dinvf = lax.rsqrt(deg)
    dinvf_ref[...] = dinvf
    g1f_ref[...] = jnp.concatenate(
        [dinvf[:FROWS_REAL] * h1f_ref[...],
         jnp.zeros((FROWS - FROWS_REAL, 128), _f32)], axis=0)


def _mid_body(accpf_ref, g1f_ref, dinvf_ref, b1f_ref, w2bd_ref, g2f_ref):
    agg = accpf_ref[0] + accpf_ref[1] + g1f_ref[...]
    h = jnp.maximum(dinvf_ref[...] * agg + b1f_ref[...], 0.0)
    h2 = jnp.dot(h, w2bd_ref[...], preferred_element_type=_f32,
                 precision=lax.Precision.HIGHEST)
    g2f_ref[...] = dinvf_ref[...] * h2


def _final_body(accpf_ref, g2f_ref, dinvf_ref, b2f_ref, of_ref):
    agg = accpf_ref[0, :FROWS_REAL] + accpf_ref[1, :FROWS_REAL] \
        + g2f_ref[0:FROWS_REAL]
    of_ref[...] = dinvf_ref[0:FROWS_REAL] * agg + b2f_ref[...]


def kernel(x, edge_index, W1, b1, W2, b2):
    flat = edge_index.astype(jnp.int32).reshape(2 * N_EDGES)
    flat = lax.optimization_barrier(flat)
    both = jnp.concatenate(
        [flat[:N_EDGES], jnp.zeros((E_PAD - N_EDGES,), jnp.int32),
         flat[N_EDGES:], jnp.full((E_PAD - N_EDGES,), N_NODES, jnp.int32)])
    src = both[:E_PAD].reshape(CH_PAD, CHUNK)
    dst = both[E_PAD:].reshape(CH_PAD, CHUNK)
    zeros = jnp.zeros((ACC_ROWS, D_HID), _f32)
    ones = jnp.ones((CHUNK, D_HID), _f32)
    eye8 = jnp.eye(8, dtype=_f32)
    w1bd = jnp.kron(eye8, W1)
    W2p = jnp.pad(W2, ((0, 0), (0, D_HID - N_CLASSES)))
    w2bd = jnp.kron(eye8, W2p)
    b1f = jnp.tile(b1, 8).reshape(1, 128)
    b2f = jnp.tile(jnp.pad(b2, (0, D_HID - N_CLASSES)), 8).reshape(1, 128)
    xf = x.reshape(FROWS_REAL, XF_COLS)

    degp = _deg_pass(dst, zeros, ones)
    degpf = degp.reshape(NC, FROWS, 128)
    h1f = pl.pallas_call(
        _mm1_body,
        out_shape=jax.ShapeDtypeStruct((FROWS_REAL, 128), _f32),
    )(xf, w1bd)
    dinvf, g1f = pl.pallas_call(
        _prep2_body,
        out_shape=(jax.ShapeDtypeStruct((FROWS, 128), _f32),
                   jax.ShapeDtypeStruct((FROWS, 128), _f32)),
    )(degpf, h1f)
    acc1 = _edge_pass(g1f.reshape(ACC_ROWS, D_HID), src, dst, zeros)
    g2f = pl.pallas_call(
        _mid_body,
        out_shape=jax.ShapeDtypeStruct((FROWS, 128), _f32),
    )(acc1.reshape(NC, FROWS, 128), g1f, dinvf, b1f, w2bd)
    acc2 = _edge_pass(g2f.reshape(ACC_ROWS, D_HID), src, dst, zeros)
    resf = pl.pallas_call(
        _final_body,
        out_shape=jax.ShapeDtypeStruct((FROWS_REAL, 128), _f32),
    )(acc2.reshape(NC, FROWS, 128), g2f, dinvf, b2f)
    return resf.reshape(N_NODES, D_HID)[:, :N_CLASSES]

# --- scband reference (transcript-rebuilt; emitter-appended) ---
"""Pipeline reference for scband-gplight-predictor-704374636700 (READ-ONLY COPY).

The authoritative reference and input builder live on the scoring server;
editing this copy changes nothing except your own understanding.
"""

import jax, jax.numpy as jnp
import numpy as np

N_NODES = 10000
N_EDGES = 320000
D_FEAT = 128
D_HID = 16
N_CLASSES = 10


def setup_inputs(seed: int = 0) -> dict:
    key = jax.random.key(seed)
    k1, k2, k3, k4, k5, k6 = jax.random.split(key, 6)
    x = jax.random.normal(k1, (N_NODES, D_FEAT), dtype=jnp.float32)
    edge_index = jax.random.randint(k2, (2, N_EDGES), 0, N_NODES, dtype=jnp.int64)
    s1 = 1.0 / np.sqrt(D_FEAT)
    W1 = jax.random.uniform(k3, (D_FEAT, D_HID), dtype=jnp.float32, minval=-s1, maxval=s1)
    b1 = jnp.zeros((D_HID,), dtype=jnp.float32)
    s2 = 1.0 / np.sqrt(D_HID)
    W2 = jax.random.uniform(k4, (D_HID, N_CLASSES), dtype=jnp.float32, minval=-s2, maxval=s2)
    b2 = jnp.zeros((N_CLASSES,), dtype=jnp.float32)
    return {"x": x, "edge_index": edge_index, "W1": W1, "b1": b1, "W2": W2, "b2": b2}


def gcn_conv(x, edge_index, W, b, num_nodes):
    # GCNConv: add self loops, symmetric normalization, linear transform, scatter-add aggregate
    loop = jnp.arange(num_nodes, dtype=edge_index.dtype)
    src = jnp.concatenate([edge_index[0], loop])
    dst = jnp.concatenate([edge_index[1], loop])
    h = x @ W
    deg = jnp.zeros((num_nodes,), dtype=h.dtype).at[dst].add(1.0)
    dinv = 1.0 / jnp.sqrt(jnp.clip(deg, 1.0, None))
    norm = dinv[src] * dinv[dst]
    msgs = h[src] * norm[:, None]
    out = jax.ops.segment_sum(msgs, dst, num_segments=num_nodes)
    return out + b


def reference(x, edge_index, W1, b1, W2, b2):
    h = gcn_conv(x, edge_index, W1, b1, N_NODES)
    h = jax.nn.relu(h)
    # dropout p=0.5 is identity in eval mode
    out = gcn_conv(h, edge_index, W2, b2, N_NODES)
    return out

if __name__ == "__main__":
    import jax
    _d = setup_inputs()
    print(jax.jit(kernel)(*tuple(_d.values())))

</pallas_src>

<mosaic_0001>
#map = affine_map<(d0, d1) -> (0, 0)>
#map1 = affine_map<(d0, d1) -> (0, 0, 0)>
module attributes {stable_mosaic.version = 14 : i64} {
  func.func @_edge_pass_kernel(%arg0: i32, %arg1: i32, %arg2: memref<10112x16xf32, #tpu.memory_space<hbm>>, %arg3: memref<2592x128xi32, #tpu.memory_space<hbm>>, %arg4: memref<2592x128xi32, #tpu.memory_space<hbm>>, %arg5: memref<10112x16xf32, #tpu.memory_space<hbm>>, %arg6: memref<2x10112x16xf32, #tpu.memory_space<hbm>>, %arg7: memref<10112x16xf32, #tpu.memory_space<vmem_shared>>, %arg8: memref<10112x16xf32, #tpu.memory_space<vmem_shared>>, %arg9: memref<96x128xi32, #tpu.memory_space<vmem>>, %arg10: memref<96x128xi32, #tpu.memory_space<vmem>>, %arg11: memref<128x16xf32, #tpu.memory_space<vmem>>, %arg12: memref<128x16xf32, #tpu.memory_space<vmem>>, %arg13: memref<128x16xf32, #tpu.memory_space<vmem>>, %arg14: memref<128x16xf32, #tpu.memory_space<vmem>>, %arg15: memref<128x16xf32, #tpu.memory_space<vmem>>, %arg16: memref<128x16xf32, #tpu.memory_space<vmem>>, %arg17: memref<128x16xf32, #tpu.memory_space<vmem>>, %arg18: memref<128x16xf32, #tpu.memory_space<vmem>>, %arg19: memref<!tpu.dma_semaphore, #tpu.memory_space<semaphore_mem>>, %arg20: memref<!tpu.dma_semaphore, #tpu.memory_space<semaphore_mem>>, %arg21: memref<!tpu.dma_semaphore, #tpu.memory_space<semaphore_mem>>, %arg22: memref<!tpu.dma_semaphore, #tpu.memory_space<semaphore_mem>>, %arg23: memref<!tpu.dma_semaphore, #tpu.memory_space<semaphore_mem>>, %arg24: memref<!tpu.dma_semaphore, #tpu.memory_space<semaphore_mem>>, %arg25: memref<!tpu.dma_semaphore, #tpu.memory_space<semaphore_mem>>, %arg26: memref<!tpu.dma_semaphore, #tpu.memory_space<semaphore_mem>>, %arg27: memref<!tpu.dma_semaphore, #tpu.memory_space<semaphore_mem>>, %arg28: memref<!tpu.dma_semaphore, #tpu.memory_space<semaphore_mem>>, %arg29: memref<!tpu.dma_semaphore, #tpu.memory_space<semaphore_mem>>, %arg30: memref<!tpu.dma_semaphore, #tpu.memory_space<semaphore_mem>>, %arg31: memref<!tpu.dma_semaphore, #tpu.memory_space<semaphore_mem>>, %arg32: memref<!tpu.dma_semaphore, #tpu.memory_space<semaphore_mem>>, %arg33: memref<!tpu.dma_semaphore, #tpu.memory_space<semaphore_mem>>, %arg34: memref<!tpu.dma_semaphore, #tpu.memory_space<semaphore_mem>>) attributes {dimension_semantics = [#tpu.dimension_semantics<core_parallel>, #tpu.dimension_semantics<subcore_parallel>], iteration_bounds = array<i64: 2, 16>, scalar_prefetch = 0 : i64, scratch_operands = 28 : i64, tpu.core_type = #tpu.core_type<sc_vector_subcore>, window_params = [{transform_indices = #map}, {transform_indices = #map}, {transform_indices = #map}, {transform_indices = #map}, {transform_indices = #map1}]} {
    %eq3A = arith.constant 0 : i32
    %eq3A_0 = arith.cmpi eq, %arg0, %eq3A : i32
    %jit3A = arith.constant 96 : i32
    %jit3A_1 = arith.constant 64 : i32
    %select_n3A = arith.select %eq3A_0, %jit3A, %jit3A_1 : i32
    %mul3A = arith.constant 96 : i32
    %mul3A_2 = arith.muli %arg1, %mul3A : i32
    %mul3A_3 = arith.constant 1536 : i32
    %mul3A_4 = arith.muli %arg0, %mul3A_3 : i32
    %add3A = arith.addi %mul3A_2, %mul3A_4 : i32
    %mul3A_5 = arith.muli %arg0, %arg1 : i32
    %mul3A_6 = arith.constant -32 : i32
    %mul3A_7 = arith.muli %mul3A_5, %mul3A_6 : i32
    %add3A_8 = arith.addi %add3A, %mul3A_7 : i32
    %mul3A_9 = arith.constant 632 : i32
    %mul3A_10 = arith.muli %arg1, %mul3A_9 : i32
    "tpu.region"() ({
      %run_scoped3A = tpu.sem_alloc : memref<!tpu.dma_semaphore, #tpu.memory_space<semaphore_mem>>
      %dma_start3A_522 = arith.constant 0 : i32
      %dma_start3A_523 = tpu.memref_slice %arg7[%mul3A_10, %dma_start3A_522] : memref<10112x16xf32, #tpu.memory_space<vmem_shared>> -> memref<632x16xf32, #tpu.memory_space<vmem_shared>>
      %dma_start3A_524 = arith.constant 0 : i32
      %dma_start3A_525 = tpu.memref_slice %arg5[%mul3A_10, %dma_start3A_524] : memref<10112x16xf32, #tpu.memory_space<hbm>> -> memref<632x16xf32, #tpu.memory_space<hbm>>
      tpu.enqueue_dma source(%dma_start3A_525 : memref<632x16xf32, #tpu.memory_space<hbm>>) target(%dma_start3A_523 : memref<632x16xf32, #tpu.memory_space<vmem_shared>>) target_semaphore(%run_scoped3A : memref<!tpu.dma_semaphore, #tpu.memory_space<semaphore_mem>>)
      %dma_wait3A_526 = arith.constant 0 : i32
      %dma_wait3A_527 = tpu.memref_slice %arg7[%mul3A_10, %dma_wait3A_526] : memref<10112x16xf32, #tpu.memory_space<vmem_shared>> -> memref<632x16xf32, #tpu.memory_space<vmem_shared>>
      %dma_wait3A_528 = arith.constant 0 : i32
      %dma_wait3A_529 = tpu.memref_slice %arg5[%mul3A_10, %dma_wait3A_528] : memref<10112x16xf32, #tpu.memory_space<hbm>> -> memref<632x16xf32, #tpu.memory_space<hbm>>
      tpu.wait_dma2 semaphore(%run_scoped3A : memref<!tpu.dma_semaphore, #tpu.memory_space<semaphore_mem>>) src(%dma_wait3A_529 : memref<632x16xf32, #tpu.memory_space<hbm>>) dst(%dma_wait3A_527 : memref<632x16xf32, #tpu.memory_space<vmem_shared>>)
      tpu.yield
    }) : () -> ()
    "tpu.region"() ({
      %run_scoped3A = tpu.sem_alloc : memref<!tpu.dma_semaphore, #tpu.memory_space<semaphore_mem>>
      %dma_start3A_522 = arith.constant 0 : i32
      %dma_start3A_523 = tpu.memref_slice %arg8[%mul3A_10, %dma_start3A_522] : memref<10112x16xf32, #tpu.memory_space<vmem_shared>> -> memref<632x16xf32, #tpu.memory_space<vmem_shared>>
      %dma_start3A_524 = arith.constant 0 : i32
      %dma_start3A_525 = tpu.memref_slice %arg2[%mul3A_10, %dma_start3A_524] : memref<10112x16xf32, #tpu.memory_space<hbm>> -> memref<632x16xf32, #tpu.memory_space<hbm>>
      tpu.enqueue_dma source(%dma_start3A_525 : memref<632x16xf32, #tpu.memory_space<hbm>>) target(%dma_start3A_523 : memref<632x16xf32, #tpu.memory_space<vmem_shared>>) target_semaphore(%run_scoped3A : memref<!tpu.dma_semaphore, #tpu.memory_space<semaphore_mem>>)
      %dma_wait3A_526 = arith.constant 0 : i32
      %dma_wait3A_527 = tpu.memref_slice %arg8[%mul3A_10, %dma_wait3A_526] : memref<10112x16xf32, #tpu.memory_space<vmem_shared>> -> memref<632x16xf32, #tpu.memory_space<vmem_shared>>
      %dma_wait3A_528 = arith.constant 0 : i32
      %dma_wait3A_529 = tpu.memref_slice %arg2[%mul3A_10, %dma_wait3A_528] : memref<10112x16xf32, #tpu.memory_space<hbm>> -> memref<632x16xf32, #tpu.memory_space<hbm>>
      tpu.wait_dma2 semaphore(%run_scoped3A : memref<!tpu.dma_semaphore, #tpu.memory_space<semaphore_mem>>) src(%dma_wait3A_529 : memref<632x16xf32, #tpu.memory_space<hbm>>) dst(%dma_wait3A_527 : memref<632x16xf32, #tpu.memory_space<vmem_shared>>)
      tpu.yield
    }) : () -> ()
    "tpu.region"() ({
      %run_scoped3A = tpu.sem_alloc : memref<!tpu.dma_semaphore, #tpu.memory_space<semaphore_mem>>
      %dma_start3A_522 = arith.constant 0 : i32
      %dma_start3A_523 = tpu.memref_slice %arg3[%add3A_8, %dma_start3A_522] : memref<2592x128xi32, #tpu.memory_space<hbm>> -> memref<96x128xi32, #tpu.memory_space<hbm>>
      %dma_start3A_524 = arith.constant 0 : i32
      %dma_start3A_525 = tpu.memref_slice %arg3[%add3A_8, %dma_start3A_524] : memref<2592x128xi32, #tpu.memory_space<hbm>> -> memref<96x128xi32, #tpu.memory_space<hbm>>
      tpu.enqueue_dma source(%dma_start3A_525 : memref<96x128xi32, #tpu.memory_space<hbm>>) target(%arg9 : memref<96x128xi32, #tpu.memory_space<vmem>>) target_semaphore(%run_scoped3A : memref<!tpu.dma_semaphore, #tpu.memory_space<semaphore_mem>>)
      %dma_wait3A_526 = arith.constant 0 : i32
      %dma_wait3A_527 = tpu.memref_slice %arg3[%add3A_8, %dma_wait3A_526] : memref<2592x128xi32, #tpu.memory_space<hbm>> -> memref<96x128xi32, #tpu.memory_space<hbm>>
      %dma_wait3A_528 = arith.constant 0 : i32
      %dma_wait3A_529 = tpu.memref_slice %arg3[%add3A_8, %dma_wait3A_528] : memref<2592x128xi32, #tpu.memory_space<hbm>> -> memref<96x128xi32, #tpu.memory_space<hbm>>
      tpu.wait_dma2 semaphore(%run_scoped3A : memref<!tpu.dma_semaphore, #tpu.memory_space<semaphore_mem>>) src(%dma_wait3A_529 : memref<96x128xi32, #tpu.memory_space<hbm>>) dst(%arg9 : memref<96x128xi32, #tpu.memory_space<vmem>>)
      tpu.yield
    }) : () -> ()
    "tpu.region"() ({
      %run_scoped3A = tpu.sem_alloc : memref<!tpu.dma_semaphore, #tpu.memory_space<semaphore_mem>>
      %dma_start3A_522 = arith.constant 0 : i32
      %dma_start3A_523 = tpu.memref_slice %arg4[%add3A_8, %dma_start3A_522] : memref<2592x128xi32, #tpu.memory_space<hbm>> -> memref<96x128xi32, #tpu.memory_space<hbm>>
      %dma_start3A_524 = arith.constant 0 : i32
      %dma_start3A_525 = tpu.memref_slice %arg4[%add3A_8, %dma_start3A_524] : memref<2592x128xi32, #tpu.memory_space<hbm>> -> memref<96x128xi32, #tpu.memory_space<hbm>>
      tpu.enqueue_dma source(%dma_start3A_525 : memref<96x128xi32, #tpu.memory_space<hbm>>) target(%arg10 : memref<96x128xi32, #tpu.memory_space<vmem>>) target_semaphore(%run_scoped3A : memref<!tpu.dma_semaphore, #tpu.memory_space<semaphore_mem>>)
      %dma_wait3A_526 = arith.constant 0 : i32
      %dma_wait3A_527 = tpu.memref_slice %arg4[%add3A_8, %dma_wait3A_526] : memref<2592x128xi32, #tpu.memory_space<hbm>> -> memref<96x128xi32, #tpu.memory_space<hbm>>
      %dma_wait3A_528 = arith.constant 0 : i32
      %dma_wait3A_529 = tpu.memref_slice %arg4[%add3A_8, %dma_wait3A_528] : memref<2592x128xi32, #tpu.memory_space<hbm>> -> memref<96x128xi32, #tpu.memory_space<hbm>>
      tpu.wait_dma2 semaphore(%run_scoped3A : memref<!tpu.dma_semaphore, #tpu.memory_space<semaphore_mem>>) src(%dma_wait3A_529 : memref<96x128xi32, #tpu.memory_space<hbm>>) dst(%arg10 : memref<96x128xi32, #tpu.memory_space<vmem>>)
      tpu.yield
    }) : () -> ()
    %barrier3A = arith.constant 0 : index
    tpu.barrier barrier_id(%barrier3A)
    %dma_start3A = arith.constant 0 : i32
    %dma_start3A_11 = arith.constant 0 : i32
    %dma_start3A_12 = tpu.memref_slice %arg9[%dma_start3A, %dma_start3A_11] : memref<96x128xi32, #tpu.memory_space<vmem>> -> memref<1x128xi32, #tpu.memory_space<vmem>>
    %dma_start3A_13 = tpu.memref_squeeze %dma_start3A_12 : memref<1x128xi32, #tpu.memory_space<vmem>> -> memref<128xi32, #tpu.memory_space<vmem>>
    %dma_start3A_14 = arith.constant 0 : i32
    %dma_start3A_15 = arith.constant 0 : i32
    %dma_start3A_16 = tpu.memref_slice %arg8[%dma_start3A_14, %dma_start3A_15] : memref<10112x16xf32, #tpu.memory_space<vmem_shared>> -> memref<10112x16xf32, #tpu.memory_space<vmem_shared>>
    tpu.enqueue_indirect_dma source(%dma_start3A_16 : memref<10112x16xf32, #tpu.memory_space<vmem_shared>>) target(%arg11 : memref<128x16xf32, #tpu.memory_space<vmem>>) offsets(%dma_start3A_13 : memref<128xi32, #tpu.memory_space<vmem>>) semaphore(%arg19 : memref<!tpu.dma_semaphore, #tpu.memory_space<semaphore_mem>>)
    %dma_start3A_17 = arith.constant 1 : i32
    %dma_start3A_18 = arith.constant 0 : i32
    %dma_start3A_19 = tpu.memref_slice %arg9[%dma_start3A_17, %dma_start3A_18] : memref<96x128xi32, #tpu.memory_space<vmem>> -> memref<1x128xi32, #tpu.memory_space<vmem>>
    %dma_start3A_20 = tpu.memref_squeeze %dma_start3A_19 : memref<1x128xi32, #tpu.memory_space<vmem>> -> memref<128xi32, #tpu.memory_space<vmem>>
    %dma_start3A_21 = arith.constant 0 : i32
    %dma_start3A_22 = arith.constant 0 : i32
    %dma_start3A_23 = tpu.memref_slice %arg8[%dma_start3A_21, %dma_start3A_22] : memref<10112x16xf32, #tpu.memory_space<vmem_shared>> -> memref<10112x16xf32, #tpu.memory_space<vmem_shared>>
    tpu.enqueue_indirect_dma source(%dma_start3A_23 : memref<10112x16xf32, #tpu.memory_space<vmem_shared>>) target(%arg12 : memref<128x16xf32, #tpu.memory_space<vmem>>) offsets(%dma_start3A_20 : memref<128xi32, #tpu.memory_space<vmem>>) semaphore(%arg20 : memref<!tpu.dma_semaphore, #tpu.memory_space<semaphore_mem>>)
    %dma_start3A_24 = arith.constant 2 : i32
    %dma_start3A_25 = arith.constant 0 : i32
    %dma_start3A_26 = tpu.memref_slice %arg9[%dma_start3A_24, %dma_start3A_25] : memref<96x128xi32, #tpu.memory_space<vmem>> -> memref<1x128xi32, #tpu.memory_space<vmem>>
    %dma_start3A_27 = tpu.memref_squeeze %dma_start3A_26 : memref<1x128xi32, #tpu.memory_space<vmem>> -> memref<128xi32, #tpu.memory_space<vmem>>
    %dma_start3A_28 = arith.constant 0 : i32
    %dma_start3A_29 = arith.constant 0 : i32
    %dma_start3A_30 = tpu.memref_slice %arg8[%dma_start3A_28, %dma_start3A_29] : memref<10112x16xf32, #tpu.memory_space<vmem_shared>> -> memref<10112x16xf32, #tpu.memory_space<vmem_shared>>
    tpu.enqueue_indirect_dma source(%dma_start3A_30 : memref<10112x16xf32, #tpu.memory_space<vmem_shared>>) target(%arg13 : memref<128x16xf32, #tpu.memory_space<vmem>>) offsets(%dma_start3A_27 : memref<128xi32, #tpu.memory_space<vmem>>) semaphore(%arg21 : memref<!tpu.dma_semaphore, #tpu.memory_space<semaphore_mem>>)
    %dma_start3A_31 = arith.constant 3 : i32
    %dma_start3A_32 = arith.constant 0 : i32
    %dma_start3A_33 = tpu.memref_slice %arg9[%dma_start3A_31, %dma_start3A_32] : memref<96x128xi32, #tpu.memory_space<vmem>> -> memref<1x128xi32, #tpu.memory_space<vmem>>
    %dma_start3A_34 = tpu.memref_squeeze %dma_start3A_33 : memref<1x128xi32, #tpu.memory_space<vmem>> -> memref<128xi32, #tpu.memory_space<vmem>>
    %dma_start3A_35 = arith.constant 0 : i32
    %dma_start3A_36 = arith.constant 0 : i32
    %dma_start3A_37 = tpu.memref_slice %arg8[%dma_start3A_35, %dma_start3A_36] : memref<10112x16xf32, #tpu.memory_space<vmem_shared>> -> memref<10112x16xf32, #tpu.memory_space<vmem_shared>>
    tpu.enqueue_indirect_dma source(%dma_start3A_37 : memref<10112x16xf32, #tpu.memory_space<vmem_shared>>) target(%arg14 : memref<128x16xf32, #tpu.memory_space<vmem>>) offsets(%dma_start3A_34 : memref<128xi32, #tpu.memory_space<vmem>>) semaphore(%arg22 : memref<!tpu.dma_semaphore, #tpu.memory_space<semaphore_mem>>)
    %dma_wait3A = arith.constant 0 : i32
    %dma_wait3A_38 = arith.constant 0 : i32
    %dma_wait3A_39 = tpu.memref_slice %arg9[%dma_wait3A, %dma_wait3A_38] : memref<96x128xi32, #tpu.memory_space<vmem>> -> memref<1x128xi32, #tpu.memory_space<vmem>>
    %dma_wait3A_40 = tpu.memref_squeeze %dma_wait3A_39 : memref<1x128xi32, #tpu.memory_space<vmem>> -> memref<128xi32, #tpu.memory_space<vmem>>
    %dma_wait3A_41 = arith.constant 0 : i32
    %dma_wait3A_42 = arith.constant 0 : i32
    %dma_wait3A_43 = tpu.memref_slice %arg8[%dma_wait3A_41, %dma_wait3A_42] : memref<10112x16xf32, #tpu.memory_space<vmem_shared>> -> memref<10112x16xf32, #tpu.memory_space<vmem_shared>>
    tpu.wait_indirect_dma semaphore(%arg19 : memref<!tpu.dma_semaphore, #tpu.memory_space<semaphore_mem>>) src(%dma_wait3A_43 : memref<10112x16xf32, #tpu.memory_space<vmem_shared>>) dst(%arg11 : memref<128x16xf32, #tpu.memory_space<vmem>>)
    %dma_start3A_44 = arith.constant 0 : i32
    %dma_start3A_45 = arith.constant 0 : i32
    %dma_start3A_46 = tpu.memref_slice %arg10[%dma_start3A_44, %dma_start3A_45] : memref<96x128xi32, #tpu.memory_space<vmem>> -> memref<1x128xi32, #tpu.memory_space<vmem>>
    %dma_start3A_47 = tpu.memref_squeeze %dma_start3A_46 : memref<1x128xi32, #tpu.memory_space<vmem>> -> memref<128xi32, #tpu.memory_space<vmem>>
    %dma_start3A_48 = arith.constant 0 : i32
    %dma_start3A_49 = arith.constant 0 : i32
    %dma_start3A_50 = tpu.memref_slice %arg7[%dma_start3A_48, %dma_start3A_49] : memref<10112x16xf32, #tpu.memory_space<vmem_shared>> -> memref<10112x16xf32, #tpu.memory_space<vmem_shared>>
    tpu.enqueue_indirect_dma source(%arg11 : memref<128x16xf32, #tpu.memory_space<vmem>>) target(%dma_start3A_50 : memref<10112x16xf32, #tpu.memory_space<vmem_shared>>) offsets(%dma_start3A_47 : memref<128xi32, #tpu.memory_space<vmem>>) semaphore(%arg27 : memref<!tpu.dma_semaphore, #tpu.memory_space<semaphore_mem>>) {add = true}
    %dma_start3A_51 = arith.constant 4 : i32
    %dma_start3A_52 = arith.constant 0 : i32
    %dma_start3A_53 = tpu.memref_slice %arg9[%dma_start3A_51, %dma_start3A_52] : memref<96x128xi32, #tpu.memory_space<vmem>> -> memref<1x128xi32, #tpu.memory_space<vmem>>
    %dma_start3A_54 = tpu.memref_squeeze %dma_start3A_53 : memref<1x128xi32, #tpu.memory_space<vmem>> -> memref<128xi32, #tpu.memory_space<vmem>>
    %dma_start3A_55 = arith.constant 0 : i32
    %dma_start3A_56 = arith.constant 0 : i32
    %dma_start3A_57 = tpu.memref_slice %arg8[%dma_start3A_55, %dma_start3A_56] : memref<10112x16xf32, #tpu.memory_space<vmem_shared>> -> memref<10112x16xf32, #tpu.memory_space<vmem_shared>>
    tpu.enqueue_indirect_dma source(%dma_start3A_57 : memref<10112x16xf32, #tpu.memory_space<vmem_shared>>) target(%arg15 : memref<128x16xf32, #tpu.memory_space<vmem>>) offsets(%dma_start3A_54 : memref<128xi32, #tpu.memory_space<vmem>>) semaphore(%arg23 : memref<!tpu.dma_semaphore, #tpu.memory_space<semaphore_mem>>)
    %dma_wait3A_58 = arith.constant 1 : i32
    %dma_wait3A_59 = arith.constant 0 : i32
    %dma_wait3A_60 = tpu.memref_slice %arg9[%dma_wait3A_58, %dma_wait3A_59] : memref<96x128xi32, #tpu.memory_space<vmem>> -> memref<1x128xi32, #tpu.memory_space<vmem>>
    %dma_wait3A_61 = tpu.memref_squeeze %dma_wait3A_60 : memref<1x128xi32, #tpu.memory_space<vmem>> -> memref<128xi32, #tpu.memory_space<vmem>>
    %dma_wait3A_62 = arith.constant 0 : i32
    %dma_wait3A_63 = arith.constant 0 : i32
    %dma_wait3A_64 = tpu.memref_slice %arg8[%dma_wait3A_62, %dma_wait3A_63] : memref<10112x16xf32, #tpu.memory_space<vmem_shared>> -> memref<10112x16xf32, #tpu.memory_space<vmem_shared>>
    tpu.wait_indirect_dma semaphore(%arg20 : memref<!tpu.dma_semaphore, #tpu.memory_space<semaphore_mem>>) src(%dma_wait3A_64 : memref<10112x16xf32, #tpu.memory_space<vmem_shared>>) dst(%arg12 : memref<128x16xf32, #tpu.memory_space<vmem>>)
    %dma_start3A_65 = arith.constant 1 : i32
    %dma_start3A_66 = arith.constant 0 : i32
    %dma_start3A_67 = tpu.memref_slice %arg10[%dma_start3A_65, %dma_start3A_66] : memref<96x128xi32, #tpu.memory_space<vmem>> -> memref<1x128xi32, #tpu.memory_space<vmem>>
    %dma_start3A_68 = tpu.memref_squeeze %dma_start3A_67 : memref<1x128xi32, #tpu.memory_space<vmem>> -> memref<128xi32, #tpu.memory_space<vmem>>
    %dma_start3A_69 = arith.constant 0 : i32
    %dma_start3A_70 = arith.constant 0 : i32
    %dma_start3A_71 = tpu.memref_slice %arg7[%dma_start3A_69, %dma_start3A_70] : memref<10112x16xf32, #tpu.memory_space<vmem_shared>> -> memref<10112x16xf32, #tpu.memory_space<vmem_shared>>
    tpu.enqueue_indirect_dma source(%arg12 : memref<128x16xf32, #tpu.memory_space<vmem>>) target(%dma_start3A_71 : memref<10112x16xf32, #tpu.memory_space<vmem_shared>>) offsets(%dma_start3A_68 : memref<128xi32, #tpu.memory_space<vmem>>) semaphore(%arg28 : memref<!tpu.dma_semaphore, #tpu.memory_space<semaphore_mem>>) {add = true}
    %dma_start3A_72 = arith.constant 5 : i32
    %dma_start3A_73 = arith.constant 0 : i32
    %dma_start3A_74 = tpu.memref_slice %arg9[%dma_start3A_72, %dma_start3A_73] : memref<96x128xi32, #tpu.memory_space<vmem>> -> memref<1x128xi32, #tpu.memory_space<vmem>>
    %dma_start3A_75 = tpu.memref_squeeze %dma_start3A_74 : memref<1x128xi32, #tpu.memory_space<vmem>> -> memref<128xi32, #tpu.memory_space<vmem>>
    %dma_start3A_76 = arith.constant 0 : i32
    %dma_start3A_77 = arith.constant 0 : i32
    %dma_start3A_78 = tpu.memref_slice %arg8[%dma_start3A_76, %dma_start3A_77] : memref<10112x16xf32, #tpu.memory_space<vmem_shared>> -> memref<10112x16xf32, #tpu.memory_space<vmem_shared>>
    tpu.enqueue_indirect_dma source(%dma_start3A_78 : memref<10112x16xf32, #tpu.memory_space<vmem_shared>>) target(%arg16 : memref<128x16xf32, #tpu.memory_space<vmem>>) offsets(%dma_start3A_75 : memref<128xi32, #tpu.memory_space<vmem>>) semaphore(%arg24 : memref<!tpu.dma_semaphore, #tpu.memory_space<semaphore_mem>>)
    %dma_wait3A_79 = arith.constant 2 : i32
    %dma_wait3A_80 = arith.constant 0 : i32
    %dma_wait3A_81 = tpu.memref_slice %arg9[%dma_wait3A_79, %dma_wait3A_80] : memref<96x128xi32, #tpu.memory_space<vmem>> -> memref<1x128xi32, #tpu.memory_space<vmem>>
    %dma_wait3A_82 = tpu.memref_squeeze %dma_wait3A_81 : memref<1x128xi32, #tpu.memory_space<vmem>> -> memref<128xi32, #tpu.memory_space<vmem>>
    %dma_wait3A_83 = arith.constant 0 : i32
    %dma_wait3A_84 = arith.constant 0 : i32
    %dma_wait3A_85 = tpu.memref_slice %arg8[%dma_wait3A_83, %dma_wait3A_84] : memref<10112x16xf32, #tpu.memory_space<vmem_shared>> -> memref<10112x16xf32, #tpu.memory_space<vmem_shared>>
    tpu.wait_indirect_dma semaphore(%arg21 : memref<!tpu.dma_semaphore, #tpu.memory_space<semaphore_mem>>) src(%dma_wait3A_85 : memref<10112x16xf32, #tpu.memory_space<vmem_shared>>) dst(%arg13 : memref<128x16xf32, #tpu.memory_space<vmem>>)
    %dma_start3A_86 = arith.constant 2 : i32
    %dma_start3A_87 = arith.constant 0 : i32
    %dma_start3A_88 = tpu.memref_slice %arg10[%dma_start3A_86, %dma_start3A_87] : memref<96x128xi32, #tpu.memory_space<vmem>> -> memref<1x128xi32, #tpu.memory_space<vmem>>
    %dma_start3A_89 = tpu.memref_squeeze %dma_start3A_88 : memref<1x128xi32, #tpu.memory_space<vmem>> -> memref<128xi32, #tpu.memory_space<vmem>>
    %dma_start3A_90 = arith.constant 0 : i32
    %dma_start3A_91 = arith.constant 0 : i32
    %dma_start3A_92 = tpu.memref_slice %arg7[%dma_start3A_90, %dma_start3A_91] : memref<10112x16xf32, #tpu.memory_space<vmem_shared>> -> memref<10112x16xf32, #tpu.memory_space<vmem_shared>>
    tpu.enqueue_indirect_dma source(%arg13 : memref<128x16xf32, #tpu.memory_space<vmem>>) target(%dma_start3A_92 : memref<10112x16xf32, #tpu.memory_space<vmem_shared>>) offsets(%dma_start3A_89 : memref<128xi32, #tpu.memory_space<vmem>>) semaphore(%arg29 : memref<!tpu.dma_semaphore, #tpu.memory_space<semaphore_mem>>) {add = true}
    %dma_start3A_93 = arith.constant 6 : i32
    %dma_start3A_94 = arith.constant 0 : i32
    %dma_start3A_95 = tpu.memref_slice %arg9[%dma_start3A_93, %dma_start3A_94] : memref<96x128xi32, #tpu.memory_space<vmem>> -> memref<1x128xi32, #tpu.memory_space<vmem>>
    %dma_start3A_96 = tpu.memref_squeeze %dma_start3A_95 : memref<1x128xi32, #tpu.memory_space<vmem>> -> memref<128xi32, #tpu.memory_space<vmem>>
    %dma_start3A_97 = arith.constant 0 : i32
    %dma_start3A_98 = arith.constant 0 : i32
    %dma_start3A_99 = tpu.memref_slice %arg8[%dma_start3A_97, %dma_start3A_98] : memref<10112x16xf32, #tpu.memory_space<vmem_shared>> -> memref<10112x16xf32, #tpu.memory_space<vmem_shared>>
    tpu.enqueue_indirect_dma source(%dma_start3A_99 : memref<10112x16xf32, #tpu.memory_space<vmem_shared>>) target(%arg17 : memref<128x16xf32, #tpu.memory_space<vmem>>) offsets(%dma_start3A_96 : memref<128xi32, #tpu.memory_space<vmem>>) semaphore(%arg25 : memref<!tpu.dma_semaphore, #tpu.memory_space<semaphore_mem>>)
    %dma_wait3A_100 = arith.constant 3 : i32
    %dma_wait3A_101 = arith.constant 0 : i32
    %dma_wait3A_102 = tpu.memref_slice %arg9[%dma_wait3A_100, %dma_wait3A_101] : memref<96x128xi32, #tpu.memory_space<vmem>> -> memref<1x128xi32, #tpu.memory_space<vmem>>
    %dma_wait3A_103 = tpu.memref_squeeze %dma_wait3A_102 : memref<1x128xi32, #tpu.memory_space<vmem>> -> memref<128xi32, #tpu.memory_space<vmem>>
    %dma_wait3A_104 = arith.constant 0 : i32
    %dma_wait3A_105 = arith.constant 0 : i32
    %dma_wait3A_106 = tpu.memref_slice %arg8[%dma_wait3A_104, %dma_wait3A_105] : memref<10112x16xf32, #tpu.memory_space<vmem_shared>> -> memref<10112x16xf32, #tpu.memory_space<vmem_shared>>
    tpu.wait_indirect_dma semaphore(%arg22 : memref<!tpu.dma_semaphore, #tpu.memory_space<semaphore_mem>>) src(%dma_wait3A_106 : memref<10112x16xf32, #tpu.memory_space<vmem_shared>>) dst(%arg14 : memref<128x16xf32, #tpu.memory_space<vmem>>)
    %dma_start3A_107 = arith.constant 3 : i32
    %dma_start3A_108 = arith.constant 0 : i32
    %dma_start3A_109 = tpu.memref_slice %arg10[%dma_start3A_107, %dma_start3A_108] : memref<96x128xi32, #tpu.memory_space<vmem>> -> memref<1x128xi32, #tpu.memory_space<vmem>>
    %dma_start3A_110 = tpu.memref_squeeze %dma_start3A_109 : memref<1x128xi32, #tpu.memory_space<vmem>> -> memref<128xi32, #tpu.memory_space<vmem>>
    %dma_start3A_111 = arith.constant 0 : i32
    %dma_start3A_112 = arith.constant 0 : i32
    %dma_start3A_113 = tpu.memref_slice %arg7[%dma_start3A_111, %dma_start3A_112] : memref<10112x16xf32, #tpu.memory_space<vmem_shared>> -> memref<10112x16xf32, #tpu.memory_space<vmem_shared>>
    tpu.enqueue_indirect_dma source(%arg14 : memref<128x16xf32, #tpu.memory_space<vmem>>) target(%dma_start3A_113 : memref<10112x16xf32, #tpu.memory_space<vmem_shared>>) offsets(%dma_start3A_110 : memref<128xi32, #tpu.memory_space<vmem>>) semaphore(%arg30 : memref<!tpu.dma_semaphore, #tpu.memory_space<semaphore_mem>>) {add = true}
    %dma_start3A_114 = arith.constant 7 : i32
    %dma_start3A_115 = arith.constant 0 : i32
    %dma_start3A_116 = tpu.memref_slice %arg9[%dma_start3A_114, %dma_start3A_115] : memref<96x128xi32, #tpu.memory_space<vmem>> -> memref<1x128xi32, #tpu.memory_space<vmem>>
    %dma_start3A_117 = tpu.memref_squeeze %dma_start3A_116 : memref<1x128xi32, #tpu.memory_space<vmem>> -> memref<128xi32, #tpu.memory_space<vmem>>
    %dma_start3A_118 = arith.constant 0 : i32
    %dma_start3A_119 = arith.constant 0 : i32
    %dma_start3A_120 = tpu.memref_slice %arg8[%dma_start3A_118, %dma_start3A_119] : memref<10112x16xf32, #tpu.memory_space<vmem_shared>> -> memref<10112x16xf32, #tpu.memory_space<vmem_shared>>
    tpu.enqueue_indirect_dma source(%dma_start3A_120 : memref<10112x16xf32, #tpu.memory_space<vmem_shared>>) target(%arg18 : memref<128x16xf32, #tpu.memory_space<vmem>>) offsets(%dma_start3A_117 : memref<128xi32, #tpu.memory_space<vmem>>) semaphore(%arg26 : memref<!tpu.dma_semaphore, #tpu.memory_space<semaphore_mem>>)
    %dma_wait3A_121 = arith.constant 4 : i32
    %dma_wait3A_122 = arith.constant 0 : i32
    %dma_wait3A_123 = tpu.memref_slice %arg9[%dma_wait3A_121, %dma_wait3A_122] : memref<96x128xi32, #tpu.memory_space<vmem>> -> memref<1x128xi32, #tpu.memory_space<vmem>>
    %dma_wait3A_124 = tpu.memref_squeeze %dma_wait3A_123 : memref<1x128xi32, #tpu.memory_space<vmem>> -> memref<128xi32, #tpu.memory_space<vmem>>
    %dma_wait3A_125 = arith.constant 0 : i32
    %dma_wait3A_126 = arith.constant 0 : i32
    %dma_wait3A_127 = tpu.memref_slice %arg8[%dma_wait3A_125, %dma_wait3A_126] : memref<10112x16xf32, #tpu.memory_space<vmem_shared>> -> memref<10112x16xf32, #tpu.memory_space<vmem_shared>>
    tpu.wait_indirect_dma semaphore(%arg23 : memref<!tpu.dma_semaphore, #tpu.memory_space<semaphore_mem>>) src(%dma_wait3A_127 : memref<10112x16xf32, #tpu.memory_space<vmem_shared>>) dst(%arg15 : memref<128x16xf32, #tpu.memory_space<vmem>>)
    %dma_start3A_128 = arith.constant 4 : i32
    %dma_start3A_129 = arith.constant 0 : i32
    %dma_start3A_130 = tpu.memref_slice %arg10[%dma_start3A_128, %dma_start3A_129] : memref<96x128xi32, #tpu.memory_space<vmem>> -> memref<1x128xi32, #tpu.memory_space<vmem>>
    %dma_start3A_131 = tpu.memref_squeeze %dma_start3A_130 : memref<1x128xi32, #tpu.memory_space<vmem>> -> memref<128xi32, #tpu.memory_space<vmem>>
    %dma_start3A_132 = arith.constant 0 : i32
    %dma_start3A_133 = arith.constant 0 : i32
    %dma_start3A_134 = tpu.memref_slice %arg7[%dma_start3A_132, %dma_start3A_133] : memref<10112x16xf32, #tpu.memory_space<vmem_shared>> -> memref<10112x16xf32, #tpu.memory_space<vmem_shared>>
    tpu.enqueue_indirect_dma source(%arg15 : memref<128x16xf32, #tpu.memory_space<vmem>>) target(%dma_start3A_134 : memref<10112x16xf32, #tpu.memory_space<vmem_shared>>) offsets(%dma_start3A_131 : memref<128xi32, #tpu.memory_space<vmem>>) semaphore(%arg31 : memref<!tpu.dma_semaphore, #tpu.memory_space<semaphore_mem>>) {add = true}
    %dma_wait3A_135 = arith.constant 0 : i32
    %dma_wait3A_136 = arith.constant 0 : i32
    %dma_wait3A_137 = tpu.memref_slice %arg10[%dma_wait3A_135, %dma_wait3A_136] : memref<96x128xi32, #tpu.memory_space<vmem>> -> memref<1x128xi32, #tpu.memory_space<vmem>>
    %dma_wait3A_138 = tpu.memref_squeeze %dma_wait3A_137 : memref<1x128xi32, #tpu.memory_space<vmem>> -> memref<128xi32, #tpu.memory_space<vmem>>
    %dma_wait3A_139 = arith.constant 0 : i32
    %dma_wait3A_140 = arith.constant 0 : i32
    %dma_wait3A_141 = tpu.memref_slice %arg7[%dma_wait3A_139, %dma_wait3A_140] : memref<10112x16xf32, #tpu.memory_space<vmem_shared>> -> memref<10112x16xf32, #tpu.memory_space<vmem_shared>>
    tpu.wait_indirect_dma semaphore(%arg27 : memref<!tpu.dma_semaphore, #tpu.memory_space<semaphore_mem>>) src(%arg11 : memref<128x16xf32, #tpu.memory_space<vmem>>) dst(%dma_wait3A_141 : memref<10112x16xf32, #tpu.memory_space<vmem_shared>>)
    %dma_start3A_142 = arith.constant 8 : i32
    %dma_start3A_143 = arith.constant 0 : i32
    %dma_start3A_144 = tpu.memref_slice %arg9[%dma_start3A_142, %dma_start3A_143] : memref<96x128xi32, #tpu.memory_space<vmem>> -> memref<1x128xi32, #tpu.memory_space<vmem>>
    %dma_start3A_145 = tpu.memref_squeeze %dma_start3A_144 : memref<1x128xi32, #tpu.memory_space<vmem>> -> memref<128xi32, #tpu.memory_space<vmem>>
    %dma_start3A_146 = arith.constant 0 : i32
    %dma_start3A_147 = arith.constant 0 : i32
    %dma_start3A_148 = tpu.memref_slice %arg8[%dma_start3A_146, %dma_start3A_147] : memref<10112x16xf32, #tpu.memory_space<vmem_shared>> -> memref<10112x16xf32, #tpu.memory_space<vmem_shared>>
    tpu.enqueue_indirect_dma source(%dma_start3A_148 : memref<10112x16xf32, #tpu.memory_space<vmem_shared>>) target(%arg11 : memref<128x16xf32, #tpu.memory_space<vmem>>) offsets(%dma_start3A_145 : memref<128xi32, #tpu.memory_space<vmem>>) semaphore(%arg19 : memref<!tpu.dma_semaphore, #tpu.memory_space<semaphore_mem>>)
    %dma_wait3A_149 = arith.constant 5 : i32
    %dma_wait3A_150 = arith.constant 0 : i32
    %dma_wait3A_151 = tpu.memref_slice %arg9[%dma_wait3A_149, %dma_wait3A_150] : memref<96x128xi32, #tpu.memory_space<vmem>> -> memref<1x128xi32, #tpu.memory_space<vmem>>
    %dma_wait3A_152 = tpu.memref_squeeze %dma_wait3A_151 : memref<1x128xi32, #tpu.memory_space<vmem>> -> memref<128xi32, #tpu.memory_space<vmem>>
    %dma_wait3A_153 = arith.constant 0 : i32
    %dma_wait3A_154 = arith.constant 0 : i32
    %dma_wait3A_155 = tpu.memref_slice %arg8[%dma_wait3A_153, %dma_wait3A_154] : memref<10112x16xf32, #tpu.memory_space<vmem_shared>> -> memref<10112x16xf32, #tpu.memory_space<vmem_shared>>
    tpu.wait_indirect_dma semaphore(%arg24 : memref<!tpu.dma_semaphore, #tpu.memory_space<semaphore_mem>>) src(%dma_wait3A_155 : memref<10112x16xf32, #tpu.memory_space<vmem_shared>>) dst(%arg16 : memref<128x16xf32, #tpu.memory_space<vmem>>)
    %dma_start3A_156 = arith.constant 5 : i32
    %dma_start3A_157 = arith.constant 0 : i32
    %dma_start3A_158 = tpu.memref_slice %arg10[%dma_start3A_156, %dma_start3A_157] : memref<96x128xi32, #tpu.memory_space<vmem>> -> memref<1x128xi32, #tpu.memory_space<vmem>>
    %dma_start3A_159 = tpu.memref_squeeze %dma_start3A_158 : memref<1x128xi32, #tpu.memory_space<vmem>> -> memref<128xi32, #tpu.memory_space<vmem>>
    %dma_start3A_160 = arith.constant 0 : i32
    %dma_start3A_161 = arith.constant 0 : i32
    %dma_start3A_162 = tpu.memref_slice %arg7[%dma_start3A_160, %dma_start3A_161] : memref<10112x16xf32, #tpu.memory_space<vmem_shared>> -> memref<10112x16xf32, #tpu.memory_space<vmem_shared>>
    tpu.enqueue_indirect_dma source(%arg16 : memref<128x16xf32, #tpu.memory_space<vmem>>) target(%dma_start3A_162 : memref<10112x16xf32, #tpu.memory_space<vmem_shared>>) offsets(%dma_start3A_159 : memref<128xi32, #tpu.memory_space<vmem>>) semaphore(%arg32 : memref<!tpu.dma_semaphore, #tpu.memory_space<semaphore_mem>>) {add = true}
    %dma_wait3A_163 = arith.constant 1 : i32
    %dma_wait3A_164 = arith.constant 0 : i32
    %dma_wait3A_165 = tpu.memref_slice %arg10[%dma_wait3A_163, %dma_wait3A_164] : memref<96x128xi32, #tpu.memory_space<vmem>> -> memref<1x128xi32, #tpu.memory_space<vmem>>
    %dma_wait3A_166 = tpu.memref_squeeze %dma_wait3A_165 : memref<1x128xi32, #tpu.memory_space<vmem>> -> memref<128xi32, #tpu.memory_space<vmem>>
    %dma_wait3A_167 = arith.constant 0 : i32
    %dma_wait3A_168 = arith.constant 0 : i32
    %dma_wait3A_169 = tpu.memref_slice %arg7[%dma_wait3A_167, %dma_wait3A_168] : memref<10112x16xf32, #tpu.memory_space<vmem_shared>> -> memref<10112x16xf32, #tpu.memory_space<vmem_shared>>
    tpu.wait_indirect_dma semaphore(%arg28 : memref<!tpu.dma_semaphore, #tpu.memory_space<semaphore_mem>>) src(%arg12 : memref<128x16xf32, #tpu.memory_space<vmem>>) dst(%dma_wait3A_169 : memref<10112x16xf32, #tpu.memory_space<vmem_shared>>)
    %dma_start3A_170 = arith.constant 9 : i32
    %dma_start3A_171 = arith.constant 0 : i32
    %dma_start3A_172 = tpu.memref_slice %arg9[%dma_start3A_170, %dma_start3A_171] : memref<96x128xi32, #tpu.memory_space<vmem>> -> memref<1x128xi32, #tpu.memory_space<vmem>>
    %dma_start3A_173 = tpu.memref_squeeze %dma_start3A_172 : memref<1x128xi32, #tpu.memory_space<vmem>> -> memref<128xi32, #tpu.memory_space<vmem>>
    %dma_start3A_174 = arith.constant 0 : i32
    %dma_start3A_175 = arith.constant 0 : i32
    %dma_start3A_176 = tpu.memref_slice %arg8[%dma_start3A_174, %dma_start3A_175] : memref<10112x16xf32, #tpu.memory_space<vmem_shared>> -> memref<10112x16xf32, #tpu.memory_space<vmem_shared>>
    tpu.enqueue_indirect_dma source(%dma_start3A_176 : memref<10112x16xf32, #tpu.memory_space<vmem_shared>>) target(%arg12 : memref<128x16xf32, #tpu.memory_space<vmem>>) offsets(%dma_start3A_173 : memref<128xi32, #tpu.memory_space<vmem>>) semaphore(%arg20 : memref<!tpu.dma_semaphore, #tpu.memory_space<semaphore_mem>>)
    %dma_wait3A_177 = arith.constant 6 : i32
    %dma_wait3A_178 = arith.constant 0 : i32
    %dma_wait3A_179 = tpu.memref_slice %arg9[%dma_wait3A_177, %dma_wait3A_178] : memref<96x128xi32, #tpu.memory_space<vmem>> -> memref<1x128xi32, #tpu.memory_space<vmem>>
    %dma_wait3A_180 = tpu.memref_squeeze %dma_wait3A_179 : memref<1x128xi32, #tpu.memory_space<vmem>> -> memref<128xi32, #tpu.memory_space<vmem>>
    %dma_wait3A_181 = arith.constant 0 : i32
    %dma_wait3A_182 = arith.constant 0 : i32
    %dma_wait3A_183 = tpu.memref_slice %arg8[%dma_wait3A_181, %dma_wait3A_182] : memref<10112x16xf32, #tpu.memory_space<vmem_shared>> -> memref<10112x16xf32, #tpu.memory_space<vmem_shared>>
    tpu.wait_indirect_dma semaphore(%arg25 : memref<!tpu.dma_semaphore, #tpu.memory_space<semaphore_mem>>) src(%dma_wait3A_183 : memref<10112x16xf32, #tpu.memory_space<vmem_shared>>) dst(%arg17 : memref<128x16xf32, #tpu.memory_space<vmem>>)
    %dma_start3A_184 = arith.constant 6 : i32
    %dma_start3A_185 = arith.constant 0 : i32
    %dma_start3A_186 = tpu.memref_slice %arg10[%dma_start3A_184, %dma_start3A_185] : memref<96x128xi32, #tpu.memory_space<vmem>> -> memref<1x128xi32, #tpu.memory_space<vmem>>
    %dma_start3A_187 = tpu.memref_squeeze %dma_start3A_186 : memref<1x128xi32, #tpu.memory_space<vmem>> -> memref<128xi32, #tpu.memory_space<vmem>>
    %dma_start3A_188 = arith.constant 0 : i32
    %dma_start3A_189 = arith.constant 0 : i32
    %dma_start3A_190 = tpu.memref_slice %arg7[%dma_start3A_188, %dma_start3A_189] : memref<10112x16xf32, #tpu.memory_space<vmem_shared>> -> memref<10112x16xf32, #tpu.memory_space<vmem_shared>>
    tpu.enqueue_indirect_dma source(%arg17 : memref<128x16xf32, #tpu.memory_space<vmem>>) target(%dma_start3A_190 : memref<10112x16xf32, #tpu.memory_space<vmem_shared>>) offsets(%dma_start3A_187 : memref<128xi32, #tpu.memory_space<vmem>>) semaphore(%arg33 : memref<!tpu.dma_semaphore, #tpu.memory_space<semaphore_mem>>) {add = true}
    %dma_wait3A_191 = arith.constant 2 : i32
    %dma_wait3A_192 = arith.constant 0 : i32
    %dma_wait3A_193 = tpu.memref_slice %arg10[%dma_wait3A_191, %dma_wait3A_192] : memref<96x128xi32, #tpu.memory_space<vmem>> -> memref<1x128xi32, #tpu.memory_space<vmem>>
    %dma_wait3A_194 = tpu.memref_squeeze %dma_wait3A_193 : memref<1x128xi32, #tpu.memory_space<vmem>> -> memref<128xi32, #tpu.memory_space<vmem>>
    %dma_wait3A_195 = arith.constant 0 : i32
    %dma_wait3A_196 = arith.constant 0 : i32
    %dma_wait3A_197 = tpu.memref_slice %arg7[%dma_wait3A_195, %dma_wait3A_196] : memref<10112x16xf32, #tpu.memory_space<vmem_shared>> -> memref<10112x16xf32, #tpu.memory_space<vmem_shared>>
    tpu.wait_indirect_dma semaphore(%arg29 : memref<!tpu.dma_semaphore, #tpu.memory_space<semaphore_mem>>) src(%arg13 : memref<128x16xf32, #tpu.memory_space<vmem>>) dst(%dma_wait3A_197 : memref<10112x16xf32, #tpu.memory_space<vmem_shared>>)
    %dma_start3A_198 = arith.constant 10 : i32
    %dma_start3A_199 = arith.constant 0 : i32
    %dma_start3A_200 = tpu.memref_slice %arg9[%dma_start3A_198, %dma_start3A_199] : memref<96x128xi32, #tpu.memory_space<vmem>> -> memref<1x128xi32, #tpu.memory_space<vmem>>
    %dma_start3A_201 = tpu.memref_squeeze %dma_start3A_200 : memref<1x128xi32, #tpu.memory_space<vmem>> -> memref<128xi32, #tpu.memory_space<vmem>>
    %dma_start3A_202 = arith.constant 0 : i32
    %dma_start3A_203 = arith.constant 0 : i32
    %dma_start3A_204 = tpu.memref_slice %arg8[%dma_start3A_202, %dma_start3A_203] : memref<10112x16xf32, #tpu.memory_space<vmem_shared>> -> memref<10112x16xf32, #tpu.memory_space<vmem_shared>>
    tpu.enqueue_indirect_dma source(%dma_start3A_204 : memref<10112x16xf32, #tpu.memory_space<vmem_shared>>) target(%arg13 : memref<128x16xf32, #tpu.memory_space<vmem>>) offsets(%dma_start3A_201 : memref<128xi32, #tpu.memory_space<vmem>>) semaphore(%arg21 : memref<!tpu.dma_semaphore, #tpu.memory_space<semaphore_mem>>)
    %dma_wait3A_205 = arith.constant 7 : i32
    %dma_wait3A_206 = arith.constant 0 : i32
    %dma_wait3A_207 = tpu.memref_slice %arg9[%dma_wait3A_205, %dma_wait3A_206] : memref<96x128xi32, #tpu.memory_space<vmem>> -> memref<1x128xi32, #tpu.memory_space<vmem>>
    %dma_wait3A_208 = tpu.memref_squeeze %dma_wait3A_207 : memref<1x128xi32, #tpu.memory_space<vmem>> -> memref<128xi32, #tpu.memory_space<vmem>>
    %dma_wait3A_209 = arith.constant 0 : i32
    %dma_wait3A_210 = arith.constant 0 : i32
    %dma_wait3A_211 = tpu.memref_slice %arg8[%dma_wait3A_209, %dma_wait3A_210] : memref<10112x16xf32, #tpu.memory_space<vmem_shared>> -> memref<10112x16xf32, #tpu.memory_space<vmem_shared>>
    tpu.wait_indirect_dma semaphore(%arg26 : memref<!tpu.dma_semaphore, #tpu.memory_space<semaphore_mem>>) src(%dma_wait3A_211 : memref<10112x16xf32, #tpu.memory_space<vmem_shared>>) dst(%arg18 : memref<128x16xf32, #tpu.memory_space<vmem>>)
    %dma_start3A_212 = arith.constant 7 : i32
    %dma_start3A_213 = arith.constant 0 : i32
    %dma_start3A_214 = tpu.memref_slice %arg10[%dma_start3A_212, %dma_start3A_213] : memref<96x128xi32, #tpu.memory_space<vmem>> -> memref<1x128xi32, #tpu.memory_space<vmem>>
    %dma_start3A_215 = tpu.memref_squeeze %dma_start3A_214 : memref<1x128xi32, #tpu.memory_space<vmem>> -> memref<128xi32, #tpu.memory_space<vmem>>
    %dma_start3A_216 = arith.constant 0 : i32
    %dma_start3A_217 = arith.constant 0 : i32
    %dma_start3A_218 = tpu.memref_slice %arg7[%dma_start3A_216, %dma_start3A_217] : memref<10112x16xf32, #tpu.memory_space<vmem_shared>> -> memref<10112x16xf32, #tpu.memory_space<vmem_shared>>
    tpu.enqueue_indirect_dma source(%arg18 : memref<128x16xf32, #tpu.memory_space<vmem>>) target(%dma_start3A_218 : memref<10112x16xf32, #tpu.memory_space<vmem_shared>>) offsets(%dma_start3A_215 : memref<128xi32, #tpu.memory_space<vmem>>) semaphore(%arg34 : memref<!tpu.dma_semaphore, #tpu.memory_space<semaphore_mem>>) {add = true}
    %dma_wait3A_219 = arith.constant 3 : i32
    %dma_wait3A_220 = arith.constant 0 : i32
    %dma_wait3A_221 = tpu.memref_slice %arg10[%dma_wait3A_219, %dma_wait3A_220] : memref<96x128xi32, #tpu.memory_space<vmem>> -> memref<1x128xi32, #tpu.memory_space<vmem>>
    %dma_wait3A_222 = tpu.memref_squeeze %dma_wait3A_221 : memref<1x128xi32, #tpu.memory_space<vmem>> -> memref<128xi32, #tpu.memory_space<vmem>>
    %dma_wait3A_223 = arith.constant 0 : i32
    %dma_wait3A_224 = arith.constant 0 : i32
    %dma_wait3A_225 = tpu.memref_slice %arg7[%dma_wait3A_223, %dma_wait3A_224] : memref<10112x16xf32, #tpu.memory_space<vmem_shared>> -> memref<10112x16xf32, #tpu.memory_space<vmem_shared>>
    tpu.wait_indirect_dma semaphore(%arg30 : memref<!tpu.dma_semaphore, #tpu.memory_space<semaphore_mem>>) src(%arg14 : memref<128x16xf32, #tpu.memory_space<vmem>>) dst(%dma_wait3A_225 : memref<10112x16xf32, #tpu.memory_space<vmem_shared>>)
    %dma_start3A_226 = arith.constant 11 : i32
    %dma_start3A_227 = arith.constant 0 : i32
    %dma_start3A_228 = tpu.memref_slice %arg9[%dma_start3A_226, %dma_start3A_227] : memref<96x128xi32, #tpu.memory_space<vmem>> -> memref<1x128xi32, #tpu.memory_space<vmem>>
    %dma_start3A_229 = tpu.memref_squeeze %dma_start3A_228 : memref<1x128xi32, #tpu.memory_space<vmem>> -> memref<128xi32, #tpu.memory_space<vmem>>
    %dma_start3A_230 = arith.constant 0 : i32
    %dma_start3A_231 = arith.constant 0 : i32
    %dma_start3A_232 = tpu.memref_slice %arg8[%dma_start3A_230, %dma_start3A_231] : memref<10112x16xf32, #tpu.memory_space<vmem_shared>> -> memref<10112x16xf32, #tpu.memory_space<vmem_shared>>
    tpu.enqueue_indirect_dma source(%dma_start3A_232 : memref<10112x16xf32, #tpu.memory_space<vmem_shared>>) target(%arg14 : memref<128x16xf32, #tpu.memory_space<vmem>>) offsets(%dma_start3A_229 : memref<128xi32, #tpu.memory_space<vmem>>) semaphore(%arg22 : memref<!tpu.dma_semaphore, #tpu.memory_space<semaphore_mem>>)
    %jit3A_233 = arith.constant 8 : i32
    %div3A = arith.divsi %select_n3A, %jit3A_233 : i32
    %sign3A = arith.constant 0 : i32
    %sign3A_234 = arith.cmpi sgt, %select_n3A, %sign3A : i32
    %sign3A_235 = arith.extui %sign3A_234 : i1 to i32
    %sign3A_236 = arith.constant 0 : i32
    %sign3A_237 = arith.cmpi slt, %select_n3A, %sign3A_236 : i32
    %sign3A_238 = arith.extui %sign3A_237 : i1 to i32
    %sign3A_239 = arith.subi %sign3A_235, %sign3A_238 : i32
    %sign3A_240 = arith.constant 0 : i32
    %sign3A_241 = arith.cmpi sgt, %jit3A_233, %sign3A_240 : i32
    %sign3A_242 = arith.extui %sign3A_241 : i1 to i32
    %sign3A_243 = arith.constant 0 : i32
    %sign3A_244 = arith.cmpi slt, %jit3A_233, %sign3A_243 : i32
    %sign3A_245 = arith.extui %sign3A_244 : i1 to i32
    %sign3A_246 = arith.subi %sign3A_242, %sign3A_245 : i32
    %ne3A = arith.cmpi ne, %sign3A_239, %sign3A_246 : i32
    %rem3A = arith.remsi %select_n3A, %jit3A_233 : i32
    %ne3A_247 = arith.constant 0 : i32
    %ne3A_248 = arith.cmpi ne, %rem3A, %ne3A_247 : i32
    %and3A = arith.andi %ne3A, %ne3A_248 : i1
    %sub3A = arith.constant 1 : i32
    %sub3A_249 = arith.subi %div3A, %sub3A : i32
    %select_n3A_250 = arith.select %and3A, %sub3A_249, %div3A : i32
    %sub3A_251 = arith.constant 1 : i32
    %sub3A_252 = arith.subi %select_n3A_250, %sub3A_251 : i32
    %sub3A_253 = arith.constant 1 : i32
    %sub3A_254 = arith.subi %sub3A_252, %sub3A_253 : i32
    %sub3A_255 = arith.constant 1 : i32
    %sub3A_256 = arith.constant 1 : i32
    %sub3A_257 = arith.subi %sub3A_255, %sub3A_256 : i32
    %add3A_258 = arith.addi %sub3A_254, %sub3A_257 : i32
    %div3A_259 = arith.constant 1 : i32
    %div3A_260 = arith.divsi %add3A_258, %div3A_259 : i32
    %while3A = arith.constant 1 : i32
    %while3A_261 = arith.constant 1 : i32
    %while3A_262 = arith.constant 0 : i32
    %while3A_263 = arith.subi %div3A_260, %while3A_262 : i32
    %while3A_264 = arith.addi %while3A_262, %while3A_263 : i32
    %while3A_265 = arith.constant 1 : i32
    %while3A_266 = arith.divsi %while3A_263, %while3A_265 : i32
    %while3A_267 = arith.muli %while3A_266, %while3A_265 : i32
    %while3A_268 = arith.addi %while3A_262, %while3A_267 : i32
    %while3A_269 = arith.constant 1 : i32
    scf.for %while3A_522 = %while3A_262 to %while3A_268 step %while3A_269  : i32 {
      %mul3A_523 = arith.muli %while3A_522, %while3A : i32
      %add3A_524 = arith.addi %while3A_261, %mul3A_523 : i32
      %mul3A_525 = arith.constant 8 : i32
      %mul3A_526 = arith.muli %add3A_524, %mul3A_525 : i32
      %add3A_527 = arith.constant 0 : i32
      %add3A_528 = arith.addi %mul3A_526, %add3A_527 : i32
      %dma_wait3A_529 = arith.constant 0 : i32
      %dma_wait3A_530 = tpu.memref_slice %arg9[%add3A_528, %dma_wait3A_529] : memref<96x128xi32, #tpu.memory_space<vmem>> -> memref<1x128xi32, #tpu.memory_space<vmem>>
      %dma_wait3A_531 = tpu.memref_squeeze %dma_wait3A_530 : memref<1x128xi32, #tpu.memory_space<vmem>> -> memref<128xi32, #tpu.memory_space<vmem>>
      %dma_wait3A_532 = arith.constant 0 : i32
      %dma_wait3A_533 = arith.constant 0 : i32
      %dma_wait3A_534 = tpu.memref_slice %arg8[%dma_wait3A_532, %dma_wait3A_533] : memref<10112x16xf32, #tpu.memory_space<vmem_shared>> -> memref<10112x16xf32, #tpu.memory_space<vmem_shared>>
      tpu.wait_indirect_dma semaphore(%arg19 : memref<!tpu.dma_semaphore, #tpu.memory_space<semaphore_mem>>) src(%dma_wait3A_534 : memref<10112x16xf32, #tpu.memory_space<vmem_shared>>) dst(%arg11 : memref<128x16xf32, #tpu.memory_space<vmem>>)
      %dma_start3A_535 = arith.constant 0 : i32
      %dma_start3A_536 = tpu.memref_slice %arg10[%add3A_528, %dma_start3A_535] : memref<96x128xi32, #tpu.memory_space<vmem>> -> memref<1x128xi32, #tpu.memory_space<vmem>>
      %dma_start3A_537 = tpu.memref_squeeze %dma_start3A_536 : memref<1x128xi32, #tpu.memory_space<vmem>> -> memref<128xi32, #tpu.memory_space<vmem>>
      %dma_start3A_538 = arith.constant 0 : i32
      %dma_start3A_539 = arith.constant 0 : i32
      %dma_start3A_540 = tpu.memref_slice %arg7[%dma_start3A_538, %dma_start3A_539] : memref<10112x16xf32, #tpu.memory_space<vmem_shared>> -> memref<10112x16xf32, #tpu.memory_space<vmem_shared>>
      tpu.enqueue_indirect_dma source(%arg11 : memref<128x16xf32, #tpu.memory_space<vmem>>) target(%dma_start3A_540 : memref<10112x16xf32, #tpu.memory_space<vmem_shared>>) offsets(%dma_start3A_537 : memref<128xi32, #tpu.memory_space<vmem>>) semaphore(%arg27 : memref<!tpu.dma_semaphore, #tpu.memory_space<semaphore_mem>>) {add = true}
      %sub3A_541 = arith.constant 4 : i32
      %sub3A_542 = arith.subi %add3A_528, %sub3A_541 : i32
      %dma_wait3A_543 = arith.constant 0 : i32
      %dma_wait3A_544 = tpu.memref_slice %arg10[%sub3A_542, %dma_wait3A_543] : memref<96x128xi32, #tpu.memory_space<vmem>> -> memref<1x128xi32, #tpu.memory_space<vmem>>
      %dma_wait3A_545 = tpu.memref_squeeze %dma_wait3A_544 : memref<1x128xi32, #tpu.memory_space<vmem>> -> memref<128xi32, #tpu.memory_space<vmem>>
      %dma_wait3A_546 = arith.constant 0 : i32
      %dma_wait3A_547 = arith.constant 0 : i32
      %dma_wait3A_548 = tpu.memref_slice %arg7[%dma_wait3A_546, %dma_wait3A_547] : memref<10112x16xf32, #tpu.memory_space<vmem_shared>> -> memref<10112x16xf32, #tpu.memory_space<vmem_shared>>
      tpu.wait_indirect_dma semaphore(%arg31 : memref<!tpu.dma_semaphore, #tpu.memory_space<semaphore_mem>>) src(%arg15 : memref<128x16xf32, #tpu.memory_space<vmem>>) dst(%dma_wait3A_548 : memref<10112x16xf32, #tpu.memory_space<vmem_shared>>)
      %add3A_549 = arith.constant 4 : i32
      %add3A_550 = arith.addi %add3A_528, %add3A_549 : i32
      %dma_start3A_551 = arith.constant 0 : i32
      %dma_start3A_552 = tpu.memref_slice %arg9[%add3A_550, %dma_start3A_551] : memref<96x128xi32, #tpu.memory_space<vmem>> -> memref<1x128xi32, #tpu.memory_space<vmem>>
      %dma_start3A_553 = tpu.memref_squeeze %dma_start3A_552 : memref<1x128xi32, #tpu.memory_space<vmem>> -> memref<128xi32, #tpu.memory_space<vmem>>
      %dma_start3A_554 = arith.constant 0 : i32
      %dma_start3A_555 = arith.constant 0 : i32
      %dma_start3A_556 = tpu.memref_slice %arg8[%dma_start3A_554, %dma_start3A_555] : memref<10112x16xf32, #tpu.memory_space<vmem_shared>> -> memref<10112x16xf32, #tpu.memory_space<vmem_shared>>
      tpu.enqueue_indirect_dma source(%dma_start3A_556 : memref<10112x16xf32, #tpu.memory_space<vmem_shared>>) target(%arg15 : memref<128x16xf32, #tpu.memory_space<vmem>>) offsets(%dma_start3A_553 : memref<128xi32, #tpu.memory_space<vmem>>) semaphore(%arg23 : memref<!tpu.dma_semaphore, #tpu.memory_space<semaphore_mem>>)
      %add3A_557 = arith.constant 1 : i32
      %add3A_558 = arith.addi %mul3A_526, %add3A_557 : i32
      %dma_wait3A_559 = arith.constant 0 : i32
      %dma_wait3A_560 = tpu.memref_slice %arg9[%add3A_558, %dma_wait3A_559] : memref<96x128xi32, #tpu.memory_space<vmem>> -> memref<1x128xi32, #tpu.memory_space<vmem>>
      %dma_wait3A_561 = tpu.memref_squeeze %dma_wait3A_560 : memref<1x128xi32, #tpu.memory_space<vmem>> -> memref<128xi32, #tpu.memory_space<vmem>>
      %dma_wait3A_562 = arith.constant 0 : i32
      %dma_wait3A_563 = arith.constant 0 : i32
      %dma_wait3A_564 = tpu.memref_slice %arg8[%dma_wait3A_562, %dma_wait3A_563] : memref<10112x16xf32, #tpu.memory_space<vmem_shared>> -> memref<10112x16xf32, #tpu.memory_space<vmem_shared>>
      tpu.wait_indirect_dma semaphore(%arg20 : memref<!tpu.dma_semaphore, #tpu.memory_space<semaphore_mem>>) src(%dma_wait3A_564 : memref<10112x16xf32, #tpu.memory_space<vmem_shared>>) dst(%arg12 : memref<128x16xf32, #tpu.memory_space<vmem>>)
      %dma_start3A_565 = arith.constant 0 : i32
      %dma_start3A_566 = tpu.memref_slice %arg10[%add3A_558, %dma_start3A_565] : memref<96x128xi32, #tpu.memory_space<vmem>> -> memref<1x128xi32, #tpu.memory_space<vmem>>
      %dma_start3A_567 = tpu.memref_squeeze %dma_start3A_566 : memref<1x128xi32, #tpu.memory_space<vmem>> -> memref<128xi32, #tpu.memory_space<vmem>>
      %dma_start3A_568 = arith.constant 0 : i32
      %dma_start3A_569 = arith.constant 0 : i32
      %dma_start3A_570 = tpu.memref_slice %arg7[%dma_start3A_568, %dma_start3A_569] : memref<10112x16xf32, #tpu.memory_space<vmem_shared>> -> memref<10112x16xf32, #tpu.memory_space<vmem_shared>>
      tpu.enqueue_indirect_dma source(%arg12 : memref<128x16xf32, #tpu.memory_space<vmem>>) target(%dma_start3A_570 : memref<10112x16xf32, #tpu.memory_space<vmem_shared>>) offsets(%dma_start3A_567 : memref<128xi32, #tpu.memory_space<vmem>>) semaphore(%arg28 : memref<!tpu.dma_semaphore, #tpu.memory_space<semaphore_mem>>) {add = true}
      %sub3A_571 = arith.constant 4 : i32
      %sub3A_572 = arith.subi %add3A_558, %sub3A_571 : i32
      %dma_wait3A_573 = arith.constant 0 : i32
      %dma_wait3A_574 = tpu.memref_slice %arg10[%sub3A_572, %dma_wait3A_573] : memref<96x128xi32, #tpu.memory_space<vmem>> -> memref<1x128xi32, #tpu.memory_space<vmem>>
      %dma_wait3A_575 = tpu.memref_squeeze %dma_wait3A_574 : memref<1x128xi32, #tpu.memory_space<vmem>> -> memref<128xi32, #tpu.memory_space<vmem>>
      %dma_wait3A_576 = arith.constant 0 : i32
      %dma_wait3A_577 = arith.constant 0 : i32
      %dma_wait3A_578 = tpu.memref_slice %arg7[%dma_wait3A_576, %dma_wait3A_577] : memref<10112x16xf32, #tpu.memory_space<vmem_shared>> -> memref<10112x16xf32, #tpu.memory_space<vmem_shared>>
      tpu.wait_indirect_dma semaphore(%arg32 : memref<!tpu.dma_semaphore, #tpu.memory_space<semaphore_mem>>) src(%arg16 : memref<128x16xf32, #tpu.memory_space<vmem>>) dst(%dma_wait3A_578 : memref<10112x16xf32, #tpu.memory_space<vmem_shared>>)
      %add3A_579 = arith.constant 4 : i32
      %add3A_580 = arith.addi %add3A_558, %add3A_579 : i32
      %dma_start3A_581 = arith.constant 0 : i32
      %dma_start3A_582 = tpu.memref_slice %arg9[%add3A_580, %dma_start3A_581] : memref<96x128xi32, #tpu.memory_space<vmem>> -> memref<1x128xi32, #tpu.memory_space<vmem>>
      %dma_start3A_583 = tpu.memref_squeeze %dma_start3A_582 : memref<1x128xi32, #tpu.memory_space<vmem>> -> memref<128xi32, #tpu.memory_space<vmem>>
      %dma_start3A_584 = arith.constant 0 : i32
      %dma_start3A_585 = arith.constant 0 : i32
      %dma_start3A_586 = tpu.memref_slice %arg8[%dma_start3A_584, %dma_start3A_585] : memref<10112x16xf32, #tpu.memory_space<vmem_shared>> -> memref<10112x16xf32, #tpu.memory_space<vmem_shared>>
      tpu.enqueue_indirect_dma source(%dma_start3A_586 : memref<10112x16xf32, #tpu.memory_space<vmem_shared>>) target(%arg16 : memref<128x16xf32, #tpu.memory_space<vmem>>) offsets(%dma_start3A_583 : memref<128xi32, #tpu.memory_space<vmem>>) semaphore(%arg24 : memref<!tpu.dma_semaphore, #tpu.memory_space<semaphore_mem>>)
      %add3A_587 = arith.constant 2 : i32
      %add3A_588 = arith.addi %mul3A_526, %add3A_587 : i32
      %dma_wait3A_589 = arith.constant 0 : i32
      %dma_wait3A_590 = tpu.memref_slice %arg9[%add3A_588, %dma_wait3A_589] : memref<96x128xi32, #tpu.memory_space<vmem>> -> memref<1x128xi32, #tpu.memory_space<vmem>>
      %dma_wait3A_591 = tpu.memref_squeeze %dma_wait3A_590 : memref<1x128xi32, #tpu.memory_space<vmem>> -> memref<128xi32, #tpu.memory_space<vmem>>
      %dma_wait3A_592 = arith.constant 0 : i32
      %dma_wait3A_593 = arith.constant 0 : i32
      %dma_wait3A_594 = tpu.memref_slice %arg8[%dma_wait3A_592, %dma_wait3A_593] : memref<10112x16xf32, #tpu.memory_space<vmem_shared>> -> memref<10112x16xf32, #tpu.memory_space<vmem_shared>>
      tpu.wait_indirect_dma semaphore(%arg21 : memref<!tpu.dma_semaphore, #tpu.memory_space<semaphore_mem>>) src(%dma_wait3A_594 : memref<10112x16xf32, #tpu.memory_space<vmem_shared>>) dst(%arg13 : memref<128x16xf32, #tpu.memory_space<vmem>>)
      %dma_start3A_595 = arith.constant 0 : i32
      %dma_start3A_596 = tpu.memref_slice %arg10[%add3A_588, %dma_start3A_595] : memref<96x128xi32, #tpu.memory_space<vmem>> -> memref<1x128xi32, #tpu.memory_space<vmem>>
      %dma_start3A_597 = tpu.memref_squeeze %dma_start3A_596 : memref<1x128xi32, #tpu.memory_space<vmem>> -> memref<128xi32, #tpu.memory_space<vmem>>
      %dma_start3A_598 = arith.constant 0 : i32
      %dma_start3A_599 = arith.constant 0 : i32
      %dma_start3A_600 = tpu.memref_slice %arg7[%dma_start3A_598, %dma_start3A_599] : memref<10112x16xf32, #tpu.memory_space<vmem_shared>> -> memref<10112x16xf32, #tpu.memory_space<vmem_shared>>
      tpu.enqueue_indirect_dma source(%arg13 : memref<128x16xf32, #tpu.memory_space<vmem>>) target(%dma_start3A_600 : memref<10112x16xf32, #tpu.memory_space<vmem_shared>>) offsets(%dma_start3A_597 : memref<128xi32, #tpu.memory_space<vmem>>) semaphore(%arg29 : memref<!tpu.dma_semaphore, #tpu.memory_space<semaphore_mem>>) {add = true}
      %sub3A_601 = arith.constant 4 : i32
      %sub3A_602 = arith.subi %add3A_588, %sub3A_601 : i32
      %dma_wait3A_603 = arith.constant 0 : i32
      %dma_wait3A_604 = tpu.memref_slice %arg10[%sub3A_602, %dma_wait3A_603] : memref<96x128xi32, #tpu.memory_space<vmem>> -> memref<1x128xi32, #tpu.memory_space<vmem>>
      %dma_wait3A_605 = tpu.memref_squeeze %dma_wait3A_604 : memref<1x128xi32, #tpu.memory_space<vmem>> -> memref<128xi32, #tpu.memory_space<vmem>>
      %dma_wait3A_606 = arith.constant 0 : i32
      %dma_wait3A_607 = arith.constant 0 : i32
      %dma_wait3A_608 = tpu.memref_slice %arg7[%dma_wait3A_606, %dma_wait3A_607] : memref<10112x16xf32, #tpu.memory_space<vmem_shared>> -> memref<10112x16xf32, #tpu.memory_space<vmem_shared>>
      tpu.wait_indirect_dma semaphore(%arg33 : memref<!tpu.dma_semaphore, #tpu.memory_space<semaphore_mem>>) src(%arg17 : memref<128x16xf32, #tpu.memory_space<vmem>>) dst(%dma_wait3A_608 : memref<10112x16xf32, #tpu.memory_space<vmem_shared>>)
      %add3A_609 = arith.constant 4 : i32
      %add3A_610 = arith.addi %add3A_588, %add3A_609 : i32
      %dma_start3A_611 = arith.constant 0 : i32
      %dma_start3A_612 = tpu.memref_slice %arg9[%add3A_610, %dma_start3A_611] : memref<96x128xi32, #tpu.memory_space<vmem>> -> memref<1x128xi32, #tpu.memory_space<vmem>>
      %dma_start3A_613 = tpu.memref_squeeze %dma_start3A_612 : memref<1x128xi32, #tpu.memory_space<vmem>> -> memref<128xi32, #tpu.memory_space<vmem>>
      %dma_start3A_614 = arith.constant 0 : i32
      %dma_start3A_615 = arith.constant 0 : i32
      %dma_start3A_616 = tpu.memref_slice %arg8[%dma_start3A_614, %dma_start3A_615] : memref<10112x16xf32, #tpu.memory_space<vmem_shared>> -> memref<10112x16xf32, #tpu.memory_space<vmem_shared>>
      tpu.enqueue_indirect_dma source(%dma_start3A_616 : memref<10112x16xf32, #tpu.memory_space<vmem_shared>>) target(%arg17 : memref<128x16xf32, #tpu.memory_space<vmem>>) offsets(%dma_start3A_613 : memref<128xi32, #tpu.memory_space<vmem>>) semaphore(%arg25 : memref<!tpu.dma_semaphore, #tpu.memory_space<semaphore_mem>>)
      %add3A_617 = arith.constant 3 : i32
      %add3A_618 = arith.addi %mul3A_526, %add3A_617 : i32
      %dma_wait3A_619 = arith.constant 0 : i32
      %dma_wait3A_620 = tpu.memref_slice %arg9[%add3A_618, %dma_wait3A_619] : memref<96x128xi32, #tpu.memory_space<vmem>> -> memref<1x128xi32, #tpu.memory_space<vmem>>
      %dma_wait3A_621 = tpu.memref_squeeze %dma_wait3A_620 : memref<1x128xi32, #tpu.memory_space<vmem>> -> memref<128xi32, #tpu.memory_space<vmem>>
      %dma_wait3A_622 = arith.constant 0 : i32
      %dma_wait3A_623 = arith.constant 0 : i32
      %dma_wait3A_624 = tpu.memref_slice %arg8[%dma_wait3A_622, %dma_wait3A_623] : memref<10112x16xf32, #tpu.memory_space<vmem_shared>> -> memref<10112x16xf32, #tpu.memory_space<vmem_shared>>
      tpu.wait_indirect_dma semaphore(%arg22 : memref<!tpu.dma_semaphore, #tpu.memory_space<semaphore_mem>>) src(%dma_wait3A_624 : memref<10112x16xf32, #tpu.memory_space<vmem_shared>>) dst(%arg14 : memref<128x16xf32, #tpu.memory_space<vmem>>)
      %dma_start3A_625 = arith.constant 0 : i32
      %dma_start3A_626 = tpu.memref_slice %arg10[%add3A_618, %dma_start3A_625] : memref<96x128xi32, #tpu.memory_space<vmem>> -> memref<1x128xi32, #tpu.memory_space<vmem>>
      %dma_start3A_627 = tpu.memref_squeeze %dma_start3A_626 : memref<1x128xi32, #tpu.memory_space<vmem>> -> memref<128xi32, #tpu.memory_space<vmem>>
      %dma_start3A_628 = arith.constant 0 : i32
      %dma_start3A_629 = arith.constant 0 : i32
      %dma_start3A_630 = tpu.memref_slice %arg7[%dma_start3A_628, %dma_start3A_629] : memref<10112x16xf32, #tpu.memory_space<vmem_shared>> -> memref<10112x16xf32, #tpu.memory_space<vmem_shared>>
      tpu.enqueue_indirect_dma source(%arg14 : memref<128x16xf32, #tpu.memory_space<vmem>>) target(%dma_start3A_630 : memref<10112x16xf32, #tpu.memory_space<vmem_shared>>) offsets(%dma_start3A_627 : memref<128xi32, #tpu.memory_space<vmem>>) semaphore(%arg30 : memref<!tpu.dma_semaphore, #tpu.memory_space<semaphore_mem>>) {add = true}
      %sub3A_631 = arith.constant 4 : i32
      %sub3A_632 = arith.subi %add3A_618, %sub3A_631 : i32
      %dma_wait3A_633 = arith.constant 0 : i32
      %dma_wait3A_634 = tpu.memref_slice %arg10[%sub3A_632, %dma_wait3A_633] : memref<96x128xi32, #tpu.memory_space<vmem>> -> memref<1x128xi32, #tpu.memory_space<vmem>>
      %dma_wait3A_635 = tpu.memref_squeeze %dma_wait3A_634 : memref<1x128xi32, #tpu.memory_space<vmem>> -> memref<128xi32, #tpu.memory_space<vmem>>
      %dma_wait3A_636 = arith.constant 0 : i32
      %dma_wait3A_637 = arith.constant 0 : i32
      %dma_wait3A_638 = tpu.memref_slice %arg7[%dma_wait3A_636, %dma_wait3A_637] : memref<10112x16xf32, #tpu.memory_space<vmem_shared>> -> memref<10112x16xf32, #tpu.memory_space<vmem_shared>>
      tpu.wait_indirect_dma semaphore(%arg34 : memref<!tpu.dma_semaphore, #tpu.memory_space<semaphore_mem>>) src(%arg18 : memref<128x16xf32, #tpu.memory_space<vmem>>) dst(%dma_wait3A_638 : memref<10112x16xf32, #tpu.memory_space<vmem_shared>>)
      %add3A_639 = arith.constant 4 : i32
      %add3A_640 = arith.addi %add3A_618, %add3A_639 : i32
      %dma_start3A_641 = arith.constant 0 : i32
      %dma_start3A_642 = tpu.memref_slice %arg9[%add3A_640, %dma_start3A_641] : memref<96x128xi32, #tpu.memory_space<vmem>> -> memref<1x128xi32, #tpu.memory_space<vmem>>
      %dma_start3A_643 = tpu.memref_squeeze %dma_start3A_642 : memref<1x128xi32, #tpu.memory_space<vmem>> -> memref<128xi32, #tpu.memory_space<vmem>>
      %dma_start3A_644 = arith.constant 0 : i32
      %dma_start3A_645 = arith.constant 0 : i32
      %dma_start3A_646 = tpu.memref_slice %arg8[%dma_start3A_644, %dma_start3A_645] : memref<10112x16xf32, #tpu.memory_space<vmem_shared>> -> memref<10112x16xf32, #tpu.memory_space<vmem_shared>>
      tpu.enqueue_indirect_dma source(%dma_start3A_646 : memref<10112x16xf32, #tpu.memory_space<vmem_shared>>) target(%arg18 : memref<128x16xf32, #tpu.memory_space<vmem>>) offsets(%dma_start3A_643 : memref<128xi32, #tpu.memory_space<vmem>>) semaphore(%arg26 : memref<!tpu.dma_semaphore, #tpu.memory_space<semaphore_mem>>)
      %add3A_647 = arith.constant 4 : i32
      %add3A_648 = arith.addi %mul3A_526, %add3A_647 : i32
      %dma_wait3A_649 = arith.constant 0 : i32
      %dma_wait3A_650 = tpu.memref_slice %arg9[%add3A_648, %dma_wait3A_649] : memref<96x128xi32, #tpu.memory_space<vmem>> -> memref<1x128xi32, #tpu.memory_space<vmem>>
      %dma_wait3A_651 = tpu.memref_squeeze %dma_wait3A_650 : memref<1x128xi32, #tpu.memory_space<vmem>> -> memref<128xi32, #tpu.memory_space<vmem>>
      %dma_wait3A_652 = arith.constant 0 : i32
      %dma_wait3A_653 = arith.constant 0 : i32
      %dma_wait3A_654 = tpu.memref_slice %arg8[%dma_wait3A_652, %dma_wait3A_653] : memref<10112x16xf32, #tpu.memory_space<vmem_shared>> -> memref<10112x16xf32, #tpu.memory_space<vmem_shared>>
      tpu.wait_indirect_dma semaphore(%arg23 : memref<!tpu.dma_semaphore, #tpu.memory_space<semaphore_mem>>) src(%dma_wait3A_654 : memref<10112x16xf32, #tpu.memory_space<vmem_shared>>) dst(%arg15 : memref<128x16xf32, #tpu.memory_space<vmem>>)
      %dma_start3A_655 = arith.constant 0 : i32
      %dma_start3A_656 = tpu.memref_slice %arg10[%add3A_648, %dma_start3A_655] : memref<96x128xi32, #tpu.memory_space<vmem>> -> memref<1x128xi32, #tpu.memory_space<vmem>>
      %dma_start3A_657 = tpu.memref_squeeze %dma_start3A_656 : memref<1x128xi32, #tpu.memory_space<vmem>> -> memref<128xi32, #tpu.memory_space<vmem>>
      %dma_start3A_658 = arith.constant 0 : i32
      %dma_start3A_659 = arith.constant 0 : i32
      %dma_start3A_660 = tpu.memref_slice %arg7[%dma_start3A_658, %dma_start3A_659] : memref<10112x16xf32, #tpu.memory_space<vmem_shared>> -> memref<10112x16xf32, #tpu.memory_space<vmem_shared>>
      tpu.enqueue_indirect_dma source(%arg15 : memref<128x16xf32, #tpu.memory_space<vmem>>) target(%dma_start3A_660 : memref<10112x16xf32, #tpu.memory_space<vmem_shared>>) offsets(%dma_start3A_657 : memref<128xi32, #tpu.memory_space<vmem>>) semaphore(%arg31 : memref<!tpu.dma_semaphore, #tpu.memory_space<semaphore_mem>>) {add = true}
      %sub3A_661 = arith.constant 4 : i32
      %sub3A_662 = arith.subi %add3A_648, %sub3A_661 : i32
      %dma_wait3A_663 = arith.constant 0 : i32
      %dma_wait3A_664 = tpu.memref_slice %arg10[%sub3A_662, %dma_wait3A_663] : memref<96x128xi32, #tpu.memory_space<vmem>> -> memref<1x128xi32, #tpu.memory_space<vmem>>
      %dma_wait3A_665 = tpu.memref_squeeze %dma_wait3A_664 : memref<1x128xi32, #tpu.memory_space<vmem>> -> memref<128xi32, #tpu.memory_space<vmem>>
      %dma_wait3A_666 = arith.constant 0 : i32
      %dma_wait3A_667 = arith.constant 0 : i32
      %dma_wait3A_668 = tpu.memref_slice %arg7[%dma_wait3A_666, %dma_wait3A_667] : memref<10112x16xf32, #tpu.memory_space<vmem_shared>> -> memref<10112x16xf32, #tpu.memory_space<vmem_shared>>
      tpu.wait_indirect_dma semaphore(%arg27 : memref<!tpu.dma_semaphore, #tpu.memory_space<semaphore_mem>>) src(%arg11 : memref<128x16xf32, #tpu.memory_space<vmem>>) dst(%dma_wait3A_668 : memref<10112x16xf32, #tpu.memory_space<vmem_shared>>)
      %add3A_669 = arith.constant 4 : i32
      %add3A_670 = arith.addi %add3A_648, %add3A_669 : i32
      %dma_start3A_671 = arith.constant 0 : i32
      %dma_start3A_672 = tpu.memref_slice %arg9[%add3A_670, %dma_start3A_671] : memref<96x128xi32, #tpu.memory_space<vmem>> -> memref<1x128xi32, #tpu.memory_space<vmem>>
      %dma_start3A_673 = tpu.memref_squeeze %dma_start3A_672 : memref<1x128xi32, #tpu.memory_space<vmem>> -> memref<128xi32, #tpu.memory_space<vmem>>
      %dma_start3A_674 = arith.constant 0 : i32
      %dma_start3A_675 = arith.constant 0 : i32
      %dma_start3A_676 = tpu.memref_slice %arg8[%dma_start3A_674, %dma_start3A_675] : memref<10112x16xf32, #tpu.memory_space<vmem_shared>> -> memref<10112x16xf32, #tpu.memory_space<vmem_shared>>
      tpu.enqueue_indirect_dma source(%dma_start3A_676 : memref<10112x16xf32, #tpu.memory_space<vmem_shared>>) target(%arg11 : memref<128x16xf32, #tpu.memory_space<vmem>>) offsets(%dma_start3A_673 : memref<128xi32, #tpu.memory_space<vmem>>) semaphore(%arg19 : memref<!tpu.dma_semaphore, #tpu.memory_space<semaphore_mem>>)
      %add3A_677 = arith.constant 5 : i32
      %add3A_678 = arith.addi %mul3A_526, %add3A_677 : i32
      %dma_wait3A_679 = arith.constant 0 : i32
      %dma_wait3A_680 = tpu.memref_slice %arg9[%add3A_678, %dma_wait3A_679] : memref<96x128xi32, #tpu.memory_space<vmem>> -> memref<1x128xi32, #tpu.memory_space<vmem>>
      %dma_wait3A_681 = tpu.memref_squeeze %dma_wait3A_680 : memref<1x128xi32, #tpu.memory_space<vmem>> -> memref<128xi32, #tpu.memory_space<vmem>>
      %dma_wait3A_682 = arith.constant 0 : i32
      %dma_wait3A_683 = arith.constant 0 : i32
      %dma_wait3A_684 = tpu.memref_slice %arg8[%dma_wait3A_682, %dma_wait3A_683] : memref<10112x16xf32, #tpu.memory_space<vmem_shared>> -> memref<10112x16xf32, #tpu.memory_space<vmem_shared>>
      tpu.wait_indirect_dma semaphore(%arg24 : memref<!tpu.dma_semaphore, #tpu.memory_space<semaphore_mem>>) src(%dma_wait3A_684 : memref<10112x16xf32, #tpu.memory_space<vmem_shared>>) dst(%arg16 : memref<128x16xf32, #tpu.memory_space<vmem>>)
      %dma_start3A_685 = arith.constant 0 : i32
      %dma_start3A_686 = tpu.memref_slice %arg10[%add3A_678, %dma_start3A_685] : memref<96x128xi32, #tpu.memory_space<vmem>> -> memref<1x128xi32, #tpu.memory_space<vmem>>
      %dma_start3A_687 = tpu.memref_squeeze %dma_start3A_686 : memref<1x128xi32, #tpu.memory_space<vmem>> -> memref<128xi32, #tpu.memory_space<vmem>>
      %dma_start3A_688 = arith.constant 0 : i32
      %dma_start3A_689 = arith.constant 0 : i32
      %dma_start3A_690 = tpu.memref_slice %arg7[%dma_start3A_688, %dma_start3A_689] : memref<10112x16xf32, #tpu.memory_space<vmem_shared>> -> memref<10112x16xf32, #tpu.memory_space<vmem_shared>>
      tpu.enqueue_indirect_dma source(%arg16 : memref<128x16xf32, #tpu.memory_space<vmem>>) target(%dma_start3A_690 : memref<10112x16xf32, #tpu.memory_space<vmem_shared>>) offsets(%dma_start3A_687 : memref<128xi32, #tpu.memory_space<vmem>>) semaphore(%arg32 : memref<!tpu.dma_semaphore, #tpu.memory_space<semaphore_mem>>) {add = true}
      %sub3A_691 = arith.constant 4 : i32
      %sub3A_692 = arith.subi %add3A_678, %sub3A_691 : i32
      %dma_wait3A_693 = arith.constant 0 : i32
      %dma_wait3A_694 = tpu.memref_slice %arg10[%sub3A_692, %dma_wait3A_693] : memref<96x128xi32, #tpu.memory_space<vmem>> -> memref<1x128xi32, #tpu.memory_space<vmem>>
      %dma_wait3A_695 = tpu.memref_squeeze %dma_wait3A_694 : memref<1x128xi32, #tpu.memory_space<vmem>> -> memref<128xi32, #tpu.memory_space<vmem>>
      %dma_wait3A_696 = arith.constant 0 : i32
      %dma_wait3A_697 = arith.constant 0 : i32
      %dma_wait3A_698 = tpu.memref_slice %arg7[%dma_wait3A_696, %dma_wait3A_697] : memref<10112x16xf32, #tpu.memory_space<vmem_shared>> -> memref<10112x16xf32, #tpu.memory_space<vmem_shared>>
      tpu.wait_indirect_dma semaphore(%arg28 : memref<!tpu.dma_semaphore, #tpu.memory_space<semaphore_mem>>) src(%arg12 : memref<128x16xf32, #tpu.memory_space<vmem>>) dst(%dma_wait3A_698 : memref<10112x16xf32, #tpu.memory_space<vmem_shared>>)
      %add3A_699 = arith.constant 4 : i32
      %add3A_700 = arith.addi %add3A_678, %add3A_699 : i32
      %dma_start3A_701 = arith.constant 0 : i32
      %dma_start3A_702 = tpu.memref_slice %arg9[%add3A_700, %dma_start3A_701] : memref<96x128xi32, #tpu.memory_space<vmem>> -> memref<1x128xi32, #tpu.memory_space<vmem>>
      %dma_start3A_703 = tpu.memref_squeeze %dma_start3A_702 : memref<1x128xi32, #tpu.memory_space<vmem>> -> memref<128xi32, #tpu.memory_space<vmem>>
      %dma_start3A_704 = arith.constant 0 : i32
      %dma_start3A_705 = arith.constant 0 : i32
      %dma_start3A_706 = tpu.memref_slice %arg8[%dma_start3A_704, %dma_start3A_705] : memref<10112x16xf32, #tpu.memory_space<vmem_shared>> -> memref<10112x16xf32, #tpu.memory_space<vmem_shared>>
      tpu.enqueue_indirect_dma source(%dma_start3A_706 : memref<10112x16xf32, #tpu.memory_space<vmem_shared>>) target(%arg12 : memref<128x16xf32, #tpu.memory_space<vmem>>) offsets(%dma_start3A_703 : memref<128xi32, #tpu.memory_space<vmem>>) semaphore(%arg20 : memref<!tpu.dma_semaphore, #tpu.memory_space<semaphore_mem>>)
      %add3A_707 = arith.constant 6 : i32
      %add3A_708 = arith.addi %mul3A_526, %add3A_707 : i32
      %dma_wait3A_709 = arith.constant 0 : i32
      %dma_wait3A_710 = tpu.memref_slice %arg9[%add3A_708, %dma_wait3A_709] : memref<96x128xi32, #tpu.memory_space<vmem>> -> memref<1x128xi32, #tpu.memory_space<vmem>>
      %dma_wait3A_711 = tpu.memref_squeeze %dma_wait3A_710 : memref<1x128xi32, #tpu.memory_space<vmem>> -> memref<128xi32, #tpu.memory_space<vmem>>
      %dma_wait3A_712 = arith.constant 0 : i32
      %dma_wait3A_713 = arith.constant 0 : i32
      %dma_wait3A_714 = tpu.memref_slice %arg8[%dma_wait3A_712, %dma_wait3A_713] : memref<10112x16xf32, #tpu.memory_space<vmem_shared>> -> memref<10112x16xf32, #tpu.memory_space<vmem_shared>>
      tpu.wait_indirect_dma semaphore(%arg25 : memref<!tpu.dma_semaphore, #tpu.memory_space<semaphore_mem>>) src(%dma_wait3A_714 : memref<10112x16xf32, #tpu.memory_space<vmem_shared>>) dst(%arg17 : memref<128x16xf32, #tpu.memory_space<vmem>>)
      %dma_start3A_715 = arith.constant 0 : i32
      %dma_start3A_716 = tpu.memref_slice %arg10[%add3A_708, %dma_start3A_715] : memref<96x128xi32, #tpu.memory_space<vmem>> -> memref<1x128xi32, #tpu.memory_space<vmem>>
      %dma_start3A_717 = tpu.memref_squeeze %dma_start3A_716 : memref<1x128xi32, #tpu.memory_space<vmem>> -> memref<128xi32, #tpu.memory_space<vmem>>
      %dma_start3A_718 = arith.constant 0 : i32
      %dma_start3A_719 = arith.constant 0 : i32
      %dma_start3A_720 = tpu.memref_slice %arg7[%dma_start3A_718, %dma_start3A_719] : memref<10112x16xf32, #tpu.memory_space<vmem_shared>> -> memref<10112x16xf32, #tpu.memory_space<vmem_shared>>
      tpu.enqueue_indirect_dma source(%arg17 : memref<128x16xf32, #tpu.memory_space<vmem>>) target(%dma_start3A_720 : memref<10112x16xf32, #tpu.memory_space<vmem_shared>>) offsets(%dma_start3A_717 : memref<128xi32, #tpu.memory_space<vmem>>) semaphore(%arg33 : memref<!tpu.dma_semaphore, #tpu.memory_space<semaphore_mem>>) {add = true}
      %sub3A_721 = arith.constant 4 : i32
      %sub3A_722 = arith.subi %add3A_708, %sub3A_721 : i32
      %dma_wait3A_723 = arith.constant 0 : i32
      %dma_wait3A_724 = tpu.memref_slice %arg10[%sub3A_722, %dma_wait3A_723] : memref<96x128xi32, #tpu.memory_space<vmem>> -> memref<1x128xi32, #tpu.memory_space<vmem>>
      %dma_wait3A_725 = tpu.memref_squeeze %dma_wait3A_724 : memref<1x128xi32, #tpu.memory_space<vmem>> -> memref<128xi32, #tpu.memory_space<vmem>>
      %dma_wait3A_726 = arith.constant 0 : i32
      %dma_wait3A_727 = arith.constant 0 : i32
      %dma_wait3A_728 = tpu.memref_slice %arg7[%dma_wait3A_726, %dma_wait3A_727] : memref<10112x16xf32, #tpu.memory_space<vmem_shared>> -> memref<10112x16xf32, #tpu.memory_space<vmem_shared>>
      tpu.wait_indirect_dma semaphore(%arg29 : memref<!tpu.dma_semaphore, #tpu.memory_space<semaphore_mem>>) src(%arg13 : memref<128x16xf32, #tpu.memory_space<vmem>>) dst(%dma_wait3A_728 : memref<10112x16xf32, #tpu.memory_space<vmem_shared>>)
      %add3A_729 = arith.constant 4 : i32
      %add3A_730 = arith.addi %add3A_708, %add3A_729 : i32
      %dma_start3A_731 = arith.constant 0 : i32
      %dma_start3A_732 = tpu.memref_slice %arg9[%add3A_730, %dma_start3A_731] : memref<96x128xi32, #tpu.memory_space<vmem>> -> memref<1x128xi32, #tpu.memory_space<vmem>>
      %dma_start3A_733 = tpu.memref_squeeze %dma_start3A_732 : memref<1x128xi32, #tpu.memory_space<vmem>> -> memref<128xi32, #tpu.memory_space<vmem>>
      %dma_start3A_734 = arith.constant 0 : i32
      %dma_start3A_735 = arith.constant 0 : i32
      %dma_start3A_736 = tpu.memref_slice %arg8[%dma_start3A_734, %dma_start3A_735] : memref<10112x16xf32, #tpu.memory_space<vmem_shared>> -> memref<10112x16xf32, #tpu.memory_space<vmem_shared>>
      tpu.enqueue_indirect_dma source(%dma_start3A_736 : memref<10112x16xf32, #tpu.memory_space<vmem_shared>>) target(%arg13 : memref<128x16xf32, #tpu.memory_space<vmem>>) offsets(%dma_start3A_733 : memref<128xi32, #tpu.memory_space<vmem>>) semaphore(%arg21 : memref<!tpu.dma_semaphore, #tpu.memory_space<semaphore_mem>>)
      %add3A_737 = arith.constant 7 : i32
      %add3A_738 = arith.addi %mul3A_526, %add3A_737 : i32
      %dma_wait3A_739 = arith.constant 0 : i32
      %dma_wait3A_740 = tpu.memref_slice %arg9[%add3A_738, %dma_wait3A_739] : memref<96x128xi32, #tpu.memory_space<vmem>> -> memref<1x128xi32, #tpu.memory_space<vmem>>
      %dma_wait3A_741 = tpu.memref_squeeze %dma_wait3A_740 : memref<1x128xi32, #tpu.memory_space<vmem>> -> memref<128xi32, #tpu.memory_space<vmem>>
      %dma_wait3A_742 = arith.constant 0 : i32
      %dma_wait3A_743 = arith.constant 0 : i32
      %dma_wait3A_744 = tpu.memref_slice %arg8[%dma_wait3A_742, %dma_wait3A_743] : memref<10112x16xf32, #tpu.memory_space<vmem_shared>> -> memref<10112x16xf32, #tpu.memory_space<vmem_shared>>
      tpu.wait_indirect_dma semaphore(%arg26 : memref<!tpu.dma_semaphore, #tpu.memory_space<semaphore_mem>>) src(%dma_wait3A_744 : memref<10112x16xf32, #tpu.memory_space<vmem_shared>>) dst(%arg18 : memref<128x16xf32, #tpu.memory_space<vmem>>)
      %dma_start3A_745 = arith.constant 0 : i32
      %dma_start3A_746 = tpu.memref_slice %arg10[%add3A_738, %dma_start3A_745] : memref<96x128xi32, #tpu.memory_space<vmem>> -> memref<1x128xi32, #tpu.memory_space<vmem>>
      %dma_start3A_747 = tpu.memref_squeeze %dma_start3A_746 : memref<1x128xi32, #tpu.memory_space<vmem>> -> memref<128xi32, #tpu.memory_space<vmem>>
      %dma_start3A_748 = arith.constant 0 : i32
      %dma_start3A_749 = arith.constant 0 : i32
      %dma_start3A_750 = tpu.memref_slice %arg7[%dma_start3A_748, %dma_start3A_749] : memref<10112x16xf32, #tpu.memory_space<vmem_shared>> -> memref<10112x16xf32, #tpu.memory_space<vmem_shared>>
      tpu.enqueue_indirect_dma source(%arg18 : memref<128x16xf32, #tpu.memory_space<vmem>>) target(%dma_start3A_750 : memref<10112x16xf32, #tpu.memory_space<vmem_shared>>) offsets(%dma_start3A_747 : memref<128xi32, #tpu.memory_space<vmem>>) semaphore(%arg34 : memref<!tpu.dma_semaphore, #tpu.memory_space<semaphore_mem>>) {add = true}
      %sub3A_751 = arith.constant 4 : i32
      %sub3A_752 = arith.subi %add3A_738, %sub3A_751 : i32
      %dma_wait3A_753 = arith.constant 0 : i32
      %dma_wait3A_754 = tpu.memref_slice %arg10[%sub3A_752, %dma_wait3A_753] : memref<96x128xi32, #tpu.memory_space<vmem>> -> memref<1x128xi32, #tpu.memory_space<vmem>>
      %dma_wait3A_755 = tpu.memref_squeeze %dma_wait3A_754 : memref<1x128xi32, #tpu.memory_space<vmem>> -> memref<128xi32, #tpu.memory_space<vmem>>
      %dma_wait3A_756 = arith.constant 0 : i32
      %dma_wait3A_757 = arith.constant 0 : i32
      %dma_wait3A_758 = tpu.memref_slice %arg7[%dma_wait3A_756, %dma_wait3A_757] : memref<10112x16xf32, #tpu.memory_space<vmem_shared>> -> memref<10112x16xf32, #tpu.memory_space<vmem_shared>>
      tpu.wait_indirect_dma semaphore(%arg30 : memref<!tpu.dma_semaphore, #tpu.memory_space<semaphore_mem>>) src(%arg14 : memref<128x16xf32, #tpu.memory_space<vmem>>) dst(%dma_wait3A_758 : memref<10112x16xf32, #tpu.memory_space<vmem_shared>>)
      %add3A_759 = arith.constant 4 : i32
      %add3A_760 = arith.addi %add3A_738, %add3A_759 : i32
      %dma_start3A_761 = arith.constant 0 : i32
      %dma_start3A_762 = tpu.memref_slice %arg9[%add3A_760, %dma_start3A_761] : memref<96x128xi32, #tpu.memory_space<vmem>> -> memref<1x128xi32, #tpu.memory_space<vmem>>
      %dma_start3A_763 = tpu.memref_squeeze %dma_start3A_762 : memref<1x128xi32, #tpu.memory_space<vmem>> -> memref<128xi32, #tpu.memory_space<vmem>>
      %dma_start3A_764 = arith.constant 0 : i32
      %dma_start3A_765 = arith.constant 0 : i32
      %dma_start3A_766 = tpu.memref_slice %arg8[%dma_start3A_764, %dma_start3A_765] : memref<10112x16xf32, #tpu.memory_space<vmem_shared>> -> memref<10112x16xf32, #tpu.memory_space<vmem_shared>>
      tpu.enqueue_indirect_dma source(%dma_start3A_766 : memref<10112x16xf32, #tpu.memory_space<vmem_shared>>) target(%arg14 : memref<128x16xf32, #tpu.memory_space<vmem>>) offsets(%dma_start3A_763 : memref<128xi32, #tpu.memory_space<vmem>>) semaphore(%arg22 : memref<!tpu.dma_semaphore, #tpu.memory_space<semaphore_mem>>)
    }
    %while3A_270 = arith.constant 1 : i32
    scf.for %while3A_522 = %while3A_268 to %while3A_264 step %while3A_270  : i32 {
      %mul3A_523 = arith.muli %while3A_522, %while3A : i32
      %add3A_524 = arith.addi %while3A_261, %mul3A_523 : i32
      %mul3A_525 = arith.constant 8 : i32
      %mul3A_526 = arith.muli %add3A_524, %mul3A_525 : i32
      %add3A_527 = arith.constant 0 : i32
      %add3A_528 = arith.addi %mul3A_526, %add3A_527 : i32
      %dma_wait3A_529 = arith.constant 0 : i32
      %dma_wait3A_530 = tpu.memref_slice %arg9[%add3A_528, %dma_wait3A_529] : memref<96x128xi32, #tpu.memory_space<vmem>> -> memref<1x128xi32, #tpu.memory_space<vmem>>
      %dma_wait3A_531 = tpu.memref_squeeze %dma_wait3A_530 : memref<1x128xi32, #tpu.memory_space<vmem>> -> memref<128xi32, #tpu.memory_space<vmem>>
      %dma_wait3A_532 = arith.constant 0 : i32
      %dma_wait3A_533 = arith.constant 0 : i32
      %dma_wait3A_534 = tpu.memref_slice %arg8[%dma_wait3A_532, %dma_wait3A_533] : memref<10112x16xf32, #tpu.memory_space<vmem_shared>> -> memref<10112x16xf32, #tpu.memory_space<vmem_shared>>
      tpu.wait_indirect_dma semaphore(%arg19 : memref<!tpu.dma_semaphore, #tpu.memory_space<semaphore_mem>>) src(%dma_wait3A_534 : memref<10112x16xf32, #tpu.memory_space<vmem_shared>>) dst(%arg11 : memref<128x16xf32, #tpu.memory_space<vmem>>)
      %dma_start3A_535 = arith.constant 0 : i32
      %dma_start3A_536 = tpu.memref_slice %arg10[%add3A_528, %dma_start3A_535] : memref<96x128xi32, #tpu.memory_space<vmem>> -> memref<1x128xi32, #tpu.memory_space<vmem>>
      %dma_start3A_537 = tpu.memref_squeeze %dma_start3A_536 : memref<1x128xi32, #tpu.memory_space<vmem>> -> memref<128xi32, #tpu.memory_space<vmem>>
      %dma_start3A_538 = arith.constant 0 : i32
      %dma_start3A_539 = arith.constant 0 : i32
      %dma_start3A_540 = tpu.memref_slice %arg7[%dma_start3A_538, %dma_start3A_539] : memref<10112x16xf32, #tpu.memory_space<vmem_shared>> -> memref<10112x16xf32, #tpu.memory_space<vmem_shared>>
      tpu.enqueue_indirect_dma source(%arg11 : memref<128x16xf32, #tpu.memory_space<vmem>>) target(%dma_start3A_540 : memref<10112x16xf32, #tpu.memory_space<vmem_shared>>) offsets(%dma_start3A_537 : memref<128xi32, #tpu.memory_space<vmem>>) semaphore(%arg27 : memref<!tpu.dma_semaphore, #tpu.memory_space<semaphore_mem>>) {add = true}
      %sub3A_541 = arith.constant 4 : i32
      %sub3A_542 = arith.subi %add3A_528, %sub3A_541 : i32
      %dma_wait3A_543 = arith.constant 0 : i32
      %dma_wait3A_544 = tpu.memref_slice %arg10[%sub3A_542, %dma_wait3A_543] : memref<96x128xi32, #tpu.memory_space<vmem>> -> memref<1x128xi32, #tpu.memory_space<vmem>>
      %dma_wait3A_545 = tpu.memref_squeeze %dma_wait3A_544 : memref<1x128xi32, #tpu.memory_space<vmem>> -> memref<128xi32, #tpu.memory_space<vmem>>
      %dma_wait3A_546 = arith.constant 0 : i32
      %dma_wait3A_547 = arith.constant 0 : i32
      %dma_wait3A_548 = tpu.memref_slice %arg7[%dma_wait3A_546, %dma_wait3A_547] : memref<10112x16xf32, #tpu.memory_space<vmem_shared>> -> memref<10112x16xf32, #tpu.memory_space<vmem_shared>>
      tpu.wait_indirect_dma semaphore(%arg31 : memref<!tpu.dma_semaphore, #tpu.memory_space<semaphore_mem>>) src(%arg15 : memref<128x16xf32, #tpu.memory_space<vmem>>) dst(%dma_wait3A_548 : memref<10112x16xf32, #tpu.memory_space<vmem_shared>>)
      %add3A_549 = arith.constant 4 : i32
      %add3A_550 = arith.addi %add3A_528, %add3A_549 : i32
      %dma_start3A_551 = arith.constant 0 : i32
      %dma_start3A_552 = tpu.memref_slice %arg9[%add3A_550, %dma_start3A_551] : memref<96x128xi32, #tpu.memory_space<vmem>> -> memref<1x128xi32, #tpu.memory_space<vmem>>
      %dma_start3A_553 = tpu.memref_squeeze %dma_start3A_552 : memref<1x128xi32, #tpu.memory_space<vmem>> -> memref<128xi32, #tpu.memory_space<vmem>>
      %dma_start3A_554 = arith.constant 0 : i32
      %dma_start3A_555 = arith.constant 0 : i32
      %dma_start3A_556 = tpu.memref_slice %arg8[%dma_start3A_554, %dma_start3A_555] : memref<10112x16xf32, #tpu.memory_space<vmem_shared>> -> memref<10112x16xf32, #tpu.memory_space<vmem_shared>>
      tpu.enqueue_indirect_dma source(%dma_start3A_556 : memref<10112x16xf32, #tpu.memory_space<vmem_shared>>) target(%arg15 : memref<128x16xf32, #tpu.memory_space<vmem>>) offsets(%dma_start3A_553 : memref<128xi32, #tpu.memory_space<vmem>>) semaphore(%arg23 : memref<!tpu.dma_semaphore, #tpu.memory_space<semaphore_mem>>)
      %add3A_557 = arith.constant 1 : i32
      %add3A_558 = arith.addi %mul3A_526, %add3A_557 : i32
      %dma_wait3A_559 = arith.constant 0 : i32
      %dma_wait3A_560 = tpu.memref_slice %arg9[%add3A_558, %dma_wait3A_559] : memref<96x128xi32, #tpu.memory_space<vmem>> -> memref<1x128xi32, #tpu.memory_space<vmem>>
      %dma_wait3A_561 = tpu.memref_squeeze %dma_wait3A_560 : memref<1x128xi32, #tpu.memory_space<vmem>> -> memref<128xi32, #tpu.memory_space<vmem>>
      %dma_wait3A_562 = arith.constant 0 : i32
      %dma_wait3A_563 = arith.constant 0 : i32
      %dma_wait3A_564 = tpu.memref_slice %arg8[%dma_wait3A_562, %dma_wait3A_563] : memref<10112x16xf32, #tpu.memory_space<vmem_shared>> -> memref<10112x16xf32, #tpu.memory_space<vmem_shared>>
      tpu.wait_indirect_dma semaphore(%arg20 : memref<!tpu.dma_semaphore, #tpu.memory_space<semaphore_mem>>) src(%dma_wait3A_564 : memref<10112x16xf32, #tpu.memory_space<vmem_shared>>) dst(%arg12 : memref<128x16xf32, #tpu.memory_space<vmem>>)
      %dma_start3A_565 = arith.constant 0 : i32
      %dma_start3A_566 = tpu.memref_slice %arg10[%add3A_558, %dma_start3A_565] : memref<96x128xi32, #tpu.memory_space<vmem>> -> memref<1x128xi32, #tpu.memory_space<vmem>>
      %dma_start3A_567 = tpu.memref_squeeze %dma_start3A_566 : memref<1x128xi32, #tpu.memory_space<vmem>> -> memref<128xi32, #tpu.memory_space<vmem>>
      %dma_start3A_568 = arith.constant 0 : i32
      %dma_start3A_569 = arith.constant 0 : i32
      %dma_start3A_570 = tpu.memref_slice %arg7[%dma_start3A_568, %dma_start3A_569] : memref<10112x16xf32, #tpu.memory_space<vmem_shared>> -> memref<10112x16xf32, #tpu.memory_space<vmem_shared>>
      tpu.enqueue_indirect_dma source(%arg12 : memref<128x16xf32, #tpu.memory_space<vmem>>) target(%dma_start3A_570 : memref<10112x16xf32, #tpu.memory_space<vmem_shared>>) offsets(%dma_start3A_567 : memref<128xi32, #tpu.memory_space<vmem>>) semaphore(%arg28 : memref<!tpu.dma_semaphore, #tpu.memory_space<semaphore_mem>>) {add = true}
      %sub3A_571 = arith.constant 4 : i32
      %sub3A_572 = arith.subi %add3A_558, %sub3A_571 : i32
      %dma_wait3A_573 = arith.constant 0 : i32
      %dma_wait3A_574 = tpu.memref_slice %arg10[%sub3A_572, %dma_wait3A_573] : memref<96x128xi32, #tpu.memory_space<vmem>> -> memref<1x128xi32, #tpu.memory_space<vmem>>
      %dma_wait3A_575 = tpu.memref_squeeze %dma_wait3A_574 : memref<1x128xi32, #tpu.memory_space<vmem>> -> memref<128xi32, #tpu.memory_space<vmem>>
      %dma_wait3A_576 = arith.constant 0 : i32
      %dma_wait3A_577 = arith.constant 0 : i32
      %dma_wait3A_578 = tpu.memref_slice %arg7[%dma_wait3A_576, %dma_wait3A_577] : memref<10112x16xf32, #tpu.memory_space<vmem_shared>> -> memref<10112x16xf32, #tpu.memory_space<vmem_shared>>
      tpu.wait_indirect_dma semaphore(%arg32 : memref<!tpu.dma_semaphore, #tpu.memory_space<semaphore_mem>>) src(%arg16 : memref<128x16xf32, #tpu.memory_space<vmem>>) dst(%dma_wait3A_578 : memref<10112x16xf32, #tpu.memory_space<vmem_shared>>)
      %add3A_579 = arith.constant 4 : i32
      %add3A_580 = arith.addi %add3A_558, %add3A_579 : i32
      %dma_start3A_581 = arith.constant 0 : i32
      %dma_start3A_582 = tpu.memref_slice %arg9[%add3A_580, %dma_start3A_581] : memref<96x128xi32, #tpu.memory_space<vmem>> -> memref<1x128xi32, #tpu.memory_space<vmem>>
      %dma_start3A_583 = tpu.memref_squeeze %dma_start3A_582 : memref<1x128xi32, #tpu.memory_space<vmem>> -> memref<128xi32, #tpu.memory_space<vmem>>
      %dma_start3A_584 = arith.constant 0 : i32
      %dma_start3A_585 = arith.constant 0 : i32
      %dma_start3A_586 = tpu.memref_slice %arg8[%dma_start3A_584, %dma_start3A_585] : memref<10112x16xf32, #tpu.memory_space<vmem_shared>> -> memref<10112x16xf32, #tpu.memory_space<vmem_shared>>
      tpu.enqueue_indirect_dma source(%dma_start3A_586 : memref<10112x16xf32, #tpu.memory_space<vmem_shared>>) target(%arg16 : memref<128x16xf32, #tpu.memory_space<vmem>>) offsets(%dma_start3A_583 : memref<128xi32, #tpu.memory_space<vmem>>) semaphore(%arg24 : memref<!tpu.dma_semaphore, #tpu.memory_space<semaphore_mem>>)
      %add3A_587 = arith.constant 2 : i32
      %add3A_588 = arith.addi %mul3A_526, %add3A_587 : i32
      %dma_wait3A_589 = arith.constant 0 : i32
      %dma_wait3A_590 = tpu.memref_slice %arg9[%add3A_588, %dma_wait3A_589] : memref<96x128xi32, #tpu.memory_space<vmem>> -> memref<1x128xi32, #tpu.memory_space<vmem>>
      %dma_wait3A_591 = tpu.memref_squeeze %dma_wait3A_590 : memref<1x128xi32, #tpu.memory_space<vmem>> -> memref<128xi32, #tpu.memory_space<vmem>>
      %dma_wait3A_592 = arith.constant 0 : i32
      %dma_wait3A_593 = arith.constant 0 : i32
      %dma_wait3A_594 = tpu.memref_slice %arg8[%dma_wait3A_592, %dma_wait3A_593] : memref<10112x16xf32, #tpu.memory_space<vmem_shared>> -> memref<10112x16xf32, #tpu.memory_space<vmem_shared>>
      tpu.wait_indirect_dma semaphore(%arg21 : memref<!tpu.dma_semaphore, #tpu.memory_space<semaphore_mem>>) src(%dma_wait3A_594 : memref<10112x16xf32, #tpu.memory_space<vmem_shared>>) dst(%arg13 : memref<128x16xf32, #tpu.memory_space<vmem>>)
      %dma_start3A_595 = arith.constant 0 : i32
      %dma_start3A_596 = tpu.memref_slice %arg10[%add3A_588, %dma_start3A_595] : memref<96x128xi32, #tpu.memory_space<vmem>> -> memref<1x128xi32, #tpu.memory_space<vmem>>
      %dma_start3A_597 = tpu.memref_squeeze %dma_start3A_596 : memref<1x128xi32, #tpu.memory_space<vmem>> -> memref<128xi32, #tpu.memory_space<vmem>>
      %dma_start3A_598 = arith.constant 0 : i32
      %dma_start3A_599 = arith.constant 0 : i32
      %dma_start3A_600 = tpu.memref_slice %arg7[%dma_start3A_598, %dma_start3A_599] : memref<10112x16xf32, #tpu.memory_space<vmem_shared>> -> memref<10112x16xf32, #tpu.memory_space<vmem_shared>>
      tpu.enqueue_indirect_dma source(%arg13 : memref<128x16xf32, #tpu.memory_space<vmem>>) target(%dma_start3A_600 : memref<10112x16xf32, #tpu.memory_space<vmem_shared>>) offsets(%dma_start3A_597 : memref<128xi32, #tpu.memory_space<vmem>>) semaphore(%arg29 : memref<!tpu.dma_semaphore, #tpu.memory_space<semaphore_mem>>) {add = true}
      %sub3A_601 = arith.constant 4 : i32
      %sub3A_602 = arith.subi %add3A_588, %sub3A_601 : i32
      %dma_wait3A_603 = arith.constant 0 : i32
      %dma_wait3A_604 = tpu.memref_slice %arg10[%sub3A_602, %dma_wait3A_603] : memref<96x128xi32, #tpu.memory_space<vmem>> -> memref<1x128xi32, #tpu.memory_space<vmem>>
      %dma_wait3A_605 = tpu.memref_squeeze %dma_wait3A_604 : memref<1x128xi32, #tpu.memory_space<vmem>> -> memref<128xi32, #tpu.memory_space<vmem>>
      %dma_wait3A_606 = arith.constant 0 : i32
      %dma_wait3A_607 = arith.constant 0 : i32
      %dma_wait3A_608 = tpu.memref_slice %arg7[%dma_wait3A_606, %dma_wait3A_607] : memref<10112x16xf32, #tpu.memory_space<vmem_shared>> -> memref<10112x16xf32, #tpu.memory_space<vmem_shared>>
      tpu.wait_indirect_dma semaphore(%arg33 : memref<!tpu.dma_semaphore, #tpu.memory_space<semaphore_mem>>) src(%arg17 : memref<128x16xf32, #tpu.memory_space<vmem>>) dst(%dma_wait3A_608 : memref<10112x16xf32, #tpu.memory_space<vmem_shared>>)
      %add3A_609 = arith.constant 4 : i32
      %add3A_610 = arith.addi %add3A_588, %add3A_609 : i32
      %dma_start3A_611 = arith.constant 0 : i32
      %dma_start3A_612 = tpu.memref_slice %arg9[%add3A_610, %dma_start3A_611] : memref<96x128xi32, #tpu.memory_space<vmem>> -> memref<1x128xi32, #tpu.memory_space<vmem>>
      %dma_start3A_613 = tpu.memref_squeeze %dma_start3A_612 : memref<1x128xi32, #tpu.memory_space<vmem>> -> memref<128xi32, #tpu.memory_space<vmem>>
      %dma_start3A_614 = arith.constant 0 : i32
      %dma_start3A_615 = arith.constant 0 : i32
      %dma_start3A_616 = tpu.memref_slice %arg8[%dma_start3A_614, %dma_start3A_615] : memref<10112x16xf32, #tpu.memory_space<vmem_shared>> -> memref<10112x16xf32, #tpu.memory_space<vmem_shared>>
      tpu.enqueue_indirect_dma source(%dma_start3A_616 : memref<10112x16xf32, #tpu.memory_space<vmem_shared>>) target(%arg17 : memref<128x16xf32, #tpu.memory_space<vmem>>) offsets(%dma_start3A_613 : memref<128xi32, #tpu.memory_space<vmem>>) semaphore(%arg25 : memref<!tpu.dma_semaphore, #tpu.memory_space<semaphore_mem>>)
      %add3A_617 = arith.constant 3 : i32
      %add3A_618 = arith.addi %mul3A_526, %add3A_617 : i32
      %dma_wait3A_619 = arith.constant 0 : i32
      %dma_wait3A_620 = tpu.memref_slice %arg9[%add3A_618, %dma_wait3A_619] : memref<96x128xi32, #tpu.memory_space<vmem>> -> memref<1x128xi32, #tpu.memory_space<vmem>>
      %dma_wait3A_621 = tpu.memref_squeeze %dma_wait3A_620 : memref<1x128xi32, #tpu.memory_space<vmem>> -> memref<128xi32, #tpu.memory_space<vmem>>
      %dma_wait3A_622 = arith.constant 0 : i32
      %dma_wait3A_623 = arith.constant 0 : i32
      %dma_wait3A_624 = tpu.memref_slice %arg8[%dma_wait3A_622, %dma_wait3A_623] : memref<10112x16xf32, #tpu.memory_space<vmem_shared>> -> memref<10112x16xf32, #tpu.memory_space<vmem_shared>>
      tpu.wait_indirect_dma semaphore(%arg22 : memref<!tpu.dma_semaphore, #tpu.memory_space<semaphore_mem>>) src(%dma_wait3A_624 : memref<10112x16xf32, #tpu.memory_space<vmem_shared>>) dst(%arg14 : memref<128x16xf32, #tpu.memory_space<vmem>>)
      %dma_start3A_625 = arith.constant 0 : i32
      %dma_start3A_626 = tpu.memref_slice %arg10[%add3A_618, %dma_start3A_625] : memref<96x128xi32, #tpu.memory_space<vmem>> -> memref<1x128xi32, #tpu.memory_space<vmem>>
      %dma_start3A_627 = tpu.memref_squeeze %dma_start3A_626 : memref<1x128xi32, #tpu.memory_space<vmem>> -> memref<128xi32, #tpu.memory_space<vmem>>
      %dma_start3A_628 = arith.constant 0 : i32
      %dma_start3A_629 = arith.constant 0 : i32
      %dma_start3A_630 = tpu.memref_slice %arg7[%dma_start3A_628, %dma_start3A_629] : memref<10112x16xf32, #tpu.memory_space<vmem_shared>> -> memref<10112x16xf32, #tpu.memory_space<vmem_shared>>
      tpu.enqueue_indirect_dma source(%arg14 : memref<128x16xf32, #tpu.memory_space<vmem>>) target(%dma_start3A_630 : memref<10112x16xf32, #tpu.memory_space<vmem_shared>>) offsets(%dma_start3A_627 : memref<128xi32, #tpu.memory_space<vmem>>) semaphore(%arg30 : memref<!tpu.dma_semaphore, #tpu.memory_space<semaphore_mem>>) {add = true}
      %sub3A_631 = arith.constant 4 : i32
      %sub3A_632 = arith.subi %add3A_618, %sub3A_631 : i32
      %dma_wait3A_633 = arith.constant 0 : i32
      %dma_wait3A_634 = tpu.memref_slice %arg10[%sub3A_632, %dma_wait3A_633] : memref<96x128xi32, #tpu.memory_space<vmem>> -> memref<1x128xi32, #tpu.memory_space<vmem>>
      %dma_wait3A_635 = tpu.memref_squeeze %dma_wait3A_634 : memref<1x128xi32, #tpu.memory_space<vmem>> -> memref<128xi32, #tpu.memory_space<vmem>>
      %dma_wait3A_636 = arith.constant 0 : i32
      %dma_wait3A_637 = arith.constant 0 : i32
      %dma_wait3A_638 = tpu.memref_slice %arg7[%dma_wait3A_636, %dma_wait3A_637] : memref<10112x16xf32, #tpu.memory_space<vmem_shared>> -> memref<10112x16xf32, #tpu.memory_space<vmem_shared>>
      tpu.wait_indirect_dma semaphore(%arg34 : memref<!tpu.dma_semaphore, #tpu.memory_space<semaphore_mem>>) src(%arg18 : memref<128x16xf32, #tpu.memory_space<vmem>>) dst(%dma_wait3A_638 : memref<10112x16xf32, #tpu.memory_space<vmem_shared>>)
      %add3A_639 = arith.constant 4 : i32
      %add3A_640 = arith.addi %add3A_618, %add3A_639 : i32
      %dma_start3A_641 = arith.constant 0 : i32
      %dma_start3A_642 = tpu.memref_slice %arg9[%add3A_640, %dma_start3A_641] : memref<96x128xi32, #tpu.memory_space<vmem>> -> memref<1x128xi32, #tpu.memory_space<vmem>>
      %dma_start3A_643 = tpu.memref_squeeze %dma_start3A_642 : memref<1x128xi32, #tpu.memory_space<vmem>> -> memref<128xi32, #tpu.memory_space<vmem>>
      %dma_start3A_644 = arith.constant 0 : i32
      %dma_start3A_645 = arith.constant 0 : i32
      %dma_start3A_646 = tpu.memref_slice %arg8[%dma_start3A_644, %dma_start3A_645] : memref<10112x16xf32, #tpu.memory_space<vmem_shared>> -> memref<10112x16xf32, #tpu.memory_space<vmem_shared>>
      tpu.enqueue_indirect_dma source(%dma_start3A_646 : memref<10112x16xf32, #tpu.memory_space<vmem_shared>>) target(%arg18 : memref<128x16xf32, #tpu.memory_space<vmem>>) offsets(%dma_start3A_643 : memref<128xi32, #tpu.memory_space<vmem>>) semaphore(%arg26 : memref<!tpu.dma_semaphore, #tpu.memory_space<semaphore_mem>>)
      %add3A_647 = arith.constant 4 : i32
      %add3A_648 = arith.addi %mul3A_526, %add3A_647 : i32
      %dma_wait3A_649 = arith.constant 0 : i32
      %dma_wait3A_650 = tpu.memref_slice %arg9[%add3A_648, %dma_wait3A_649] : memref<96x128xi32, #tpu.memory_space<vmem>> -> memref<1x128xi32, #tpu.memory_space<vmem>>
      %dma_wait3A_651 = tpu.memref_squeeze %dma_wait3A_650 : memref<1x128xi32, #tpu.memory_space<vmem>> -> memref<128xi32, #tpu.memory_space<vmem>>
      %dma_wait3A_652 = arith.constant 0 : i32
      %dma_wait3A_653 = arith.constant 0 : i32
      %dma_wait3A_654 = tpu.memref_slice %arg8[%dma_wait3A_652, %dma_wait3A_653] : memref<10112x16xf32, #tpu.memory_space<vmem_shared>> -> memref<10112x16xf32, #tpu.memory_space<vmem_shared>>
      tpu.wait_indirect_dma semaphore(%arg23 : memref<!tpu.dma_semaphore, #tpu.memory_space<semaphore_mem>>) src(%dma_wait3A_654 : memref<10112x16xf32, #tpu.memory_space<vmem_shared>>) dst(%arg15 : memref<128x16xf32, #tpu.memory_space<vmem>>)
      %dma_start3A_655 = arith.constant 0 : i32
      %dma_start3A_656 = tpu.memref_slice %arg10[%add3A_648, %dma_start3A_655] : memref<96x128xi32, #tpu.memory_space<vmem>> -> memref<1x128xi32, #tpu.memory_space<vmem>>
      %dma_start3A_657 = tpu.memref_squeeze %dma_start3A_656 : memref<1x128xi32, #tpu.memory_space<vmem>> -> memref<128xi32, #tpu.memory_space<vmem>>
      %dma_start3A_658 = arith.constant 0 : i32
      %dma_start3A_659 = arith.constant 0 : i32
      %dma_start3A_660 = tpu.memref_slice %arg7[%dma_start3A_658, %dma_start3A_659] : memref<10112x16xf32, #tpu.memory_space<vmem_shared>> -> memref<10112x16xf32, #tpu.memory_space<vmem_shared>>
      tpu.enqueue_indirect_dma source(%arg15 : memref<128x16xf32, #tpu.memory_space<vmem>>) target(%dma_start3A_660 : memref<10112x16xf32, #tpu.memory_space<vmem_shared>>) offsets(%dma_start3A_657 : memref<128xi32, #tpu.memory_space<vmem>>) semaphore(%arg31 : memref<!tpu.dma_semaphore, #tpu.memory_space<semaphore_mem>>) {add = true}
      %sub3A_661 = arith.constant 4 : i32
      %sub3A_662 = arith.subi %add3A_648, %sub3A_661 : i32
      %dma_wait3A_663 = arith.constant 0 : i32
      %dma_wait3A_664 = tpu.memref_slice %arg10[%sub3A_662, %dma_wait3A_663] : memref<96x128xi32, #tpu.memory_space<vmem>> -> memref<1x128xi32, #tpu.memory_space<vmem>>
      %dma_wait3A_665 = tpu.memref_squeeze %dma_wait3A_664 : memref<1x128xi32, #tpu.memory_space<vmem>> -> memref<128xi32, #tpu.memory_space<vmem>>
      %dma_wait3A_666 = arith.constant 0 : i32
      %dma_wait3A_667 = arith.constant 0 : i32
      %dma_wait3A_668 = tpu.memref_slice %arg7[%dma_wait3A_666, %dma_wait3A_667] : memref<10112x16xf32, #tpu.memory_space<vmem_shared>> -> memref<10112x16xf32, #tpu.memory_space<vmem_shared>>
      tpu.wait_indirect_dma semaphore(%arg27 : memref<!tpu.dma_semaphore, #tpu.memory_space<semaphore_mem>>) src(%arg11 : memref<128x16xf32, #tpu.memory_space<vmem>>) dst(%dma_wait3A_668 : memref<10112x16xf32, #tpu.memory_space<vmem_shared>>)
      %add3A_669 = arith.constant 4 : i32
      %add3A_670 = arith.addi %add3A_648, %add3A_669 : i32
      %dma_start3A_671 = arith.constant 0 : i32
      %dma_start3A_672 = tpu.memref_slice %arg9[%add3A_670, %dma_start3A_671] : memref<96x128xi32, #tpu.memory_space<vmem>> -> memref<1x128xi32, #tpu.memory_space<vmem>>
      %dma_start3A_673 = tpu.memref_squeeze %dma_start3A_672 : memref<1x128xi32, #tpu.memory_space<vmem>> -> memref<128xi32, #tpu.memory_space<vmem>>
      %dma_start3A_674 = arith.constant 0 : i32
      %dma_start3A_675 = arith.constant 0 : i32
      %dma_start3A_676 = tpu.memref_slice %arg8[%dma_start3A_674, %dma_start3A_675] : memref<10112x16xf32, #tpu.memory_space<vmem_shared>> -> memref<10112x16xf32, #tpu.memory_space<vmem_shared>>
      tpu.enqueue_indirect_dma source(%dma_start3A_676 : memref<10112x16xf32, #tpu.memory_space<vmem_shared>>) target(%arg11 : memref<128x16xf32, #tpu.memory_space<vmem>>) offsets(%dma_start3A_673 : memref<128xi32, #tpu.memory_space<vmem>>) semaphore(%arg19 : memref<!tpu.dma_semaphore, #tpu.memory_space<semaphore_mem>>)
      %add3A_677 = arith.constant 5 : i32
      %add3A_678 = arith.addi %mul3A_526, %add3A_677 : i32
      %dma_wait3A_679 = arith.constant 0 : i32
      %dma_wait3A_680 = tpu.memref_slice %arg9[%add3A_678, %dma_wait3A_679] : memref<96x128xi32, #tpu.memory_space<vmem>> -> memref<1x128xi32, #tpu.memory_space<vmem>>
      %dma_wait3A_681 = tpu.memref_squeeze %dma_wait3A_680 : memref<1x128xi32, #tpu.memory_space<vmem>> -> memref<128xi32, #tpu.memory_space<vmem>>
      %dma_wait3A_682 = arith.constant 0 : i32
      %dma_wait3A_683 = arith.constant 0 : i32
      %dma_wait3A_684 = tpu.memref_slice %arg8[%dma_wait3A_682, %dma_wait3A_683] : memref<10112x16xf32, #tpu.memory_space<vmem_shared>> -> memref<10112x16xf32, #tpu.memory_space<vmem_shared>>
      tpu.wait_indirect_dma semaphore(%arg24 : memref<!tpu.dma_semaphore, #tpu.memory_space<semaphore_mem>>) src(%dma_wait3A_684 : memref<10112x16xf32, #tpu.memory_space<vmem_shared>>) dst(%arg16 : memref<128x16xf32, #tpu.memory_space<vmem>>)
      %dma_start3A_685 = arith.constant 0 : i32
      %dma_start3A_686 = tpu.memref_slice %arg10[%add3A_678, %dma_start3A_685] : memref<96x128xi32, #tpu.memory_space<vmem>> -> memref<1x128xi32, #tpu.memory_space<vmem>>
      %dma_start3A_687 = tpu.memref_squeeze %dma_start3A_686 : memref<1x128xi32, #tpu.memory_space<vmem>> -> memref<128xi32, #tpu.memory_space<vmem>>
      %dma_start3A_688 = arith.constant 0 : i32
      %dma_start3A_689 = arith.constant 0 : i32
      %dma_start3A_690 = tpu.memref_slice %arg7[%dma_start3A_688, %dma_start3A_689] : memref<10112x16xf32, #tpu.memory_space<vmem_shared>> -> memref<10112x16xf32, #tpu.memory_space<vmem_shared>>
      tpu.enqueue_indirect_dma source(%arg16 : memref<128x16xf32, #tpu.memory_space<vmem>>) target(%dma_start3A_690 : memref<10112x16xf32, #tpu.memory_space<vmem_shared>>) offsets(%dma_start3A_687 : memref<128xi32, #tpu.memory_space<vmem>>) semaphore(%arg32 : memref<!tpu.dma_semaphore, #tpu.memory_space<semaphore_mem>>) {add = true}
      %sub3A_691 = arith.constant 4 : i32
      %sub3A_692 = arith.subi %add3A_678, %sub3A_691 : i32
      %dma_wait3A_693 = arith.constant 0 : i32
      %dma_wait3A_694 = tpu.memref_slice %arg10[%sub3A_692, %dma_wait3A_693] : memref<96x128xi32, #tpu.memory_space<vmem>> -> memref<1x128xi32, #tpu.memory_space<vmem>>
      %dma_wait3A_695 = tpu.memref_squeeze %dma_wait3A_694 : memref<1x128xi32, #tpu.memory_space<vmem>> -> memref<128xi32, #tpu.memory_space<vmem>>
      %dma_wait3A_696 = arith.constant 0 : i32
      %dma_wait3A_697 = arith.constant 0 : i32
      %dma_wait3A_698 = tpu.memref_slice %arg7[%dma_wait3A_696, %dma_wait3A_697] : memref<10112x16xf32, #tpu.memory_space<vmem_shared>> -> memref<10112x16xf32, #tpu.memory_space<vmem_shared>>
      tpu.wait_indirect_dma semaphore(%arg28 : memref<!tpu.dma_semaphore, #tpu.memory_space<semaphore_mem>>) src(%arg12 : memref<128x16xf32, #tpu.memory_space<vmem>>) dst(%dma_wait3A_698 : memref<10112x16xf32, #tpu.memory_space<vmem_shared>>)
      %add3A_699 = arith.constant 4 : i32
      %add3A_700 = arith.addi %add3A_678, %add3A_699 : i32
      %dma_start3A_701 = arith.constant 0 : i32
      %dma_start3A_702 = tpu.memref_slice %arg9[%add3A_700, %dma_start3A_701] : memref<96x128xi32, #tpu.memory_space<vmem>> -> memref<1x128xi32, #tpu.memory_space<vmem>>
      %dma_start3A_703 = tpu.memref_squeeze %dma_start3A_702 : memref<1x128xi32, #tpu.memory_space<vmem>> -> memref<128xi32, #tpu.memory_space<vmem>>
      %dma_start3A_704 = arith.constant 0 : i32
      %dma_start3A_705 = arith.constant 0 : i32
      %dma_start3A_706 = tpu.memref_slice %arg8[%dma_start3A_704, %dma_start3A_705] : memref<10112x16xf32, #tpu.memory_space<vmem_shared>> -> memref<10112x16xf32, #tpu.memory_space<vmem_shared>>
      tpu.enqueue_indirect_dma source(%dma_start3A_706 : memref<10112x16xf32, #tpu.memory_space<vmem_shared>>) target(%arg12 : memref<128x16xf32, #tpu.memory_space<vmem>>) offsets(%dma_start3A_703 : memref<128xi32, #tpu.memory_space<vmem>>) semaphore(%arg20 : memref<!tpu.dma_semaphore, #tpu.memory_space<semaphore_mem>>)
      %add3A_707 = arith.constant 6 : i32
      %add3A_708 = arith.addi %mul3A_526, %add3A_707 : i32
      %dma_wait3A_709 = arith.constant 0 : i32
      %dma_wait3A_710 = tpu.memref_slice %arg9[%add3A_708, %dma_wait3A_709] : memref<96x128xi32, #tpu.memory_space<vmem>> -> memref<1x128xi32, #tpu.memory_space<vmem>>
      %dma_wait3A_711 = tpu.memref_squeeze %dma_wait3A_710 : memref<1x128xi32, #tpu.memory_space<vmem>> -> memref<128xi32, #tpu.memory_space<vmem>>
      %dma_wait3A_712 = arith.constant 0 : i32
      %dma_wait3A_713 = arith.constant 0 : i32
      %dma_wait3A_714 = tpu.memref_slice %arg8[%dma_wait3A_712, %dma_wait3A_713] : memref<10112x16xf32, #tpu.memory_space<vmem_shared>> -> memref<10112x16xf32, #tpu.memory_space<vmem_shared>>
      tpu.wait_indirect_dma semaphore(%arg25 : memref<!tpu.dma_semaphore, #tpu.memory_space<semaphore_mem>>) src(%dma_wait3A_714 : memref<10112x16xf32, #tpu.memory_space<vmem_shared>>) dst(%arg17 : memref<128x16xf32, #tpu.memory_space<vmem>>)
      %dma_start3A_715 = arith.constant 0 : i32
      %dma_start3A_716 = tpu.memref_slice %arg10[%add3A_708, %dma_start3A_715] : memref<96x128xi32, #tpu.memory_space<vmem>> -> memref<1x128xi32, #tpu.memory_space<vmem>>
      %dma_start3A_717 = tpu.memref_squeeze %dma_start3A_716 : memref<1x128xi32, #tpu.memory_space<vmem>> -> memref<128xi32, #tpu.memory_space<vmem>>
      %dma_start3A_718 = arith.constant 0 : i32
      %dma_start3A_719 = arith.constant 0 : i32
      %dma_start3A_720 = tpu.memref_slice %arg7[%dma_start3A_718, %dma_start3A_719] : memref<10112x16xf32, #tpu.memory_space<vmem_shared>> -> memref<10112x16xf32, #tpu.memory_space<vmem_shared>>
      tpu.enqueue_indirect_dma source(%arg17 : memref<128x16xf32, #tpu.memory_space<vmem>>) target(%dma_start3A_720 : memref<10112x16xf32, #tpu.memory_space<vmem_shared>>) offsets(%dma_start3A_717 : memref<128xi32, #tpu.memory_space<vmem>>) semaphore(%arg33 : memref<!tpu.dma_semaphore, #tpu.memory_space<semaphore_mem>>) {add = true}
      %sub3A_721 = arith.constant 4 : i32
      %sub3A_722 = arith.subi %add3A_708, %sub3A_721 : i32
      %dma_wait3A_723 = arith.constant 0 : i32
      %dma_wait3A_724 = tpu.memref_slice %arg10[%sub3A_722, %dma_wait3A_723] : memref<96x128xi32, #tpu.memory_space<vmem>> -> memref<1x128xi32, #tpu.memory_space<vmem>>
      %dma_wait3A_725 = tpu.memref_squeeze %dma_wait3A_724 : memref<1x128xi32, #tpu.memory_space<vmem>> -> memref<128xi32, #tpu.memory_space<vmem>>
      %dma_wait3A_726 = arith.constant 0 : i32
      %dma_wait3A_727 = arith.constant 0 : i32
      %dma_wait3A_728 = tpu.memref_slice %arg7[%dma_wait3A_726, %dma_wait3A_727] : memref<10112x16xf32, #tpu.memory_space<vmem_shared>> -> memref<10112x16xf32, #tpu.memory_space<vmem_shared>>
      tpu.wait_indirect_dma semaphore(%arg29 : memref<!tpu.dma_semaphore, #tpu.memory_space<semaphore_mem>>) src(%arg13 : memref<128x16xf32, #tpu.memory_space<vmem>>) dst(%dma_wait3A_728 : memref<10112x16xf32, #tpu.memory_space<vmem_shared>>)
      %add3A_729 = arith.constant 4 : i32
      %add3A_730 = arith.addi %add3A_708, %add3A_729 : i32
      %dma_start3A_731 = arith.constant 0 : i32
      %dma_start3A_732 = tpu.memref_slice %arg9[%add3A_730, %dma_start3A_731] : memref<96x128xi32, #tpu.memory_space<vmem>> -> memref<1x128xi32, #tpu.memory_space<vmem>>
      %dma_start3A_733 = tpu.memref_squeeze %dma_start3A_732 : memref<1x128xi32, #tpu.memory_space<vmem>> -> memref<128xi32, #tpu.memory_space<vmem>>
      %dma_start3A_734 = arith.constant 0 : i32
      %dma_start3A_735 = arith.constant 0 : i32
      %dma_start3A_736 = tpu.memref_slice %arg8[%dma_start3A_734, %dma_start3A_735] : memref<10112x16xf32, #tpu.memory_space<vmem_shared>> -> memref<10112x16xf32, #tpu.memory_space<vmem_shared>>
      tpu.enqueue_indirect_dma source(%dma_start3A_736 : memref<10112x16xf32, #tpu.memory_space<vmem_shared>>) target(%arg13 : memref<128x16xf32, #tpu.memory_space<vmem>>) offsets(%dma_start3A_733 : memref<128xi32, #tpu.memory_space<vmem>>) semaphore(%arg21 : memref<!tpu.dma_semaphore, #tpu.memory_space<semaphore_mem>>)
      %add3A_737 = arith.constant 7 : i32
      %add3A_738 = arith.addi %mul3A_526, %add3A_737 : i32
      %dma_wait3A_739 = arith.constant 0 : i32
      %dma_wait3A_740 = tpu.memref_slice %arg9[%add3A_738, %dma_wait3A_739] : memref<96x128xi32, #tpu.memory_space<vmem>> -> memref<1x128xi32, #tpu.memory_space<vmem>>
      %dma_wait3A_741 = tpu.memref_squeeze %dma_wait3A_740 : memref<1x128xi32, #tpu.memory_space<vmem>> -> memref<128xi32, #tpu.memory_space<vmem>>
      %dma_wait3A_742 = arith.constant 0 : i32
      %dma_wait3A_743 = arith.constant 0 : i32
      %dma_wait3A_744 = tpu.memref_slice %arg8[%dma_wait3A_742, %dma_wait3A_743] : memref<10112x16xf32, #tpu.memory_space<vmem_shared>> -> memref<10112x16xf32, #tpu.memory_space<vmem_shared>>
      tpu.wait_indirect_dma semaphore(%arg26 : memref<!tpu.dma_semaphore, #tpu.memory_space<semaphore_mem>>) src(%dma_wait3A_744 : memref<10112x16xf32, #tpu.memory_space<vmem_shared>>) dst(%arg18 : memref<128x16xf32, #tpu.memory_space<vmem>>)
      %dma_start3A_745 = arith.constant 0 : i32
      %dma_start3A_746 = tpu.memref_slice %arg10[%add3A_738, %dma_start3A_745] : memref<96x128xi32, #tpu.memory_space<vmem>> -> memref<1x128xi32, #tpu.memory_space<vmem>>
      %dma_start3A_747 = tpu.memref_squeeze %dma_start3A_746 : memref<1x128xi32, #tpu.memory_space<vmem>> -> memref<128xi32, #tpu.memory_space<vmem>>
      %dma_start3A_748 = arith.constant 0 : i32
      %dma_start3A_749 = arith.constant 0 : i32
      %dma_start3A_750 = tpu.memref_slice %arg7[%dma_start3A_748, %dma_start3A_749] : memref<10112x16xf32, #tpu.memory_space<vmem_shared>> -> memref<10112x16xf32, #tpu.memory_space<vmem_shared>>
      tpu.enqueue_indirect_dma source(%arg18 : memref<128x16xf32, #tpu.memory_space<vmem>>) target(%dma_start3A_750 : memref<10112x16xf32, #tpu.memory_space<vmem_shared>>) offsets(%dma_start3A_747 : memref<128xi32, #tpu.memory_space<vmem>>) semaphore(%arg34 : memref<!tpu.dma_semaphore, #tpu.memory_space<semaphore_mem>>) {add = true}
      %sub3A_751 = arith.constant 4 : i32
      %sub3A_752 = arith.subi %add3A_738, %sub3A_751 : i32
      %dma_wait3A_753 = arith.constant 0 : i32
      %dma_wait3A_754 = tpu.memref_slice %arg10[%sub3A_752, %dma_wait3A_753] : memref<96x128xi32, #tpu.memory_space<vmem>> -> memref<1x128xi32, #tpu.memory_space<vmem>>
      %dma_wait3A_755 = tpu.memref_squeeze %dma_wait3A_754 : memref<1x128xi32, #tpu.memory_space<vmem>> -> memref<128xi32, #tpu.memory_space<vmem>>
      %dma_wait3A_756 = arith.constant 0 : i32
      %dma_wait3A_757 = arith.constant 0 : i32
      %dma_wait3A_758 = tpu.memref_slice %arg7[%dma_wait3A_756, %dma_wait3A_757] : memref<10112x16xf32, #tpu.memory_space<vmem_shared>> -> memref<10112x16xf32, #tpu.memory_space<vmem_shared>>
      tpu.wait_indirect_dma semaphore(%arg30 : memref<!tpu.dma_semaphore, #tpu.memory_space<semaphore_mem>>) src(%arg14 : memref<128x16xf32, #tpu.memory_space<vmem>>) dst(%dma_wait3A_758 : memref<10112x16xf32, #tpu.memory_space<vmem_shared>>)
      %add3A_759 = arith.constant 4 : i32
      %add3A_760 = arith.addi %add3A_738, %add3A_759 : i32
      %dma_start3A_761 = arith.constant 0 : i32
      %dma_start3A_762 = tpu.memref_slice %arg9[%add3A_760, %dma_start3A_761] : memref<96x128xi32, #tpu.memory_space<vmem>> -> memref<1x128xi32, #tpu.memory_space<vmem>>
      %dma_start3A_763 = tpu.memref_squeeze %dma_start3A_762 : memref<1x128xi32, #tpu.memory_space<vmem>> -> memref<128xi32, #tpu.memory_space<vmem>>
      %dma_start3A_764 = arith.constant 0 : i32
      %dma_start3A_765 = arith.constant 0 : i32
      %dma_start3A_766 = tpu.memref_slice %arg8[%dma_start3A_764, %dma_start3A_765] : memref<10112x16xf32, #tpu.memory_space<vmem_shared>> -> memref<10112x16xf32, #tpu.memory_space<vmem_shared>>
      tpu.enqueue_indirect_dma source(%dma_start3A_766 : memref<10112x16xf32, #tpu.memory_space<vmem_shared>>) target(%arg14 : memref<128x16xf32, #tpu.memory_space<vmem>>) offsets(%dma_start3A_763 : memref<128xi32, #tpu.memory_space<vmem>>) semaphore(%arg22 : memref<!tpu.dma_semaphore, #tpu.memory_space<semaphore_mem>>)
    }
    %sub3A_271 = arith.constant 8 : i32
    %sub3A_272 = arith.subi %select_n3A, %sub3A_271 : i32
    %add3A_273 = arith.constant 0 : i32
    %add3A_274 = arith.addi %sub3A_272, %add3A_273 : i32
    %dma_wait3A_275 = arith.constant 0 : i32
    %dma_wait3A_276 = tpu.memref_slice %arg9[%add3A_274, %dma_wait3A_275] : memref<96x128xi32, #tpu.memory_space<vmem>> -> memref<1x128xi32, #tpu.memory_space<vmem>>
    %dma_wait3A_277 = tpu.memref_squeeze %dma_wait3A_276 : memref<1x128xi32, #tpu.memory_space<vmem>> -> memref<128xi32, #tpu.memory_space<vmem>>
    %dma_wait3A_278 = arith.constant 0 : i32
    %dma_wait3A_279 = arith.constant 0 : i32
    %dma_wait3A_280 = tpu.memref_slice %arg8[%dma_wait3A_278, %dma_wait3A_279] : memref<10112x16xf32, #tpu.memory_space<vmem_shared>> -> memref<10112x16xf32, #tpu.memory_space<vmem_shared>>
    tpu.wait_indirect_dma semaphore(%arg19 : memref<!tpu.dma_semaphore, #tpu.memory_space<semaphore_mem>>) src(%dma_wait3A_280 : memref<10112x16xf32, #tpu.memory_space<vmem_shared>>) dst(%arg11 : memref<128x16xf32, #tpu.memory_space<vmem>>)
    %dma_start3A_281 = arith.constant 0 : i32
    %dma_start3A_282 = tpu.memref_slice %arg10[%add3A_274, %dma_start3A_281] : memref<96x128xi32, #tpu.memory_space<vmem>> -> memref<1x128xi32, #tpu.memory_space<vmem>>
    %dma_start3A_283 = tpu.memref_squeeze %dma_start3A_282 : memref<1x128xi32, #tpu.memory_space<vmem>> -> memref<128xi32, #tpu.memory_space<vmem>>
    %dma_start3A_284 = arith.constant 0 : i32
    %dma_start3A_285 = arith.constant 0 : i32
    %dma_start3A_286 = tpu.memref_slice %arg7[%dma_start3A_284, %dma_start3A_285] : memref<10112x16xf32, #tpu.memory_space<vmem_shared>> -> memref<10112x16xf32, #tpu.memory_space<vmem_shared>>
    tpu.enqueue_indirect_dma source(%arg11 : memref<128x16xf32, #tpu.memory_space<vmem>>) target(%dma_start3A_286 : memref<10112x16xf32, #tpu.memory_space<vmem_shared>>) offsets(%dma_start3A_283 : memref<128xi32, #tpu.memory_space<vmem>>) semaphore(%arg27 : memref<!tpu.dma_semaphore, #tpu.memory_space<semaphore_mem>>) {add = true}
    %sub3A_287 = arith.constant 4 : i32
    %sub3A_288 = arith.subi %add3A_274, %sub3A_287 : i32
    %dma_wait3A_289 = arith.constant 0 : i32
    %dma_wait3A_290 = tpu.memref_slice %arg10[%sub3A_288, %dma_wait3A_289] : memref<96x128xi32, #tpu.memory_space<vmem>> -> memref<1x128xi32, #tpu.memory_space<vmem>>
    %dma_wait3A_291 = tpu.memref_squeeze %dma_wait3A_290 : memref<1x128xi32, #tpu.memory_space<vmem>> -> memref<128xi32, #tpu.memory_space<vmem>>
    %dma_wait3A_292 = arith.constant 0 : i32
    %dma_wait3A_293 = arith.constant 0 : i32
    %dma_wait3A_294 = tpu.memref_slice %arg7[%dma_wait3A_292, %dma_wait3A_293] : memref<10112x16xf32, #tpu.memory_space<vmem_shared>> -> memref<10112x16xf32, #tpu.memory_space<vmem_shared>>
    tpu.wait_indirect_dma semaphore(%arg31 : memref<!tpu.dma_semaphore, #tpu.memory_space<semaphore_mem>>) src(%arg15 : memref<128x16xf32, #tpu.memory_space<vmem>>) dst(%dma_wait3A_294 : memref<10112x16xf32, #tpu.memory_space<vmem_shared>>)
    %add3A_295 = arith.constant 4 : i32
    %add3A_296 = arith.addi %add3A_274, %add3A_295 : i32
    %dma_start3A_297 = arith.constant 0 : i32
    %dma_start3A_298 = tpu.memref_slice %arg9[%add3A_296, %dma_start3A_297] : memref<96x128xi32, #tpu.memory_space<vmem>> -> memref<1x128xi32, #tpu.memory_space<vmem>>
    %dma_start3A_299 = tpu.memref_squeeze %dma_start3A_298 : memref<1x128xi32, #tpu.memory_space<vmem>> -> memref<128xi32, #tpu.memory_space<vmem>>
    %dma_start3A_300 = arith.constant 0 : i32
    %dma_start3A_301 = arith.constant 0 : i32
    %dma_start3A_302 = tpu.memref_slice %arg8[%dma_start3A_300, %dma_start3A_301] : memref<10112x16xf32, #tpu.memory_space<vmem_shared>> -> memref<10112x16xf32, #tpu.memory_space<vmem_shared>>
    tpu.enqueue_indirect_dma source(%dma_start3A_302 : memref<10112x16xf32, #tpu.memory_space<vmem_shared>>) target(%arg15 : memref<128x16xf32, #tpu.memory_space<vmem>>) offsets(%dma_start3A_299 : memref<128xi32, #tpu.memory_space<vmem>>) semaphore(%arg23 : memref<!tpu.dma_semaphore, #tpu.memory_space<semaphore_mem>>)
    %add3A_303 = arith.constant 1 : i32
    %add3A_304 = arith.addi %sub3A_272, %add3A_303 : i32
    %dma_wait3A_305 = arith.constant 0 : i32
    %dma_wait3A_306 = tpu.memref_slice %arg9[%add3A_304, %dma_wait3A_305] : memref<96x128xi32, #tpu.memory_space<vmem>> -> memref<1x128xi32, #tpu.memory_space<vmem>>
    %dma_wait3A_307 = tpu.memref_squeeze %dma_wait3A_306 : memref<1x128xi32, #tpu.memory_space<vmem>> -> memref<128xi32, #tpu.memory_space<vmem>>
    %dma_wait3A_308 = arith.constant 0 : i32
    %dma_wait3A_309 = arith.constant 0 : i32
    %dma_wait3A_310 = tpu.memref_slice %arg8[%dma_wait3A_308, %dma_wait3A_309] : memref<10112x16xf32, #tpu.memory_space<vmem_shared>> -> memref<10112x16xf32, #tpu.memory_space<vmem_shared>>
    tpu.wait_indirect_dma semaphore(%arg20 : memref<!tpu.dma_semaphore, #tpu.memory_space<semaphore_mem>>) src(%dma_wait3A_310 : memref<10112x16xf32, #tpu.memory_space<vmem_shared>>) dst(%arg12 : memref<128x16xf32, #tpu.memory_space<vmem>>)
    %dma_start3A_311 = arith.constant 0 : i32
    %dma_start3A_312 = tpu.memref_slice %arg10[%add3A_304, %dma_start3A_311] : memref<96x128xi32, #tpu.memory_space<vmem>> -> memref<1x128xi32, #tpu.memory_space<vmem>>
    %dma_start3A_313 = tpu.memref_squeeze %dma_start3A_312 : memref<1x128xi32, #tpu.memory_space<vmem>> -> memref<128xi32, #tpu.memory_space<vmem>>
    %dma_start3A_314 = arith.constant 0 : i32
    %dma_start3A_315 = arith.constant 0 : i32
    %dma_start3A_316 = tpu.memref_slice %arg7[%dma_start3A_314, %dma_start3A_315] : memref<10112x16xf32, #tpu.memory_space<vmem_shared>> -> memref<10112x16xf32, #tpu.memory_space<vmem_shared>>
    tpu.enqueue_indirect_dma source(%arg12 : memref<128x16xf32, #tpu.memory_space<vmem>>) target(%dma_start3A_316 : memref<10112x16xf32, #tpu.memory_space<vmem_shared>>) offsets(%dma_start3A_313 : memref<128xi32, #tpu.memory_space<vmem>>) semaphore(%arg28 : memref<!tpu.dma_semaphore, #tpu.memory_space<semaphore_mem>>) {add = true}
    %sub3A_317 = arith.constant 4 : i32
    %sub3A_318 = arith.subi %add3A_304, %sub3A_317 : i32
    %dma_wait3A_319 = arith.constant 0 : i32
    %dma_wait3A_320 = tpu.memref_slice %arg10[%sub3A_318, %dma_wait3A_319] : memref<96x128xi32, #tpu.memory_space<vmem>> -> memref<1x128xi32, #tpu.memory_space<vmem>>
    %dma_wait3A_321 = tpu.memref_squeeze %dma_wait3A_320 : memref<1x128xi32, #tpu.memory_space<vmem>> -> memref<128xi32, #tpu.memory_space<vmem>>
    %dma_wait3A_322 = arith.constant 0 : i32
    %dma_wait3A_323 = arith.constant 0 : i32
    %dma_wait3A_324 = tpu.memref_slice %arg7[%dma_wait3A_322, %dma_wait3A_323] : memref<10112x16xf32, #tpu.memory_space<vmem_shared>> -> memref<10112x16xf32, #tpu.memory_space<vmem_shared>>
    tpu.wait_indirect_dma semaphore(%arg32 : memref<!tpu.dma_semaphore, #tpu.memory_space<semaphore_mem>>) src(%arg16 : memref<128x16xf32, #tpu.memory_space<vmem>>) dst(%dma_wait3A_324 : memref<10112x16xf32, #tpu.memory_space<vmem_shared>>)
    %add3A_325 = arith.constant 4 : i32
    %add3A_326 = arith.addi %add3A_304, %add3A_325 : i32
    %dma_start3A_327 = arith.constant 0 : i32
    %dma_start3A_328 = tpu.memref_slice %arg9[%add3A_326, %dma_start3A_327] : memref<96x128xi32, #tpu.memory_space<vmem>> -> memref<1x128xi32, #tpu.memory_space<vmem>>
    %dma_start3A_329 = tpu.memref_squeeze %dma_start3A_328 : memref<1x128xi32, #tpu.memory_space<vmem>> -> memref<128xi32, #tpu.memory_space<vmem>>
    %dma_start3A_330 = arith.constant 0 : i32
    %dma_start3A_331 = arith.constant 0 : i32
    %dma_start3A_332 = tpu.memref_slice %arg8[%dma_start3A_330, %dma_start3A_331] : memref<10112x16xf32, #tpu.memory_space<vmem_shared>> -> memref<10112x16xf32, #tpu.memory_space<vmem_shared>>
    tpu.enqueue_indirect_dma source(%dma_start3A_332 : memref<10112x16xf32, #tpu.memory_space<vmem_shared>>) target(%arg16 : memref<128x16xf32, #tpu.memory_space<vmem>>) offsets(%dma_start3A_329 : memref<128xi32, #tpu.memory_space<vmem>>) semaphore(%arg24 : memref<!tpu.dma_semaphore, #tpu.memory_space<semaphore_mem>>)
    %add3A_333 = arith.constant 2 : i32
    %add3A_334 = arith.addi %sub3A_272, %add3A_333 : i32
    %dma_wait3A_335 = arith.constant 0 : i32
    %dma_wait3A_336 = tpu.memref_slice %arg9[%add3A_334, %dma_wait3A_335] : memref<96x128xi32, #tpu.memory_space<vmem>> -> memref<1x128xi32, #tpu.memory_space<vmem>>
    %dma_wait3A_337 = tpu.memref_squeeze %dma_wait3A_336 : memref<1x128xi32, #tpu.memory_space<vmem>> -> memref<128xi32, #tpu.memory_space<vmem>>
    %dma_wait3A_338 = arith.constant 0 : i32
    %dma_wait3A_339 = arith.constant 0 : i32
    %dma_wait3A_340 = tpu.memref_slice %arg8[%dma_wait3A_338, %dma_wait3A_339] : memref<10112x16xf32, #tpu.memory_space<vmem_shared>> -> memref<10112x16xf32, #tpu.memory_space<vmem_shared>>
    tpu.wait_indirect_dma semaphore(%arg21 : memref<!tpu.dma_semaphore, #tpu.memory_space<semaphore_mem>>) src(%dma_wait3A_340 : memref<10112x16xf32, #tpu.memory_space<vmem_shared>>) dst(%arg13 : memref<128x16xf32, #tpu.memory_space<vmem>>)
    %dma_start3A_341 = arith.constant 0 : i32
    %dma_start3A_342 = tpu.memref_slice %arg10[%add3A_334, %dma_start3A_341] : memref<96x128xi32, #tpu.memory_space<vmem>> -> memref<1x128xi32, #tpu.memory_space<vmem>>
    %dma_start3A_343 = tpu.memref_squeeze %dma_start3A_342 : memref<1x128xi32, #tpu.memory_space<vmem>> -> memref<128xi32, #tpu.memory_space<vmem>>
    %dma_start3A_344 = arith.constant 0 : i32
    %dma_start3A_345 = arith.constant 0 : i32
    %dma_start3A_346 = tpu.memref_slice %arg7[%dma_start3A_344, %dma_start3A_345] : memref<10112x16xf32, #tpu.memory_space<vmem_shared>> -> memref<10112x16xf32, #tpu.memory_space<vmem_shared>>
    tpu.enqueue_indirect_dma source(%arg13 : memref<128x16xf32, #tpu.memory_space<vmem>>) target(%dma_start3A_346 : memref<10112x16xf32, #tpu.memory_space<vmem_shared>>) offsets(%dma_start3A_343 : memref<128xi32, #tpu.memory_space<vmem>>) semaphore(%arg29 : memref<!tpu.dma_semaphore, #tpu.memory_space<semaphore_mem>>) {add = true}
    %sub3A_347 = arith.constant 4 : i32
    %sub3A_348 = arith.subi %add3A_334, %sub3A_347 : i32
    %dma_wait3A_349 = arith.constant 0 : i32
    %dma_wait3A_350 = tpu.memref_slice %arg10[%sub3A_348, %dma_wait3A_349] : memref<96x128xi32, #tpu.memory_space<vmem>> -> memref<1x128xi32, #tpu.memory_space<vmem>>
    %dma_wait3A_351 = tpu.memref_squeeze %dma_wait3A_350 : memref<1x128xi32, #tpu.memory_space<vmem>> -> memref<128xi32, #tpu.memory_space<vmem>>
    %dma_wait3A_352 = arith.constant 0 : i32
    %dma_wait3A_353 = arith.constant 0 : i32
    %dma_wait3A_354 = tpu.memref_slice %arg7[%dma_wait3A_352, %dma_wait3A_353] : memref<10112x16xf32, #tpu.memory_space<vmem_shared>> -> memref<10112x16xf32, #tpu.memory_space<vmem_shared>>
    tpu.wait_indirect_dma semaphore(%arg33 : memref<!tpu.dma_semaphore, #tpu.memory_space<semaphore_mem>>) src(%arg17 : memref<128x16xf32, #tpu.memory_space<vmem>>) dst(%dma_wait3A_354 : memref<10112x16xf32, #tpu.memory_space<vmem_shared>>)
    %add3A_355 = arith.constant 4 : i32
    %add3A_356 = arith.addi %add3A_334, %add3A_355 : i32
    %dma_start3A_357 = arith.constant 0 : i32
    %dma_start3A_358 = tpu.memref_slice %arg9[%add3A_356, %dma_start3A_357] : memref<96x128xi32, #tpu.memory_space<vmem>> -> memref<1x128xi32, #tpu.memory_space<vmem>>
    %dma_start3A_359 = tpu.memref_squeeze %dma_start3A_358 : memref<1x128xi32, #tpu.memory_space<vmem>> -> memref<128xi32, #tpu.memory_space<vmem>>
    %dma_start3A_360 = arith.constant 0 : i32
    %dma_start3A_361 = arith.constant 0 : i32
    %dma_start3A_362 = tpu.memref_slice %arg8[%dma_start3A_360, %dma_start3A_361] : memref<10112x16xf32, #tpu.memory_space<vmem_shared>> -> memref<10112x16xf32, #tpu.memory_space<vmem_shared>>
    tpu.enqueue_indirect_dma source(%dma_start3A_362 : memref<10112x16xf32, #tpu.memory_space<vmem_shared>>) target(%arg17 : memref<128x16xf32, #tpu.memory_space<vmem>>) offsets(%dma_start3A_359 : memref<128xi32, #tpu.memory_space<vmem>>) semaphore(%arg25 : memref<!tpu.dma_semaphore, #tpu.memory_space<semaphore_mem>>)
    %add3A_363 = arith.constant 3 : i32
    %add3A_364 = arith.addi %sub3A_272, %add3A_363 : i32
    %dma_wait3A_365 = arith.constant 0 : i32
    %dma_wait3A_366 = tpu.memref_slice %arg9[%add3A_364, %dma_wait3A_365] : memref<96x128xi32, #tpu.memory_space<vmem>> -> memref<1x128xi32, #tpu.memory_space<vmem>>
    %dma_wait3A_367 = tpu.memref_squeeze %dma_wait3A_366 : memref<1x128xi32, #tpu.memory_space<vmem>> -> memref<128xi32, #tpu.memory_space<vmem>>
    %dma_wait3A_368 = arith.constant 0 : i32
    %dma_wait3A_369 = arith.constant 0 : i32
    %dma_wait3A_370 = tpu.memref_slice %arg8[%dma_wait3A_368, %dma_wait3A_369] : memref<10112x16xf32, #tpu.memory_space<vmem_shared>> -> memref<10112x16xf32, #tpu.memory_space<vmem_shared>>
    tpu.wait_indirect_dma semaphore(%arg22 : memref<!tpu.dma_semaphore, #tpu.memory_space<semaphore_mem>>) src(%dma_wait3A_370 : memref<10112x16xf32, #tpu.memory_space<vmem_shared>>) dst(%arg14 : memref<128x16xf32, #tpu.memory_space<vmem>>)
    %dma_start3A_371 = arith.constant 0 : i32
    %dma_start3A_372 = tpu.memref_slice %arg10[%add3A_364, %dma_start3A_371] : memref<96x128xi32, #tpu.memory_space<vmem>> -> memref<1x128xi32, #tpu.memory_space<vmem>>
    %dma_start3A_373 = tpu.memref_squeeze %dma_start3A_372 : memref<1x128xi32, #tpu.memory_space<vmem>> -> memref<128xi32, #tpu.memory_space<vmem>>
    %dma_start3A_374 = arith.constant 0 : i32
    %dma_start3A_375 = arith.constant 0 : i32
    %dma_start3A_376 = tpu.memref_slice %arg7[%dma_start3A_374, %dma_start3A_375] : memref<10112x16xf32, #tpu.memory_space<vmem_shared>> -> memref<10112x16xf32, #tpu.memory_space<vmem_shared>>
    tpu.enqueue_indirect_dma source(%arg14 : memref<128x16xf32, #tpu.memory_space<vmem>>) target(%dma_start3A_376 : memref<10112x16xf32, #tpu.memory_space<vmem_shared>>) offsets(%dma_start3A_373 : memref<128xi32, #tpu.memory_space<vmem>>) semaphore(%arg30 : memref<!tpu.dma_semaphore, #tpu.memory_space<semaphore_mem>>) {add = true}
    %sub3A_377 = arith.constant 4 : i32
    %sub3A_378 = arith.subi %add3A_364, %sub3A_377 : i32
    %dma_wait3A_379 = arith.constant 0 : i32
    %dma_wait3A_380 = tpu.memref_slice %arg10[%sub3A_378, %dma_wait3A_379] : memref<96x128xi32, #tpu.memory_space<vmem>> -> memref<1x128xi32, #tpu.memory_space<vmem>>
    %dma_wait3A_381 = tpu.memref_squeeze %dma_wait3A_380 : memref<1x128xi32, #tpu.memory_space<vmem>> -> memref<128xi32, #tpu.memory_space<vmem>>
    %dma_wait3A_382 = arith.constant 0 : i32
    %dma_wait3A_383 = arith.constant 0 : i32
    %dma_wait3A_384 = tpu.memref_slice %arg7[%dma_wait3A_382, %dma_wait3A_383] : memref<10112x16xf32, #tpu.memory_space<vmem_shared>> -> memref<10112x16xf32, #tpu.memory_space<vmem_shared>>
    tpu.wait_indirect_dma semaphore(%arg34 : memref<!tpu.dma_semaphore, #tpu.memory_space<semaphore_mem>>) src(%arg18 : memref<128x16xf32, #tpu.memory_space<vmem>>) dst(%dma_wait3A_384 : memref<10112x16xf32, #tpu.memory_space<vmem_shared>>)
    %add3A_385 = arith.constant 4 : i32
    %add3A_386 = arith.addi %add3A_364, %add3A_385 : i32
    %dma_start3A_387 = arith.constant 0 : i32
    %dma_start3A_388 = tpu.memref_slice %arg9[%add3A_386, %dma_start3A_387] : memref<96x128xi32, #tpu.memory_space<vmem>> -> memref<1x128xi32, #tpu.memory_space<vmem>>
    %dma_start3A_389 = tpu.memref_squeeze %dma_start3A_388 : memref<1x128xi32, #tpu.memory_space<vmem>> -> memref<128xi32, #tpu.memory_space<vmem>>
    %dma_start3A_390 = arith.constant 0 : i32
    %dma_start3A_391 = arith.constant 0 : i32
    %dma_start3A_392 = tpu.memref_slice %arg8[%dma_start3A_390, %dma_start3A_391] : memref<10112x16xf32, #tpu.memory_space<vmem_shared>> -> memref<10112x16xf32, #tpu.memory_space<vmem_shared>>
    tpu.enqueue_indirect_dma source(%dma_start3A_392 : memref<10112x16xf32, #tpu.memory_space<vmem_shared>>) target(%arg18 : memref<128x16xf32, #tpu.memory_space<vmem>>) offsets(%dma_start3A_389 : memref<128xi32, #tpu.memory_space<vmem>>) semaphore(%arg26 : memref<!tpu.dma_semaphore, #tpu.memory_space<semaphore_mem>>)
    %add3A_393 = arith.constant 4 : i32
    %add3A_394 = arith.addi %sub3A_272, %add3A_393 : i32
    %dma_wait3A_395 = arith.constant 0 : i32
    %dma_wait3A_396 = tpu.memref_slice %arg9[%add3A_394, %dma_wait3A_395] : memref<96x128xi32, #tpu.memory_space<vmem>> -> memref<1x128xi32, #tpu.memory_space<vmem>>
    %dma_wait3A_397 = tpu.memref_squeeze %dma_wait3A_396 : memref<1x128xi32, #tpu.memory_space<vmem>> -> memref<128xi32, #tpu.memory_space<vmem>>
    %dma_wait3A_398 = arith.constant 0 : i32
    %dma_wait3A_399 = arith.constant 0 : i32
    %dma_wait3A_400 = tpu.memref_slice %arg8[%dma_wait3A_398, %dma_wait3A_399] : memref<10112x16xf32, #tpu.memory_space<vmem_shared>> -> memref<10112x16xf32, #tpu.memory_space<vmem_shared>>
    tpu.wait_indirect_dma semaphore(%arg23 : memref<!tpu.dma_semaphore, #tpu.memory_space<semaphore_mem>>) src(%dma_wait3A_400 : memref<10112x16xf32, #tpu.memory_space<vmem_shared>>) dst(%arg15 : memref<128x16xf32, #tpu.memory_space<vmem>>)
    %dma_start3A_401 = arith.constant 0 : i32
    %dma_start3A_402 = tpu.memref_slice %arg10[%add3A_394, %dma_start3A_401] : memref<96x128xi32, #tpu.memory_space<vmem>> -> memref<1x128xi32, #tpu.memory_space<vmem>>
    %dma_start3A_403 = tpu.memref_squeeze %dma_start3A_402 : memref<1x128xi32, #tpu.memory_space<vmem>> -> memref<128xi32, #tpu.memory_space<vmem>>
    %dma_start3A_404 = arith.constant 0 : i32
    %dma_start3A_405 = arith.constant 0 : i32
    %dma_start3A_406 = tpu.memref_slice %arg7[%dma_start3A_404, %dma_start3A_405] : memref<10112x16xf32, #tpu.memory_space<vmem_shared>> -> memref<10112x16xf32, #tpu.memory_space<vmem_shared>>
    tpu.enqueue_indirect_dma source(%arg15 : memref<128x16xf32, #tpu.memory_space<vmem>>) target(%dma_start3A_406 : memref<10112x16xf32, #tpu.memory_space<vmem_shared>>) offsets(%dma_start3A_403 : memref<128xi32, #tpu.memory_space<vmem>>) semaphore(%arg31 : memref<!tpu.dma_semaphore, #tpu.memory_space<semaphore_mem>>) {add = true}
    %sub3A_407 = arith.constant 4 : i32
    %sub3A_408 = arith.subi %add3A_394, %sub3A_407 : i32
    %dma_wait3A_409 = arith.constant 0 : i32
    %dma_wait3A_410 = tpu.memref_slice %arg10[%sub3A_408, %dma_wait3A_409] : memref<96x128xi32, #tpu.memory_space<vmem>> -> memref<1x128xi32, #tpu.memory_space<vmem>>
    %dma_wait3A_411 = tpu.memref_squeeze %dma_wait3A_410 : memref<1x128xi32, #tpu.memory_space<vmem>> -> memref<128xi32, #tpu.memory_space<vmem>>
    %dma_wait3A_412 = arith.constant 0 : i32
    %dma_wait3A_413 = arith.constant 0 : i32
    %dma_wait3A_414 = tpu.memref_slice %arg7[%dma_wait3A_412, %dma_wait3A_413] : memref<10112x16xf32, #tpu.memory_space<vmem_shared>> -> memref<10112x16xf32, #tpu.memory_space<vmem_shared>>
    tpu.wait_indirect_dma semaphore(%arg27 : memref<!tpu.dma_semaphore, #tpu.memory_space<semaphore_mem>>) src(%arg11 : memref<128x16xf32, #tpu.memory_space<vmem>>) dst(%dma_wait3A_414 : memref<10112x16xf32, #tpu.memory_space<vmem_shared>>)
    %add3A_415 = arith.constant 5 : i32
    %add3A_416 = arith.addi %sub3A_272, %add3A_415 : i32
    %dma_wait3A_417 = arith.constant 0 : i32
    %dma_wait3A_418 = tpu.memref_slice %arg9[%add3A_416, %dma_wait3A_417] : memref<96x128xi32, #tpu.memory_space<vmem>> -> memref<1x128xi32, #tpu.memory_space<vmem>>
    %dma_wait3A_419 = tpu.memref_squeeze %dma_wait3A_418 : memref<1x128xi32, #tpu.memory_space<vmem>> -> memref<128xi32, #tpu.memory_space<vmem>>
    %dma_wait3A_420 = arith.constant 0 : i32
    %dma_wait3A_421 = arith.constant 0 : i32
    %dma_wait3A_422 = tpu.memref_slice %arg8[%dma_wait3A_420, %dma_wait3A_421] : memref<10112x16xf32, #tpu.memory_space<vmem_shared>> -> memref<10112x16xf32, #tpu.memory_space<vmem_shared>>
    tpu.wait_indirect_dma semaphore(%arg24 : memref<!tpu.dma_semaphore, #tpu.memory_space<semaphore_mem>>) src(%dma_wait3A_422 : memref<10112x16xf32, #tpu.memory_space<vmem_shared>>) dst(%arg16 : memref<128x16xf32, #tpu.memory_space<vmem>>)
    %dma_start3A_423 = arith.constant 0 : i32
    %dma_start3A_424 = tpu.memref_slice %arg10[%add3A_416, %dma_start3A_423] : memref<96x128xi32, #tpu.memory_space<vmem>> -> memref<1x128xi32, #tpu.memory_space<vmem>>
    %dma_start3A_425 = tpu.memref_squeeze %dma_start3A_424 : memref<1x128xi32, #tpu.memory_space<vmem>> -> memref<128xi32, #tpu.memory_space<vmem>>
    %dma_start3A_426 = arith.constant 0 : i32
    %dma_start3A_427 = arith.constant 0 : i32
    %dma_start3A_428 = tpu.memref_slice %arg7[%dma_start3A_426, %dma_start3A_427] : memref<10112x16xf32, #tpu.memory_space<vmem_shared>> -> memref<10112x16xf32, #tpu.memory_space<vmem_shared>>
    tpu.enqueue_indirect_dma source(%arg16 : memref<128x16xf32, #tpu.memory_space<vmem>>) target(%dma_start3A_428 : memref<10112x16xf32, #tpu.memory_space<vmem_shared>>) offsets(%dma_start3A_425 : memref<128xi32, #tpu.memory_space<vmem>>) semaphore(%arg32 : memref<!tpu.dma_semaphore, #tpu.memory_space<semaphore_mem>>) {add = true}
    %sub3A_429 = arith.constant 4 : i32
    %sub3A_430 = arith.subi %add3A_416, %sub3A_429 : i32
    %dma_wait3A_431 = arith.constant 0 : i32
    %dma_wait3A_432 = tpu.memref_slice %arg10[%sub3A_430, %dma_wait3A_431] : memref<96x128xi32, #tpu.memory_space<vmem>> -> memref<1x128xi32, #tpu.memory_space<vmem>>
    %dma_wait3A_433 = tpu.memref_squeeze %dma_wait3A_432 : memref<1x128xi32, #tpu.memory_space<vmem>> -> memref<128xi32, #tpu.memory_space<vmem>>
    %dma_wait3A_434 = arith.constant 0 : i32
    %dma_wait3A_435 = arith.constant 0 : i32
    %dma_wait3A_436 = tpu.memref_slice %arg7[%dma_wait3A_434, %dma_wait3A_435] : memref<10112x16xf32, #tpu.memory_space<vmem_shared>> -> memref<10112x16xf32, #tpu.memory_space<vmem_shared>>
    tpu.wait_indirect_dma semaphore(%arg28 : memref<!tpu.dma_semaphore, #tpu.memory_space<semaphore_mem>>) src(%arg12 : memref<128x16xf32, #tpu.memory_space<vmem>>) dst(%dma_wait3A_436 : memref<10112x16xf32, #tpu.memory_space<vmem_shared>>)
    %add3A_437 = arith.constant 6 : i32
    %add3A_438 = arith.addi %sub3A_272, %add3A_437 : i32
    %dma_wait3A_439 = arith.constant 0 : i32
    %dma_wait3A_440 = tpu.memref_slice %arg9[%add3A_438, %dma_wait3A_439] : memref<96x128xi32, #tpu.memory_space<vmem>> -> memref<1x128xi32, #tpu.memory_space<vmem>>
    %dma_wait3A_441 = tpu.memref_squeeze %dma_wait3A_440 : memref<1x128xi32, #tpu.memory_space<vmem>> -> memref<128xi32, #tpu.memory_space<vmem>>
    %dma_wait3A_442 = arith.constant 0 : i32
    %dma_wait3A_443 = arith.constant 0 : i32
    %dma_wait3A_444 = tpu.memref_slice %arg8[%dma_wait3A_442, %dma_wait3A_443] : memref<10112x16xf32, #tpu.memory_space<vmem_shared>> -> memref<10112x16xf32, #tpu.memory_space<vmem_shared>>
    tpu.wait_indirect_dma semaphore(%arg25 : memref<!tpu.dma_semaphore, #tpu.memory_space<semaphore_mem>>) src(%dma_wait3A_444 : memref<10112x16xf32, #tpu.memory_space<vmem_shared>>) dst(%arg17 : memref<128x16xf32, #tpu.memory_space<vmem>>)
    %dma_start3A_445 = arith.constant 0 : i32
    %dma_start3A_446 = tpu.memref_slice %arg10[%add3A_438, %dma_start3A_445] : memref<96x128xi32, #tpu.memory_space<vmem>> -> memref<1x128xi32, #tpu.memory_space<vmem>>
    %dma_start3A_447 = tpu.memref_squeeze %dma_start3A_446 : memref<1x128xi32, #tpu.memory_space<vmem>> -> memref<128xi32, #tpu.memory_space<vmem>>
    %dma_start3A_448 = arith.constant 0 : i32
    %dma_start3A_449 = arith.constant 0 : i32
    %dma_start3A_450 = tpu.memref_slice %arg7[%dma_start3A_448, %dma_start3A_449] : memref<10112x16xf32, #tpu.memory_space<vmem_shared>> -> memref<10112x16xf32, #tpu.memory_space<vmem_shared>>
    tpu.enqueue_indirect_dma source(%arg17 : memref<128x16xf32, #tpu.memory_space<vmem>>) target(%dma_start3A_450 : memref<10112x16xf32, #tpu.memory_space<vmem_shared>>) offsets(%dma_start3A_447 : memref<128xi32, #tpu.memory_space<vmem>>) semaphore(%arg33 : memref<!tpu.dma_semaphore, #tpu.memory_space<semaphore_mem>>) {add = true}
    %sub3A_451 = arith.constant 4 : i32
    %sub3A_452 = arith.subi %add3A_438, %sub3A_451 : i32
    %dma_wait3A_453 = arith.constant 0 : i32
    %dma_wait3A_454 = tpu.memref_slice %arg10[%sub3A_452, %dma_wait3A_453] : memref<96x128xi32, #tpu.memory_space<vmem>> -> memref<1x128xi32, #tpu.memory_space<vmem>>
    %dma_wait3A_455 = tpu.memref_squeeze %dma_wait3A_454 : memref<1x128xi32, #tpu.memory_space<vmem>> -> memref<128xi32, #tpu.memory_space<vmem>>
    %dma_wait3A_456 = arith.constant 0 : i32
    %dma_wait3A_457 = arith.constant 0 : i32
    %dma_wait3A_458 = tpu.memref_slice %arg7[%dma_wait3A_456, %dma_wait3A_457] : memref<10112x16xf32, #tpu.memory_space<vmem_shared>> -> memref<10112x16xf32, #tpu.memory_space<vmem_shared>>
    tpu.wait_indirect_dma semaphore(%arg29 : memref<!tpu.dma_semaphore, #tpu.memory_space<semaphore_mem>>) src(%arg13 : memref<128x16xf32, #tpu.memory_space<vmem>>) dst(%dma_wait3A_458 : memref<10112x16xf32, #tpu.memory_space<vmem_shared>>)
    %add3A_459 = arith.constant 7 : i32
    %add3A_460 = arith.addi %sub3A_272, %add3A_459 : i32
    %dma_wait3A_461 = arith.constant 0 : i32
    %dma_wait3A_462 = tpu.memref_slice %arg9[%add3A_460, %dma_wait3A_461] : memref<96x128xi32, #tpu.memory_space<vmem>> -> memref<1x128xi32, #tpu.memory_space<vmem>>
    %dma_wait3A_463 = tpu.memref_squeeze %dma_wait3A_462 : memref<1x128xi32, #tpu.memory_space<vmem>> -> memref<128xi32, #tpu.memory_space<vmem>>
    %dma_wait3A_464 = arith.constant 0 : i32
    %dma_wait3A_465 = arith.constant 0 : i32
    %dma_wait3A_466 = tpu.memref_slice %arg8[%dma_wait3A_464, %dma_wait3A_465] : memref<10112x16xf32, #tpu.memory_space<vmem_shared>> -> memref<10112x16xf32, #tpu.memory_space<vmem_shared>>
    tpu.wait_indirect_dma semaphore(%arg26 : memref<!tpu.dma_semaphore, #tpu.memory_space<semaphore_mem>>) src(%dma_wait3A_466 : memref<10112x16xf32, #tpu.memory_space<vmem_shared>>) dst(%arg18 : memref<128x16xf32, #tpu.memory_space<vmem>>)
    %dma_start3A_467 = arith.constant 0 : i32
    %dma_start3A_468 = tpu.memref_slice %arg10[%add3A_460, %dma_start3A_467] : memref<96x128xi32, #tpu.memory_space<vmem>> -> memref<1x128xi32, #tpu.memory_space<vmem>>
    %dma_start3A_469 = tpu.memref_squeeze %dma_start3A_468 : memref<1x128xi32, #tpu.memory_space<vmem>> -> memref<128xi32, #tpu.memory_space<vmem>>
    %dma_start3A_470 = arith.constant 0 : i32
    %dma_start3A_471 = arith.constant 0 : i32
    %dma_start3A_472 = tpu.memref_slice %arg7[%dma_start3A_470, %dma_start3A_471] : memref<10112x16xf32, #tpu.memory_space<vmem_shared>> -> memref<10112x16xf32, #tpu.memory_space<vmem_shared>>
    tpu.enqueue_indirect_dma source(%arg18 : memref<128x16xf32, #tpu.memory_space<vmem>>) target(%dma_start3A_472 : memref<10112x16xf32, #tpu.memory_space<vmem_shared>>) offsets(%dma_start3A_469 : memref<128xi32, #tpu.memory_space<vmem>>) semaphore(%arg34 : memref<!tpu.dma_semaphore, #tpu.memory_space<semaphore_mem>>) {add = true}
    %sub3A_473 = arith.constant 4 : i32
    %sub3A_474 = arith.subi %add3A_460, %sub3A_473 : i32
    %dma_wait3A_475 = arith.constant 0 : i32
    %dma_wait3A_476 = tpu.memref_slice %arg10[%sub3A_474, %dma_wait3A_475] : memref<96x128xi32, #tpu.memory_space<vmem>> -> memref<1x128xi32, #tpu.memory_space<vmem>>
    %dma_wait3A_477 = tpu.memref_squeeze %dma_wait3A_476 : memref<1x128xi32, #tpu.memory_space<vmem>> -> memref<128xi32, #tpu.memory_space<vmem>>
    %dma_wait3A_478 = arith.constant 0 : i32
    %dma_wait3A_479 = arith.constant 0 : i32
    %dma_wait3A_480 = tpu.memref_slice %arg7[%dma_wait3A_478, %dma_wait3A_479] : memref<10112x16xf32, #tpu.memory_space<vmem_shared>> -> memref<10112x16xf32, #tpu.memory_space<vmem_shared>>
    tpu.wait_indirect_dma semaphore(%arg30 : memref<!tpu.dma_semaphore, #tpu.memory_space<semaphore_mem>>) src(%arg14 : memref<128x16xf32, #tpu.memory_space<vmem>>) dst(%dma_wait3A_480 : memref<10112x16xf32, #tpu.memory_space<vmem_shared>>)
    %sub3A_481 = arith.constant 4 : i32
    %sub3A_482 = arith.subi %select_n3A, %sub3A_481 : i32
    %add3A_483 = arith.constant 0 : i32
    %add3A_484 = arith.addi %sub3A_482, %add3A_483 : i32
    %dma_wait3A_485 = arith.constant 0 : i32
    %dma_wait3A_486 = tpu.memref_slice %arg10[%add3A_484, %dma_wait3A_485] : memref<96x128xi32, #tpu.memory_space<vmem>> -> memref<1x128xi32, #tpu.memory_space<vmem>>
    %dma_wait3A_487 = tpu.memref_squeeze %dma_wait3A_486 : memref<1x128xi32, #tpu.memory_space<vmem>> -> memref<128xi32, #tpu.memory_space<vmem>>
    %dma_wait3A_488 = arith.constant 0 : i32
    %dma_wait3A_489 = arith.constant 0 : i32
    %dma_wait3A_490 = tpu.memref_slice %arg7[%dma_wait3A_488, %dma_wait3A_489] : memref<10112x16xf32, #tpu.memory_space<vmem_shared>> -> memref<10112x16xf32, #tpu.memory_space<vmem_shared>>
    tpu.wait_indirect_dma semaphore(%arg31 : memref<!tpu.dma_semaphore, #tpu.memory_space<semaphore_mem>>) src(%arg15 : memref<128x16xf32, #tpu.memory_space<vmem>>) dst(%dma_wait3A_490 : memref<10112x16xf32, #tpu.memory_space<vmem_shared>>)
    %sub3A_491 = arith.constant 4 : i32
    %sub3A_492 = arith.subi %select_n3A, %sub3A_491 : i32
    %add3A_493 = arith.constant 1 : i32
    %add3A_494 = arith.addi %sub3A_492, %add3A_493 : i32
    %dma_wait3A_495 = arith.constant 0 : i32
    %dma_wait3A_496 = tpu.memref_slice %arg10[%add3A_494, %dma_wait3A_495] : memref<96x128xi32, #tpu.memory_space<vmem>> -> memref<1x128xi32, #tpu.memory_space<vmem>>
    %dma_wait3A_497 = tpu.memref_squeeze %dma_wait3A_496 : memref<1x128xi32, #tpu.memory_space<vmem>> -> memref<128xi32, #tpu.memory_space<vmem>>
    %dma_wait3A_498 = arith.constant 0 : i32
    %dma_wait3A_499 = arith.constant 0 : i32
    %dma_wait3A_500 = tpu.memref_slice %arg7[%dma_wait3A_498, %dma_wait3A_499] : memref<10112x16xf32, #tpu.memory_space<vmem_shared>> -> memref<10112x16xf32, #tpu.memory_space<vmem_shared>>
    tpu.wait_indirect_dma semaphore(%arg32 : memref<!tpu.dma_semaphore, #tpu.memory_space<semaphore_mem>>) src(%arg16 : memref<128x16xf32, #tpu.memory_space<vmem>>) dst(%dma_wait3A_500 : memref<10112x16xf32, #tpu.memory_space<vmem_shared>>)
    %sub3A_501 = arith.constant 4 : i32
    %sub3A_502 = arith.subi %select_n3A, %sub3A_501 : i32
    %add3A_503 = arith.constant 2 : i32
    %add3A_504 = arith.addi %sub3A_502, %add3A_503 : i32
    %dma_wait3A_505 = arith.constant 0 : i32
    %dma_wait3A_506 = tpu.memref_slice %arg10[%add3A_504, %dma_wait3A_505] : memref<96x128xi32, #tpu.memory_space<vmem>> -> memref<1x128xi32, #tpu.memory_space<vmem>>
    %dma_wait3A_507 = tpu.memref_squeeze %dma_wait3A_506 : memref<1x128xi32, #tpu.memory_space<vmem>> -> memref<128xi32, #tpu.memory_space<vmem>>
    %dma_wait3A_508 = arith.constant 0 : i32
    %dma_wait3A_509 = arith.constant 0 : i32
    %dma_wait3A_510 = tpu.memref_slice %arg7[%dma_wait3A_508, %dma_wait3A_509] : memref<10112x16xf32, #tpu.memory_space<vmem_shared>> -> memref<10112x16xf32, #tpu.memory_space<vmem_shared>>
    tpu.wait_indirect_dma semaphore(%arg33 : memref<!tpu.dma_semaphore, #tpu.memory_space<semaphore_mem>>) src(%arg17 : memref<128x16xf32, #tpu.memory_space<vmem>>) dst(%dma_wait3A_510 : memref<10112x16xf32, #tpu.memory_space<vmem_shared>>)
    %sub3A_511 = arith.constant 4 : i32
    %sub3A_512 = arith.subi %select_n3A, %sub3A_511 : i32
    %add3A_513 = arith.constant 3 : i32
    %add3A_514 = arith.addi %sub3A_512, %add3A_513 : i32
    %dma_wait3A_515 = arith.constant 0 : i32
    %dma_wait3A_516 = tpu.memref_slice %arg10[%add3A_514, %dma_wait3A_515] : memref<96x128xi32, #tpu.memory_space<vmem>> -> memref<1x128xi32, #tpu.memory_space<vmem>>
    %dma_wait3A_517 = tpu.memref_squeeze %dma_wait3A_516 : memref<1x128xi32, #tpu.memory_space<vmem>> -> memref<128xi32, #tpu.memory_space<vmem>>
    %dma_wait3A_518 = arith.constant 0 : i32
    %dma_wait3A_519 = arith.constant 0 : i32
    %dma_wait3A_520 = tpu.memref_slice %arg7[%dma_wait3A_518, %dma_wait3A_519] : memref<10112x16xf32, #tpu.memory_space<vmem_shared>> -> memref<10112x16xf32, #tpu.memory_space<vmem_shared>>
    tpu.wait_indirect_dma semaphore(%arg34 : memref<!tpu.dma_semaphore, #tpu.memory_space<semaphore_mem>>) src(%arg18 : memref<128x16xf32, #tpu.memory_space<vmem>>) dst(%dma_wait3A_520 : memref<10112x16xf32, #tpu.memory_space<vmem_shared>>)
    %barrier3A_521 = arith.constant 0 : index
    tpu.barrier barrier_id(%barrier3A_521)
    "tpu.region"() ({
      %run_scoped3A = tpu.sem_alloc : memref<!tpu.dma_semaphore, #tpu.memory_space<semaphore_mem>>
      %dma_start3A_522 = arith.constant 0 : i32
      %dma_start3A_523 = tpu.memref_slice %arg6[%arg0, %mul3A_10, %dma_start3A_522] : memref<2x10112x16xf32, #tpu.memory_space<hbm>> -> memref<1x632x16xf32, #tpu.memory_space<hbm>>
      %dma_start3A_524 = tpu.memref_squeeze %dma_start3A_523 : memref<1x632x16xf32, #tpu.memory_space<hbm>> -> memref<632x16xf32, #tpu.memory_space<hbm>>
      %dma_start3A_525 = arith.constant 0 : i32
      %dma_start3A_526 = tpu.memref_slice %arg7[%mul3A_10, %dma_start3A_525] : memref<10112x16xf32, #tpu.memory_space<vmem_shared>> -> memref<632x16xf32, #tpu.memory_space<vmem_shared>>
      tpu.enqueue_dma source(%dma_start3A_526 : memref<632x16xf32, #tpu.memory_space<vmem_shared>>) target(%dma_start3A_524 : memref<632x16xf32, #tpu.memory_space<hbm>>) target_semaphore(%run_scoped3A : memref<!tpu.dma_semaphore, #tpu.memory_space<semaphore_mem>>)
      %dma_wait3A_527 = arith.constant 0 : i32
      %dma_wait3A_528 = tpu.memref_slice %arg6[%arg0, %mul3A_10, %dma_wait3A_527] : memref<2x10112x16xf32, #tpu.memory_space<hbm>> -> memref<1x632x16xf32, #tpu.memory_space<hbm>>
      %dma_wait3A_529 = tpu.memref_squeeze %dma_wait3A_528 : memref<1x632x16xf32, #tpu.memory_space<hbm>> -> memref<632x16xf32, #tpu.memory_space<hbm>>
      %dma_wait3A_530 = arith.constant 0 : i32
      %dma_wait3A_531 = tpu.memref_slice %arg7[%mul3A_10, %dma_wait3A_530] : memref<10112x16xf32, #tpu.memory_space<vmem_shared>> -> memref<632x16xf32, #tpu.memory_space<vmem_shared>>
      tpu.wait_dma2 semaphore(%run_scoped3A : memref<!tpu.dma_semaphore, #tpu.memory_space<semaphore_mem>>) src(%dma_wait3A_531 : memref<632x16xf32, #tpu.memory_space<vmem_shared>>) dst(%dma_wait3A_529 : memref<632x16xf32, #tpu.memory_space<hbm>>)
      tpu.yield
    }) : () -> ()
    return
  }
}

#map = affine_map<(d0, d1) -> (0, 0)>
#map1 = affine_map<(d0, d1) -> (0, 0, 0)>
module attributes {stable_mosaic.version = 14 : i64} {
  func.func @_deg_pass_kernel(%arg0: i32, %arg1: i32, %arg2: memref<2592x128xi32, #tpu.memory_space<hbm>>, %arg3: memref<10112x16xf32, #tpu.memory_space<hbm>>, %arg4: memref<128x16xf32, #tpu.memory_space<hbm>>, %arg5: memref<2x10112x16xf32, #tpu.memory_space<hbm>>, %arg6: memref<10112x16xf32, #tpu.memory_space<vmem_shared>>, %arg7: memref<96x128xi32, #tpu.memory_space<vmem>>, %arg8: memref<128x16xf32, #tpu.memory_space<vmem>>, %arg9: memref<!tpu.dma_semaphore, #tpu.memory_space<semaphore_mem>>) attributes {dimension_semantics = [#tpu.dimension_semantics<core_parallel>, #tpu.dimension_semantics<subcore_parallel>], iteration_bounds = array<i64: 2, 16>, scalar_prefetch = 0 : i64, scratch_operands = 4 : i64, tpu.core_type = #tpu.core_type<sc_vector_subcore>, window_params = [{transform_indices = #map}, {transform_indices = #map}, {transform_indices = #map}, {transform_indices = #map1}]} {
    %eq3A = arith.constant 0 : i32
    %eq3A_0 = arith.cmpi eq, %arg0, %eq3A : i32
    %jit3A = arith.constant 96 : i32
    %jit3A_1 = arith.constant 64 : i32
    %select_n3A = arith.select %eq3A_0, %jit3A, %jit3A_1 : i32
    %mul3A = arith.constant 96 : i32
    %mul3A_2 = arith.muli %arg1, %mul3A : i32
    %mul3A_3 = arith.constant 1536 : i32
    %mul3A_4 = arith.muli %arg0, %mul3A_3 : i32
    %add3A = arith.addi %mul3A_2, %mul3A_4 : i32
    %mul3A_5 = arith.muli %arg0, %arg1 : i32
    %mul3A_6 = arith.constant -32 : i32
    %mul3A_7 = arith.muli %mul3A_5, %mul3A_6 : i32
    %add3A_8 = arith.addi %add3A, %mul3A_7 : i32
    %mul3A_9 = arith.constant 632 : i32
    %mul3A_10 = arith.muli %arg1, %mul3A_9 : i32
    "tpu.region"() ({
      %run_scoped3A = tpu.sem_alloc : memref<!tpu.dma_semaphore, #tpu.memory_space<semaphore_mem>>
      %dma_start3A = arith.constant 0 : i32
      %dma_start3A_48 = tpu.memref_slice %arg6[%mul3A_10, %dma_start3A] : memref<10112x16xf32, #tpu.memory_space<vmem_shared>> -> memref<632x16xf32, #tpu.memory_space<vmem_shared>>
      %dma_start3A_49 = arith.constant 0 : i32
      %dma_start3A_50 = tpu.memref_slice %arg3[%mul3A_10, %dma_start3A_49] : memref<10112x16xf32, #tpu.memory_space<hbm>> -> memref<632x16xf32, #tpu.memory_space<hbm>>
      tpu.enqueue_dma source(%dma_start3A_50 : memref<632x16xf32, #tpu.memory_space<hbm>>) target(%dma_start3A_48 : memref<632x16xf32, #tpu.memory_space<vmem_shared>>) target_semaphore(%run_scoped3A : memref<!tpu.dma_semaphore, #tpu.memory_space<semaphore_mem>>)
      %dma_wait3A = arith.constant 0 : i32
      %dma_wait3A_51 = tpu.memref_slice %arg6[%mul3A_10, %dma_wait3A] : memref<10112x16xf32, #tpu.memory_space<vmem_shared>> -> memref<632x16xf32, #tpu.memory_space<vmem_shared>>
      %dma_wait3A_52 = arith.constant 0 : i32
      %dma_wait3A_53 = tpu.memref_slice %arg3[%mul3A_10, %dma_wait3A_52] : memref<10112x16xf32, #tpu.memory_space<hbm>> -> memref<632x16xf32, #tpu.memory_space<hbm>>
      tpu.wait_dma2 semaphore(%run_scoped3A : memref<!tpu.dma_semaphore, #tpu.memory_space<semaphore_mem>>) src(%dma_wait3A_53 : memref<632x16xf32, #tpu.memory_space<hbm>>) dst(%dma_wait3A_51 : memref<632x16xf32, #tpu.memory_space<vmem_shared>>)
      tpu.yield
    }) : () -> ()
    "tpu.region"() ({
      %run_scoped3A = tpu.sem_alloc : memref<!tpu.dma_semaphore, #tpu.memory_space<semaphore_mem>>
      %dma_start3A = arith.constant 0 : i32
      %dma_start3A_48 = tpu.memref_slice %arg2[%add3A_8, %dma_start3A] : memref<2592x128xi32, #tpu.memory_space<hbm>> -> memref<96x128xi32, #tpu.memory_space<hbm>>
      %dma_start3A_49 = arith.constant 0 : i32
      %dma_start3A_50 = tpu.memref_slice %arg2[%add3A_8, %dma_start3A_49] : memref<2592x128xi32, #tpu.memory_space<hbm>> -> memref<96x128xi32, #tpu.memory_space<hbm>>
      tpu.enqueue_dma source(%dma_start3A_50 : memref<96x128xi32, #tpu.memory_space<hbm>>) target(%arg7 : memref<96x128xi32, #tpu.memory_space<vmem>>) target_semaphore(%run_scoped3A : memref<!tpu.dma_semaphore, #tpu.memory_space<semaphore_mem>>)
      %dma_wait3A = arith.constant 0 : i32
      %dma_wait3A_51 = tpu.memref_slice %arg2[%add3A_8, %dma_wait3A] : memref<2592x128xi32, #tpu.memory_space<hbm>> -> memref<96x128xi32, #tpu.memory_space<hbm>>
      %dma_wait3A_52 = arith.constant 0 : i32
      %dma_wait3A_53 = tpu.memref_slice %arg2[%add3A_8, %dma_wait3A_52] : memref<2592x128xi32, #tpu.memory_space<hbm>> -> memref<96x128xi32, #tpu.memory_space<hbm>>
      tpu.wait_dma2 semaphore(%run_scoped3A : memref<!tpu.dma_semaphore, #tpu.memory_space<semaphore_mem>>) src(%dma_wait3A_53 : memref<96x128xi32, #tpu.memory_space<hbm>>) dst(%arg7 : memref<96x128xi32, #tpu.memory_space<vmem>>)
      tpu.yield
    }) : () -> ()
    "tpu.region"() ({
      %run_scoped3A = tpu.sem_alloc : memref<!tpu.dma_semaphore, #tpu.memory_space<semaphore_mem>>
      tpu.enqueue_dma source(%arg4 : memref<128x16xf32, #tpu.memory_space<hbm>>) target(%arg8 : memref<128x16xf32, #tpu.memory_space<vmem>>) target_semaphore(%run_scoped3A : memref<!tpu.dma_semaphore, #tpu.memory_space<semaphore_mem>>)
      tpu.wait_dma2 semaphore(%run_scoped3A : memref<!tpu.dma_semaphore, #tpu.memory_space<semaphore_mem>>) src(%arg4 : memref<128x16xf32, #tpu.memory_space<hbm>>) dst(%arg8 : memref<128x16xf32, #tpu.memory_space<vmem>>)
      tpu.yield
    }) : () -> ()
    %barrier3A = arith.constant 0 : index
    tpu.barrier barrier_id(%barrier3A)
    %jit3A_11 = arith.constant 8 : i32
    %div3A = arith.divsi %select_n3A, %jit3A_11 : i32
    %sign3A = arith.constant 0 : i32
    %sign3A_12 = arith.cmpi sgt, %select_n3A, %sign3A : i32
    %sign3A_13 = arith.extui %sign3A_12 : i1 to i32
    %sign3A_14 = arith.constant 0 : i32
    %sign3A_15 = arith.cmpi slt, %select_n3A, %sign3A_14 : i32
    %sign3A_16 = arith.extui %sign3A_15 : i1 to i32
    %sign3A_17 = arith.subi %sign3A_13, %sign3A_16 : i32
    %sign3A_18 = arith.constant 0 : i32
    %sign3A_19 = arith.cmpi sgt, %jit3A_11, %sign3A_18 : i32
    %sign3A_20 = arith.extui %sign3A_19 : i1 to i32
    %sign3A_21 = arith.constant 0 : i32
    %sign3A_22 = arith.cmpi slt, %jit3A_11, %sign3A_21 : i32
    %sign3A_23 = arith.extui %sign3A_22 : i1 to i32
    %sign3A_24 = arith.subi %sign3A_20, %sign3A_23 : i32
    %ne3A = arith.cmpi ne, %sign3A_17, %sign3A_24 : i32
    %rem3A = arith.remsi %select_n3A, %jit3A_11 : i32
    %ne3A_25 = arith.constant 0 : i32
    %ne3A_26 = arith.cmpi ne, %rem3A, %ne3A_25 : i32
    %and3A = arith.andi %ne3A, %ne3A_26 : i1
    %sub3A = arith.constant 1 : i32
    %sub3A_27 = arith.subi %div3A, %sub3A : i32
    %select_n3A_28 = arith.select %and3A, %sub3A_27, %div3A : i32
    %sub3A_29 = arith.constant 0 : i32
    %sub3A_30 = arith.subi %select_n3A_28, %sub3A_29 : i32
    %sub3A_31 = arith.constant 1 : i32
    %sub3A_32 = arith.constant 1 : i32
    %sub3A_33 = arith.subi %sub3A_31, %sub3A_32 : i32
    %add3A_34 = arith.addi %sub3A_30, %sub3A_33 : i32
    %div3A_35 = arith.constant 1 : i32
    %div3A_36 = arith.divsi %add3A_34, %div3A_35 : i32
    %while3A = arith.constant 1 : i32
    %while3A_37 = arith.constant 0 : i32
    %while3A_38 = arith.constant 0 : i32
    %while3A_39 = arith.subi %div3A_36, %while3A_38 : i32
    %while3A_40 = arith.addi %while3A_38, %while3A_39 : i32
    %while3A_41 = arith.constant 1 : i32
    %while3A_42 = arith.divsi %while3A_39, %while3A_41 : i32
    %while3A_43 = arith.muli %while3A_42, %while3A_41 : i32
    %while3A_44 = arith.addi %while3A_38, %while3A_43 : i32
    %while3A_45 = arith.constant 1 : i32
    scf.for %while3A_48 = %while3A_38 to %while3A_44 step %while3A_45  : i32 {
      %mul3A_49 = arith.muli %while3A_48, %while3A : i32
      %add3A_50 = arith.addi %while3A_37, %mul3A_49 : i32
      %mul3A_51 = arith.constant 8 : i32
      %mul3A_52 = arith.muli %add3A_50, %mul3A_51 : i32
      %add3A_53 = arith.constant 0 : i32
      %add3A_54 = arith.addi %mul3A_52, %add3A_53 : i32
      %dma_start3A = arith.constant 0 : i32
      %dma_start3A_55 = tpu.memref_slice %arg7[%add3A_54, %dma_start3A] : memref<96x128xi32, #tpu.memory_space<vmem>> -> memref<1x128xi32, #tpu.memory_space<vmem>>
      %dma_start3A_56 = tpu.memref_squeeze %dma_start3A_55 : memref<1x128xi32, #tpu.memory_space<vmem>> -> memref<128xi32, #tpu.memory_space<vmem>>
      %dma_start3A_57 = arith.constant 0 : i32
      %dma_start3A_58 = arith.constant 0 : i32
      %dma_start3A_59 = tpu.memref_slice %arg6[%dma_start3A_57, %dma_start3A_58] : memref<10112x16xf32, #tpu.memory_space<vmem_shared>> -> memref<10112x16xf32, #tpu.memory_space<vmem_shared>>
      tpu.enqueue_indirect_dma source(%arg8 : memref<128x16xf32, #tpu.memory_space<vmem>>) target(%dma_start3A_59 : memref<10112x16xf32, #tpu.memory_space<vmem_shared>>) offsets(%dma_start3A_56 : memref<128xi32, #tpu.memory_space<vmem>>) semaphore(%arg9 : memref<!tpu.dma_semaphore, #tpu.memory_space<semaphore_mem>>) {add = true}
      %add3A_60 = arith.constant 1 : i32
      %add3A_61 = arith.addi %mul3A_52, %add3A_60 : i32
      %dma_start3A_62 = arith.constant 0 : i32
      %dma_start3A_63 = tpu.memref_slice %arg7[%add3A_61, %dma_start3A_62] : memref<96x128xi32, #tpu.memory_space<vmem>> -> memref<1x128xi32, #tpu.memory_space<vmem>>
      %dma_start3A_64 = tpu.memref_squeeze %dma_start3A_63 : memref<1x128xi32, #tpu.memory_space<vmem>> -> memref<128xi32, #tpu.memory_space<vmem>>
      %dma_start3A_65 = arith.constant 0 : i32
      %dma_start3A_66 = arith.constant 0 : i32
      %dma_start3A_67 = tpu.memref_slice %arg6[%dma_start3A_65, %dma_start3A_66] : memref<10112x16xf32, #tpu.memory_space<vmem_shared>> -> memref<10112x16xf32, #tpu.memory_space<vmem_shared>>
      tpu.enqueue_indirect_dma source(%arg8 : memref<128x16xf32, #tpu.memory_space<vmem>>) target(%dma_start3A_67 : memref<10112x16xf32, #tpu.memory_space<vmem_shared>>) offsets(%dma_start3A_64 : memref<128xi32, #tpu.memory_space<vmem>>) semaphore(%arg9 : memref<!tpu.dma_semaphore, #tpu.memory_space<semaphore_mem>>) {add = true}
      %add3A_68 = arith.constant 2 : i32
      %add3A_69 = arith.addi %mul3A_52, %add3A_68 : i32
      %dma_start3A_70 = arith.constant 0 : i32
      %dma_start3A_71 = tpu.memref_slice %arg7[%add3A_69, %dma_start3A_70] : memref<96x128xi32, #tpu.memory_space<vmem>> -> memref<1x128xi32, #tpu.memory_space<vmem>>
      %dma_start3A_72 = tpu.memref_squeeze %dma_start3A_71 : memref<1x128xi32, #tpu.memory_space<vmem>> -> memref<128xi32, #tpu.memory_space<vmem>>
      %dma_start3A_73 = arith.constant 0 : i32
      %dma_start3A_74 = arith.constant 0 : i32
      %dma_start3A_75 = tpu.memref_slice %arg6[%dma_start3A_73, %dma_start3A_74] : memref<10112x16xf32, #tpu.memory_space<vmem_shared>> -> memref<10112x16xf32, #tpu.memory_space<vmem_shared>>
      tpu.enqueue_indirect_dma source(%arg8 : memref<128x16xf32, #tpu.memory_space<vmem>>) target(%dma_start3A_75 : memref<10112x16xf32, #tpu.memory_space<vmem_shared>>) offsets(%dma_start3A_72 : memref<128xi32, #tpu.memory_space<vmem>>) semaphore(%arg9 : memref<!tpu.dma_semaphore, #tpu.memory_space<semaphore_mem>>) {add = true}
      %add3A_76 = arith.constant 3 : i32
      %add3A_77 = arith.addi %mul3A_52, %add3A_76 : i32
      %dma_start3A_78 = arith.constant 0 : i32
      %dma_start3A_79 = tpu.memref_slice %arg7[%add3A_77, %dma_start3A_78] : memref<96x128xi32, #tpu.memory_space<vmem>> -> memref<1x128xi32, #tpu.memory_space<vmem>>
      %dma_start3A_80 = tpu.memref_squeeze %dma_start3A_79 : memref<1x128xi32, #tpu.memory_space<vmem>> -> memref<128xi32, #tpu.memory_space<vmem>>
      %dma_start3A_81 = arith.constant 0 : i32
      %dma_start3A_82 = arith.constant 0 : i32
      %dma_start3A_83 = tpu.memref_slice %arg6[%dma_start3A_81, %dma_start3A_82] : memref<10112x16xf32, #tpu.memory_space<vmem_shared>> -> memref<10112x16xf32, #tpu.memory_space<vmem_shared>>
      tpu.enqueue_indirect_dma source(%arg8 : memref<128x16xf32, #tpu.memory_space<vmem>>) target(%dma_start3A_83 : memref<10112x16xf32, #tpu.memory_space<vmem_shared>>) offsets(%dma_start3A_80 : memref<128xi32, #tpu.memory_space<vmem>>) semaphore(%arg9 : memref<!tpu.dma_semaphore, #tpu.memory_space<semaphore_mem>>) {add = true}
      %add3A_84 = arith.constant 4 : i32
      %add3A_85 = arith.addi %mul3A_52, %add3A_84 : i32
      %dma_start3A_86 = arith.constant 0 : i32
      %dma_start3A_87 = tpu.memref_slice %arg7[%add3A_85, %dma_start3A_86] : memref<96x128xi32, #tpu.memory_space<vmem>> -> memref<1x128xi32, #tpu.memory_space<vmem>>
      %dma_start3A_88 = tpu.memref_squeeze %dma_start3A_87 : memref<1x128xi32, #tpu.memory_space<vmem>> -> memref<128xi32, #tpu.memory_space<vmem>>
      %dma_start3A_89 = arith.constant 0 : i32
      %dma_start3A_90 = arith.constant 0 : i32
      %dma_start3A_91 = tpu.memref_slice %arg6[%dma_start3A_89, %dma_start3A_90] : memref<10112x16xf32, #tpu.memory_space<vmem_shared>> -> memref<10112x16xf32, #tpu.memory_space<vmem_shared>>
      tpu.enqueue_indirect_dma source(%arg8 : memref<128x16xf32, #tpu.memory_space<vmem>>) target(%dma_start3A_91 : memref<10112x16xf32, #tpu.memory_space<vmem_shared>>) offsets(%dma_start3A_88 : memref<128xi32, #tpu.memory_space<vmem>>) semaphore(%arg9 : memref<!tpu.dma_semaphore, #tpu.memory_space<semaphore_mem>>) {add = true}
      %add3A_92 = arith.constant 5 : i32
      %add3A_93 = arith.addi %mul3A_52, %add3A_92 : i32
      %dma_start3A_94 = arith.constant 0 : i32
      %dma_start3A_95 = tpu.memref_slice %arg7[%add3A_93, %dma_start3A_94] : memref<96x128xi32, #tpu.memory_space<vmem>> -> memref<1x128xi32, #tpu.memory_space<vmem>>
      %dma_start3A_96 = tpu.memref_squeeze %dma_start3A_95 : memref<1x128xi32, #tpu.memory_space<vmem>> -> memref<128xi32, #tpu.memory_space<vmem>>
      %dma_start3A_97 = arith.constant 0 : i32
      %dma_start3A_98 = arith.constant 0 : i32
      %dma_start3A_99 = tpu.memref_slice %arg6[%dma_start3A_97, %dma_start3A_98] : memref<10112x16xf32, #tpu.memory_space<vmem_shared>> -> memref<10112x16xf32, #tpu.memory_space<vmem_shared>>
      tpu.enqueue_indirect_dma source(%arg8 : memref<128x16xf32, #tpu.memory_space<vmem>>) target(%dma_start3A_99 : memref<10112x16xf32, #tpu.memory_space<vmem_shared>>) offsets(%dma_start3A_96 : memref<128xi32, #tpu.memory_space<vmem>>) semaphore(%arg9 : memref<!tpu.dma_semaphore, #tpu.memory_space<semaphore_mem>>) {add = true}
      %add3A_100 = arith.constant 6 : i32
      %add3A_101 = arith.addi %mul3A_52, %add3A_100 : i32
      %dma_start3A_102 = arith.constant 0 : i32
      %dma_start3A_103 = tpu.memref_slice %arg7[%add3A_101, %dma_start3A_102] : memref<96x128xi32, #tpu.memory_space<vmem>> -> memref<1x128xi32, #tpu.memory_space<vmem>>
      %dma_start3A_104 = tpu.memref_squeeze %dma_start3A_103 : memref<1x128xi32, #tpu.memory_space<vmem>> -> memref<128xi32, #tpu.memory_space<vmem>>
      %dma_start3A_105 = arith.constant 0 : i32
      %dma_start3A_106 = arith.constant 0 : i32
      %dma_start3A_107 = tpu.memref_slice %arg6[%dma_start3A_105, %dma_start3A_106] : memref<10112x16xf32, #tpu.memory_space<vmem_shared>> -> memref<10112x16xf32, #tpu.memory_space<vmem_shared>>
      tpu.enqueue_indirect_dma source(%arg8 : memref<128x16xf32, #tpu.memory_space<vmem>>) target(%dma_start3A_107 : memref<10112x16xf32, #tpu.memory_space<vmem_shared>>) offsets(%dma_start3A_104 : memref<128xi32, #tpu.memory_space<vmem>>) semaphore(%arg9 : memref<!tpu.dma_semaphore, #tpu.memory_space<semaphore_mem>>) {add = true}
      %add3A_108 = arith.constant 7 : i32
      %add3A_109 = arith.addi %mul3A_52, %add3A_108 : i32
      %dma_start3A_110 = arith.constant 0 : i32
      %dma_start3A_111 = tpu.memref_slice %arg7[%add3A_109, %dma_start3A_110] : memref<96x128xi32, #tpu.memory_space<vmem>> -> memref<1x128xi32, #tpu.memory_space<vmem>>
      %dma_start3A_112 = tpu.memref_squeeze %dma_start3A_111 : memref<1x128xi32, #tpu.memory_space<vmem>> -> memref<128xi32, #tpu.memory_space<vmem>>
      %dma_start3A_113 = arith.constant 0 : i32
      %dma_start3A_114 = arith.constant 0 : i32
      %dma_start3A_115 = tpu.memref_slice %arg6[%dma_start3A_113, %dma_start3A_114] : memref<10112x16xf32, #tpu.memory_space<vmem_shared>> -> memref<10112x16xf32, #tpu.memory_space<vmem_shared>>
      tpu.enqueue_indirect_dma source(%arg8 : memref<128x16xf32, #tpu.memory_space<vmem>>) target(%dma_start3A_115 : memref<10112x16xf32, #tpu.memory_space<vmem_shared>>) offsets(%dma_start3A_112 : memref<128xi32, #tpu.memory_space<vmem>>) semaphore(%arg9 : memref<!tpu.dma_semaphore, #tpu.memory_space<semaphore_mem>>) {add = true}
      %add3A_116 = arith.constant 0 : i32
      %add3A_117 = arith.addi %mul3A_52, %add3A_116 : i32
      %dma_wait3A = arith.constant 0 : i32
      %dma_wait3A_118 = tpu.memref_slice %arg7[%add3A_117, %dma_wait3A] : memref<96x128xi32, #tpu.memory_space<vmem>> -> memref<1x128xi32, #tpu.memory_space<vmem>>
      %dma_wait3A_119 = tpu.memref_squeeze %dma_wait3A_118 : memref<1x128xi32, #tpu.memory_space<vmem>> -> memref<128xi32, #tpu.memory_space<vmem>>
      %dma_wait3A_120 = arith.constant 0 : i32
      %dma_wait3A_121 = arith.constant 0 : i32
      %dma_wait3A_122 = tpu.memref_slice %arg6[%dma_wait3A_120, %dma_wait3A_121] : memref<10112x16xf32, #tpu.memory_space<vmem_shared>> -> memref<10112x16xf32, #tpu.memory_space<vmem_shared>>
      tpu.wait_indirect_dma semaphore(%arg9 : memref<!tpu.dma_semaphore, #tpu.memory_space<semaphore_mem>>) src(%arg8 : memref<128x16xf32, #tpu.memory_space<vmem>>) dst(%dma_wait3A_122 : memref<10112x16xf32, #tpu.memory_space<vmem_shared>>)
      %add3A_123 = arith.constant 1 : i32
      %add3A_124 = arith.addi %mul3A_52, %add3A_123 : i32
      %dma_wait3A_125 = arith.constant 0 : i32
      %dma_wait3A_126 = tpu.memref_slice %arg7[%add3A_124, %dma_wait3A_125] : memref<96x128xi32, #tpu.memory_space<vmem>> -> memref<1x128xi32, #tpu.memory_space<vmem>>
      %dma_wait3A_127 = tpu.memref_squeeze %dma_wait3A_126 : memref<1x128xi32, #tpu.memory_space<vmem>> -> memref<128xi32, #tpu.memory_space<vmem>>
      %dma_wait3A_128 = arith.constant 0 : i32
      %dma_wait3A_129 = arith.constant 0 : i32
      %dma_wait3A_130 = tpu.memref_slice %arg6[%dma_wait3A_128, %dma_wait3A_129] : memref<10112x16xf32, #tpu.memory_space<vmem_shared>> -> memref<10112x16xf32, #tpu.memory_space<vmem_shared>>
      tpu.wait_indirect_dma semaphore(%arg9 : memref<!tpu.dma_semaphore, #tpu.memory_space<semaphore_mem>>) src(%arg8 : memref<128x16xf32, #tpu.memory_space<vmem>>) dst(%dma_wait3A_130 : memref<10112x16xf32, #tpu.memory_space<vmem_shared>>)
      %add3A_131 = arith.constant 2 : i32
      %add3A_132 = arith.addi %mul3A_52, %add3A_131 : i32
      %dma_wait3A_133 = arith.constant 0 : i32
      %dma_wait3A_134 = tpu.memref_slice %arg7[%add3A_132, %dma_wait3A_133] : memref<96x128xi32, #tpu.memory_space<vmem>> -> memref<1x128xi32, #tpu.memory_space<vmem>>
      %dma_wait3A_135 = tpu.memref_squeeze %dma_wait3A_134 : memref<1x128xi32, #tpu.memory_space<vmem>> -> memref<128xi32, #tpu.memory_space<vmem>>
      %dma_wait3A_136 = arith.constant 0 : i32
      %dma_wait3A_137 = arith.constant 0 : i32
      %dma_wait3A_138 = tpu.memref_slice %arg6[%dma_wait3A_136, %dma_wait3A_137] : memref<10112x16xf32, #tpu.memory_space<vmem_shared>> -> memref<10112x16xf32, #tpu.memory_space<vmem_shared>>
      tpu.wait_indirect_dma semaphore(%arg9 : memref<!tpu.dma_semaphore, #tpu.memory_space<semaphore_mem>>) src(%arg8 : memref<128x16xf32, #tpu.memory_space<vmem>>) dst(%dma_wait3A_138 : memref<10112x16xf32, #tpu.memory_space<vmem_shared>>)
      %add3A_139 = arith.constant 3 : i32
      %add3A_140 = arith.addi %mul3A_52, %add3A_139 : i32
      %dma_wait3A_141 = arith.constant 0 : i32
      %dma_wait3A_142 = tpu.memref_slice %arg7[%add3A_140, %dma_wait3A_141] : memref<96x128xi32, #tpu.memory_space<vmem>> -> memref<1x128xi32, #tpu.memory_space<vmem>>
      %dma_wait3A_143 = tpu.memref_squeeze %dma_wait3A_142 : memref<1x128xi32, #tpu.memory_space<vmem>> -> memref<128xi32, #tpu.memory_space<vmem>>
      %dma_wait3A_144 = arith.constant 0 : i32
      %dma_wait3A_145 = arith.constant 0 : i32
      %dma_wait3A_146 = tpu.memref_slice %arg6[%dma_wait3A_144, %dma_wait3A_145] : memref<10112x16xf32, #tpu.memory_space<vmem_shared>> -> memref<10112x16xf32, #tpu.memory_space<vmem_shared>>
      tpu.wait_indirect_dma semaphore(%arg9 : memref<!tpu.dma_semaphore, #tpu.memory_space<semaphore_mem>>) src(%arg8 : memref<128x16xf32, #tpu.memory_space<vmem>>) dst(%dma_wait3A_146 : memref<10112x16xf32, #tpu.memory_space<vmem_shared>>)
      %add3A_147 = arith.constant 4 : i32
      %add3A_148 = arith.addi %mul3A_52, %add3A_147 : i32
      %dma_wait3A_149 = arith.constant 0 : i32
      %dma_wait3A_150 = tpu.memref_slice %arg7[%add3A_148, %dma_wait3A_149] : memref<96x128xi32, #tpu.memory_space<vmem>> -> memref<1x128xi32, #tpu.memory_space<vmem>>
      %dma_wait3A_151 = tpu.memref_squeeze %dma_wait3A_150 : memref<1x128xi32, #tpu.memory_space<vmem>> -> memref<128xi32, #tpu.memory_space<vmem>>
      %dma_wait3A_152 = arith.constant 0 : i32
      %dma_wait3A_153 = arith.constant 0 : i32
      %dma_wait3A_154 = tpu.memref_slice %arg6[%dma_wait3A_152, %dma_wait3A_153] : memref<10112x16xf32, #tpu.memory_space<vmem_shared>> -> memref<10112x16xf32, #tpu.memory_space<vmem_shared>>
      tpu.wait_indirect_dma semaphore(%arg9 : memref<!tpu.dma_semaphore, #tpu.memory_space<semaphore_mem>>) src(%arg8 : memref<128x16xf32, #tpu.memory_space<vmem>>) dst(%dma_wait3A_154 : memref<10112x16xf32, #tpu.memory_space<vmem_shared>>)
      %add3A_155 = arith.constant 5 : i32
      %add3A_156 = arith.addi %mul3A_52, %add3A_155 : i32
      %dma_wait3A_157 = arith.constant 0 : i32
      %dma_wait3A_158 = tpu.memref_slice %arg7[%add3A_156, %dma_wait3A_157] : memref<96x128xi32, #tpu.memory_space<vmem>> -> memref<1x128xi32, #tpu.memory_space<vmem>>
      %dma_wait3A_159 = tpu.memref_squeeze %dma_wait3A_158 : memref<1x128xi32, #tpu.memory_space<vmem>> -> memref<128xi32, #tpu.memory_space<vmem>>
      %dma_wait3A_160 = arith.constant 0 : i32
      %dma_wait3A_161 = arith.constant 0 : i32
      %dma_wait3A_162 = tpu.memref_slice %arg6[%dma_wait3A_160, %dma_wait3A_161] : memref<10112x16xf32, #tpu.memory_space<vmem_shared>> -> memref<10112x16xf32, #tpu.memory_space<vmem_shared>>
      tpu.wait_indirect_dma semaphore(%arg9 : memref<!tpu.dma_semaphore, #tpu.memory_space<semaphore_mem>>) src(%arg8 : memref<128x16xf32, #tpu.memory_space<vmem>>) dst(%dma_wait3A_162 : memref<10112x16xf32, #tpu.memory_space<vmem_shared>>)
      %add3A_163 = arith.constant 6 : i32
      %add3A_164 = arith.addi %mul3A_52, %add3A_163 : i32
      %dma_wait3A_165 = arith.constant 0 : i32
      %dma_wait3A_166 = tpu.memref_slice %arg7[%add3A_164, %dma_wait3A_165] : memref<96x128xi32, #tpu.memory_space<vmem>> -> memref<1x128xi32, #tpu.memory_space<vmem>>
      %dma_wait3A_167 = tpu.memref_squeeze %dma_wait3A_166 : memref<1x128xi32, #tpu.memory_space<vmem>> -> memref<128xi32, #tpu.memory_space<vmem>>
      %dma_wait3A_168 = arith.constant 0 : i32
      %dma_wait3A_169 = arith.constant 0 : i32
      %dma_wait3A_170 = tpu.memref_slice %arg6[%dma_wait3A_168, %dma_wait3A_169] : memref<10112x16xf32, #tpu.memory_space<vmem_shared>> -> memref<10112x16xf32, #tpu.memory_space<vmem_shared>>
      tpu.wait_indirect_dma semaphore(%arg9 : memref<!tpu.dma_semaphore, #tpu.memory_space<semaphore_mem>>) src(%arg8 : memref<128x16xf32, #tpu.memory_space<vmem>>) dst(%dma_wait3A_170 : memref<10112x16xf32, #tpu.memory_space<vmem_shared>>)
      %add3A_171 = arith.constant 7 : i32
      %add3A_172 = arith.addi %mul3A_52, %add3A_171 : i32
      %dma_wait3A_173 = arith.constant 0 : i32
      %dma_wait3A_174 = tpu.memref_slice %arg7[%add3A_172, %dma_wait3A_173] : memref<96x128xi32, #tpu.memory_space<vmem>> -> memref<1x128xi32, #tpu.memory_space<vmem>>
      %dma_wait3A_175 = tpu.memref_squeeze %dma_wait3A_174 : memref<1x128xi32, #tpu.memory_space<vmem>> -> memref<128xi32, #tpu.memory_space<vmem>>
      %dma_wait3A_176 = arith.constant 0 : i32
      %dma_wait3A_177 = arith.constant 0 : i32
      %dma_wait3A_178 = tpu.memref_slice %arg6[%dma_wait3A_176, %dma_wait3A_177] : memref<10112x16xf32, #tpu.memory_space<vmem_shared>> -> memref<10112x16xf32, #tpu.memory_space<vmem_shared>>
      tpu.wait_indirect_dma semaphore(%arg9 : memref<!tpu.dma_semaphore, #tpu.memory_space<semaphore_mem>>) src(%arg8 : memref<128x16xf32, #tpu.memory_space<vmem>>) dst(%dma_wait3A_178 : memref<10112x16xf32, #tpu.memory_space<vmem_shared>>)
    }
    %while3A_46 = arith.constant 1 : i32
    scf.for %while3A_48 = %while3A_44 to %while3A_40 step %while3A_46  : i32 {
      %mul3A_49 = arith.muli %while3A_48, %while3A : i32
      %add3A_50 = arith.addi %while3A_37, %mul3A_49 : i32
      %mul3A_51 = arith.constant 8 : i32
      %mul3A_52 = arith.muli %add3A_50, %mul3A_51 : i32
      %add3A_53 = arith.constant 0 : i32
      %add3A_54 = arith.addi %mul3A_52, %add3A_53 : i32
      %dma_start3A = arith.constant 0 : i32
      %dma_start3A_55 = tpu.memref_slice %arg7[%add3A_54, %dma_start3A] : memref<96x128xi32, #tpu.memory_space<vmem>> -> memref<1x128xi32, #tpu.memory_space<vmem>>
      %dma_start3A_56 = tpu.memref_squeeze %dma_start3A_55 : memref<1x128xi32, #tpu.memory_space<vmem>> -> memref<128xi32, #tpu.memory_space<vmem>>
      %dma_start3A_57 = arith.constant 0 : i32
      %dma_start3A_58 = arith.constant 0 : i32
      %dma_start3A_59 = tpu.memref_slice %arg6[%dma_start3A_57, %dma_start3A_58] : memref<10112x16xf32, #tpu.memory_space<vmem_shared>> -> memref<10112x16xf32, #tpu.memory_space<vmem_shared>>
      tpu.enqueue_indirect_dma source(%arg8 : memref<128x16xf32, #tpu.memory_space<vmem>>) target(%dma_start3A_59 : memref<10112x16xf32, #tpu.memory_space<vmem_shared>>) offsets(%dma_start3A_56 : memref<128xi32, #tpu.memory_space<vmem>>) semaphore(%arg9 : memref<!tpu.dma_semaphore, #tpu.memory_space<semaphore_mem>>) {add = true}
      %add3A_60 = arith.constant 1 : i32
      %add3A_61 = arith.addi %mul3A_52, %add3A_60 : i32
      %dma_start3A_62 = arith.constant 0 : i32
      %dma_start3A_63 = tpu.memref_slice %arg7[%add3A_61, %dma_start3A_62] : memref<96x128xi32, #tpu.memory_space<vmem>> -> memref<1x128xi32, #tpu.memory_space<vmem>>
      %dma_start3A_64 = tpu.memref_squeeze %dma_start3A_63 : memref<1x128xi32, #tpu.memory_space<vmem>> -> memref<128xi32, #tpu.memory_space<vmem>>
      %dma_start3A_65 = arith.constant 0 : i32
      %dma_start3A_66 = arith.constant 0 : i32
      %dma_start3A_67 = tpu.memref_slice %arg6[%dma_start3A_65, %dma_start3A_66] : memref<10112x16xf32, #tpu.memory_space<vmem_shared>> -> memref<10112x16xf32, #tpu.memory_space<vmem_shared>>
      tpu.enqueue_indirect_dma source(%arg8 : memref<128x16xf32, #tpu.memory_space<vmem>>) target(%dma_start3A_67 : memref<10112x16xf32, #tpu.memory_space<vmem_shared>>) offsets(%dma_start3A_64 : memref<128xi32, #tpu.memory_space<vmem>>) semaphore(%arg9 : memref<!tpu.dma_semaphore, #tpu.memory_space<semaphore_mem>>) {add = true}
      %add3A_68 = arith.constant 2 : i32
      %add3A_69 = arith.addi %mul3A_52, %add3A_68 : i32
      %dma_start3A_70 = arith.constant 0 : i32
      %dma_start3A_71 = tpu.memref_slice %arg7[%add3A_69, %dma_start3A_70] : memref<96x128xi32, #tpu.memory_space<vmem>> -> memref<1x128xi32, #tpu.memory_space<vmem>>
      %dma_start3A_72 = tpu.memref_squeeze %dma_start3A_71 : memref<1x128xi32, #tpu.memory_space<vmem>> -> memref<128xi32, #tpu.memory_space<vmem>>
      %dma_start3A_73 = arith.constant 0 : i32
      %dma_start3A_74 = arith.constant 0 : i32
      %dma_start3A_75 = tpu.memref_slice %arg6[%dma_start3A_73, %dma_start3A_74] : memref<10112x16xf32, #tpu.memory_space<vmem_shared>> -> memref<10112x16xf32, #tpu.memory_space<vmem_shared>>
      tpu.enqueue_indirect_dma source(%arg8 : memref<128x16xf32, #tpu.memory_space<vmem>>) target(%dma_start3A_75 : memref<10112x16xf32, #tpu.memory_space<vmem_shared>>) offsets(%dma_start3A_72 : memref<128xi32, #tpu.memory_space<vmem>>) semaphore(%arg9 : memref<!tpu.dma_semaphore, #tpu.memory_space<semaphore_mem>>) {add = true}
      %add3A_76 = arith.constant 3 : i32
      %add3A_77 = arith.addi %mul3A_52, %add3A_76 : i32
      %dma_start3A_78 = arith.constant 0 : i32
      %dma_start3A_79 = tpu.memref_slice %arg7[%add3A_77, %dma_start3A_78] : memref<96x128xi32, #tpu.memory_space<vmem>> -> memref<1x128xi32, #tpu.memory_space<vmem>>
      %dma_start3A_80 = tpu.memref_squeeze %dma_start3A_79 : memref<1x128xi32, #tpu.memory_space<vmem>> -> memref<128xi32, #tpu.memory_space<vmem>>
      %dma_start3A_81 = arith.constant 0 : i32
      %dma_start3A_82 = arith.constant 0 : i32
      %dma_start3A_83 = tpu.memref_slice %arg6[%dma_start3A_81, %dma_start3A_82] : memref<10112x16xf32, #tpu.memory_space<vmem_shared>> -> memref<10112x16xf32, #tpu.memory_space<vmem_shared>>
      tpu.enqueue_indirect_dma source(%arg8 : memref<128x16xf32, #tpu.memory_space<vmem>>) target(%dma_start3A_83 : memref<10112x16xf32, #tpu.memory_space<vmem_shared>>) offsets(%dma_start3A_80 : memref<128xi32, #tpu.memory_space<vmem>>) semaphore(%arg9 : memref<!tpu.dma_semaphore, #tpu.memory_space<semaphore_mem>>) {add = true}
      %add3A_84 = arith.constant 4 : i32
      %add3A_85 = arith.addi %mul3A_52, %add3A_84 : i32
      %dma_start3A_86 = arith.constant 0 : i32
      %dma_start3A_87 = tpu.memref_slice %arg7[%add3A_85, %dma_start3A_86] : memref<96x128xi32, #tpu.memory_space<vmem>> -> memref<1x128xi32, #tpu.memory_space<vmem>>
      %dma_start3A_88 = tpu.memref_squeeze %dma_start3A_87 : memref<1x128xi32, #tpu.memory_space<vmem>> -> memref<128xi32, #tpu.memory_space<vmem>>
      %dma_start3A_89 = arith.constant 0 : i32
      %dma_start3A_90 = arith.constant 0 : i32
      %dma_start3A_91 = tpu.memref_slice %arg6[%dma_start3A_89, %dma_start3A_90] : memref<10112x16xf32, #tpu.memory_space<vmem_shared>> -> memref<10112x16xf32, #tpu.memory_space<vmem_shared>>
      tpu.enqueue_indirect_dma source(%arg8 : memref<128x16xf32, #tpu.memory_space<vmem>>) target(%dma_start3A_91 : memref<10112x16xf32, #tpu.memory_space<vmem_shared>>) offsets(%dma_start3A_88 : memref<128xi32, #tpu.memory_space<vmem>>) semaphore(%arg9 : memref<!tpu.dma_semaphore, #tpu.memory_space<semaphore_mem>>) {add = true}
      %add3A_92 = arith.constant 5 : i32
      %add3A_93 = arith.addi %mul3A_52, %add3A_92 : i32
      %dma_start3A_94 = arith.constant 0 : i32
      %dma_start3A_95 = tpu.memref_slice %arg7[%add3A_93, %dma_start3A_94] : memref<96x128xi32, #tpu.memory_space<vmem>> -> memref<1x128xi32, #tpu.memory_space<vmem>>
      %dma_start3A_96 = tpu.memref_squeeze %dma_start3A_95 : memref<1x128xi32, #tpu.memory_space<vmem>> -> memref<128xi32, #tpu.memory_space<vmem>>
      %dma_start3A_97 = arith.constant 0 : i32
      %dma_start3A_98 = arith.constant 0 : i32
      %dma_start3A_99 = tpu.memref_slice %arg6[%dma_start3A_97, %dma_start3A_98] : memref<10112x16xf32, #tpu.memory_space<vmem_shared>> -> memref<10112x16xf32, #tpu.memory_space<vmem_shared>>
      tpu.enqueue_indirect_dma source(%arg8 : memref<128x16xf32, #tpu.memory_space<vmem>>) target(%dma_start3A_99 : memref<10112x16xf32, #tpu.memory_space<vmem_shared>>) offsets(%dma_start3A_96 : memref<128xi32, #tpu.memory_space<vmem>>) semaphore(%arg9 : memref<!tpu.dma_semaphore, #tpu.memory_space<semaphore_mem>>) {add = true}
      %add3A_100 = arith.constant 6 : i32
      %add3A_101 = arith.addi %mul3A_52, %add3A_100 : i32
      %dma_start3A_102 = arith.constant 0 : i32
      %dma_start3A_103 = tpu.memref_slice %arg7[%add3A_101, %dma_start3A_102] : memref<96x128xi32, #tpu.memory_space<vmem>> -> memref<1x128xi32, #tpu.memory_space<vmem>>
      %dma_start3A_104 = tpu.memref_squeeze %dma_start3A_103 : memref<1x128xi32, #tpu.memory_space<vmem>> -> memref<128xi32, #tpu.memory_space<vmem>>
      %dma_start3A_105 = arith.constant 0 : i32
      %dma_start3A_106 = arith.constant 0 : i32
      %dma_start3A_107 = tpu.memref_slice %arg6[%dma_start3A_105, %dma_start3A_106] : memref<10112x16xf32, #tpu.memory_space<vmem_shared>> -> memref<10112x16xf32, #tpu.memory_space<vmem_shared>>
      tpu.enqueue_indirect_dma source(%arg8 : memref<128x16xf32, #tpu.memory_space<vmem>>) target(%dma_start3A_107 : memref<10112x16xf32, #tpu.memory_space<vmem_shared>>) offsets(%dma_start3A_104 : memref<128xi32, #tpu.memory_space<vmem>>) semaphore(%arg9 : memref<!tpu.dma_semaphore, #tpu.memory_space<semaphore_mem>>) {add = true}
      %add3A_108 = arith.constant 7 : i32
      %add3A_109 = arith.addi %mul3A_52, %add3A_108 : i32
      %dma_start3A_110 = arith.constant 0 : i32
      %dma_start3A_111 = tpu.memref_slice %arg7[%add3A_109, %dma_start3A_110] : memref<96x128xi32, #tpu.memory_space<vmem>> -> memref<1x128xi32, #tpu.memory_space<vmem>>
      %dma_start3A_112 = tpu.memref_squeeze %dma_start3A_111 : memref<1x128xi32, #tpu.memory_space<vmem>> -> memref<128xi32, #tpu.memory_space<vmem>>
      %dma_start3A_113 = arith.constant 0 : i32
      %dma_start3A_114 = arith.constant 0 : i32
      %dma_start3A_115 = tpu.memref_slice %arg6[%dma_start3A_113, %dma_start3A_114] : memref<10112x16xf32, #tpu.memory_space<vmem_shared>> -> memref<10112x16xf32, #tpu.memory_space<vmem_shared>>
      tpu.enqueue_indirect_dma source(%arg8 : memref<128x16xf32, #tpu.memory_space<vmem>>) target(%dma_start3A_115 : memref<10112x16xf32, #tpu.memory_space<vmem_shared>>) offsets(%dma_start3A_112 : memref<128xi32, #tpu.memory_space<vmem>>) semaphore(%arg9 : memref<!tpu.dma_semaphore, #tpu.memory_space<semaphore_mem>>) {add = true}
      %add3A_116 = arith.constant 0 : i32
      %add3A_117 = arith.addi %mul3A_52, %add3A_116 : i32
      %dma_wait3A = arith.constant 0 : i32
      %dma_wait3A_118 = tpu.memref_slice %arg7[%add3A_117, %dma_wait3A] : memref<96x128xi32, #tpu.memory_space<vmem>> -> memref<1x128xi32, #tpu.memory_space<vmem>>
      %dma_wait3A_119 = tpu.memref_squeeze %dma_wait3A_118 : memref<1x128xi32, #tpu.memory_space<vmem>> -> memref<128xi32, #tpu.memory_space<vmem>>
      %dma_wait3A_120 = arith.constant 0 : i32
      %dma_wait3A_121 = arith.constant 0 : i32
      %dma_wait3A_122 = tpu.memref_slice %arg6[%dma_wait3A_120, %dma_wait3A_121] : memref<10112x16xf32, #tpu.memory_space<vmem_shared>> -> memref<10112x16xf32, #tpu.memory_space<vmem_shared>>
      tpu.wait_indirect_dma semaphore(%arg9 : memref<!tpu.dma_semaphore, #tpu.memory_space<semaphore_mem>>) src(%arg8 : memref<128x16xf32, #tpu.memory_space<vmem>>) dst(%dma_wait3A_122 : memref<10112x16xf32, #tpu.memory_space<vmem_shared>>)
      %add3A_123 = arith.constant 1 : i32
      %add3A_124 = arith.addi %mul3A_52, %add3A_123 : i32
      %dma_wait3A_125 = arith.constant 0 : i32
      %dma_wait3A_126 = tpu.memref_slice %arg7[%add3A_124, %dma_wait3A_125] : memref<96x128xi32, #tpu.memory_space<vmem>> -> memref<1x128xi32, #tpu.memory_space<vmem>>
      %dma_wait3A_127 = tpu.memref_squeeze %dma_wait3A_126 : memref<1x128xi32, #tpu.memory_space<vmem>> -> memref<128xi32, #tpu.memory_space<vmem>>
      %dma_wait3A_128 = arith.constant 0 : i32
      %dma_wait3A_129 = arith.constant 0 : i32
      %dma_wait3A_130 = tpu.memref_slice %arg6[%dma_wait3A_128, %dma_wait3A_129] : memref<10112x16xf32, #tpu.memory_space<vmem_shared>> -> memref<10112x16xf32, #tpu.memory_space<vmem_shared>>
      tpu.wait_indirect_dma semaphore(%arg9 : memref<!tpu.dma_semaphore, #tpu.memory_space<semaphore_mem>>) src(%arg8 : memref<128x16xf32, #tpu.memory_space<vmem>>) dst(%dma_wait3A_130 : memref<10112x16xf32, #tpu.memory_space<vmem_shared>>)
      %add3A_131 = arith.constant 2 : i32
      %add3A_132 = arith.addi %mul3A_52, %add3A_131 : i32
      %dma_wait3A_133 = arith.constant 0 : i32
      %dma_wait3A_134 = tpu.memref_slice %arg7[%add3A_132, %dma_wait3A_133] : memref<96x128xi32, #tpu.memory_space<vmem>> -> memref<1x128xi32, #tpu.memory_space<vmem>>
      %dma_wait3A_135 = tpu.memref_squeeze %dma_wait3A_134 : memref<1x128xi32, #tpu.memory_space<vmem>> -> memref<128xi32, #tpu.memory_space<vmem>>
      %dma_wait3A_136 = arith.constant 0 : i32
      %dma_wait3A_137 = arith.constant 0 : i32
      %dma_wait3A_138 = tpu.memref_slice %arg6[%dma_wait3A_136, %dma_wait3A_137] : memref<10112x16xf32, #tpu.memory_space<vmem_shared>> -> memref<10112x16xf32, #tpu.memory_space<vmem_shared>>
      tpu.wait_indirect_dma semaphore(%arg9 : memref<!tpu.dma_semaphore, #tpu.memory_space<semaphore_mem>>) src(%arg8 : memref<128x16xf32, #tpu.memory_space<vmem>>) dst(%dma_wait3A_138 : memref<10112x16xf32, #tpu.memory_space<vmem_shared>>)
      %add3A_139 = arith.constant 3 : i32
      %add3A_140 = arith.addi %mul3A_52, %add3A_139 : i32
      %dma_wait3A_141 = arith.constant 0 : i32
      %dma_wait3A_142 = tpu.memref_slice %arg7[%add3A_140, %dma_wait3A_141] : memref<96x128xi32, #tpu.memory_space<vmem>> -> memref<1x128xi32, #tpu.memory_space<vmem>>
      %dma_wait3A_143 = tpu.memref_squeeze %dma_wait3A_142 : memref<1x128xi32, #tpu.memory_space<vmem>> -> memref<128xi32, #tpu.memory_space<vmem>>
      %dma_wait3A_144 = arith.constant 0 : i32
      %dma_wait3A_145 = arith.constant 0 : i32
      %dma_wait3A_146 = tpu.memref_slice %arg6[%dma_wait3A_144, %dma_wait3A_145] : memref<10112x16xf32, #tpu.memory_space<vmem_shared>> -> memref<10112x16xf32, #tpu.memory_space<vmem_shared>>
      tpu.wait_indirect_dma semaphore(%arg9 : memref<!tpu.dma_semaphore, #tpu.memory_space<semaphore_mem>>) src(%arg8 : memref<128x16xf32, #tpu.memory_space<vmem>>) dst(%dma_wait3A_146 : memref<10112x16xf32, #tpu.memory_space<vmem_shared>>)
      %add3A_147 = arith.constant 4 : i32
      %add3A_148 = arith.addi %mul3A_52, %add3A_147 : i32
      %dma_wait3A_149 = arith.constant 0 : i32
      %dma_wait3A_150 = tpu.memref_slice %arg7[%add3A_148, %dma_wait3A_149] : memref<96x128xi32, #tpu.memory_space<vmem>> -> memref<1x128xi32, #tpu.memory_space<vmem>>
      %dma_wait3A_151 = tpu.memref_squeeze %dma_wait3A_150 : memref<1x128xi32, #tpu.memory_space<vmem>> -> memref<128xi32, #tpu.memory_space<vmem>>
      %dma_wait3A_152 = arith.constant 0 : i32
      %dma_wait3A_153 = arith.constant 0 : i32
      %dma_wait3A_154 = tpu.memref_slice %arg6[%dma_wait3A_152, %dma_wait3A_153] : memref<10112x16xf32, #tpu.memory_space<vmem_shared>> -> memref<10112x16xf32, #tpu.memory_space<vmem_shared>>
      tpu.wait_indirect_dma semaphore(%arg9 : memref<!tpu.dma_semaphore, #tpu.memory_space<semaphore_mem>>) src(%arg8 : memref<128x16xf32, #tpu.memory_space<vmem>>) dst(%dma_wait3A_154 : memref<10112x16xf32, #tpu.memory_space<vmem_shared>>)
      %add3A_155 = arith.constant 5 : i32
      %add3A_156 = arith.addi %mul3A_52, %add3A_155 : i32
      %dma_wait3A_157 = arith.constant 0 : i32
      %dma_wait3A_158 = tpu.memref_slice %arg7[%add3A_156, %dma_wait3A_157] : memref<96x128xi32, #tpu.memory_space<vmem>> -> memref<1x128xi32, #tpu.memory_space<vmem>>
      %dma_wait3A_159 = tpu.memref_squeeze %dma_wait3A_158 : memref<1x128xi32, #tpu.memory_space<vmem>> -> memref<128xi32, #tpu.memory_space<vmem>>
      %dma_wait3A_160 = arith.constant 0 : i32
      %dma_wait3A_161 = arith.constant 0 : i32
      %dma_wait3A_162 = tpu.memref_slice %arg6[%dma_wait3A_160, %dma_wait3A_161] : memref<10112x16xf32, #tpu.memory_space<vmem_shared>> -> memref<10112x16xf32, #tpu.memory_space<vmem_shared>>
      tpu.wait_indirect_dma semaphore(%arg9 : memref<!tpu.dma_semaphore, #tpu.memory_space<semaphore_mem>>) src(%arg8 : memref<128x16xf32, #tpu.memory_space<vmem>>) dst(%dma_wait3A_162 : memref<10112x16xf32, #tpu.memory_space<vmem_shared>>)
      %add3A_163 = arith.constant 6 : i32
      %add3A_164 = arith.addi %mul3A_52, %add3A_163 : i32
      %dma_wait3A_165 = arith.constant 0 : i32
      %dma_wait3A_166 = tpu.memref_slice %arg7[%add3A_164, %dma_wait3A_165] : memref<96x128xi32, #tpu.memory_space<vmem>> -> memref<1x128xi32, #tpu.memory_space<vmem>>
      %dma_wait3A_167 = tpu.memref_squeeze %dma_wait3A_166 : memref<1x128xi32, #tpu.memory_space<vmem>> -> memref<128xi32, #tpu.memory_space<vmem>>
      %dma_wait3A_168 = arith.constant 0 : i32
      %dma_wait3A_169 = arith.constant 0 : i32
      %dma_wait3A_170 = tpu.memref_slice %arg6[%dma_wait3A_168, %dma_wait3A_169] : memref<10112x16xf32, #tpu.memory_space<vmem_shared>> -> memref<10112x16xf32, #tpu.memory_space<vmem_shared>>
      tpu.wait_indirect_dma semaphore(%arg9 : memref<!tpu.dma_semaphore, #tpu.memory_space<semaphore_mem>>) src(%arg8 : memref<128x16xf32, #tpu.memory_space<vmem>>) dst(%dma_wait3A_170 : memref<10112x16xf32, #tpu.memory_space<vmem_shared>>)
      %add3A_171 = arith.constant 7 : i32
      %add3A_172 = arith.addi %mul3A_52, %add3A_171 : i32
      %dma_wait3A_173 = arith.constant 0 : i32
      %dma_wait3A_174 = tpu.memref_slice %arg7[%add3A_172, %dma_wait3A_173] : memref<96x128xi32, #tpu.memory_space<vmem>> -> memref<1x128xi32, #tpu.memory_space<vmem>>
      %dma_wait3A_175 = tpu.memref_squeeze %dma_wait3A_174 : memref<1x128xi32, #tpu.memory_space<vmem>> -> memref<128xi32, #tpu.memory_space<vmem>>
      %dma_wait3A_176 = arith.constant 0 : i32
      %dma_wait3A_177 = arith.constant 0 : i32
      %dma_wait3A_178 = tpu.memref_slice %arg6[%dma_wait3A_176, %dma_wait3A_177] : memref<10112x16xf32, #tpu.memory_space<vmem_shared>> -> memref<10112x16xf32, #tpu.memory_space<vmem_shared>>
      tpu.wait_indirect_dma semaphore(%arg9 : memref<!tpu.dma_semaphore, #tpu.memory_space<semaphore_mem>>) src(%arg8 : memref<128x16xf32, #tpu.memory_space<vmem>>) dst(%dma_wait3A_178 : memref<10112x16xf32, #tpu.memory_space<vmem_shared>>)
    }
    %barrier3A_47 = arith.constant 0 : index
    tpu.barrier barrier_id(%barrier3A_47)
    "tpu.region"() ({
      %run_scoped3A = tpu.sem_alloc : memref<!tpu.dma_semaphore, #tpu.memory_space<semaphore_mem>>
      %dma_start3A = arith.constant 0 : i32
      %dma_start3A_48 = tpu.memref_slice %arg5[%arg0, %mul3A_10, %dma_start3A] : memref<2x10112x16xf32, #tpu.memory_space<hbm>> -> memref<1x632x16xf32, #tpu.memory_space<hbm>>
      %dma_start3A_49 = tpu.memref_squeeze %dma_start3A_48 : memref<1x632x16xf32, #tpu.memory_space<hbm>> -> memref<632x16xf32, #tpu.memory_space<hbm>>
      %dma_start3A_50 = arith.constant 0 : i32
      %dma_start3A_51 = tpu.memref_slice %arg6[%mul3A_10, %dma_start3A_50] : memref<10112x16xf32, #tpu.memory_space<vmem_shared>> -> memref<632x16xf32, #tpu.memory_space<vmem_shared>>
      tpu.enqueue_dma source(%dma_start3A_51 : memref<632x16xf32, #tpu.memory_space<vmem_shared>>) target(%dma_start3A_49 : memref<632x16xf32, #tpu.memory_space<hbm>>) target_semaphore(%run_scoped3A : memref<!tpu.dma_semaphore, #tpu.memory_space<semaphore_mem>>)
      %dma_wait3A = arith.constant 0 : i32
      %dma_wait3A_52 = tpu.memref_slice %arg5[%arg0, %mul3A_10, %dma_wait3A] : memref<2x10112x16xf32, #tpu.memory_space<hbm>> -> memref<1x632x16xf32, #tpu.memory_space<hbm>>
      %dma_wait3A_53 = tpu.memref_squeeze %dma_wait3A_52 : memref<1x632x16xf32, #tpu.memory_space<hbm>> -> memref<632x16xf32, #tpu.memory_space<hbm>>
      %dma_wait3A_54 = arith.constant 0 : i32
      %dma_wait3A_55 = tpu.memref_slice %arg6[%mul3A_10, %dma_wait3A_54] : memref<10112x16xf32, #tpu.memory_space<vmem_shared>> -> memref<632x16xf32, #tpu.memory_space<vmem_shared>>
      tpu.wait_dma2 semaphore(%run_scoped3A : memref<!tpu.dma_semaphore, #tpu.memory_space<semaphore_mem>>) src(%dma_wait3A_55 : memref<632x16xf32, #tpu.memory_space<vmem_shared>>) dst(%dma_wait3A_53 : memref<632x16xf32, #tpu.memory_space<hbm>>)
      tpu.yield
    }) : () -> ()
    return
  }
}

#map = affine_map<(d0, d1) -> (0, 0)>
#map1 = affine_map<(d0, d1) -> (0, 0, 0)>
module attributes {stable_mosaic.version = 14 : i64} {
  func.func @_edge_pass_kernel(%arg0: i32, %arg1: i32, %arg2: memref<10112x16xf32, #tpu.memory_space<hbm>>, %arg3: memref<2592x128xi32, #tpu.memory_space<hbm>>, %arg4: memref<2592x128xi32, #tpu.memory_space<hbm>>, %arg5: memref<10112x16xf32, #tpu.memory_space<hbm>>, %arg6: memref<2x10112x16xf32, #tpu.memory_space<hbm>>, %arg7: memref<10112x16xf32, #tpu.memory_space<vmem_shared>>, %arg8: memref<10112x16xf32, #tpu.memory_space<vmem_shared>>, %arg9: memref<96x128xi32, #tpu.memory_space<vmem>>, %arg10: memref<96x128xi32, #tpu.memory_space<vmem>>, %arg11: memref<128x16xf32, #tpu.memory_space<vmem>>, %arg12: memref<128x16xf32, #tpu.memory_space<vmem>>, %arg13: memref<128x16xf32, #tpu.memory_space<vmem>>, %arg14: memref<128x16xf32, #tpu.memory_space<vmem>>, %arg15: memref<128x16xf32, #tpu.memory_space<vmem>>, %arg16: memref<128x16xf32, #tpu.memory_space<vmem>>, %arg17: memref<128x16xf32, #tpu.memory_space<vmem>>, %arg18: memref<128x16xf32, #tpu.memory_space<vmem>>, %arg19: memref<!tpu.dma_semaphore, #tpu.memory_space<semaphore_mem>>, %arg20: memref<!tpu.dma_semaphore, #tpu.memory_space<semaphore_mem>>, %arg21: memref<!tpu.dma_semaphore, #tpu.memory_space<semaphore_mem>>, %arg22: memref<!tpu.dma_semaphore, #tpu.memory_space<semaphore_mem>>, %arg23: memref<!tpu.dma_semaphore, #tpu.memory_space<semaphore_mem>>, %arg24: memref<!tpu.dma_semaphore, #tpu.memory_space<semaphore_mem>>, %arg25: memref<!tpu.dma_semaphore, #tpu.memory_space<semaphore_mem>>, %arg26: memref<!tpu.dma_semaphore, #tpu.memory_space<semaphore_mem>>, %arg27: memref<!tpu.dma_semaphore, #tpu.memory_space<semaphore_mem>>, %arg28: memref<!tpu.dma_semaphore, #tpu.memory_space<semaphore_mem>>, %arg29: memref<!tpu.dma_semaphore, #tpu.memory_space<semaphore_mem>>, %arg30: memref<!tpu.dma_semaphore, #tpu.memory_space<semaphore_mem>>, %arg31: memref<!tpu.dma_semaphore, #tpu.memory_space<semaphore_mem>>, %arg32: memref<!tpu.dma_semaphore, #tpu.memory_space<semaphore_mem>>, %arg33: memref<!tpu.dma_semaphore, #tpu.memory_space<semaphore_mem>>, %arg34: memref<!tpu.dma_semaphore, #tpu.memory_space<semaphore_mem>>) attributes {dimension_semantics = [#tpu.dimension_semantics<core_parallel>, #tpu.dimension_semantics<subcore_parallel>], iteration_bounds = array<i64: 2, 16>, scalar_prefetch = 0 : i64, scratch_operands = 28 : i64, tpu.core_type = #tpu.core_type<sc_vector_subcore>, window_params = [{transform_indices = #map}, {transform_indices = #map}, {transform_indices = #map}, {transform_indices = #map}, {transform_indices = #map1}]} {
    %eq3A = arith.constant 0 : i32
    %eq3A_0 = arith.cmpi eq, %arg0, %eq3A : i32
    %jit3A = arith.constant 96 : i32
    %jit3A_1 = arith.constant 64 : i32
    %select_n3A = arith.select %eq3A_0, %jit3A, %jit3A_1 : i32
    %mul3A = arith.constant 96 : i32
    %mul3A_2 = arith.muli %arg1, %mul3A : i32
    %mul3A_3 = arith.constant 1536 : i32
    %mul3A_4 = arith.muli %arg0, %mul3A_3 : i32
    %add3A = arith.addi %mul3A_2, %mul3A_4 : i32
    %mul3A_5 = arith.muli %arg0, %arg1 : i32
    %mul3A_6 = arith.constant -32 : i32
    %mul3A_7 = arith.muli %mul3A_5, %mul3A_6 : i32
    %add3A_8 = arith.addi %add3A, %mul3A_7 : i32
    %mul3A_9 = arith.constant 632 : i32
    %mul3A_10 = arith.muli %arg1, %mul3A_9 : i32
    "tpu.region"() ({
      %run_scoped3A = tpu.sem_alloc : memref<!tpu.dma_semaphore, #tpu.memory_space<semaphore_mem>>
      %dma_start3A_522 = arith.constant 0 : i32
      %dma_start3A_523 = tpu.memref_slice %arg7[%mul3A_10, %dma_start3A_522] : memref<10112x16xf32, #tpu.memory_space<vmem_shared>> -> memref<632x16xf32, #tpu.memory_space<vmem_shared>>
      %dma_start3A_524 = arith.constant 0 : i32
      %dma_start3A_525 = tpu.memref_slice %arg5[%mul3A_10, %dma_start3A_524] : memref<10112x16xf32, #tpu.memory_space<hbm>> -> memref<632x16xf32, #tpu.memory_space<hbm>>
      tpu.enqueue_dma source(%dma_start3A_525 : memref<632x16xf32, #tpu.memory_space<hbm>>) target(%dma_start3A_523 : memref<632x16xf32, #tpu.memory_space<vmem_shared>>) target_semaphore(%run_scoped3A : memref<!tpu.dma_semaphore, #tpu.memory_space<semaphore_mem>>)
      %dma_wait3A_526 = arith.constant 0 : i32
      %dma_wait3A_527 = tpu.memref_slice %arg7[%mul3A_10, %dma_wait3A_526] : memref<10112x16xf32, #tpu.memory_space<vmem_shared>> -> memref<632x16xf32, #tpu.memory_space<vmem_shared>>
      %dma_wait3A_528 = arith.constant 0 : i32
      %dma_wait3A_529 = tpu.memref_slice %arg5[%mul3A_10, %dma_wait3A_528] : memref<10112x16xf32, #tpu.memory_space<hbm>> -> memref<632x16xf32, #tpu.memory_space<hbm>>
      tpu.wait_dma2 semaphore(%run_scoped3A : memref<!tpu.dma_semaphore, #tpu.memory_space<semaphore_mem>>) src(%dma_wait3A_529 : memref<632x16xf32, #tpu.memory_space<hbm>>) dst(%dma_wait3A_527 : memref<632x16xf32, #tpu.memory_space<vmem_shared>>)
      tpu.yield
    }) : () -> ()
    "tpu.region"() ({
      %run_scoped3A = tpu.sem_alloc : memref<!tpu.dma_semaphore, #tpu.memory_space<semaphore_mem>>
      %dma_start3A_522 = arith.constant 0 : i32
      %dma_start3A_523 = tpu.memref_slice %arg8[%mul3A_10, %dma_start3A_522] : memref<10112x16xf32, #tpu.memory_space<vmem_shared>> -> memref<632x16xf32, #tpu.memory_space<vmem_shared>>
      %dma_start3A_524 = arith.constant 0 : i32
      %dma_start3A_525 = tpu.memref_slice %arg2[%mul3A_10, %dma_start3A_524] : memref<10112x16xf32, #tpu.memory_space<hbm>> -> memref<632x16xf32, #tpu.memory_space<hbm>>
      tpu.enqueue_dma source(%dma_start3A_525 : memref<632x16xf32, #tpu.memory_space<hbm>>) target(%dma_start3A_523 : memref<632x16xf32, #tpu.memory_space<vmem_shared>>) target_semaphore(%run_scoped3A : memref<!tpu.dma_semaphore, #tpu.memory_space<semaphore_mem>>)
      %dma_wait3A_526 = arith.constant 0 : i32
      %dma_wait3A_527 = tpu.memref_slice %arg8[%mul3A_10, %dma_wait3A_526] : memref<10112x16xf32, #tpu.memory_space<vmem_shared>> -> memref<632x16xf32, #tpu.memory_space<vmem_shared>>
      %dma_wait3A_528 = arith.constant 0 : i32
      %dma_wait3A_529 = tpu.memref_slice %arg2[%mul3A_10, %dma_wait3A_528] : memref<10112x16xf32, #tpu.memory_space<hbm>> -> memref<632x16xf32, #tpu.memory_space<hbm>>
      tpu.wait_dma2 semaphore(%run_scoped3A : memref<!tpu.dma_semaphore, #tpu.memory_space<semaphore_mem>>) src(%dma_wait3A_529 : memref<632x16xf32, #tpu.memory_space<hbm>>) dst(%dma_wait3A_527 : memref<632x16xf32, #tpu.memory_space<vmem_shared>>)
      tpu.yield
    }) : () -> ()
    "tpu.region"() ({
      %run_scoped3A = tpu.sem_alloc : memref<!tpu.dma_semaphore, #tpu.memory_space<semaphore_mem>>
      %dma_start3A_522 = arith.constant 0 : i32
      %dma_start3A_523 = tpu.memref_slice %arg3[%add3A_8, %dma_start3A_522] : memref<2592x128xi32, #tpu.memory_space<hbm>> -> memref<96x128xi32, #tpu.memory_space<hbm>>
      %dma_start3A_524 = arith.constant 0 : i32
      %dma_start3A_525 = tpu.memref_slice %arg3[%add3A_8, %dma_start3A_524] : memref<2592x128xi32, #tpu.memory_space<hbm>> -> memref<96x128xi32, #tpu.memory_space<hbm>>
      tpu.enqueue_dma source(%dma_start3A_525 : memref<96x128xi32, #tpu.memory_space<hbm>>) target(%arg9 : memref<96x128xi32, #tpu.memory_space<vmem>>) target_semaphore(%run_scoped3A : memref<!tpu.dma_semaphore, #tpu.memory_space<semaphore_mem>>)
      %dma_wait3A_526 = arith.constant 0 : i32
      %dma_wait3A_527 = tpu.memref_slice %arg3[%add3A_8, %dma_wait3A_526] : memref<2592x128xi32, #tpu.memory_space<hbm>> -> memref<96x128xi32, #tpu.memory_space<hbm>>
      %dma_wait3A_528 = arith.constant 0 : i32
      %dma_wait3A_529 = tpu.memref_slice %arg3[%add3A_8, %dma_wait3A_528] : memref<2592x128xi32, #tpu.memory_space<hbm>> -> memref<96x128xi32, #tpu.memory_space<hbm>>
      tpu.wait_dma2 semaphore(%run_scoped3A : memref<!tpu.dma_semaphore, #tpu.memory_space<semaphore_mem>>) src(%dma_wait3A_529 : memref<96x128xi32, #tpu.memory_space<hbm>>) dst(%arg9 : memref<96x128xi32, #tpu.memory_space<vmem>>)
      tpu.yield
    }) : () -> ()
    "tpu.region"() ({
      %run_scoped3A = tpu.sem_alloc : memref<!tpu.dma_semaphore, #tpu.memory_space<semaphore_mem>>
      %dma_start3A_522 = arith.constant 0 : i32
      %dma_start3A_523 = tpu.memref_slice %arg4[%add3A_8, %dma_start3A_522] : memref<2592x128xi32, #tpu.memory_space<hbm>> -> memref<96x128xi32, #tpu.memory_space<hbm>>
      %dma_start3A_524 = arith.constant 0 : i32
      %dma_start3A_525 = tpu.memref_slice %arg4[%add3A_8, %dma_start3A_524] : memref<2592x128xi32, #tpu.memory_space<hbm>> -> memref<96x128xi32, #tpu.memory_space<hbm>>
      tpu.enqueue_dma source(%dma_start3A_525 : memref<96x128xi32, #tpu.memory_space<hbm>>) target(%arg10 : memref<96x128xi32, #tpu.memory_space<vmem>>) target_semaphore(%run_scoped3A : memref<!tpu.dma_semaphore, #tpu.memory_space<semaphore_mem>>)
      %dma_wait3A_526 = arith.constant 0 : i32
      %dma_wait3A_527 = tpu.memref_slice %arg4[%add3A_8, %dma_wait3A_526] : memref<2592x128xi32, #tpu.memory_space<hbm>> -> memref<96x128xi32, #tpu.memory_space<hbm>>
      %dma_wait3A_528 = arith.constant 0 : i32
      %dma_wait3A_529 = tpu.memref_slice %arg4[%add3A_8, %dma_wait3A_528] : memref<2592x128xi32, #tpu.memory_space<hbm>> -> memref<96x128xi32, #tpu.memory_space<hbm>>
      tpu.wait_dma2 semaphore(%run_scoped3A : memref<!tpu.dma_semaphore, #tpu.memory_space<semaphore_mem>>) src(%dma_wait3A_529 : memref<96x128xi32, #tpu.memory_space<hbm>>) dst(%arg10 : memref<96x128xi32, #tpu.memory_space<vmem>>)
      tpu.yield
    }) : () -> ()
    %barrier3A = arith.constant 0 : index
    tpu.barrier barrier_id(%barrier3A)
    %dma_start3A = arith.constant 0 : i32
    %dma_start3A_11 = arith.constant 0 : i32
    %dma_start3A_12 = tpu.memref_slice %arg9[%dma_start3A, %dma_start3A_11] : memref<96x128xi32, #tpu.memory_space<vmem>> -> memref<1x128xi32, #tpu.memory_space<vmem>>
    %dma_start3A_13 = tpu.memref_squeeze %dma_start3A_12 : memref<1x128xi32, #tpu.memory_space<vmem>> -> memref<128xi32, #tpu.memory_space<vmem>>
    %dma_start3A_14 = arith.constant 0 : i32
    %dma_start3A_15 = arith.constant 0 : i32
    %dma_start3A_16 = tpu.memref_slice %arg8[%dma_start3A_14, %dma_start3A_15] : memref<10112x16xf32, #tpu.memory_space<vmem_shared>> -> memref<10112x16xf32, #tpu.memory_space<vmem_shared>>
    tpu.enqueue_indirect_dma source(%dma_start3A_16 : memref<10112x16xf32, #tpu.memory_space<vmem_shared>>) target(%arg11 : memref<128x16xf32, #tpu.memory_space<vmem>>) offsets(%dma_start3A_13 : memref<128xi32, #tpu.memory_space<vmem>>) semaphore(%arg19 : memref<!tpu.dma_semaphore, #tpu.memory_space<semaphore_mem>>)
    %dma_start3A_17 = arith.constant 1 : i32
    %dma_start3A_18 = arith.constant 0 : i32
    %dma_start3A_19 = tpu.memref_slice %arg9[%dma_start3A_17, %dma_start3A_18] : memref<96x128xi32, #tpu.memory_space<vmem>> -> memref<1x128xi32, #tpu.memory_space<vmem>>
    %dma_start3A_20 = tpu.memref_squeeze %dma_start3A_19 : memref<1x128xi32, #tpu.memory_space<vmem>> -> memref<128xi32, #tpu.memory_space<vmem>>
    %dma_start3A_21 = arith.constant 0 : i32
    %dma_start3A_22 = arith.constant 0 : i32
    %dma_start3A_23 = tpu.memref_slice %arg8[%dma_start3A_21, %dma_start3A_22] : memref<10112x16xf32, #tpu.memory_space<vmem_shared>> -> memref<10112x16xf32, #tpu.memory_space<vmem_shared>>
    tpu.enqueue_indirect_dma source(%dma_start3A_23 : memref<10112x16xf32, #tpu.memory_space<vmem_shared>>) target(%arg12 : memref<128x16xf32, #tpu.memory_space<vmem>>) offsets(%dma_start3A_20 : memref<128xi32, #tpu.memory_space<vmem>>) semaphore(%arg20 : memref<!tpu.dma_semaphore, #tpu.memory_space<semaphore_mem>>)
    %dma_start3A_24 = arith.constant 2 : i32
    %dma_start3A_25 = arith.constant 0 : i32
    %dma_start3A_26 = tpu.memref_slice %arg9[%dma_start3A_24, %dma_start3A_25] : memref<96x128xi32, #tpu.memory_space<vmem>> -> memref<1x128xi32, #tpu.memory_space<vmem>>
    %dma_start3A_27 = tpu.memref_squeeze %dma_start3A_26 : memref<1x128xi32, #tpu.memory_space<vmem>> -> memref<128xi32, #tpu.memory_space<vmem>>
    %dma_start3A_28 = arith.constant 0 : i32
    %dma_start3A_29 = arith.constant 0 : i32
    %dma_start3A_30 = tpu.memref_slice %arg8[%dma_start3A_28, %dma_start3A_29] : memref<10112x16xf32, #tpu.memory_space<vmem_shared>> -> memref<10112x16xf32, #tpu.memory_space<vmem_shared>>
    tpu.enqueue_indirect_dma source(%dma_start3A_30 : memref<10112x16xf32, #tpu.memory_space<vmem_shared>>) target(%arg13 : memref<128x16xf32, #tpu.memory_space<vmem>>) offsets(%dma_start3A_27 : memref<128xi32, #tpu.memory_space<vmem>>) semaphore(%arg21 : memref<!tpu.dma_semaphore, #tpu.memory_space<semaphore_mem>>)
    %dma_start3A_31 = arith.constant 3 : i32
    %dma_start3A_32 = arith.constant 0 : i32
    %dma_start3A_33 = tpu.memref_slice %arg9[%dma_start3A_31, %dma_start3A_32] : memref<96x128xi32, #tpu.memory_space<vmem>> -> memref<1x128xi32, #tpu.memory_space<vmem>>
    %dma_start3A_34 = tpu.memref_squeeze %dma_start3A_33 : memref<1x128xi32, #tpu.memory_space<vmem>> -> memref<128xi32, #tpu.memory_space<vmem>>
    %dma_start3A_35 = arith.constant 0 : i32
    %dma_start3A_36 = arith.constant 0 : i32
    %dma_start3A_37 = tpu.memref_slice %arg8[%dma_start3A_35, %dma_start3A_36] : memref<10112x16xf32, #tpu.memory_space<vmem_shared>> -> memref<10112x16xf32, #tpu.memory_space<vmem_shared>>
    tpu.enqueue_indirect_dma source(%dma_start3A_37 : memref<10112x16xf32, #tpu.memory_space<vmem_shared>>) target(%arg14 : memref<128x16xf32, #tpu.memory_space<vmem>>) offsets(%dma_start3A_34 : memref<128xi32, #tpu.memory_space<vmem>>) semaphore(%arg22 : memref<!tpu.dma_semaphore, #tpu.memory_space<semaphore_mem>>)
    %dma_wait3A = arith.constant 0 : i32
    %dma_wait3A_38 = arith.constant 0 : i32
    %dma_wait3A_39 = tpu.memref_slice %arg9[%dma_wait3A, %dma_wait3A_38] : memref<96x128xi32, #tpu.memory_space<vmem>> -> memref<1x128xi32, #tpu.memory_space<vmem>>
    %dma_wait3A_40 = tpu.memref_squeeze %dma_wait3A_39 : memref<1x128xi32, #tpu.memory_space<vmem>> -> memref<128xi32, #tpu.memory_space<vmem>>
    %dma_wait3A_41 = arith.constant 0 : i32
    %dma_wait3A_42 = arith.constant 0 : i32
    %dma_wait3A_43 = tpu.memref_slice %arg8[%dma_wait3A_41, %dma_wait3A_42] : memref<10112x16xf32, #tpu.memory_space<vmem_shared>> -> memref<10112x16xf32, #tpu.memory_space<vmem_shared>>
    tpu.wait_indirect_dma semaphore(%arg19 : memref<!tpu.dma_semaphore, #tpu.memory_space<semaphore_mem>>) src(%dma_wait3A_43 : memref<10112x16xf32, #tpu.memory_space<vmem_shared>>) dst(%arg11 : memref<128x16xf32, #tpu.memory_space<vmem>>)
    %dma_start3A_44 = arith.constant 0 : i32
    %dma_start3A_45 = arith.constant 0 : i32
    %dma_start3A_46 = tpu.memref_slice %arg10[%dma_start3A_44, %dma_start3A_45] : memref<96x128xi32, #tpu.memory_space<vmem>> -> memref<1x128xi32, #tpu.memory_space<vmem>>
    %dma_start3A_47 = tpu.memref_squeeze %dma_start3A_46 : memref<1x128xi32, #tpu.memory_space<vmem>> -> memref<128xi32, #tpu.memory_space<vmem>>
    %dma_start3A_48 = arith.constant 0 : i32
    %dma_start3A_49 = arith.constant 0 : i32
    %dma_start3A_50 = tpu.memref_slice %arg7[%dma_start3A_48, %dma_start3A_49] : memref<10112x16xf32, #tpu.memory_space<vmem_shared>> -> memref<10112x16xf32, #tpu.memory_space<vmem_shared>>
    tpu.enqueue_indirect_dma source(%arg11 : memref<128x16xf32, #tpu.memory_space<vmem>>) target(%dma_start3A_50 : memref<10112x16xf32, #tpu.memory_space<vmem_shared>>) offsets(%dma_start3A_47 : memref<128xi32, #tpu.memory_space<vmem>>) semaphore(%arg27 : memref<!tpu.dma_semaphore, #tpu.memory_space<semaphore_mem>>) {add = true}
    %dma_start3A_51 = arith.constant 4 : i32
    %dma_start3A_52 = arith.constant 0 : i32
    %dma_start3A_53 = tpu.memref_slice %arg9[%dma_start3A_51, %dma_start3A_52] : memref<96x128xi32, #tpu.memory_space<vmem>> -> memref<1x128xi32, #tpu.memory_space<vmem>>
    %dma_start3A_54 = tpu.memref_squeeze %dma_start3A_53 : memref<1x128xi32, #tpu.memory_space<vmem>> -> memref<128xi32, #tpu.memory_space<vmem>>
    %dma_start3A_55 = arith.constant 0 : i32
    %dma_start3A_56 = arith.constant 0 : i32
    %dma_start3A_57 = tpu.memref_slice %arg8[%dma_start3A_55, %dma_start3A_56] : memref<10112x16xf32, #tpu.memory_space<vmem_shared>> -> memref<10112x16xf32, #tpu.memory_space<vmem_shared>>
    tpu.enqueue_indirect_dma source(%dma_start3A_57 : memref<10112x16xf32, #tpu.memory_space<vmem_shared>>) target(%arg15 : memref<128x16xf32, #tpu.memory_space<vmem>>) offsets(%dma_start3A_54 : memref<128xi32, #tpu.memory_space<vmem>>) semaphore(%arg23 : memref<!tpu.dma_semaphore, #tpu.memory_space<semaphore_mem>>)
    %dma_wait3A_58 = arith.constant 1 : i32
    %dma_wait3A_59 = arith.constant 0 : i32
    %dma_wait3A_60 = tpu.memref_slice %arg9[%dma_wait3A_58, %dma_wait3A_59] : memref<96x128xi32, #tpu.memory_space<vmem>> -> memref<1x128xi32, #tpu.memory_space<vmem>>
    %dma_wait3A_61 = tpu.memref_squeeze %dma_wait3A_60 : memref<1x128xi32, #tpu.memory_space<vmem>> -> memref<128xi32, #tpu.memory_space<vmem>>
    %dma_wait3A_62 = arith.constant 0 : i32
    %dma_wait3A_63 = arith.constant 0 : i32
    %dma_wait3A_64 = tpu.memref_slice %arg8[%dma_wait3A_62, %dma_wait3A_63] : memref<10112x16xf32, #tpu.memory_space<vmem_shared>> -> memref<10112x16xf32, #tpu.memory_space<vmem_shared>>
    tpu.wait_indirect_dma semaphore(%arg20 : memref<!tpu.dma_semaphore, #tpu.memory_space<semaphore_mem>>) src(%dma_wait3A_64 : memref<10112x16xf32, #tpu.memory_space<vmem_shared>>) dst(%arg12 : memref<128x16xf32, #tpu.memory_space<vmem>>)
    %dma_start3A_65 = arith.constant 1 : i32
    %dma_start3A_66 = arith.constant 0 : i32
    %dma_start3A_67 = tpu.memref_slice %arg10[%dma_start3A_65, %dma_start3A_66] : memref<96x128xi32, #tpu.memory_space<vmem>> -> memref<1x128xi32, #tpu.memory_space<vmem>>
    %dma_start3A_68 = tpu.memref_squeeze %dma_start3A_67 : memref<1x128xi32, #tpu.memory_space<vmem>> -> memref<128xi32, #tpu.memory_space<vmem>>
    %dma_start3A_69 = arith.constant 0 : i32
    %dma_start3A_70 = arith.constant 0 : i32
    %dma_start3A_71 = tpu.memref_slice %arg7[%dma_start3A_69, %dma_start3A_70] : memref<10112x16xf32, #tpu.memory_space<vmem_shared>> -> memref<10112x16xf32, #tpu.memory_space<vmem_shared>>
    tpu.enqueue_indirect_dma source(%arg12 : memref<128x16xf32, #tpu.memory_space<vmem>>) target(%dma_start3A_71 : memref<10112x16xf32, #tpu.memory_space<vmem_shared>>) offsets(%dma_start3A_68 : memref<128xi32, #tpu.memory_space<vmem>>) semaphore(%arg28 : memref<!tpu.dma_semaphore, #tpu.memory_space<semaphore_mem>>) {add = true}
    %dma_start3A_72 = arith.constant 5 : i32
    %dma_start3A_73 = arith.constant 0 : i32
    %dma_start3A_74 = tpu.memref_slice %arg9[%dma_start3A_72, %dma_start3A_73] : memref<96x128xi32, #tpu.memory_space<vmem>> -> memref<1x128xi32, #tpu.memory_space<vmem>>
    %dma_start3A_75 = tpu.memref_squeeze %dma_start3A_74 : memref<1x128xi32, #tpu.memory_space<vmem>> -> memref<128xi32, #tpu.memory_space<vmem>>
    %dma_start3A_76 = arith.constant 0 : i32
    %dma_start3A_77 = arith.constant 0 : i32
    %dma_start3A_78 = tpu.memref_slice %arg8[%dma_start3A_76, %dma_start3A_77] : memref<10112x16xf32, #tpu.memory_space<vmem_shared>> -> memref<10112x16xf32, #tpu.memory_space<vmem_shared>>
    tpu.enqueue_indirect_dma source(%dma_start3A_78 : memref<10112x16xf32, #tpu.memory_space<vmem_shared>>) target(%arg16 : memref<128x16xf32, #tpu.memory_space<vmem>>) offsets(%dma_start3A_75 : memref<128xi32, #tpu.memory_space<vmem>>) semaphore(%arg24 : memref<!tpu.dma_semaphore, #tpu.memory_space<semaphore_mem>>)
    %dma_wait3A_79 = arith.constant 2 : i32
    %dma_wait3A_80 = arith.constant 0 : i32
    %dma_wait3A_81 = tpu.memref_slice %arg9[%dma_wait3A_79, %dma_wait3A_80] : memref<96x128xi32, #tpu.memory_space<vmem>> -> memref<1x128xi32, #tpu.memory_space<vmem>>
    %dma_wait3A_82 = tpu.memref_squeeze %dma_wait3A_81 : memref<1x128xi32, #tpu.memory_space<vmem>> -> memref<128xi32, #tpu.memory_space<vmem>>
    %dma_wait3A_83 = arith.constant 0 : i32
    %dma_wait3A_84 = arith.constant 0 : i32
    %dma_wait3A_85 = tpu.memref_slice %arg8[%dma_wait3A_83, %dma_wait3A_84] : memref<10112x16xf32, #tpu.memory_space<vmem_shared>> -> memref<10112x16xf32, #tpu.memory_space<vmem_shared>>
    tpu.wait_indirect_dma semaphore(%arg21 : memref<!tpu.dma_semaphore, #tpu.memory_space<semaphore_mem>>) src(%dma_wait3A_85 : memref<10112x16xf32, #tpu.memory_space<vmem_shared>>) dst(%arg13 : memref<128x16xf32, #tpu.memory_space<vmem>>)
    %dma_start3A_86 = arith.constant 2 : i32
    %dma_start3A_87 = arith.constant 0 : i32
    %dma_start3A_88 = tpu.memref_slice %arg10[%dma_start3A_86, %dma_start3A_87] : memref<96x128xi32, #tpu.memory_space<vmem>> -> memref<1x128xi32, #tpu.memory_space<vmem>>
    %dma_start3A_89 = tpu.memref_squeeze %dma_start3A_88 : memref<1x128xi32, #tpu.memory_space<vmem>> -> memref<128xi32, #tpu.memory_space<vmem>>
    %dma_start3A_90 = arith.constant 0 : i32
    %dma_start3A_91 = arith.constant 0 : i32
    %dma_start3A_92 = tpu.memref_slice %arg7[%dma_start3A_90, %dma_start3A_91] : memref<10112x16xf32, #tpu.memory_space<vmem_shared>> -> memref<10112x16xf32, #tpu.memory_space<vmem_shared>>
    tpu.enqueue_indirect_dma source(%arg13 : memref<128x16xf32, #tpu.memory_space<vmem>>) target(%dma_start3A_92 : memref<10112x16xf32, #tpu.memory_space<vmem_shared>>) offsets(%dma_start3A_89 : memref<128xi32, #tpu.memory_space<vmem>>) semaphore(%arg29 : memref<!tpu.dma_semaphore, #tpu.memory_space<semaphore_mem>>) {add = true}
    %dma_start3A_93 = arith.constant 6 : i32
    %dma_start3A_94 = arith.constant 0 : i32
    %dma_start3A_95 = tpu.memref_slice %arg9[%dma_start3A_93, %dma_start3A_94] : memref<96x128xi32, #tpu.memory_space<vmem>> -> memref<1x128xi32, #tpu.memory_space<vmem>>
    %dma_start3A_96 = tpu.memref_squeeze %dma_start3A_95 : memref<1x128xi32, #tpu.memory_space<vmem>> -> memref<128xi32, #tpu.memory_space<vmem>>
    %dma_start3A_97 = arith.constant 0 : i32
    %dma_start3A_98 = arith.constant 0 : i32
    %dma_start3A_99 = tpu.memref_slice %arg8[%dma_start3A_97, %dma_start3A_98] : memref<10112x16xf32, #tpu.memory_space<vmem_shared>> -> memref<10112x16xf32, #tpu.memory_space<vmem_shared>>
    tpu.enqueue_indirect_dma source(%dma_start3A_99 : memref<10112x16xf32, #tpu.memory_space<vmem_shared>>) target(%arg17 : memref<128x16xf32, #tpu.memory_space<vmem>>) offsets(%dma_start3A_96 : memref<128xi32, #tpu.memory_space<vmem>>) semaphore(%arg25 : memref<!tpu.dma_semaphore, #tpu.memory_space<semaphore_mem>>)
    %dma_wait3A_100 = arith.constant 3 : i32
    %dma_wait3A_101 = arith.constant 0 : i32
    %dma_wait3A_102 = tpu.memref_slice %arg9[%dma_wait3A_100, %dma_wait3A_101] : memref<96x128xi32, #tpu.memory_space<vmem>> -> memref<1x128xi32, #tpu.memory_space<vmem>>
    %dma_wait3A_103 = tpu.memref_squeeze %dma_wait3A_102 : memref<1x128xi32, #tpu.memory_space<vmem>> -> memref<128xi32, #tpu.memory_space<vmem>>
    %dma_wait3A_104 = arith.constant 0 : i32
    %dma_wait3A_105 = arith.constant 0 : i32
    %dma_wait3A_106 = tpu.memref_slice %arg8[%dma_wait3A_104, %dma_wait3A_105] : memref<10112x16xf32, #tpu.memory_space<vmem_shared>> -> memref<10112x16xf32, #tpu.memory_space<vmem_shared>>
    tpu.wait_indirect_dma semaphore(%arg22 : memref<!tpu.dma_semaphore, #tpu.memory_space<semaphore_mem>>) src(%dma_wait3A_106 : memref<10112x16xf32, #tpu.memory_space<vmem_shared>>) dst(%arg14 : memref<128x16xf32, #tpu.memory_space<vmem>>)
    %dma_start3A_107 = arith.constant 3 : i32
    %dma_start3A_108 = arith.constant 0 : i32
    %dma_start3A_109 = tpu.memref_slice %arg10[%dma_start3A_107, %dma_start3A_108] : memref<96x128xi32, #tpu.memory_space<vmem>> -> memref<1x128xi32, #tpu.memory_space<vmem>>
    %dma_start3A_110 = tpu.memref_squeeze %dma_start3A_109 : memref<1x128xi32, #tpu.memory_space<vmem>> -> memref<128xi32, #tpu.memory_space<vmem>>
    %dma_start3A_111 = arith.constant 0 : i32
    %dma_start3A_112 = arith.constant 0 : i32
    %dma_start3A_113 = tpu.memref_slice %arg7[%dma_start3A_111, %dma_start3A_112] : memref<10112x16xf32, #tpu.memory_space<vmem_shared>> -> memref<10112x16xf32, #tpu.memory_space<vmem_shared>>
    tpu.enqueue_indirect_dma source(%arg14 : memref<128x16xf32, #tpu.memory_space<vmem>>) target(%dma_start3A_113 : memref<10112x16xf32, #tpu.memory_space<vmem_shared>>) offsets(%dma_start3A_110 : memref<128xi32, #tpu.memory_space<vmem>>) semaphore(%arg30 : memref<!tpu.dma_semaphore, #tpu.memory_space<semaphore_mem>>) {add = true}
    %dma_start3A_114 = arith.constant 7 : i32
    %dma_start3A_115 = arith.constant 0 : i32
    %dma_start3A_116 = tpu.memref_slice %arg9[%dma_start3A_114, %dma_start3A_115] : memref<96x128xi32, #tpu.memory_space<vmem>> -> memref<1x128xi32, #tpu.memory_space<vmem>>
    %dma_start3A_117 = tpu.memref_squeeze %dma_start3A_116 : memref<1x128xi32, #tpu.memory_space<vmem>> -> memref<128xi32, #tpu.memory_space<vmem>>
    %dma_start3A_118 = arith.constant 0 : i32
    %dma_start3A_119 = arith.constant 0 : i32
    %dma_start3A_120 = tpu.memref_slice %arg8[%dma_start3A_118, %dma_start3A_119] : memref<10112x16xf32, #tpu.memory_space<vmem_shared>> -> memref<10112x16xf32, #tpu.memory_space<vmem_shared>>
    tpu.enqueue_indirect_dma source(%dma_start3A_120 : memref<10112x16xf32, #tpu.memory_space<vmem_shared>>) target(%arg18 : memref<128x16xf32, #tpu.memory_space<vmem>>) offsets(%dma_start3A_117 : memref<128xi32, #tpu.memory_space<vmem>>) semaphore(%arg26 : memref<!tpu.dma_semaphore, #tpu.memory_space<semaphore_mem>>)
    %dma_wait3A_121 = arith.constant 4 : i32
    %dma_wait3A_122 = arith.constant 0 : i32
    %dma_wait3A_123 = tpu.memref_slice %arg9[%dma_wait3A_121, %dma_wait3A_122] : memref<96x128xi32, #tpu.memory_space<vmem>> -> memref<1x128xi32, #tpu.memory_space<vmem>>
    %dma_wait3A_124 = tpu.memref_squeeze %dma_wait3A_123 : memref<1x128xi32, #tpu.memory_space<vmem>> -> memref<128xi32, #tpu.memory_space<vmem>>
    %dma_wait3A_125 = arith.constant 0 : i32
    %dma_wait3A_126 = arith.constant 0 : i32
    %dma_wait3A_127 = tpu.memref_slice %arg8[%dma_wait3A_125, %dma_wait3A_126] : memref<10112x16xf32, #tpu.memory_space<vmem_shared>> -> memref<10112x16xf32, #tpu.memory_space<vmem_shared>>
    tpu.wait_indirect_dma semaphore(%arg23 : memref<!tpu.dma_semaphore, #tpu.memory_space<semaphore_mem>>) src(%dma_wait3A_127 : memref<10112x16xf32, #tpu.memory_space<vmem_shared>>) dst(%arg15 : memref<128x16xf32, #tpu.memory_space<vmem>>)
    %dma_start3A_128 = arith.constant 4 : i32
    %dma_start3A_129 = arith.constant 0 : i32
    %dma_start3A_130 = tpu.memref_slice %arg10[%dma_start3A_128, %dma_start3A_129] : memref<96x128xi32, #tpu.memory_space<vmem>> -> memref<1x128xi32, #tpu.memory_space<vmem>>
    %dma_start3A_131 = tpu.memref_squeeze %dma_start3A_130 : memref<1x128xi32, #tpu.memory_space<vmem>> -> memref<128xi32, #tpu.memory_space<vmem>>
    %dma_start3A_132 = arith.constant 0 : i32
    %dma_start3A_133 = arith.constant 0 : i32
    %dma_start3A_134 = tpu.memref_slice %arg7[%dma_start3A_132, %dma_start3A_133] : memref<10112x16xf32, #tpu.memory_space<vmem_shared>> -> memref<10112x16xf32, #tpu.memory_space<vmem_shared>>
    tpu.enqueue_indirect_dma source(%arg15 : memref<128x16xf32, #tpu.memory_space<vmem>>) target(%dma_start3A_134 : memref<10112x16xf32, #tpu.memory_space<vmem_shared>>) offsets(%dma_start3A_131 : memref<128xi32, #tpu.memory_space<vmem>>) semaphore(%arg31 : memref<!tpu.dma_semaphore, #tpu.memory_space<semaphore_mem>>) {add = true}
    %dma_wait3A_135 = arith.constant 0 : i32
    %dma_wait3A_136 = arith.constant 0 : i32
    %dma_wait3A_137 = tpu.memref_slice %arg10[%dma_wait3A_135, %dma_wait3A_136] : memref<96x128xi32, #tpu.memory_space<vmem>> -> memref<1x128xi32, #tpu.memory_space<vmem>>
    %dma_wait3A_138 = tpu.memref_squeeze %dma_wait3A_137 : memref<1x128xi32, #tpu.memory_space<vmem>> -> memref<128xi32, #tpu.memory_space<vmem>>
    %dma_wait3A_139 = arith.constant 0 : i32
    %dma_wait3A_140 = arith.constant 0 : i32
    %dma_wait3A_141 = tpu.memref_slice %arg7[%dma_wait3A_139, %dma_wait3A_140] : memref<10112x16xf32, #tpu.memory_space<vmem_shared>> -> memref<10112x16xf32, #tpu.memory_space<vmem_shared>>
    tpu.wait_indirect_dma semaphore(%arg27 : memref<!tpu.dma_semaphore, #tpu.memory_space<semaphore_mem>>) src(%arg11 : memref<128x16xf32, #tpu.memory_space<vmem>>) dst(%dma_wait3A_141 : memref<10112x16xf32, #tpu.memory_space<vmem_shared>>)
    %dma_start3A_142 = arith.constant 8 : i32
    %dma_start3A_143 = arith.constant 0 : i32
    %dma_start3A_144 = tpu.memref_slice %arg9[%dma_start3A_142, %dma_start3A_143] : memref<96x128xi32, #tpu.memory_space<vmem>> -> memref<1x128xi32, #tpu.memory_space<vmem>>
    %dma_start3A_145 = tpu.memref_squeeze %dma_start3A_144 : memref<1x128xi32, #tpu.memory_space<vmem>> -> memref<128xi32, #tpu.memory_space<vmem>>
    %dma_start3A_146 = arith.constant 0 : i32
    %dma_start3A_147 = arith.constant 0 : i32
    %dma_start3A_148 = tpu.memref_slice %arg8[%dma_start3A_146, %dma_start3A_147] : memref<10112x16xf32, #tpu.memory_space<vmem_shared>> -> memref<10112x16xf32, #tpu.memory_space<vmem_shared>>
    tpu.enqueue_indirect_dma source(%dma_start3A_148 : memref<10112x16xf32, #tpu.memory_space<vmem_shared>>) target(%arg11 : memref<128x16xf32, #tpu.memory_space<vmem>>) offsets(%dma_start3A_145 : memref<128xi32, #tpu.memory_space<vmem>>) semaphore(%arg19 : memref<!tpu.dma_semaphore, #tpu.memory_space<semaphore_mem>>)
    %dma_wait3A_149 = arith.constant 5 : i32
    %dma_wait3A_150 = arith.constant 0 : i32
    %dma_wait3A_151 = tpu.memref_slice %arg9[%dma_wait3A_149, %dma_wait3A_150] : memref<96x128xi32, #tpu.memory_space<vmem>> -> memref<1x128xi32, #tpu.memory_space<vmem>>
    %dma_wait3A_152 = tpu.memref_squeeze %dma_wait3A_151 : memref<1x128xi32, #tpu.memory_space<vmem>> -> memref<128xi32, #tpu.memory_space<vmem>>
    %dma_wait3A_153 = arith.constant 0 : i32
    %dma_wait3A_154 = arith.constant 0 : i32
    %dma_wait3A_155 = tpu.memref_slice %arg8[%dma_wait3A_153, %dma_wait3A_154] : memref<10112x16xf32, #tpu.memory_space<vmem_shared>> -> memref<10112x16xf32, #tpu.memory_space<vmem_shared>>
    tpu.wait_indirect_dma semaphore(%arg24 : memref<!tpu.dma_semaphore, #tpu.memory_space<semaphore_mem>>) src(%dma_wait3A_155 : memref<10112x16xf32, #tpu.memory_space<vmem_shared>>) dst(%arg16 : memref<128x16xf32, #tpu.memory_space<vmem>>)
    %dma_start3A_156 = arith.constant 5 : i32
    %dma_start3A_157 = arith.constant 0 : i32
    %dma_start3A_158 = tpu.memref_slice %arg10[%dma_start3A_156, %dma_start3A_157] : memref<96x128xi32, #tpu.memory_space<vmem>> -> memref<1x128xi32, #tpu.memory_space<vmem>>
    %dma_start3A_159 = tpu.memref_squeeze %dma_start3A_158 : memref<1x128xi32, #tpu.memory_space<vmem>> -> memref<128xi32, #tpu.memory_space<vmem>>
    %dma_start3A_160 = arith.constant 0 : i32
    %dma_start3A_161 = arith.constant 0 : i32
    %dma_start3A_162 = tpu.memref_slice %arg7[%dma_start3A_160, %dma_start3A_161] : memref<10112x16xf32, #tpu.memory_space<vmem_shared>> -> memref<10112x16xf32, #tpu.memory_space<vmem_shared>>
    tpu.enqueue_indirect_dma source(%arg16 : memref<128x16xf32, #tpu.memory_space<vmem>>) target(%dma_start3A_162 : memref<10112x16xf32, #tpu.memory_space<vmem_shared>>) offsets(%dma_start3A_159 : memref<128xi32, #tpu.memory_space<vmem>>) semaphore(%arg32 : memref<!tpu.dma_semaphore, #tpu.memory_space<semaphore_mem>>) {add = true}
    %dma_wait3A_163 = arith.constant 1 : i32
    %dma_wait3A_164 = arith.constant 0 : i32
    %dma_wait3A_165 = tpu.memref_slice %arg10[%dma_wait3A_163, %dma_wait3A_164] : memref<96x128xi32, #tpu.memory_space<vmem>> -> memref<1x128xi32, #tpu.memory_space<vmem>>
    %dma_wait3A_166 = tpu.memref_squeeze %dma_wait3A_165 : memref<1x128xi32, #tpu.memory_space<vmem>> -> memref<128xi32, #tpu.memory_space<vmem>>
    %dma_wait3A_167 = arith.constant 0 : i32
    %dma_wait3A_168 = arith.constant 0 : i32
    %dma_wait3A_169 = tpu.memref_slice %arg7[%dma_wait3A_167, %dma_wait3A_168] : memref<10112x16xf32, #tpu.memory_space<vmem_shared>> -> memref<10112x16xf32, #tpu.memory_space<vmem_shared>>
    tpu.wait_indirect_dma semaphore(%arg28 : memref<!tpu.dma_semaphore, #tpu.memory_space<semaphore_mem>>) src(%arg12 : memref<128x16xf32, #tpu.memory_space<vmem>>) dst(%dma_wait3A_169 : memref<10112x16xf32, #tpu.memory_space<vmem_shared>>)
    %dma_start3A_170 = arith.constant 9 : i32
    %dma_start3A_171 = arith.constant 0 : i32
    %dma_start3A_172 = tpu.memref_slice %arg9[%dma_start3A_170, %dma_start3A_171] : memref<96x128xi32, #tpu.memory_space<vmem>> -> memref<1x128xi32, #tpu.memory_space<vmem>>
    %dma_start3A_173 = tpu.memref_squeeze %dma_start3A_172 : memref<1x128xi32, #tpu.memory_space<vmem>> -> memref<128xi32, #tpu.memory_space<vmem>>
    %dma_start3A_174 = arith.constant 0 : i32
    %dma_start3A_175 = arith.constant 0 : i32
    %dma_start3A_176 = tpu.memref_slice %arg8[%dma_start3A_174, %dma_start3A_175] : memref<10112x16xf32, #tpu.memory_space<vmem_shared>> -> memref<10112x16xf32, #tpu.memory_space<vmem_shared>>
    tpu.enqueue_indirect_dma source(%dma_start3A_176 : memref<10112x16xf32, #tpu.memory_space<vmem_shared>>) target(%arg12 : memref<128x16xf32, #tpu.memory_space<vmem>>) offsets(%dma_start3A_173 : memref<128xi32, #tpu.memory_space<vmem>>) semaphore(%arg20 : memref<!tpu.dma_semaphore, #tpu.memory_space<semaphore_mem>>)
    %dma_wait3A_177 = arith.constant 6 : i32
    %dma_wait3A_178 = arith.constant 0 : i32
    %dma_wait3A_179 = tpu.memref_slice %arg9[%dma_wait3A_177, %dma_wait3A_178] : memref<96x128xi32, #tpu.memory_space<vmem>> -> memref<1x128xi32, #tpu.memory_space<vmem>>
    %dma_wait3A_180 = tpu.memref_squeeze %dma_wait3A_179 : memref<1x128xi32, #tpu.memory_space<vmem>> -> memref<128xi32, #tpu.memory_space<vmem>>
    %dma_wait3A_181 = arith.constant 0 : i32
    %dma_wait3A_182 = arith.constant 0 : i32
    %dma_wait3A_183 = tpu.memref_slice %arg8[%dma_wait3A_181, %dma_wait3A_182] : memref<10112x16xf32, #tpu.memory_space<vmem_shared>> -> memref<10112x16xf32, #tpu.memory_space<vmem_shared>>
    tpu.wait_indirect_dma semaphore(%arg25 : memref<!tpu.dma_semaphore, #tpu.memory_space<semaphore_mem>>) src(%dma_wait3A_183 : memref<10112x16xf32, #tpu.memory_space<vmem_shared>>) dst(%arg17 : memref<128x16xf32, #tpu.memory_space<vmem>>)
    %dma_start3A_184 = arith.constant 6 : i32
    %dma_start3A_185 = arith.constant 0 : i32
    %dma_start3A_186 = tpu.memref_slice %arg10[%dma_start3A_184, %dma_start3A_185] : memref<96x128xi32, #tpu.memory_space<vmem>> -> memref<1x128xi32, #tpu.memory_space<vmem>>
    %dma_start3A_187 = tpu.memref_squeeze %dma_start3A_186 : memref<1x128xi32, #tpu.memory_space<vmem>> -> memref<128xi32, #tpu.memory_space<vmem>>
    %dma_start3A_188 = arith.constant 0 : i32
    %dma_start3A_189 = arith.constant 0 : i32
    %dma_start3A_190 = tpu.memref_slice %arg7[%dma_start3A_188, %dma_start3A_189] : memref<10112x16xf32, #tpu.memory_space<vmem_shared>> -> memref<10112x16xf32, #tpu.memory_space<vmem_shared>>
    tpu.enqueue_indirect_dma source(%arg17 : memref<128x16xf32, #tpu.memory_space<vmem>>) target(%dma_start3A_190 : memref<10112x16xf32, #tpu.memory_space<vmem_shared>>) offsets(%dma_start3A_187 : memref<128xi32, #tpu.memory_space<vmem>>) semaphore(%arg33 : memref<!tpu.dma_semaphore, #tpu.memory_space<semaphore_mem>>) {add = true}
    %dma_wait3A_191 = arith.constant 2 : i32
    %dma_wait3A_192 = arith.constant 0 : i32
    %dma_wait3A_193 = tpu.memref_slice %arg10[%dma_wait3A_191, %dma_wait3A_192] : memref<96x128xi32, #tpu.memory_space<vmem>> -> memref<1x128xi32, #tpu.memory_space<vmem>>
    %dma_wait3A_194 = tpu.memref_squeeze %dma_wait3A_193 : memref<1x128xi32, #tpu.memory_space<vmem>> -> memref<128xi32, #tpu.memory_space<vmem>>
    %dma_wait3A_195 = arith.constant 0 : i32
    %dma_wait3A_196 = arith.constant 0 : i32
    %dma_wait3A_197 = tpu.memref_slice %arg7[%dma_wait3A_195, %dma_wait3A_196] : memref<10112x16xf32, #tpu.memory_space<vmem_shared>> -> memref<10112x16xf32, #tpu.memory_space<vmem_shared>>
    tpu.wait_indirect_dma semaphore(%arg29 : memref<!tpu.dma_semaphore, #tpu.memory_space<semaphore_mem>>) src(%arg13 : memref<128x16xf32, #tpu.memory_space<vmem>>) dst(%dma_wait3A_197 : memref<10112x16xf32, #tpu.memory_space<vmem_shared>>)
    %dma_start3A_198 = arith.constant 10 : i32
    %dma_start3A_199 = arith.constant 0 : i32
    %dma_start3A_200 = tpu.memref_slice %arg9[%dma_start3A_198, %dma_start3A_199] : memref<96x128xi32, #tpu.memory_space<vmem>> -> memref<1x128xi32, #tpu.memory_space<vmem>>
    %dma_start3A_201 = tpu.memref_squeeze %dma_start3A_200 : memref<1x128xi32, #tpu.memory_space<vmem>> -> memref<128xi32, #tpu.memory_space<vmem>>
    %dma_start3A_202 = arith.constant 0 : i32
    %dma_start3A_203 = arith.constant 0 : i32
    %dma_start3A_204 = tpu.memref_slice %arg8[%dma_start3A_202, %dma_start3A_203] : memref<10112x16xf32, #tpu.memory_space<vmem_shared>> -> memref<10112x16xf32, #tpu.memory_space<vmem_shared>>
    tpu.enqueue_indirect_dma source(%dma_start3A_204 : memref<10112x16xf32, #tpu.memory_space<vmem_shared>>) target(%arg13 : memref<128x16xf32, #tpu.memory_space<vmem>>) offsets(%dma_start3A_201 : memref<128xi32, #tpu.memory_space<vmem>>) semaphore(%arg21 : memref<!tpu.dma_semaphore, #tpu.memory_space<semaphore_mem>>)
    %dma_wait3A_205 = arith.constant 7 : i32
    %dma_wait3A_206 = arith.constant 0 : i32
    %dma_wait3A_207 = tpu.memref_slice %arg9[%dma_wait3A_205, %dma_wait3A_206] : memref<96x128xi32, #tpu.memory_space<vmem>> -> memref<1x128xi32, #tpu.memory_space<vmem>>
    %dma_wait3A_208 = tpu.memref_squeeze %dma_wait3A_207 : memref<1x128xi32, #tpu.memory_space<vmem>> -> memref<128xi32, #tpu.memory_space<vmem>>
    %dma_wait3A_209 = arith.constant 0 : i32
    %dma_wait3A_210 = arith.constant 0 : i32
    %dma_wait3A_211 = tpu.memref_slice %arg8[%dma_wait3A_209, %dma_wait3A_210] : memref<10112x16xf32, #tpu.memory_space<vmem_shared>> -> memref<10112x16xf32, #tpu.memory_space<vmem_shared>>
    tpu.wait_indirect_dma semaphore(%arg26 : memref<!tpu.dma_semaphore, #tpu.memory_space<semaphore_mem>>) src(%dma_wait3A_211 : memref<10112x16xf32, #tpu.memory_space<vmem_shared>>) dst(%arg18 : memref<128x16xf32, #tpu.memory_space<vmem>>)
    %dma_start3A_212 = arith.constant 7 : i32
    %dma_start3A_213 = arith.constant 0 : i32
    %dma_start3A_214 = tpu.memref_slice %arg10[%dma_start3A_212, %dma_start3A_213] : memref<96x128xi32, #tpu.memory_space<vmem>> -> memref<1x128xi32, #tpu.memory_space<vmem>>
    %dma_start3A_215 = tpu.memref_squeeze %dma_start3A_214 : memref<1x128xi32, #tpu.memory_space<vmem>> -> memref<128xi32, #tpu.memory_space<vmem>>
    %dma_start3A_216 = arith.constant 0 : i32
    %dma_start3A_217 = arith.constant 0 : i32
    %dma_start3A_218 = tpu.memref_slice %arg7[%dma_start3A_216, %dma_start3A_217] : memref<10112x16xf32, #tpu.memory_space<vmem_shared>> -> memref<10112x16xf32, #tpu.memory_space<vmem_shared>>
    tpu.enqueue_indirect_dma source(%arg18 : memref<128x16xf32, #tpu.memory_space<vmem>>) target(%dma_start3A_218 : memref<10112x16xf32, #tpu.memory_space<vmem_shared>>) offsets(%dma_start3A_215 : memref<128xi32, #tpu.memory_space<vmem>>) semaphore(%arg34 : memref<!tpu.dma_semaphore, #tpu.memory_space<semaphore_mem>>) {add = true}
    %dma_wait3A_219 = arith.constant 3 : i32
    %dma_wait3A_220 = arith.constant 0 : i32
    %dma_wait3A_221 = tpu.memref_slice %arg10[%dma_wait3A_219, %dma_wait3A_220] : memref<96x128xi32, #tpu.memory_space<vmem>> -> memref<1x128xi32, #tpu.memory_space<vmem>>
    %dma_wait3A_222 = tpu.memref_squeeze %dma_wait3A_221 : memref<1x128xi32, #tpu.memory_space<vmem>> -> memref<128xi32, #tpu.memory_space<vmem>>
    %dma_wait3A_223 = arith.constant 0 : i32
    %dma_wait3A_224 = arith.constant 0 : i32
    %dma_wait3A_225 = tpu.memref_slice %arg7[%dma_wait3A_223, %dma_wait3A_224] : memref<10112x16xf32, #tpu.memory_space<vmem_shared>> -> memref<10112x16xf32, #tpu.memory_space<vmem_shared>>
    tpu.wait_indirect_dma semaphore(%arg30 : memref<!tpu.dma_semaphore, #tpu.memory_space<semaphore_mem>>) src(%arg14 : memref<128x16xf32, #tpu.memory_space<vmem>>) dst(%dma_wait3A_225 : memref<10112x16xf32, #tpu.memory_space<vmem_shared>>)
    %dma_start3A_226 = arith.constant 11 : i32
    %dma_start3A_227 = arith.constant 0 : i32
    %dma_start3A_228 = tpu.memref_slice %arg9[%dma_start3A_226, %dma_start3A_227] : memref<96x128xi32, #tpu.memory_space<vmem>> -> memref<1x128xi32, #tpu.memory_space<vmem>>
    %dma_start3A_229 = tpu.memref_squeeze %dma_start3A_228 : memref<1x128xi32, #tpu.memory_space<vmem>> -> memref<128xi32, #tpu.memory_space<vmem>>
    %dma_start3A_230 = arith.constant 0 : i32
    %dma_start3A_231 = arith.constant 0 : i32
    %dma_start3A_232 = tpu.memref_slice %arg8[%dma_start3A_230, %dma_start3A_231] : memref<10112x16xf32, #tpu.memory_space<vmem_shared>> -> memref<10112x16xf32, #tpu.memory_space<vmem_shared>>
    tpu.enqueue_indirect_dma source(%dma_start3A_232 : memref<10112x16xf32, #tpu.memory_space<vmem_shared>>) target(%arg14 : memref<128x16xf32, #tpu.memory_space<vmem>>) offsets(%dma_start3A_229 : memref<128xi32, #tpu.memory_space<vmem>>) semaphore(%arg22 : memref<!tpu.dma_semaphore, #tpu.memory_space<semaphore_mem>>)
    %jit3A_233 = arith.constant 8 : i32
    %div3A = arith.divsi %select_n3A, %jit3A_233 : i32
    %sign3A = arith.constant 0 : i32
    %sign3A_234 = arith.cmpi sgt, %select_n3A, %sign3A : i32
    %sign3A_235 = arith.extui %sign3A_234 : i1 to i32
    %sign3A_236 = arith.constant 0 : i32
    %sign3A_237 = arith.cmpi slt, %select_n3A, %sign3A_236 : i32
    %sign3A_238 = arith.extui %sign3A_237 : i1 to i32
    %sign3A_239 = arith.subi %sign3A_235, %sign3A_238 : i32
    %sign3A_240 = arith.constant 0 : i32
    %sign3A_241 = arith.cmpi sgt, %jit3A_233, %sign3A_240 : i32
    %sign3A_242 = arith.extui %sign3A_241 : i1 to i32
    %sign3A_243 = arith.constant 0 : i32
    %sign3A_244 = arith.cmpi slt, %jit3A_233, %sign3A_243 : i32
    %sign3A_245 = arith.extui %sign3A_244 : i1 to i32
    %sign3A_246 = arith.subi %sign3A_242, %sign3A_245 : i32
    %ne3A = arith.cmpi ne, %sign3A_239, %sign3A_246 : i32
    %rem3A = arith.remsi %select_n3A, %jit3A_233 : i32
    %ne3A_247 = arith.constant 0 : i32
    %ne3A_248 = arith.cmpi ne, %rem3A, %ne3A_247 : i32
    %and3A = arith.andi %ne3A, %ne3A_248 : i1
    %sub3A = arith.constant 1 : i32
    %sub3A_249 = arith.subi %div3A, %sub3A : i32
    %select_n3A_250 = arith.select %and3A, %sub3A_249, %div3A : i32
    %sub3A_251 = arith.constant 1 : i32
    %sub3A_252 = arith.subi %select_n3A_250, %sub3A_251 : i32
    %sub3A_253 = arith.constant 1 : i32
    %sub3A_254 = arith.subi %sub3A_252, %sub3A_253 : i32
    %sub3A_255 = arith.constant 1 : i32
    %sub3A_256 = arith.constant 1 : i32
    %sub3A_257 = arith.subi %sub3A_255, %sub3A_256 : i32
    %add3A_258 = arith.addi %sub3A_254, %sub3A_257 : i32
    %div3A_259 = arith.constant 1 : i32
    %div3A_260 = arith.divsi %add3A_258, %div3A_259 : i32
    %while3A = arith.constant 1 : i32
    %while3A_261 = arith.constant 1 : i32
    %while3A_262 = arith.constant 0 : i32
    %while3A_263 = arith.subi %div3A_260, %while3A_262 : i32
    %while3A_264 = arith.addi %while3A_262, %while3A_263 : i32
    %while3A_265 = arith.constant 1 : i32
    %while3A_266 = arith.divsi %while3A_263, %while3A_265 : i32
    %while3A_267 = arith.muli %while3A_266, %while3A_265 : i32
    %while3A_268 = arith.addi %while3A_262, %while3A_267 : i32
    %while3A_269 = arith.constant 1 : i32
    scf.for %while3A_522 = %while3A_262 to %while3A_268 step %while3A_269  : i32 {
      %mul3A_523 = arith.muli %while3A_522, %while3A : i32
      %add3A_524 = arith.addi %while3A_261, %mul3A_523 : i32
      %mul3A_525 = arith.constant 8 : i32
      %mul3A_526 = arith.muli %add3A_524, %mul3A_525 : i32
      %add3A_527 = arith.constant 0 : i32
      %add3A_528 = arith.addi %mul3A_526, %add3A_527 : i32
      %dma_wait3A_529 = arith.constant 0 : i32
      %dma_wait3A_530 = tpu.memref_slice %arg9[%add3A_528, %dma_wait3A_529] : memref<96x128xi32, #tpu.memory_space<vmem>> -> memref<1x128xi32, #tpu.memory_space<vmem>>
      %dma_wait3A_531 = tpu.memref_squeeze %dma_wait3A_530 : memref<1x128xi32, #tpu.memory_space<vmem>> -> memref<128xi32, #tpu.memory_space<vmem>>
      %dma_wait3A_532 = arith.constant 0 : i32
      %dma_wait3A_533 = arith.constant 0 : i32
      %dma_wait3A_534 = tpu.memref_slice %arg8[%dma_wait3A_532, %dma_wait3A_533] : memref<10112x16xf32, #tpu.memory_space<vmem_shared>> -> memref<10112x16xf32, #tpu.memory_space<vmem_shared>>
      tpu.wait_indirect_dma semaphore(%arg19 : memref<!tpu.dma_semaphore, #tpu.memory_space<semaphore_mem>>) src(%dma_wait3A_534 : memref<10112x16xf32, #tpu.memory_space<vmem_shared>>) dst(%arg11 : memref<128x16xf32, #tpu.memory_space<vmem>>)
      %dma_start3A_535 = arith.constant 0 : i32
      %dma_start3A_536 = tpu.memref_slice %arg10[%add3A_528, %dma_start3A_535] : memref<96x128xi32, #tpu.memory_space<vmem>> -> memref<1x128xi32, #tpu.memory_space<vmem>>
      %dma_start3A_537 = tpu.memref_squeeze %dma_start3A_536 : memref<1x128xi32, #tpu.memory_space<vmem>> -> memref<128xi32, #tpu.memory_space<vmem>>
      %dma_start3A_538 = arith.constant 0 : i32
      %dma_start3A_539 = arith.constant 0 : i32
      %dma_start3A_540 = tpu.memref_slice %arg7[%dma_start3A_538, %dma_start3A_539] : memref<10112x16xf32, #tpu.memory_space<vmem_shared>> -> memref<10112x16xf32, #tpu.memory_space<vmem_shared>>
      tpu.enqueue_indirect_dma source(%arg11 : memref<128x16xf32, #tpu.memory_space<vmem>>) target(%dma_start3A_540 : memref<10112x16xf32, #tpu.memory_space<vmem_shared>>) offsets(%dma_start3A_537 : memref<128xi32, #tpu.memory_space<vmem>>) semaphore(%arg27 : memref<!tpu.dma_semaphore, #tpu.memory_space<semaphore_mem>>) {add = true}
      %sub3A_541 = arith.constant 4 : i32
      %sub3A_542 = arith.subi %add3A_528, %sub3A_541 : i32
      %dma_wait3A_543 = arith.constant 0 : i32
      %dma_wait3A_544 = tpu.memref_slice %arg10[%sub3A_542, %dma_wait3A_543] : memref<96x128xi32, #tpu.memory_space<vmem>> -> memref<1x128xi32, #tpu.memory_space<vmem>>
      %dma_wait3A_545 = tpu.memref_squeeze %dma_wait3A_544 : memref<1x128xi32, #tpu.memory_space<vmem>> -> memref<128xi32, #tpu.memory_space<vmem>>
      %dma_wait3A_546 = arith.constant 0 : i32
      %dma_wait3A_547 = arith.constant 0 : i32
      %dma_wait3A_548 = tpu.memref_slice %arg7[%dma_wait3A_546, %dma_wait3A_547] : memref<10112x16xf32, #tpu.memory_space<vmem_shared>> -> memref<10112x16xf32, #tpu.memory_space<vmem_shared>>
      tpu.wait_indirect_dma semaphore(%arg31 : memref<!tpu.dma_semaphore, #tpu.memory_space<semaphore_mem>>) src(%arg15 : memref<128x16xf32, #tpu.memory_space<vmem>>) dst(%dma_wait3A_548 : memref<10112x16xf32, #tpu.memory_space<vmem_shared>>)
      %add3A_549 = arith.constant 4 : i32
      %add3A_550 = arith.addi %add3A_528, %add3A_549 : i32
      %dma_start3A_551 = arith.constant 0 : i32
      %dma_start3A_552 = tpu.memref_slice %arg9[%add3A_550, %dma_start3A_551] : memref<96x128xi32, #tpu.memory_space<vmem>> -> memref<1x128xi32, #tpu.memory_space<vmem>>
      %dma_start3A_553 = tpu.memref_squeeze %dma_start3A_552 : memref<1x128xi32, #tpu.memory_space<vmem>> -> memref<128xi32, #tpu.memory_space<vmem>>
      %dma_start3A_554 = arith.constant 0 : i32
      %dma_start3A_555 = arith.constant 0 : i32
      %dma_start3A_556 = tpu.memref_slice %arg8[%dma_start3A_554, %dma_start3A_555] : memref<10112x16xf32, #tpu.memory_space<vmem_shared>> -> memref<10112x16xf32, #tpu.memory_space<vmem_shared>>
      tpu.enqueue_indirect_dma source(%dma_start3A_556 : memref<10112x16xf32, #tpu.memory_space<vmem_shared>>) target(%arg15 : memref<128x16xf32, #tpu.memory_space<vmem>>) offsets(%dma_start3A_553 : memref<128xi32, #tpu.memory_space<vmem>>) semaphore(%arg23 : memref<!tpu.dma_semaphore, #tpu.memory_space<semaphore_mem>>)
      %add3A_557 = arith.constant 1 : i32
      %add3A_558 = arith.addi %mul3A_526, %add3A_557 : i32
      %dma_wait3A_559 = arith.constant 0 : i32
      %dma_wait3A_560 = tpu.memref_slice %arg9[%add3A_558, %dma_wait3A_559] : memref<96x128xi32, #tpu.memory_space<vmem>> -> memref<1x128xi32, #tpu.memory_space<vmem>>
      %dma_wait3A_561 = tpu.memref_squeeze %dma_wait3A_560 : memref<1x128xi32, #tpu.memory_space<vmem>> -> memref<128xi32, #tpu.memory_space<vmem>>
      %dma_wait3A_562 = arith.constant 0 : i32
      %dma_wait3A_563 = arith.constant 0 : i32
      %dma_wait3A_564 = tpu.memref_slice %arg8[%dma_wait3A_562, %dma_wait3A_563] : memref<10112x16xf32, #tpu.memory_space<vmem_shared>> -> memref<10112x16xf32, #tpu.memory_space<vmem_shared>>
      tpu.wait_indirect_dma semaphore(%arg20 : memref<!tpu.dma_semaphore, #tpu.memory_space<semaphore_mem>>) src(%dma_wait3A_564 : memref<10112x16xf32, #tpu.memory_space<vmem_shared>>) dst(%arg12 : memref<128x16xf32, #tpu.memory_space<vmem>>)
      %dma_start3A_565 = arith.constant 0 : i32
      %dma_start3A_566 = tpu.memref_slice %arg10[%add3A_558, %dma_start3A_565] : memref<96x128xi32, #tpu.memory_space<vmem>> -> memref<1x128xi32, #tpu.memory_space<vmem>>
      %dma_start3A_567 = tpu.memref_squeeze %dma_start3A_566 : memref<1x128xi32, #tpu.memory_space<vmem>> -> memref<128xi32, #tpu.memory_space<vmem>>
      %dma_start3A_568 = arith.constant 0 : i32
      %dma_start3A_569 = arith.constant 0 : i32
      %dma_start3A_570 = tpu.memref_slice %arg7[%dma_start3A_568, %dma_start3A_569] : memref<10112x16xf32, #tpu.memory_space<vmem_shared>> -> memref<10112x16xf32, #tpu.memory_space<vmem_shared>>
      tpu.enqueue_indirect_dma source(%arg12 : memref<128x16xf32, #tpu.memory_space<vmem>>) target(%dma_start3A_570 : memref<10112x16xf32, #tpu.memory_space<vmem_shared>>) offsets(%dma_start3A_567 : memref<128xi32, #tpu.memory_space<vmem>>) semaphore(%arg28 : memref<!tpu.dma_semaphore, #tpu.memory_space<semaphore_mem>>) {add = true}
      %sub3A_571 = arith.constant 4 : i32
      %sub3A_572 = arith.subi %add3A_558, %sub3A_571 : i32
      %dma_wait3A_573 = arith.constant 0 : i32
      %dma_wait3A_574 = tpu.memref_slice %arg10[%sub3A_572, %dma_wait3A_573] : memref<96x128xi32, #tpu.memory_space<vmem>> -> memref<1x128xi32, #tpu.memory_space<vmem>>
      %dma_wait3A_575 = tpu.memref_squeeze %dma_wait3A_574 : memref<1x128xi32, #tpu.memory_space<vmem>> -> memref<128xi32, #tpu.memory_space<vmem>>
      %dma_wait3A_576 = arith.constant 0 : i32
      %dma_wait3A_577 = arith.constant 0 : i32
      %dma_wait3A_578 = tpu.memref_slice %arg7[%dma_wait3A_576, %dma_wait3A_577] : memref<10112x16xf32, #tpu.memory_space<vmem_shared>> -> memref<10112x16xf32, #tpu.memory_space<vmem_shared>>
      tpu.wait_indirect_dma semaphore(%arg32 : memref<!tpu.dma_semaphore, #tpu.memory_space<semaphore_mem>>) src(%arg16 : memref<128x16xf32, #tpu.memory_space<vmem>>) dst(%dma_wait3A_578 : memref<10112x16xf32, #tpu.memory_space<vmem_shared>>)
      %add3A_579 = arith.constant 4 : i32
      %add3A_580 = arith.addi %add3A_558, %add3A_579 : i32
      %dma_start3A_581 = arith.constant 0 : i32
      %dma_start3A_582 = tpu.memref_slice %arg9[%add3A_580, %dma_start3A_581] : memref<96x128xi32, #tpu.memory_space<vmem>> -> memref<1x128xi32, #tpu.memory_space<vmem>>
      %dma_start3A_583 = tpu.memref_squeeze %dma_start3A_582 : memref<1x128xi32, #tpu.memory_space<vmem>> -> memref<128xi32, #tpu.memory_space<vmem>>
      %dma_start3A_584 = arith.constant 0 : i32
      %dma_start3A_585 = arith.constant 0 : i32
      %dma_start3A_586 = tpu.memref_slice %arg8[%dma_start3A_584, %dma_start3A_585] : memref<10112x16xf32, #tpu.memory_space<vmem_shared>> -> memref<10112x16xf32, #tpu.memory_space<vmem_shared>>
      tpu.enqueue_indirect_dma source(%dma_start3A_586 : memref<10112x16xf32, #tpu.memory_space<vmem_shared>>) target(%arg16 : memref<128x16xf32, #tpu.memory_space<vmem>>) offsets(%dma_start3A_583 : memref<128xi32, #tpu.memory_space<vmem>>) semaphore(%arg24 : memref<!tpu.dma_semaphore, #tpu.memory_space<semaphore_mem>>)
      %add3A_587 = arith.constant 2 : i32
      %add3A_588 = arith.addi %mul3A_526, %add3A_587 : i32
      %dma_wait3A_589 = arith.constant 0 : i32
      %dma_wait3A_590 = tpu.memref_slice %arg9[%add3A_588, %dma_wait3A_589] : memref<96x128xi32, #tpu.memory_space<vmem>> -> memref<1x128xi32, #tpu.memory_space<vmem>>
      %dma_wait3A_591 = tpu.memref_squeeze %dma_wait3A_590 : memref<1x128xi32, #tpu.memory_space<vmem>> -> memref<128xi32, #tpu.memory_space<vmem>>
      %dma_wait3A_592 = arith.constant 0 : i32
      %dma_wait3A_593 = arith.constant 0 : i32
      %dma_wait3A_594 = tpu.memref_slice %arg8[%dma_wait3A_592, %dma_wait3A_593] : memref<10112x16xf32, #tpu.memory_space<vmem_shared>> -> memref<10112x16xf32, #tpu.memory_space<vmem_shared>>
      tpu.wait_indirect_dma semaphore(%arg21 : memref<!tpu.dma_semaphore, #tpu.memory_space<semaphore_mem>>) src(%dma_wait3A_594 : memref<10112x16xf32, #tpu.memory_space<vmem_shared>>) dst(%arg13 : memref<128x16xf32, #tpu.memory_space<vmem>>)
      %dma_start3A_595 = arith.constant 0 : i32
      %dma_start3A_596 = tpu.memref_slice %arg10[%add3A_588, %dma_start3A_595] : memref<96x128xi32, #tpu.memory_space<vmem>> -> memref<1x128xi32, #tpu.memory_space<vmem>>
      %dma_start3A_597 = tpu.memref_squeeze %dma_start3A_596 : memref<1x128xi32, #tpu.memory_space<vmem>> -> memref<128xi32, #tpu.memory_space<vmem>>
      %dma_start3A_598 = arith.constant 0 : i32
      %dma_start3A_599 = arith.constant 0 : i32
      %dma_start3A_600 = tpu.memref_slice %arg7[%dma_start3A_598, %dma_start3A_599] : memref<10112x16xf32, #tpu.memory_space<vmem_shared>> -> memref<10112x16xf32, #tpu.memory_space<vmem_shared>>
      tpu.enqueue_indirect_dma source(%arg13 : memref<128x16xf32, #tpu.memory_space<vmem>>) target(%dma_start3A_600 : memref<10112x16xf32, #tpu.memory_space<vmem_shared>>) offsets(%dma_start3A_597 : memref<128xi32, #tpu.memory_space<vmem>>) semaphore(%arg29 : memref<!tpu.dma_semaphore, #tpu.memory_space<semaphore_mem>>) {add = true}
      %sub3A_601 = arith.constant 4 : i32
      %sub3A_602 = arith.subi %add3A_588, %sub3A_601 : i32
      %dma_wait3A_603 = arith.constant 0 : i32
      %dma_wait3A_604 = tpu.memref_slice %arg10[%sub3A_602, %dma_wait3A_603] : memref<96x128xi32, #tpu.memory_space<vmem>> -> memref<1x128xi32, #tpu.memory_space<vmem>>
      %dma_wait3A_605 = tpu.memref_squeeze %dma_wait3A_604 : memref<1x128xi32, #tpu.memory_space<vmem>> -> memref<128xi32, #tpu.memory_space<vmem>>
      %dma_wait3A_606 = arith.constant 0 : i32
      %dma_wait3A_607 = arith.constant 0 : i32
      %dma_wait3A_608 = tpu.memref_slice %arg7[%dma_wait3A_606, %dma_wait3A_607] : memref<10112x16xf32, #tpu.memory_space<vmem_shared>> -> memref<10112x16xf32, #tpu.memory_space<vmem_shared>>
      tpu.wait_indirect_dma semaphore(%arg33 : memref<!tpu.dma_semaphore, #tpu.memory_space<semaphore_mem>>) src(%arg17 : memref<128x16xf32, #tpu.memory_space<vmem>>) dst(%dma_wait3A_608 : memref<10112x16xf32, #tpu.memory_space<vmem_shared>>)
      %add3A_609 = arith.constant 4 : i32
      %add3A_610 = arith.addi %add3A_588, %add3A_609 : i32
      %dma_start3A_611 = arith.constant 0 : i32
      %dma_start3A_612 = tpu.memref_slice %arg9[%add3A_610, %dma_start3A_611] : memref<96x128xi32, #tpu.memory_space<vmem>> -> memref<1x128xi32, #tpu.memory_space<vmem>>
      %dma_start3A_613 = tpu.memref_squeeze %dma_start3A_612 : memref<1x128xi32, #tpu.memory_space<vmem>> -> memref<128xi32, #tpu.memory_space<vmem>>
      %dma_start3A_614 = arith.constant 0 : i32
      %dma_start3A_615 = arith.constant 0 : i32
      %dma_start3A_616 = tpu.memref_slice %arg8[%dma_start3A_614, %dma_start3A_615] : memref<10112x16xf32, #tpu.memory_space<vmem_shared>> -> memref<10112x16xf32, #tpu.memory_space<vmem_shared>>
      tpu.enqueue_indirect_dma source(%dma_start3A_616 : memref<10112x16xf32, #tpu.memory_space<vmem_shared>>) target(%arg17 : memref<128x16xf32, #tpu.memory_space<vmem>>) offsets(%dma_start3A_613 : memref<128xi32, #tpu.memory_space<vmem>>) semaphore(%arg25 : memref<!tpu.dma_semaphore, #tpu.memory_space<semaphore_mem>>)
      %add3A_617 = arith.constant 3 : i32
      %add3A_618 = arith.addi %mul3A_526, %add3A_617 : i32
      %dma_wait3A_619 = arith.constant 0 : i32
      %dma_wait3A_620 = tpu.memref_slice %arg9[%add3A_618, %dma_wait3A_619] : memref<96x128xi32, #tpu.memory_space<vmem>> -> memref<1x128xi32, #tpu.memory_space<vmem>>
      %dma_wait3A_621 = tpu.memref_squeeze %dma_wait3A_620 : memref<1x128xi32, #tpu.memory_space<vmem>> -> memref<128xi32, #tpu.memory_space<vmem>>
      %dma_wait3A_622 = arith.constant 0 : i32
      %dma_wait3A_623 = arith.constant 0 : i32
      %dma_wait3A_624 = tpu.memref_slice %arg8[%dma_wait3A_622, %dma_wait3A_623] : memref<10112x16xf32, #tpu.memory_space<vmem_shared>> -> memref<10112x16xf32, #tpu.memory_space<vmem_shared>>
      tpu.wait_indirect_dma semaphore(%arg22 : memref<!tpu.dma_semaphore, #tpu.memory_space<semaphore_mem>>) src(%dma_wait3A_624 : memref<10112x16xf32, #tpu.memory_space<vmem_shared>>) dst(%arg14 : memref<128x16xf32, #tpu.memory_space<vmem>>)
      %dma_start3A_625 = arith.constant 0 : i32
      %dma_start3A_626 = tpu.memref_slice %arg10[%add3A_618, %dma_start3A_625] : memref<96x128xi32, #tpu.memory_space<vmem>> -> memref<1x128xi32, #tpu.memory_space<vmem>>
      %dma_start3A_627 = tpu.memref_squeeze %dma_start3A_626 : memref<1x128xi32, #tpu.memory_space<vmem>> -> memref<128xi32, #tpu.memory_space<vmem>>
      %dma_start3A_628 = arith.constant 0 : i32
      %dma_start3A_629 = arith.constant 0 : i32
      %dma_start3A_630 = tpu.memref_slice %arg7[%dma_start3A_628, %dma_start3A_629] : memref<10112x16xf32, #tpu.memory_space<vmem_shared>> -> memref<10112x16xf32, #tpu.memory_space<vmem_shared>>
      tpu.enqueue_indirect_dma source(%arg14 : memref<128x16xf32, #tpu.memory_space<vmem>>) target(%dma_start3A_630 : memref<10112x16xf32, #tpu.memory_space<vmem_shared>>) offsets(%dma_start3A_627 : memref<128xi32, #tpu.memory_space<vmem>>) semaphore(%arg30 : memref<!tpu.dma_semaphore, #tpu.memory_space<semaphore_mem>>) {add = true}
      %sub3A_631 = arith.constant 4 : i32
      %sub3A_632 = arith.subi %add3A_618, %sub3A_631 : i32
      %dma_wait3A_633 = arith.constant 0 : i32
      %dma_wait3A_634 = tpu.memref_slice %arg10[%sub3A_632, %dma_wait3A_633] : memref<96x128xi32, #tpu.memory_space<vmem>> -> memref<1x128xi32, #tpu.memory_space<vmem>>
      %dma_wait3A_635 = tpu.memref_squeeze %dma_wait3A_634 : memref<1x128xi32, #tpu.memory_space<vmem>> -> memref<128xi32, #tpu.memory_space<vmem>>
      %dma_wait3A_636 = arith.constant 0 : i32
      %dma_wait3A_637 = arith.constant 0 : i32
      %dma_wait3A_638 = tpu.memref_slice %arg7[%dma_wait3A_636, %dma_wait3A_637] : memref<10112x16xf32, #tpu.memory_space<vmem_shared>> -> memref<10112x16xf32, #tpu.memory_space<vmem_shared>>
      tpu.wait_indirect_dma semaphore(%arg34 : memref<!tpu.dma_semaphore, #tpu.memory_space<semaphore_mem>>) src(%arg18 : memref<128x16xf32, #tpu.memory_space<vmem>>) dst(%dma_wait3A_638 : memref<10112x16xf32, #tpu.memory_space<vmem_shared>>)
      %add3A_639 = arith.constant 4 : i32
      %add3A_640 = arith.addi %add3A_618, %add3A_639 : i32
      %dma_start3A_641 = arith.constant 0 : i32
      %dma_start3A_642 = tpu.memref_slice %arg9[%add3A_640, %dma_start3A_641] : memref<96x128xi32, #tpu.memory_space<vmem>> -> memref<1x128xi32, #tpu.memory_space<vmem>>
      %dma_start3A_643 = tpu.memref_squeeze %dma_start3A_642 : memref<1x128xi32, #tpu.memory_space<vmem>> -> memref<128xi32, #tpu.memory_space<vmem>>
      %dma_start3A_644 = arith.constant 0 : i32
      %dma_start3A_645 = arith.constant 0 : i32
      %dma_start3A_646 = tpu.memref_slice %arg8[%dma_start3A_644, %dma_start3A_645] : memref<10112x16xf32, #tpu.memory_space<vmem_shared>> -> memref<10112x16xf32, #tpu.memory_space<vmem_shared>>
      tpu.enqueue_indirect_dma source(%dma_start3A_646 : memref<10112x16xf32, #tpu.memory_space<vmem_shared>>) target(%arg18 : memref<128x16xf32, #tpu.memory_space<vmem>>) offsets(%dma_start3A_643 : memref<128xi32, #tpu.memory_space<vmem>>) semaphore(%arg26 : memref<!tpu.dma_semaphore, #tpu.memory_space<semaphore_mem>>)
      %add3A_647 = arith.constant 4 : i32
      %add3A_648 = arith.addi %mul3A_526, %add3A_647 : i32
      %dma_wait3A_649 = arith.constant 0 : i32
      %dma_wait3A_650 = tpu.memref_slice %arg9[%add3A_648, %dma_wait3A_649] : memref<96x128xi32, #tpu.memory_space<vmem>> -> memref<1x128xi32, #tpu.memory_space<vmem>>
      %dma_wait3A_651 = tpu.memref_squeeze %dma_wait3A_650 : memref<1x128xi32, #tpu.memory_space<vmem>> -> memref<128xi32, #tpu.memory_space<vmem>>
      %dma_wait3A_652 = arith.constant 0 : i32
      %dma_wait3A_653 = arith.constant 0 : i32
      %dma_wait3A_654 = tpu.memref_slice %arg8[%dma_wait3A_652, %dma_wait3A_653] : memref<10112x16xf32, #tpu.memory_space<vmem_shared>> -> memref<10112x16xf32, #tpu.memory_space<vmem_shared>>
      tpu.wait_indirect_dma semaphore(%arg23 : memref<!tpu.dma_semaphore, #tpu.memory_space<semaphore_mem>>) src(%dma_wait3A_654 : memref<10112x16xf32, #tpu.memory_space<vmem_shared>>) dst(%arg15 : memref<128x16xf32, #tpu.memory_space<vmem>>)
      %dma_start3A_655 = arith.constant 0 : i32
      %dma_start3A_656 = tpu.memref_slice %arg10[%add3A_648, %dma_start3A_655] : memref<96x128xi32, #tpu.memory_space<vmem>> -> memref<1x128xi32, #tpu.memory_space<vmem>>
      %dma_start3A_657 = tpu.memref_squeeze %dma_start3A_656 : memref<1x128xi32, #tpu.memory_space<vmem>> -> memref<128xi32, #tpu.memory_space<vmem>>
      %dma_start3A_658 = arith.constant 0 : i32
      %dma_start3A_659 = arith.constant 0 : i32
      %dma_start3A_660 = tpu.memref_slice %arg7[%dma_start3A_658, %dma_start3A_659] : memref<10112x16xf32, #tpu.memory_space<vmem_shared>> -> memref<10112x16xf32, #tpu.memory_space<vmem_shared>>
      tpu.enqueue_indirect_dma source(%arg15 : memref<128x16xf32, #tpu.memory_space<vmem>>) target(%dma_start3A_660 : memref<10112x16xf32, #tpu.memory_space<vmem_shared>>) offsets(%dma_start3A_657 : memref<128xi32, #tpu.memory_space<vmem>>) semaphore(%arg31 : memref<!tpu.dma_semaphore, #tpu.memory_space<semaphore_mem>>) {add = true}
      %sub3A_661 = arith.constant 4 : i32
      %sub3A_662 = arith.subi %add3A_648, %sub3A_661 : i32
      %dma_wait3A_663 = arith.constant 0 : i32
      %dma_wait3A_664 = tpu.memref_slice %arg10[%sub3A_662, %dma_wait3A_663] : memref<96x128xi32, #tpu.memory_space<vmem>> -> memref<1x128xi32, #tpu.memory_space<vmem>>
      %dma_wait3A_665 = tpu.memref_squeeze %dma_wait3A_664 : memref<1x128xi32, #tpu.memory_space<vmem>> -> memref<128xi32, #tpu.memory_space<vmem>>
      %dma_wait3A_666 = arith.constant 0 : i32
      %dma_wait3A_667 = arith.constant 0 : i32
      %dma_wait3A_668 = tpu.memref_slice %arg7[%dma_wait3A_666, %dma_wait3A_667] : memref<10112x16xf32, #tpu.memory_space<vmem_shared>> -> memref<10112x16xf32, #tpu.memory_space<vmem_shared>>
      tpu.wait_indirect_dma semaphore(%arg27 : memref<!tpu.dma_semaphore, #tpu.memory_space<semaphore_mem>>) src(%arg11 : memref<128x16xf32, #tpu.memory_space<vmem>>) dst(%dma_wait3A_668 : memref<10112x16xf32, #tpu.memory_space<vmem_shared>>)
      %add3A_669 = arith.constant 4 : i32
      %add3A_670 = arith.addi %add3A_648, %add3A_669 : i32
      %dma_start3A_671 = arith.constant 0 : i32
      %dma_start3A_672 = tpu.memref_slice %arg9[%add3A_670, %dma_start3A_671] : memref<96x128xi32, #tpu.memory_space<vmem>> -> memref<1x128xi32, #tpu.memory_space<vmem>>
      %dma_start3A_673 = tpu.memref_squeeze %dma_start3A_672 : memref<1x128xi32, #tpu.memory_space<vmem>> -> memref<128xi32, #tpu.memory_space<vmem>>
      %dma_start3A_674 = arith.constant 0 : i32
      %dma_start3A_675 = arith.constant 0 : i32
      %dma_start3A_676 = tpu.memref_slice %arg8[%dma_start3A_674, %dma_start3A_675] : memref<10112x16xf32, #tpu.memory_space<vmem_shared>> -> memref<10112x16xf32, #tpu.memory_space<vmem_shared>>
      tpu.enqueue_indirect_dma source(%dma_start3A_676 : memref<10112x16xf32, #tpu.memory_space<vmem_shared>>) target(%arg11 : memref<128x16xf32, #tpu.memory_space<vmem>>) offsets(%dma_start3A_673 : memref<128xi32, #tpu.memory_space<vmem>>) semaphore(%arg19 : memref<!tpu.dma_semaphore, #tpu.memory_space<semaphore_mem>>)
      %add3A_677 = arith.constant 5 : i32
      %add3A_678 = arith.addi %mul3A_526, %add3A_677 : i32
      %dma_wait3A_679 = arith.constant 0 : i32
      %dma_wait3A_680 = tpu.memref_slice %arg9[%add3A_678, %dma_wait3A_679] : memref<96x128xi32, #tpu.memory_space<vmem>> -> memref<1x128xi32, #tpu.memory_space<vmem>>
      %dma_wait3A_681 = tpu.memref_squeeze %dma_wait3A_680 : memref<1x128xi32, #tpu.memory_space<vmem>> -> memref<128xi32, #tpu.memory_space<vmem>>
      %dma_wait3A_682 = arith.constant 0 : i32
      %dma_wait3A_683 = arith.constant 0 : i32
      %dma_wait3A_684 = tpu.memref_slice %arg8[%dma_wait3A_682, %dma_wait3A_683] : memref<10112x16xf32, #tpu.memory_space<vmem_shared>> -> memref<10112x16xf32, #tpu.memory_space<vmem_shared>>
      tpu.wait_indirect_dma semaphore(%arg24 : memref<!tpu.dma_semaphore, #tpu.memory_space<semaphore_mem>>) src(%dma_wait3A_684 : memref<10112x16xf32, #tpu.memory_space<vmem_shared>>) dst(%arg16 : memref<128x16xf32, #tpu.memory_space<vmem>>)
      %dma_start3A_685 = arith.constant 0 : i32
      %dma_start3A_686 = tpu.memref_slice %arg10[%add3A_678, %dma_start3A_685] : memref<96x128xi32, #tpu.memory_space<vmem>> -> memref<1x128xi32, #tpu.memory_space<vmem>>
      %dma_start3A_687 = tpu.memref_squeeze %dma_start3A_686 : memref<1x128xi32, #tpu.memory_space<vmem>> -> memref<128xi32, #tpu.memory_space<vmem>>
      %dma_start3A_688 = arith.constant 0 : i32
      %dma_start3A_689 = arith.constant 0 : i32
      %dma_start3A_690 = tpu.memref_slice %arg7[%dma_start3A_688, %dma_start3A_689] : memref<10112x16xf32, #tpu.memory_space<vmem_shared>> -> memref<10112x16xf32, #tpu.memory_space<vmem_shared>>
      tpu.enqueue_indirect_dma source(%arg16 : memref<128x16xf32, #tpu.memory_space<vmem>>) target(%dma_start3A_690 : memref<10112x16xf32, #tpu.memory_space<vmem_shared>>) offsets(%dma_start3A_687 : memref<128xi32, #tpu.memory_space<vmem>>) semaphore(%arg32 : memref<!tpu.dma_semaphore, #tpu.memory_space<semaphore_mem>>) {add = true}
      %sub3A_691 = arith.constant 4 : i32
      %sub3A_692 = arith.subi %add3A_678, %sub3A_691 : i32
      %dma_wait3A_693 = arith.constant 0 : i32
      %dma_wait3A_694 = tpu.memref_slice %arg10[%sub3A_692, %dma_wait3A_693] : memref<96x128xi32, #tpu.memory_space<vmem>> -> memref<1x128xi32, #tpu.memory_space<vmem>>
      %dma_wait3A_695 = tpu.memref_squeeze %dma_wait3A_694 : memref<1x128xi32, #tpu.memory_space<vmem>> -> memref<128xi32, #tpu.memory_space<vmem>>
      %dma_wait3A_696 = arith.constant 0 : i32
      %dma_wait3A_697 = arith.constant 0 : i32
      %dma_wait3A_698 = tpu.memref_slice %arg7[%dma_wait3A_696, %dma_wait3A_697] : memref<10112x16xf32, #tpu.memory_space<vmem_shared>> -> memref<10112x16xf32, #tpu.memory_space<vmem_shared>>
      tpu.wait_indirect_dma semaphore(%arg28 : memref<!tpu.dma_semaphore, #tpu.memory_space<semaphore_mem>>) src(%arg12 : memref<128x16xf32, #tpu.memory_space<vmem>>) dst(%dma_wait3A_698 : memref<10112x16xf32, #tpu.memory_space<vmem_shared>>)
      %add3A_699 = arith.constant 4 : i32
      %add3A_700 = arith.addi %add3A_678, %add3A_699 : i32
      %dma_start3A_701 = arith.constant 0 : i32
      %dma_start3A_702 = tpu.memref_slice %arg9[%add3A_700, %dma_start3A_701] : memref<96x128xi32, #tpu.memory_space<vmem>> -> memref<1x128xi32, #tpu.memory_space<vmem>>
      %dma_start3A_703 = tpu.memref_squeeze %dma_start3A_702 : memref<1x128xi32, #tpu.memory_space<vmem>> -> memref<128xi32, #tpu.memory_space<vmem>>
      %dma_start3A_704 = arith.constant 0 : i32
      %dma_start3A_705 = arith.constant 0 : i32
      %dma_start3A_706 = tpu.memref_slice %arg8[%dma_start3A_704, %dma_start3A_705] : memref<10112x16xf32, #tpu.memory_space<vmem_shared>> -> memref<10112x16xf32, #tpu.memory_space<vmem_shared>>
      tpu.enqueue_indirect_dma source(%dma_start3A_706 : memref<10112x16xf32, #tpu.memory_space<vmem_shared>>) target(%arg12 : memref<128x16xf32, #tpu.memory_space<vmem>>) offsets(%dma_start3A_703 : memref<128xi32, #tpu.memory_space<vmem>>) semaphore(%arg20 : memref<!tpu.dma_semaphore, #tpu.memory_space<semaphore_mem>>)
      %add3A_707 = arith.constant 6 : i32
      %add3A_708 = arith.addi %mul3A_526, %add3A_707 : i32
      %dma_wait3A_709 = arith.constant 0 : i32
      %dma_wait3A_710 = tpu.memref_slice %arg9[%add3A_708, %dma_wait3A_709] : memref<96x128xi32, #tpu.memory_space<vmem>> -> memref<1x128xi32, #tpu.memory_space<vmem>>
      %dma_wait3A_711 = tpu.memref_squeeze %dma_wait3A_710 : memref<1x128xi32, #tpu.memory_space<vmem>> -> memref<128xi32, #tpu.memory_space<vmem>>
      %dma_wait3A_712 = arith.constant 0 : i32
      %dma_wait3A_713 = arith.constant 0 : i32
      %dma_wait3A_714 = tpu.memref_slice %arg8[%dma_wait3A_712, %dma_wait3A_713] : memref<10112x16xf32, #tpu.memory_space<vmem_shared>> -> memref<10112x16xf32, #tpu.memory_space<vmem_shared>>
      tpu.wait_indirect_dma semaphore(%arg25 : memref<!tpu.dma_semaphore, #tpu.memory_space<semaphore_mem>>) src(%dma_wait3A_714 : memref<10112x16xf32, #tpu.memory_space<vmem_shared>>) dst(%arg17 : memref<128x16xf32, #tpu.memory_space<vmem>>)
      %dma_start3A_715 = arith.constant 0 : i32
      %dma_start3A_716 = tpu.memref_slice %arg10[%add3A_708, %dma_start3A_715] : memref<96x128xi32, #tpu.memory_space<vmem>> -> memref<1x128xi32, #tpu.memory_space<vmem>>
      %dma_start3A_717 = tpu.memref_squeeze %dma_start3A_716 : memref<1x128xi32, #tpu.memory_space<vmem>> -> memref<128xi32, #tpu.memory_space<vmem>>
      %dma_start3A_718 = arith.constant 0 : i32
      %dma_start3A_719 = arith.constant 0 : i32
      %dma_start3A_720 = tpu.memref_slice %arg7[%dma_start3A_718, %dma_start3A_719] : memref<10112x16xf32, #tpu.memory_space<vmem_shared>> -> memref<10112x16xf32, #tpu.memory_space<vmem_shared>>
      tpu.enqueue_indirect_dma source(%arg17 : memref<128x16xf32, #tpu.memory_space<vmem>>) target(%dma_start3A_720 : memref<10112x16xf32, #tpu.memory_space<vmem_shared>>) offsets(%dma_start3A_717 : memref<128xi32, #tpu.memory_space<vmem>>) semaphore(%arg33 : memref<!tpu.dma_semaphore, #tpu.memory_space<semaphore_mem>>) {add = true}
      %sub3A_721 = arith.constant 4 : i32
      %sub3A_722 = arith.subi %add3A_708, %sub3A_721 : i32
      %dma_wait3A_723 = arith.constant 0 : i32
      %dma_wait3A_724 = tpu.memref_slice %arg10[%sub3A_722, %dma_wait3A_723] : memref<96x128xi32, #tpu.memory_space<vmem>> -> memref<1x128xi32, #tpu.memory_space<vmem>>
      %dma_wait3A_725 = tpu.memref_squeeze %dma_wait3A_724 : memref<1x128xi32, #tpu.memory_space<vmem>> -> memref<128xi32, #tpu.memory_space<vmem>>
      %dma_wait3A_726 = arith.constant 0 : i32
      %dma_wait3A_727 = arith.constant 0 : i32
      %dma_wait3A_728 = tpu.memref_slice %arg7[%dma_wait3A_726, %dma_wait3A_727] : memref<10112x16xf32, #tpu.memory_space<vmem_shared>> -> memref<10112x16xf32, #tpu.memory_space<vmem_shared>>
      tpu.wait_indirect_dma semaphore(%arg29 : memref<!tpu.dma_semaphore, #tpu.memory_space<semaphore_mem>>) src(%arg13 : memref<128x16xf32, #tpu.memory_space<vmem>>) dst(%dma_wait3A_728 : memref<10112x16xf32, #tpu.memory_space<vmem_shared>>)
      %add3A_729 = arith.constant 4 : i32
      %add3A_730 = arith.addi %add3A_708, %add3A_729 : i32
      %dma_start3A_731 = arith.constant 0 : i32
      %dma_start3A_732 = tpu.memref_slice %arg9[%add3A_730, %dma_start3A_731] : memref<96x128xi32, #tpu.memory_space<vmem>> -> memref<1x128xi32, #tpu.memory_space<vmem>>
      %dma_start3A_733 = tpu.memref_squeeze %dma_start3A_732 : memref<1x128xi32, #tpu.memory_space<vmem>> -> memref<128xi32, #tpu.memory_space<vmem>>
      %dma_start3A_734 = arith.constant 0 : i32
      %dma_start3A_735 = arith.constant 0 : i32
      %dma_start3A_736 = tpu.memref_slice %arg8[%dma_start3A_734, %dma_start3A_735] : memref<10112x16xf32, #tpu.memory_space<vmem_shared>> -> memref<10112x16xf32, #tpu.memory_space<vmem_shared>>
      tpu.enqueue_indirect_dma source(%dma_start3A_736 : memref<10112x16xf32, #tpu.memory_space<vmem_shared>>) target(%arg13 : memref<128x16xf32, #tpu.memory_space<vmem>>) offsets(%dma_start3A_733 : memref<128xi32, #tpu.memory_space<vmem>>) semaphore(%arg21 : memref<!tpu.dma_semaphore, #tpu.memory_space<semaphore_mem>>)
      %add3A_737 = arith.constant 7 : i32
      %add3A_738 = arith.addi %mul3A_526, %add3A_737 : i32
      %dma_wait3A_739 = arith.constant 0 : i32
      %dma_wait3A_740 = tpu.memref_slice %arg9[%add3A_738, %dma_wait3A_739] : memref<96x128xi32, #tpu.memory_space<vmem>> -> memref<1x128xi32, #tpu.memory_space<vmem>>
      %dma_wait3A_741 = tpu.memref_squeeze %dma_wait3A_740 : memref<1x128xi32, #tpu.memory_space<vmem>> -> memref<128xi32, #tpu.memory_space<vmem>>
      %dma_wait3A_742 = arith.constant 0 : i32
      %dma_wait3A_743 = arith.constant 0 : i32
      %dma_wait3A_744 = tpu.memref_slice %arg8[%dma_wait3A_742, %dma_wait3A_743] : memref<10112x16xf32, #tpu.memory_space<vmem_shared>> -> memref<10112x16xf32, #tpu.memory_space<vmem_shared>>
      tpu.wait_indirect_dma semaphore(%arg26 : memref<!tpu.dma_semaphore, #tpu.memory_space<semaphore_mem>>) src(%dma_wait3A_744 : memref<10112x16xf32, #tpu.memory_space<vmem_shared>>) dst(%arg18 : memref<128x16xf32, #tpu.memory_space<vmem>>)
      %dma_start3A_745 = arith.constant 0 : i32
      %dma_start3A_746 = tpu.memref_slice %arg10[%add3A_738, %dma_start3A_745] : memref<96x128xi32, #tpu.memory_space<vmem>> -> memref<1x128xi32, #tpu.memory_space<vmem>>
      %dma_start3A_747 = tpu.memref_squeeze %dma_start3A_746 : memref<1x128xi32, #tpu.memory_space<vmem>> -> memref<128xi32, #tpu.memory_space<vmem>>
      %dma_start3A_748 = arith.constant 0 : i32
      %dma_start3A_749 = arith.constant 0 : i32
      %dma_start3A_750 = tpu.memref_slice %arg7[%dma_start3A_748, %dma_start3A_749] : memref<10112x16xf32, #tpu.memory_space<vmem_shared>> -> memref<10112x16xf32, #tpu.memory_space<vmem_shared>>
      tpu.enqueue_indirect_dma source(%arg18 : memref<128x16xf32, #tpu.memory_space<vmem>>) target(%dma_start3A_750 : memref<10112x16xf32, #tpu.memory_space<vmem_shared>>) offsets(%dma_start3A_747 : memref<128xi32, #tpu.memory_space<vmem>>) semaphore(%arg34 : memref<!tpu.dma_semaphore, #tpu.memory_space<semaphore_mem>>) {add = true}
      %sub3A_751 = arith.constant 4 : i32
      %sub3A_752 = arith.subi %add3A_738, %sub3A_751 : i32
      %dma_wait3A_753 = arith.constant 0 : i32
      %dma_wait3A_754 = tpu.memref_slice %arg10[%sub3A_752, %dma_wait3A_753] : memref<96x128xi32, #tpu.memory_space<vmem>> -> memref<1x128xi32, #tpu.memory_space<vmem>>
      %dma_wait3A_755 = tpu.memref_squeeze %dma_wait3A_754 : memref<1x128xi32, #tpu.memory_space<vmem>> -> memref<128xi32, #tpu.memory_space<vmem>>
      %dma_wait3A_756 = arith.constant 0 : i32
      %dma_wait3A_757 = arith.constant 0 : i32
      %dma_wait3A_758 = tpu.memref_slice %arg7[%dma_wait3A_756, %dma_wait3A_757] : memref<10112x16xf32, #tpu.memory_space<vmem_shared>> -> memref<10112x16xf32, #tpu.memory_space<vmem_shared>>
      tpu.wait_indirect_dma semaphore(%arg30 : memref<!tpu.dma_semaphore, #tpu.memory_space<semaphore_mem>>) src(%arg14 : memref<128x16xf32, #tpu.memory_space<vmem>>) dst(%dma_wait3A_758 : memref<10112x16xf32, #tpu.memory_space<vmem_shared>>)
      %add3A_759 = arith.constant 4 : i32
      %add3A_760 = arith.addi %add3A_738, %add3A_759 : i32
      %dma_start3A_761 = arith.constant 0 : i32
      %dma_start3A_762 = tpu.memref_slice %arg9[%add3A_760, %dma_start3A_761] : memref<96x128xi32, #tpu.memory_space<vmem>> -> memref<1x128xi32, #tpu.memory_space<vmem>>
      %dma_start3A_763 = tpu.memref_squeeze %dma_start3A_762 : memref<1x128xi32, #tpu.memory_space<vmem>> -> memref<128xi32, #tpu.memory_space<vmem>>
      %dma_start3A_764 = arith.constant 0 : i32
      %dma_start3A_765 = arith.constant 0 : i32
      %dma_start3A_766 = tpu.memref_slice %arg8[%dma_start3A_764, %dma_start3A_765] : memref<10112x16xf32, #tpu.memory_space<vmem_shared>> -> memref<10112x16xf32, #tpu.memory_space<vmem_shared>>
      tpu.enqueue_indirect_dma source(%dma_start3A_766 : memref<10112x16xf32, #tpu.memory_space<vmem_shared>>) target(%arg14 : memref<128x16xf32, #tpu.memory_space<vmem>>) offsets(%dma_start3A_763 : memref<128xi32, #tpu.memory_space<vmem>>) semaphore(%arg22 : memref<!tpu.dma_semaphore, #tpu.memory_space<semaphore_mem>>)
    }
    %while3A_270 = arith.constant 1 : i32
    scf.for %while3A_522 = %while3A_268 to %while3A_264 step %while3A_270  : i32 {
      %mul3A_523 = arith.muli %while3A_522, %while3A : i32
      %add3A_524 = arith.addi %while3A_261, %mul3A_523 : i32
      %mul3A_525 = arith.constant 8 : i32
      %mul3A_526 = arith.muli %add3A_524, %mul3A_525 : i32
      %add3A_527 = arith.constant 0 : i32
      %add3A_528 = arith.addi %mul3A_526, %add3A_527 : i32
      %dma_wait3A_529 = arith.constant 0 : i32
      %dma_wait3A_530 = tpu.memref_slice %arg9[%add3A_528, %dma_wait3A_529] : memref<96x128xi32, #tpu.memory_space<vmem>> -> memref<1x128xi32, #tpu.memory_space<vmem>>
      %dma_wait3A_531 = tpu.memref_squeeze %dma_wait3A_530 : memref<1x128xi32, #tpu.memory_space<vmem>> -> memref<128xi32, #tpu.memory_space<vmem>>
      %dma_wait3A_532 = arith.constant 0 : i32
      %dma_wait3A_533 = arith.constant 0 : i32
      %dma_wait3A_534 = tpu.memref_slice %arg8[%dma_wait3A_532, %dma_wait3A_533] : memref<10112x16xf32, #tpu.memory_space<vmem_shared>> -> memref<10112x16xf32, #tpu.memory_space<vmem_shared>>
      tpu.wait_indirect_dma semaphore(%arg19 : memref<!tpu.dma_semaphore, #tpu.memory_space<semaphore_mem>>) src(%dma_wait3A_534 : memref<10112x16xf32, #tpu.memory_space<vmem_shared>>) dst(%arg11 : memref<128x16xf32, #tpu.memory_space<vmem>>)
      %dma_start3A_535 = arith.constant 0 : i32
      %dma_start3A_536 = tpu.memref_slice %arg10[%add3A_528, %dma_start3A_535] : memref<96x128xi32, #tpu.memory_space<vmem>> -> memref<1x128xi32, #tpu.memory_space<vmem>>
      %dma_start3A_537 = tpu.memref_squeeze %dma_start3A_536 : memref<1x128xi32, #tpu.memory_space<vmem>> -> memref<128xi32, #tpu.memory_space<vmem>>
      %dma_start3A_538 = arith.constant 0 : i32
      %dma_start3A_539 = arith.constant 0 : i32
      %dma_start3A_540 = tpu.memref_slice %arg7[%dma_start3A_538, %dma_start3A_539] : memref<10112x16xf32, #tpu.memory_space<vmem_shared>> -> memref<10112x16xf32, #tpu.memory_space<vmem_shared>>
      tpu.enqueue_indirect_dma source(%arg11 : memref<128x16xf32, #tpu.memory_space<vmem>>) target(%dma_start3A_540 : memref<10112x16xf32, #tpu.memory_space<vmem_shared>>) offsets(%dma_start3A_537 : memref<128xi32, #tpu.memory_space<vmem>>) semaphore(%arg27 : memref<!tpu.dma_semaphore, #tpu.memory_space<semaphore_mem>>) {add = true}
      %sub3A_541 = arith.constant 4 : i32
      %sub3A_542 = arith.subi %add3A_528, %sub3A_541 : i32
      %dma_wait3A_543 = arith.constant 0 : i32
      %dma_wait3A_544 = tpu.memref_slice %arg10[%sub3A_542, %dma_wait3A_543] : memref<96x128xi32, #tpu.memory_space<vmem>> -> memref<1x128xi32, #tpu.memory_space<vmem>>
      %dma_wait3A_545 = tpu.memref_squeeze %dma_wait3A_544 : memref<1x128xi32, #tpu.memory_space<vmem>> -> memref<128xi32, #tpu.memory_space<vmem>>
      %dma_wait3A_546 = arith.constant 0 : i32
      %dma_wait3A_547 = arith.constant 0 : i32
      %dma_wait3A_548 = tpu.memref_slice %arg7[%dma_wait3A_546, %dma_wait3A_547] : memref<10112x16xf32, #tpu.memory_space<vmem_shared>> -> memref<10112x16xf32, #tpu.memory_space<vmem_shared>>
      tpu.wait_indirect_dma semaphore(%arg31 : memref<!tpu.dma_semaphore, #tpu.memory_space<semaphore_mem>>) src(%arg15 : memref<128x16xf32, #tpu.memory_space<vmem>>) dst(%dma_wait3A_548 : memref<10112x16xf32, #tpu.memory_space<vmem_shared>>)
      %add3A_549 = arith.constant 4 : i32
      %add3A_550 = arith.addi %add3A_528, %add3A_549 : i32
      %dma_start3A_551 = arith.constant 0 : i32
      %dma_start3A_552 = tpu.memref_slice %arg9[%add3A_550, %dma_start3A_551] : memref<96x128xi32, #tpu.memory_space<vmem>> -> memref<1x128xi32, #tpu.memory_space<vmem>>
      %dma_start3A_553 = tpu.memref_squeeze %dma_start3A_552 : memref<1x128xi32, #tpu.memory_space<vmem>> -> memref<128xi32, #tpu.memory_space<vmem>>
      %dma_start3A_554 = arith.constant 0 : i32
      %dma_start3A_555 = arith.constant 0 : i32
      %dma_start3A_556 = tpu.memref_slice %arg8[%dma_start3A_554, %dma_start3A_555] : memref<10112x16xf32, #tpu.memory_space<vmem_shared>> -> memref<10112x16xf32, #tpu.memory_space<vmem_shared>>
      tpu.enqueue_indirect_dma source(%dma_start3A_556 : memref<10112x16xf32, #tpu.memory_space<vmem_shared>>) target(%arg15 : memref<128x16xf32, #tpu.memory_space<vmem>>) offsets(%dma_start3A_553 : memref<128xi32, #tpu.memory_space<vmem>>) semaphore(%arg23 : memref<!tpu.dma_semaphore, #tpu.memory_space<semaphore_mem>>)
      %add3A_557 = arith.constant 1 : i32
      %add3A_558 = arith.addi %mul3A_526, %add3A_557 : i32
      %dma_wait3A_559 = arith.constant 0 : i32
      %dma_wait3A_560 = tpu.memref_slice %arg9[%add3A_558, %dma_wait3A_559] : memref<96x128xi32, #tpu.memory_space<vmem>> -> memref<1x128xi32, #tpu.memory_space<vmem>>
      %dma_wait3A_561 = tpu.memref_squeeze %dma_wait3A_560 : memref<1x128xi32, #tpu.memory_space<vmem>> -> memref<128xi32, #tpu.memory_space<vmem>>
      %dma_wait3A_562 = arith.constant 0 : i32
      %dma_wait3A_563 = arith.constant 0 : i32
      %dma_wait3A_564 = tpu.memref_slice %arg8[%dma_wait3A_562, %dma_wait3A_563] : memref<10112x16xf32, #tpu.memory_space<vmem_shared>> -> memref<10112x16xf32, #tpu.memory_space<vmem_shared>>
      tpu.wait_indirect_dma semaphore(%arg20 : memref<!tpu.dma_semaphore, #tpu.memory_space<semaphore_mem>>) src(%dma_wait3A_564 : memref<10112x16xf32, #tpu.memory_space<vmem_shared>>) dst(%arg12 : memref<128x16xf32, #tpu.memory_space<vmem>>)
      %dma_start3A_565 = arith.constant 0 : i32
      %dma_start3A_566 = tpu.memref_slice %arg10[%add3A_558, %dma_start3A_565] : memref<96x128xi32, #tpu.memory_space<vmem>> -> memref<1x128xi32, #tpu.memory_space<vmem>>
      %dma_start3A_567 = tpu.memref_squeeze %dma_start3A_566 : memref<1x128xi32, #tpu.memory_space<vmem>> -> memref<128xi32, #tpu.memory_space<vmem>>
      %dma_start3A_568 = arith.constant 0 : i32
      %dma_start3A_569 = arith.constant 0 : i32
      %dma_start3A_570 = tpu.memref_slice %arg7[%dma_start3A_568, %dma_start3A_569] : memref<10112x16xf32, #tpu.memory_space<vmem_shared>> -> memref<10112x16xf32, #tpu.memory_space<vmem_shared>>
      tpu.enqueue_indirect_dma source(%arg12 : memref<128x16xf32, #tpu.memory_space<vmem>>) target(%dma_start3A_570 : memref<10112x16xf32, #tpu.memory_space<vmem_shared>>) offsets(%dma_start3A_567 : memref<128xi32, #tpu.memory_space<vmem>>) semaphore(%arg28 : memref<!tpu.dma_semaphore, #tpu.memory_space<semaphore_mem>>) {add = true}
      %sub3A_571 = arith.constant 4 : i32
      %sub3A_572 = arith.subi %add3A_558, %sub3A_571 : i32
      %dma_wait3A_573 = arith.constant 0 : i32
      %dma_wait3A_574 = tpu.memref_slice %arg10[%sub3A_572, %dma_wait3A_573] : memref<96x128xi32, #tpu.memory_space<vmem>> -> memref<1x128xi32, #tpu.memory_space<vmem>>
      %dma_wait3A_575 = tpu.memref_squeeze %dma_wait3A_574 : memref<1x128xi32, #tpu.memory_space<vmem>> -> memref<128xi32, #tpu.memory_space<vmem>>
      %dma_wait3A_576 = arith.constant 0 : i32
      %dma_wait3A_577 = arith.constant 0 : i32
      %dma_wait3A_578 = tpu.memref_slice %arg7[%dma_wait3A_576, %dma_wait3A_577] : memref<10112x16xf32, #tpu.memory_space<vmem_shared>> -> memref<10112x16xf32, #tpu.memory_space<vmem_shared>>
      tpu.wait_indirect_dma semaphore(%arg32 : memref<!tpu.dma_semaphore, #tpu.memory_space<semaphore_mem>>) src(%arg16 : memref<128x16xf32, #tpu.memory_space<vmem>>) dst(%dma_wait3A_578 : memref<10112x16xf32, #tpu.memory_space<vmem_shared>>)
      %add3A_579 = arith.constant 4 : i32
      %add3A_580 = arith.addi %add3A_558, %add3A_579 : i32
      %dma_start3A_581 = arith.constant 0 : i32
      %dma_start3A_582 = tpu.memref_slice %arg9[%add3A_580, %dma_start3A_581] : memref<96x128xi32, #tpu.memory_space<vmem>> -> memref<1x128xi32, #tpu.memory_space<vmem>>
      %dma_start3A_583 = tpu.memref_squeeze %dma_start3A_582 : memref<1x128xi32, #tpu.memory_space<vmem>> -> memref<128xi32, #tpu.memory_space<vmem>>
      %dma_start3A_584 = arith.constant 0 : i32
      %dma_start3A_585 = arith.constant 0 : i32
      %dma_start3A_586 = tpu.memref_slice %arg8[%dma_start3A_584, %dma_start3A_585] : memref<10112x16xf32, #tpu.memory_space<vmem_shared>> -> memref<10112x16xf32, #tpu.memory_space<vmem_shared>>
      tpu.enqueue_indirect_dma source(%dma_start3A_586 : memref<10112x16xf32, #tpu.memory_space<vmem_shared>>) target(%arg16 : memref<128x16xf32, #tpu.memory_space<vmem>>) offsets(%dma_start3A_583 : memref<128xi32, #tpu.memory_space<vmem>>) semaphore(%arg24 : memref<!tpu.dma_semaphore, #tpu.memory_space<semaphore_mem>>)
      %add3A_587 = arith.constant 2 : i32
      %add3A_588 = arith.addi %mul3A_526, %add3A_587 : i32
      %dma_wait3A_589 = arith.constant 0 : i32
      %dma_wait3A_590 = tpu.memref_slice %arg9[%add3A_588, %dma_wait3A_589] : memref<96x128xi32, #tpu.memory_space<vmem>> -> memref<1x128xi32, #tpu.memory_space<vmem>>
      %dma_wait3A_591 = tpu.memref_squeeze %dma_wait3A_590 : memref<1x128xi32, #tpu.memory_space<vmem>> -> memref<128xi32, #tpu.memory_space<vmem>>
      %dma_wait3A_592 = arith.constant 0 : i32
      %dma_wait3A_593 = arith.constant 0 : i32
      %dma_wait3A_594 = tpu.memref_slice %arg8[%dma_wait3A_592, %dma_wait3A_593] : memref<10112x16xf32, #tpu.memory_space<vmem_shared>> -> memref<10112x16xf32, #tpu.memory_space<vmem_shared>>
      tpu.wait_indirect_dma semaphore(%arg21 : memref<!tpu.dma_semaphore, #tpu.memory_space<semaphore_mem>>) src(%dma_wait3A_594 : memref<10112x16xf32, #tpu.memory_space<vmem_shared>>) dst(%arg13 : memref<128x16xf32, #tpu.memory_space<vmem>>)
      %dma_start3A_595 = arith.constant 0 : i32
      %dma_start3A_596 = tpu.memref_slice %arg10[%add3A_588, %dma_start3A_595] : memref<96x128xi32, #tpu.memory_space<vmem>> -> memref<1x128xi32, #tpu.memory_space<vmem>>
      %dma_start3A_597 = tpu.memref_squeeze %dma_start3A_596 : memref<1x128xi32, #tpu.memory_space<vmem>> -> memref<128xi32, #tpu.memory_space<vmem>>
      %dma_start3A_598 = arith.constant 0 : i32
      %dma_start3A_599 = arith.constant 0 : i32
      %dma_start3A_600 = tpu.memref_slice %arg7[%dma_start3A_598, %dma_start3A_599] : memref<10112x16xf32, #tpu.memory_space<vmem_shared>> -> memref<10112x16xf32, #tpu.memory_space<vmem_shared>>
      tpu.enqueue_indirect_dma source(%arg13 : memref<128x16xf32, #tpu.memory_space<vmem>>) target(%dma_start3A_600 : memref<10112x16xf32, #tpu.memory_space<vmem_shared>>) offsets(%dma_start3A_597 : memref<128xi32, #tpu.memory_space<vmem>>) semaphore(%arg29 : memref<!tpu.dma_semaphore, #tpu.memory_space<semaphore_mem>>) {add = true}
      %sub3A_601 = arith.constant 4 : i32
      %sub3A_602 = arith.subi %add3A_588, %sub3A_601 : i32
      %dma_wait3A_603 = arith.constant 0 : i32
      %dma_wait3A_604 = tpu.memref_slice %arg10[%sub3A_602, %dma_wait3A_603] : memref<96x128xi32, #tpu.memory_space<vmem>> -> memref<1x128xi32, #tpu.memory_space<vmem>>
      %dma_wait3A_605 = tpu.memref_squeeze %dma_wait3A_604 : memref<1x128xi32, #tpu.memory_space<vmem>> -> memref<128xi32, #tpu.memory_space<vmem>>
      %dma_wait3A_606 = arith.constant 0 : i32
      %dma_wait3A_607 = arith.constant 0 : i32
      %dma_wait3A_608 = tpu.memref_slice %arg7[%dma_wait3A_606, %dma_wait3A_607] : memref<10112x16xf32, #tpu.memory_space<vmem_shared>> -> memref<10112x16xf32, #tpu.memory_space<vmem_shared>>
      tpu.wait_indirect_dma semaphore(%arg33 : memref<!tpu.dma_semaphore, #tpu.memory_space<semaphore_mem>>) src(%arg17 : memref<128x16xf32, #tpu.memory_space<vmem>>) dst(%dma_wait3A_608 : memref<10112x16xf32, #tpu.memory_space<vmem_shared>>)
      %add3A_609 = arith.constant 4 : i32
      %add3A_610 = arith.addi %add3A_588, %add3A_609 : i32
      %dma_start3A_611 = arith.constant 0 : i32
      %dma_start3A_612 = tpu.memref_slice %arg9[%add3A_610, %dma_start3A_611] : memref<96x128xi32, #tpu.memory_space<vmem>> -> memref<1x128xi32, #tpu.memory_space<vmem>>
      %dma_start3A_613 = tpu.memref_squeeze %dma_start3A_612 : memref<1x128xi32, #tpu.memory_space<vmem>> -> memref<128xi32, #tpu.memory_space<vmem>>
      %dma_start3A_614 = arith.constant 0 : i32
      %dma_start3A_615 = arith.constant 0 : i32
      %dma_start3A_616 = tpu.memref_slice %arg8[%dma_start3A_614, %dma_start3A_615] : memref<10112x16xf32, #tpu.memory_space<vmem_shared>> -> memref<10112x16xf32, #tpu.memory_space<vmem_shared>>
      tpu.enqueue_indirect_dma source(%dma_start3A_616 : memref<10112x16xf32, #tpu.memory_space<vmem_shared>>) target(%arg17 : memref<128x16xf32, #tpu.memory_space<vmem>>) offsets(%dma_start3A_613 : memref<128xi32, #tpu.memory_space<vmem>>) semaphore(%arg25 : memref<!tpu.dma_semaphore, #tpu.memory_space<semaphore_mem>>)
      %add3A_617 = arith.constant 3 : i32
      %add3A_618 = arith.addi %mul3A_526, %add3A_617 : i32
      %dma_wait3A_619 = arith.constant 0 : i32
      %dma_wait3A_620 = tpu.memref_slice %arg9[%add3A_618, %dma_wait3A_619] : memref<96x128xi32, #tpu.memory_space<vmem>> -> memref<1x128xi32, #tpu.memory_space<vmem>>
      %dma_wait3A_621 = tpu.memref_squeeze %dma_wait3A_620 : memref<1x128xi32, #tpu.memory_space<vmem>> -> memref<128xi32, #tpu.memory_space<vmem>>
      %dma_wait3A_622 = arith.constant 0 : i32
      %dma_wait3A_623 = arith.constant 0 : i32
      %dma_wait3A_624 = tpu.memref_slice %arg8[%dma_wait3A_622, %dma_wait3A_623] : memref<10112x16xf32, #tpu.memory_space<vmem_shared>> -> memref<10112x16xf32, #tpu.memory_space<vmem_shared>>
      tpu.wait_indirect_dma semaphore(%arg22 : memref<!tpu.dma_semaphore, #tpu.memory_space<semaphore_mem>>) src(%dma_wait3A_624 : memref<10112x16xf32, #tpu.memory_space<vmem_shared>>) dst(%arg14 : memref<128x16xf32, #tpu.memory_space<vmem>>)
      %dma_start3A_625 = arith.constant 0 : i32
      %dma_start3A_626 = tpu.memref_slice %arg10[%add3A_618, %dma_start3A_625] : memref<96x128xi32, #tpu.memory_space<vmem>> -> memref<1x128xi32, #tpu.memory_space<vmem>>
      %dma_start3A_627 = tpu.memref_squeeze %dma_start3A_626 : memref<1x128xi32, #tpu.memory_space<vmem>> -> memref<128xi32, #tpu.memory_space<vmem>>
      %dma_start3A_628 = arith.constant 0 : i32
      %dma_start3A_629 = arith.constant 0 : i32
      %dma_start3A_630 = tpu.memref_slice %arg7[%dma_start3A_628, %dma_start3A_629] : memref<10112x16xf32, #tpu.memory_space<vmem_shared>> -> memref<10112x16xf32, #tpu.memory_space<vmem_shared>>
      tpu.enqueue_indirect_dma source(%arg14 : memref<128x16xf32, #tpu.memory_space<vmem>>) target(%dma_start3A_630 : memref<10112x16xf32, #tpu.memory_space<vmem_shared>>) offsets(%dma_start3A_627 : memref<128xi32, #tpu.memory_space<vmem>>) semaphore(%arg30 : memref<!tpu.dma_semaphore, #tpu.memory_space<semaphore_mem>>) {add = true}
      %sub3A_631 = arith.constant 4 : i32
      %sub3A_632 = arith.subi %add3A_618, %sub3A_631 : i32
      %dma_wait3A_633 = arith.constant 0 : i32
      %dma_wait3A_634 = tpu.memref_slice %arg10[%sub3A_632, %dma_wait3A_633] : memref<96x128xi32, #tpu.memory_space<vmem>> -> memref<1x128xi32, #tpu.memory_space<vmem>>
      %dma_wait3A_635 = tpu.memref_squeeze %dma_wait3A_634 : memref<1x128xi32, #tpu.memory_space<vmem>> -> memref<128xi32, #tpu.memory_space<vmem>>
      %dma_wait3A_636 = arith.constant 0 : i32
      %dma_wait3A_637 = arith.constant 0 : i32
      %dma_wait3A_638 = tpu.memref_slice %arg7[%dma_wait3A_636, %dma_wait3A_637] : memref<10112x16xf32, #tpu.memory_space<vmem_shared>> -> memref<10112x16xf32, #tpu.memory_space<vmem_shared>>
      tpu.wait_indirect_dma semaphore(%arg34 : memref<!tpu.dma_semaphore, #tpu.memory_space<semaphore_mem>>) src(%arg18 : memref<128x16xf32, #tpu.memory_space<vmem>>) dst(%dma_wait3A_638 : memref<10112x16xf32, #tpu.memory_space<vmem_shared>>)
      %add3A_639 = arith.constant 4 : i32
      %add3A_640 = arith.addi %add3A_618, %add3A_639 : i32
      %dma_start3A_641 = arith.constant 0 : i32
      %dma_start3A_642 = tpu.memref_slice %arg9[%add3A_640, %dma_start3A_641] : memref<96x128xi32, #tpu.memory_space<vmem>> -> memref<1x128xi32, #tpu.memory_space<vmem>>
      %dma_start3A_643 = tpu.memref_squeeze %dma_start3A_642 : memref<1x128xi32, #tpu.memory_space<vmem>> -> memref<128xi32, #tpu.memory_space<vmem>>
      %dma_start3A_644 = arith.constant 0 : i32
      %dma_start3A_645 = arith.constant 0 : i32
      %dma_start3A_646 = tpu.memref_slice %arg8[%dma_start3A_644, %dma_start3A_645] : memref<10112x16xf32, #tpu.memory_space<vmem_shared>> -> memref<10112x16xf32, #tpu.memory_space<vmem_shared>>
      tpu.enqueue_indirect_dma source(%dma_start3A_646 : memref<10112x16xf32, #tpu.memory_space<vmem_shared>>) target(%arg18 : memref<128x16xf32, #tpu.memory_space<vmem>>) offsets(%dma_start3A_643 : memref<128xi32, #tpu.memory_space<vmem>>) semaphore(%arg26 : memref<!tpu.dma_semaphore, #tpu.memory_space<semaphore_mem>>)
      %add3A_647 = arith.constant 4 : i32
      %add3A_648 = arith.addi %mul3A_526, %add3A_647 : i32
      %dma_wait3A_649 = arith.constant 0 : i32
      %dma_wait3A_650 = tpu.memref_slice %arg9[%add3A_648, %dma_wait3A_649] : memref<96x128xi32, #tpu.memory_space<vmem>> -> memref<1x128xi32, #tpu.memory_space<vmem>>
      %dma_wait3A_651 = tpu.memref_squeeze %dma_wait3A_650 : memref<1x128xi32, #tpu.memory_space<vmem>> -> memref<128xi32, #tpu.memory_space<vmem>>
      %dma_wait3A_652 = arith.constant 0 : i32
      %dma_wait3A_653 = arith.constant 0 : i32
      %dma_wait3A_654 = tpu.memref_slice %arg8[%dma_wait3A_652, %dma_wait3A_653] : memref<10112x16xf32, #tpu.memory_space<vmem_shared>> -> memref<10112x16xf32, #tpu.memory_space<vmem_shared>>
      tpu.wait_indirect_dma semaphore(%arg23 : memref<!tpu.dma_semaphore, #tpu.memory_space<semaphore_mem>>) src(%dma_wait3A_654 : memref<10112x16xf32, #tpu.memory_space<vmem_shared>>) dst(%arg15 : memref<128x16xf32, #tpu.memory_space<vmem>>)
      %dma_start3A_655 = arith.constant 0 : i32
      %dma_start3A_656 = tpu.memref_slice %arg10[%add3A_648, %dma_start3A_655] : memref<96x128xi32, #tpu.memory_space<vmem>> -> memref<1x128xi32, #tpu.memory_space<vmem>>
      %dma_start3A_657 = tpu.memref_squeeze %dma_start3A_656 : memref<1x128xi32, #tpu.memory_space<vmem>> -> memref<128xi32, #tpu.memory_space<vmem>>
      %dma_start3A_658 = arith.constant 0 : i32
      %dma_start3A_659 = arith.constant 0 : i32
      %dma_start3A_660 = tpu.memref_slice %arg7[%dma_start3A_658, %dma_start3A_659] : memref<10112x16xf32, #tpu.memory_space<vmem_shared>> -> memref<10112x16xf32, #tpu.memory_space<vmem_shared>>
      tpu.enqueue_indirect_dma source(%arg15 : memref<128x16xf32, #tpu.memory_space<vmem>>) target(%dma_start3A_660 : memref<10112x16xf32, #tpu.memory_space<vmem_shared>>) offsets(%dma_start3A_657 : memref<128xi32, #tpu.memory_space<vmem>>) semaphore(%arg31 : memref<!tpu.dma_semaphore, #tpu.memory_space<semaphore_mem>>) {add = true}
      %sub3A_661 = arith.constant 4 : i32
      %sub3A_662 = arith.subi %add3A_648, %sub3A_661 : i32
      %dma_wait3A_663 = arith.constant 0 : i32
      %dma_wait3A_664 = tpu.memref_slice %arg10[%sub3A_662, %dma_wait3A_663] : memref<96x128xi32, #tpu.memory_space<vmem>> -> memref<1x128xi32, #tpu.memory_space<vmem>>
      %dma_wait3A_665 = tpu.memref_squeeze %dma_wait3A_664 : memref<1x128xi32, #tpu.memory_space<vmem>> -> memref<128xi32, #tpu.memory_space<vmem>>
      %dma_wait3A_666 = arith.constant 0 : i32
      %dma_wait3A_667 = arith.constant 0 : i32
      %dma_wait3A_668 = tpu.memref_slice %arg7[%dma_wait3A_666, %dma_wait3A_667] : memref<10112x16xf32, #tpu.memory_space<vmem_shared>> -> memref<10112x16xf32, #tpu.memory_space<vmem_shared>>
      tpu.wait_indirect_dma semaphore(%arg27 : memref<!tpu.dma_semaphore, #tpu.memory_space<semaphore_mem>>) src(%arg11 : memref<128x16xf32, #tpu.memory_space<vmem>>) dst(%dma_wait3A_668 : memref<10112x16xf32, #tpu.memory_space<vmem_shared>>)
      %add3A_669 = arith.constant 4 : i32
      %add3A_670 = arith.addi %add3A_648, %add3A_669 : i32
      %dma_start3A_671 = arith.constant 0 : i32
      %dma_start3A_672 = tpu.memref_slice %arg9[%add3A_670, %dma_start3A_671] : memref<96x128xi32, #tpu.memory_space<vmem>> -> memref<1x128xi32, #tpu.memory_space<vmem>>
      %dma_start3A_673 = tpu.memref_squeeze %dma_start3A_672 : memref<1x128xi32, #tpu.memory_space<vmem>> -> memref<128xi32, #tpu.memory_space<vmem>>
      %dma_start3A_674 = arith.constant 0 : i32
      %dma_start3A_675 = arith.constant 0 : i32
      %dma_start3A_676 = tpu.memref_slice %arg8[%dma_start3A_674, %dma_start3A_675] : memref<10112x16xf32, #tpu.memory_space<vmem_shared>> -> memref<10112x16xf32, #tpu.memory_space<vmem_shared>>
      tpu.enqueue_indirect_dma source(%dma_start3A_676 : memref<10112x16xf32, #tpu.memory_space<vmem_shared>>) target(%arg11 : memref<128x16xf32, #tpu.memory_space<vmem>>) offsets(%dma_start3A_673 : memref<128xi32, #tpu.memory_space<vmem>>) semaphore(%arg19 : memref<!tpu.dma_semaphore, #tpu.memory_space<semaphore_mem>>)
      %add3A_677 = arith.constant 5 : i32
      %add3A_678 = arith.addi %mul3A_526, %add3A_677 : i32
      %dma_wait3A_679 = arith.constant 0 : i32
      %dma_wait3A_680 = tpu.memref_slice %arg9[%add3A_678, %dma_wait3A_679] : memref<96x128xi32, #tpu.memory_space<vmem>> -> memref<1x128xi32, #tpu.memory_space<vmem>>
      %dma_wait3A_681 = tpu.memref_squeeze %dma_wait3A_680 : memref<1x128xi32, #tpu.memory_space<vmem>> -> memref<128xi32, #tpu.memory_space<vmem>>
      %dma_wait3A_682 = arith.constant 0 : i32
      %dma_wait3A_683 = arith.constant 0 : i32
      %dma_wait3A_684 = tpu.memref_slice %arg8[%dma_wait3A_682, %dma_wait3A_683] : memref<10112x16xf32, #tpu.memory_space<vmem_shared>> -> memref<10112x16xf32, #tpu.memory_space<vmem_shared>>
      tpu.wait_indirect_dma semaphore(%arg24 : memref<!tpu.dma_semaphore, #tpu.memory_space<semaphore_mem>>) src(%dma_wait3A_684 : memref<10112x16xf32, #tpu.memory_space<vmem_shared>>) dst(%arg16 : memref<128x16xf32, #tpu.memory_space<vmem>>)
      %dma_start3A_685 = arith.constant 0 : i32
      %dma_start3A_686 = tpu.memref_slice %arg10[%add3A_678, %dma_start3A_685] : memref<96x128xi32, #tpu.memory_space<vmem>> -> memref<1x128xi32, #tpu.memory_space<vmem>>
      %dma_start3A_687 = tpu.memref_squeeze %dma_start3A_686 : memref<1x128xi32, #tpu.memory_space<vmem>> -> memref<128xi32, #tpu.memory_space<vmem>>
      %dma_start3A_688 = arith.constant 0 : i32
      %dma_start3A_689 = arith.constant 0 : i32
      %dma_start3A_690 = tpu.memref_slice %arg7[%dma_start3A_688, %dma_start3A_689] : memref<10112x16xf32, #tpu.memory_space<vmem_shared>> -> memref<10112x16xf32, #tpu.memory_space<vmem_shared>>
      tpu.enqueue_indirect_dma source(%arg16 : memref<128x16xf32, #tpu.memory_space<vmem>>) target(%dma_start3A_690 : memref<10112x16xf32, #tpu.memory_space<vmem_shared>>) offsets(%dma_start3A_687 : memref<128xi32, #tpu.memory_space<vmem>>) semaphore(%arg32 : memref<!tpu.dma_semaphore, #tpu.memory_space<semaphore_mem>>) {add = true}
      %sub3A_691 = arith.constant 4 : i32
      %sub3A_692 = arith.subi %add3A_678, %sub3A_691 : i32
      %dma_wait3A_693 = arith.constant 0 : i32
      %dma_wait3A_694 = tpu.memref_slice %arg10[%sub3A_692, %dma_wait3A_693] : memref<96x128xi32, #tpu.memory_space<vmem>> -> memref<1x128xi32, #tpu.memory_space<vmem>>
      %dma_wait3A_695 = tpu.memref_squeeze %dma_wait3A_694 : memref<1x128xi32, #tpu.memory_space<vmem>> -> memref<128xi32, #tpu.memory_space<vmem>>
      %dma_wait3A_696 = arith.constant 0 : i32
      %dma_wait3A_697 = arith.constant 0 : i32
      %dma_wait3A_698 = tpu.memref_slice %arg7[%dma_wait3A_696, %dma_wait3A_697] : memref<10112x16xf32, #tpu.memory_space<vmem_shared>> -> memref<10112x16xf32, #tpu.memory_space<vmem_shared>>
      tpu.wait_indirect_dma semaphore(%arg28 : memref<!tpu.dma_semaphore, #tpu.memory_space<semaphore_mem>>) src(%arg12 : memref<128x16xf32, #tpu.memory_space<vmem>>) dst(%dma_wait3A_698 : memref<10112x16xf32, #tpu.memory_space<vmem_shared>>)
      %add3A_699 = arith.constant 4 : i32
      %add3A_700 = arith.addi %add3A_678, %add3A_699 : i32
      %dma_start3A_701 = arith.constant 0 : i32
      %dma_start3A_702 = tpu.memref_slice %arg9[%add3A_700, %dma_start3A_701] : memref<96x128xi32, #tpu.memory_space<vmem>> -> memref<1x128xi32, #tpu.memory_space<vmem>>
      %dma_start3A_703 = tpu.memref_squeeze %dma_start3A_702 : memref<1x128xi32, #tpu.memory_space<vmem>> -> memref<128xi32, #tpu.memory_space<vmem>>
      %dma_start3A_704 = arith.constant 0 : i32
      %dma_start3A_705 = arith.constant 0 : i32
      %dma_start3A_706 = tpu.memref_slice %arg8[%dma_start3A_704, %dma_start3A_705] : memref<10112x16xf32, #tpu.memory_space<vmem_shared>> -> memref<10112x16xf32, #tpu.memory_space<vmem_shared>>
      tpu.enqueue_indirect_dma source(%dma_start3A_706 : memref<10112x16xf32, #tpu.memory_space<vmem_shared>>) target(%arg12 : memref<128x16xf32, #tpu.memory_space<vmem>>) offsets(%dma_start3A_703 : memref<128xi32, #tpu.memory_space<vmem>>) semaphore(%arg20 : memref<!tpu.dma_semaphore, #tpu.memory_space<semaphore_mem>>)
      %add3A_707 = arith.constant 6 : i32
      %add3A_708 = arith.addi %mul3A_526, %add3A_707 : i32
      %dma_wait3A_709 = arith.constant 0 : i32
      %dma_wait3A_710 = tpu.memref_slice %arg9[%add3A_708, %dma_wait3A_709] : memref<96x128xi32, #tpu.memory_space<vmem>> -> memref<1x128xi32, #tpu.memory_space<vmem>>
      %dma_wait3A_711 = tpu.memref_squeeze %dma_wait3A_710 : memref<1x128xi32, #tpu.memory_space<vmem>> -> memref<128xi32, #tpu.memory_space<vmem>>
      %dma_wait3A_712 = arith.constant 0 : i32
      %dma_wait3A_713 = arith.constant 0 : i32
      %dma_wait3A_714 = tpu.memref_slice %arg8[%dma_wait3A_712, %dma_wait3A_713] : memref<10112x16xf32, #tpu.memory_space<vmem_shared>> -> memref<10112x16xf32, #tpu.memory_space<vmem_shared>>
      tpu.wait_indirect_dma semaphore(%arg25 : memref<!tpu.dma_semaphore, #tpu.memory_space<semaphore_mem>>) src(%dma_wait3A_714 : memref<10112x16xf32, #tpu.memory_space<vmem_shared>>) dst(%arg17 : memref<128x16xf32, #tpu.memory_space<vmem>>)
      %dma_start3A_715 = arith.constant 0 : i32
      %dma_start3A_716 = tpu.memref_slice %arg10[%add3A_708, %dma_start3A_715] : memref<96x128xi32, #tpu.memory_space<vmem>> -> memref<1x128xi32, #tpu.memory_space<vmem>>
      %dma_start3A_717 = tpu.memref_squeeze %dma_start3A_716 : memref<1x128xi32, #tpu.memory_space<vmem>> -> memref<128xi32, #tpu.memory_space<vmem>>
      %dma_start3A_718 = arith.constant 0 : i32
      %dma_start3A_719 = arith.constant 0 : i32
      %dma_start3A_720 = tpu.memref_slice %arg7[%dma_start3A_718, %dma_start3A_719] : memref<10112x16xf32, #tpu.memory_space<vmem_shared>> -> memref<10112x16xf32, #tpu.memory_space<vmem_shared>>
      tpu.enqueue_indirect_dma source(%arg17 : memref<128x16xf32, #tpu.memory_space<vmem>>) target(%dma_start3A_720 : memref<10112x16xf32, #tpu.memory_space<vmem_shared>>) offsets(%dma_start3A_717 : memref<128xi32, #tpu.memory_space<vmem>>) semaphore(%arg33 : memref<!tpu.dma_semaphore, #tpu.memory_space<semaphore_mem>>) {add = true}
      %sub3A_721 = arith.constant 4 : i32
      %sub3A_722 = arith.subi %add3A_708, %sub3A_721 : i32
      %dma_wait3A_723 = arith.constant 0 : i32
      %dma_wait3A_724 = tpu.memref_slice %arg10[%sub3A_722, %dma_wait3A_723] : memref<96x128xi32, #tpu.memory_space<vmem>> -> memref<1x128xi32, #tpu.memory_space<vmem>>
      %dma_wait3A_725 = tpu.memref_squeeze %dma_wait3A_724 : memref<1x128xi32, #tpu.memory_space<vmem>> -> memref<128xi32, #tpu.memory_space<vmem>>
      %dma_wait3A_726 = arith.constant 0 : i32
      %dma_wait3A_727 = arith.constant 0 : i32
      %dma_wait3A_728 = tpu.memref_slice %arg7[%dma_wait3A_726, %dma_wait3A_727] : memref<10112x16xf32, #tpu.memory_space<vmem_shared>> -> memref<10112x16xf32, #tpu.memory_space<vmem_shared>>
      tpu.wait_indirect_dma semaphore(%arg29 : memref<!tpu.dma_semaphore, #tpu.memory_space<semaphore_mem>>) src(%arg13 : memref<128x16xf32, #tpu.memory_space<vmem>>) dst(%dma_wait3A_728 : memref<10112x16xf32, #tpu.memory_space<vmem_shared>>)
      %add3A_729 = arith.constant 4 : i32
      %add3A_730 = arith.addi %add3A_708, %add3A_729 : i32
      %dma_start3A_731 = arith.constant 0 : i32
      %dma_start3A_732 = tpu.memref_slice %arg9[%add3A_730, %dma_start3A_731] : memref<96x128xi32, #tpu.memory_space<vmem>> -> memref<1x128xi32, #tpu.memory_space<vmem>>
      %dma_start3A_733 = tpu.memref_squeeze %dma_start3A_732 : memref<1x128xi32, #tpu.memory_space<vmem>> -> memref<128xi32, #tpu.memory_space<vmem>>
      %dma_start3A_734 = arith.constant 0 : i32
      %dma_start3A_735 = arith.constant 0 : i32
      %dma_start3A_736 = tpu.memref_slice %arg8[%dma_start3A_734, %dma_start3A_735] : memref<10112x16xf32, #tpu.memory_space<vmem_shared>> -> memref<10112x16xf32, #tpu.memory_space<vmem_shared>>
      tpu.enqueue_indirect_dma source(%dma_start3A_736 : memref<10112x16xf32, #tpu.memory_space<vmem_shared>>) target(%arg13 : memref<128x16xf32, #tpu.memory_space<vmem>>) offsets(%dma_start3A_733 : memref<128xi32, #tpu.memory_space<vmem>>) semaphore(%arg21 : memref<!tpu.dma_semaphore, #tpu.memory_space<semaphore_mem>>)
      %add3A_737 = arith.constant 7 : i32
      %add3A_738 = arith.addi %mul3A_526, %add3A_737 : i32
      %dma_wait3A_739 = arith.constant 0 : i32
      %dma_wait3A_740 = tpu.memref_slice %arg9[%add3A_738, %dma_wait3A_739] : memref<96x128xi32, #tpu.memory_space<vmem>> -> memref<1x128xi32, #tpu.memory_space<vmem>>
      %dma_wait3A_741 = tpu.memref_squeeze %dma_wait3A_740 : memref<1x128xi32, #tpu.memory_space<vmem>> -> memref<128xi32, #tpu.memory_space<vmem>>
      %dma_wait3A_742 = arith.constant 0 : i32
      %dma_wait3A_743 = arith.constant 0 : i32
      %dma_wait3A_744 = tpu.memref_slice %arg8[%dma_wait3A_742, %dma_wait3A_743] : memref<10112x16xf32, #tpu.memory_space<vmem_shared>> -> memref<10112x16xf32, #tpu.memory_space<vmem_shared>>
      tpu.wait_indirect_dma semaphore(%arg26 : memref<!tpu.dma_semaphore, #tpu.memory_space<semaphore_mem>>) src(%dma_wait3A_744 : memref<10112x16xf32, #tpu.memory_space<vmem_shared>>) dst(%arg18 : memref<128x16xf32, #tpu.memory_space<vmem>>)
      %dma_start3A_745 = arith.constant 0 : i32
      %dma_start3A_746 = tpu.memref_slice %arg10[%add3A_738, %dma_start3A_745] : memref<96x128xi32, #tpu.memory_space<vmem>> -> memref<1x128xi32, #tpu.memory_space<vmem>>
      %dma_start3A_747 = tpu.memref_squeeze %dma_start3A_746 : memref<1x128xi32, #tpu.memory_space<vmem>> -> memref<128xi32, #tpu.memory_space<vmem>>
      %dma_start3A_748 = arith.constant 0 : i32
      %dma_start3A_749 = arith.constant 0 : i32
      %dma_start3A_750 = tpu.memref_slice %arg7[%dma_start3A_748, %dma_start3A_749] : memref<10112x16xf32, #tpu.memory_space<vmem_shared>> -> memref<10112x16xf32, #tpu.memory_space<vmem_shared>>
      tpu.enqueue_indirect_dma source(%arg18 : memref<128x16xf32, #tpu.memory_space<vmem>>) target(%dma_start3A_750 : memref<10112x16xf32, #tpu.memory_space<vmem_shared>>) offsets(%dma_start3A_747 : memref<128xi32, #tpu.memory_space<vmem>>) semaphore(%arg34 : memref<!tpu.dma_semaphore, #tpu.memory_space<semaphore_mem>>) {add = true}
      %sub3A_751 = arith.constant 4 : i32
      %sub3A_752 = arith.subi %add3A_738, %sub3A_751 : i32
      %dma_wait3A_753 = arith.constant 0 : i32
      %dma_wait3A_754 = tpu.memref_slice %arg10[%sub3A_752, %dma_wait3A_753] : memref<96x128xi32, #tpu.memory_space<vmem>> -> memref<1x128xi32, #tpu.memory_space<vmem>>
      %dma_wait3A_755 = tpu.memref_squeeze %dma_wait3A_754 : memref<1x128xi32, #tpu.memory_space<vmem>> -> memref<128xi32, #tpu.memory_space<vmem>>
      %dma_wait3A_756 = arith.constant 0 : i32
      %dma_wait3A_757 = arith.constant 0 : i32
      %dma_wait3A_758 = tpu.memref_slice %arg7[%dma_wait3A_756, %dma_wait3A_757] : memref<10112x16xf32, #tpu.memory_space<vmem_shared>> -> memref<10112x16xf32, #tpu.memory_space<vmem_shared>>
      tpu.wait_indirect_dma semaphore(%arg30 : memref<!tpu.dma_semaphore, #tpu.memory_space<semaphore_mem>>) src(%arg14 : memref<128x16xf32, #tpu.memory_space<vmem>>) dst(%dma_wait3A_758 : memref<10112x16xf32, #tpu.memory_space<vmem_shared>>)
      %add3A_759 = arith.constant 4 : i32
      %add3A_760 = arith.addi %add3A_738, %add3A_759 : i32
      %dma_start3A_761 = arith.constant 0 : i32
      %dma_start3A_762 = tpu.memref_slice %arg9[%add3A_760, %dma_start3A_761] : memref<96x128xi32, #tpu.memory_space<vmem>> -> memref<1x128xi32, #tpu.memory_space<vmem>>
      %dma_start3A_763 = tpu.memref_squeeze %dma_start3A_762 : memref<1x128xi32, #tpu.memory_space<vmem>> -> memref<128xi32, #tpu.memory_space<vmem>>
      %dma_start3A_764 = arith.constant 0 : i32
      %dma_start3A_765 = arith.constant 0 : i32
      %dma_start3A_766 = tpu.memref_slice %arg8[%dma_start3A_764, %dma_start3A_765] : memref<10112x16xf32, #tpu.memory_space<vmem_shared>> -> memref<10112x16xf32, #tpu.memory_space<vmem_shared>>
      tpu.enqueue_indirect_dma source(%dma_start3A_766 : memref<10112x16xf32, #tpu.memory_space<vmem_shared>>) target(%arg14 : memref<128x16xf32, #tpu.memory_space<vmem>>) offsets(%dma_start3A_763 : memref<128xi32, #tpu.memory_space<vmem>>) semaphore(%arg22 : memref<!tpu.dma_semaphore, #tpu.memory_space<semaphore_mem>>)
    }
    %sub3A_271 = arith.constant 8 : i32
    %sub3A_272 = arith.subi %select_n3A, %sub3A_271 : i32
    %add3A_273 = arith.constant 0 : i32
    %add3A_274 = arith.addi %sub3A_272, %add3A_273 : i32
    %dma_wait3A_275 = arith.constant 0 : i32
    %dma_wait3A_276 = tpu.memref_slice %arg9[%add3A_274, %dma_wait3A_275] : memref<96x128xi32, #tpu.memory_space<vmem>> -> memref<1x128xi32, #tpu.memory_space<vmem>>
    %dma_wait3A_277 = tpu.memref_squeeze %dma_wait3A_276 : memref<1x128xi32, #tpu.memory_space<vmem>> -> memref<128xi32, #tpu.memory_space<vmem>>
    %dma_wait3A_278 = arith.constant 0 : i32
    %dma_wait3A_279 = arith.constant 0 : i32
    %dma_wait3A_280 = tpu.memref_slice %arg8[%dma_wait3A_278, %dma_wait3A_279] : memref<10112x16xf32, #tpu.memory_space<vmem_shared>> -> memref<10112x16xf32, #tpu.memory_space<vmem_shared>>
    tpu.wait_indirect_dma semaphore(%arg19 : memref<!tpu.dma_semaphore, #tpu.memory_space<semaphore_mem>>) src(%dma_wait3A_280 : memref<10112x16xf32, #tpu.memory_space<vmem_shared>>) dst(%arg11 : memref<128x16xf32, #tpu.memory_space<vmem>>)
    %dma_start3A_281 = arith.constant 0 : i32
    %dma_start3A_282 = tpu.memref_slice %arg10[%add3A_274, %dma_start3A_281] : memref<96x128xi32, #tpu.memory_space<vmem>> -> memref<1x128xi32, #tpu.memory_space<vmem>>
    %dma_start3A_283 = tpu.memref_squeeze %dma_start3A_282 : memref<1x128xi32, #tpu.memory_space<vmem>> -> memref<128xi32, #tpu.memory_space<vmem>>
    %dma_start3A_284 = arith.constant 0 : i32
    %dma_start3A_285 = arith.constant 0 : i32
    %dma_start3A_286 = tpu.memref_slice %arg7[%dma_start3A_284, %dma_start3A_285] : memref<10112x16xf32, #tpu.memory_space<vmem_shared>> -> memref<10112x16xf32, #tpu.memory_space<vmem_shared>>
    tpu.enqueue_indirect_dma source(%arg11 : memref<128x16xf32, #tpu.memory_space<vmem>>) target(%dma_start3A_286 : memref<10112x16xf32, #tpu.memory_space<vmem_shared>>) offsets(%dma_start3A_283 : memref<128xi32, #tpu.memory_space<vmem>>) semaphore(%arg27 : memref<!tpu.dma_semaphore, #tpu.memory_space<semaphore_mem>>) {add = true}
    %sub3A_287 = arith.constant 4 : i32
    %sub3A_288 = arith.subi %add3A_274, %sub3A_287 : i32
    %dma_wait3A_289 = arith.constant 0 : i32
    %dma_wait3A_290 = tpu.memref_slice %arg10[%sub3A_288, %dma_wait3A_289] : memref<96x128xi32, #tpu.memory_space<vmem>> -> memref<1x128xi32, #tpu.memory_space<vmem>>
    %dma_wait3A_291 = tpu.memref_squeeze %dma_wait3A_290 : memref<1x128xi32, #tpu.memory_space<vmem>> -> memref<128xi32, #tpu.memory_space<vmem>>
    %dma_wait3A_292 = arith.constant 0 : i32
    %dma_wait3A_293 = arith.constant 0 : i32
    %dma_wait3A_294 = tpu.memref_slice %arg7[%dma_wait3A_292, %dma_wait3A_293] : memref<10112x16xf32, #tpu.memory_space<vmem_shared>> -> memref<10112x16xf32, #tpu.memory_space<vmem_shared>>
    tpu.wait_indirect_dma semaphore(%arg31 : memref<!tpu.dma_semaphore, #tpu.memory_space<semaphore_mem>>) src(%arg15 : memref<128x16xf32, #tpu.memory_space<vmem>>) dst(%dma_wait3A_294 : memref<10112x16xf32, #tpu.memory_space<vmem_shared>>)
    %add3A_295 = arith.constant 4 : i32
    %add3A_296 = arith.addi %add3A_274, %add3A_295 : i32
    %dma_start3A_297 = arith.constant 0 : i32
    %dma_start3A_298 = tpu.memref_slice %arg9[%add3A_296, %dma_start3A_297] : memref<96x128xi32, #tpu.memory_space<vmem>> -> memref<1x128xi32, #tpu.memory_space<vmem>>
    %dma_start3A_299 = tpu.memref_squeeze %dma_start3A_298 : memref<1x128xi32, #tpu.memory_space<vmem>> -> memref<128xi32, #tpu.memory_space<vmem>>
    %dma_start3A_300 = arith.constant 0 : i32
    %dma_start3A_301 = arith.constant 0 : i32
    %dma_start3A_302 = tpu.memref_slice %arg8[%dma_start3A_300, %dma_start3A_301] : memref<10112x16xf32, #tpu.memory_space<vmem_shared>> -> memref<10112x16xf32, #tpu.memory_space<vmem_shared>>
    tpu.enqueue_indirect_dma source(%dma_start3A_302 : memref<10112x16xf32, #tpu.memory_space<vmem_shared>>) target(%arg15 : memref<128x16xf32, #tpu.memory_space<vmem>>) offsets(%dma_start3A_299 : memref<128xi32, #tpu.memory_space<vmem>>) semaphore(%arg23 : memref<!tpu.dma_semaphore, #tpu.memory_space<semaphore_mem>>)
    %add3A_303 = arith.constant 1 : i32
    %add3A_304 = arith.addi %sub3A_272, %add3A_303 : i32
    %dma_wait3A_305 = arith.constant 0 : i32
    %dma_wait3A_306 = tpu.memref_slice %arg9[%add3A_304, %dma_wait3A_305] : memref<96x128xi32, #tpu.memory_space<vmem>> -> memref<1x128xi32, #tpu.memory_space<vmem>>
    %dma_wait3A_307 = tpu.memref_squeeze %dma_wait3A_306 : memref<1x128xi32, #tpu.memory_space<vmem>> -> memref<128xi32, #tpu.memory_space<vmem>>
    %dma_wait3A_308 = arith.constant 0 : i32
    %dma_wait3A_309 = arith.constant 0 : i32
    %dma_wait3A_310 = tpu.memref_slice %arg8[%dma_wait3A_308, %dma_wait3A_309] : memref<10112x16xf32, #tpu.memory_space<vmem_shared>> -> memref<10112x16xf32, #tpu.memory_space<vmem_shared>>
    tpu.wait_indirect_dma semaphore(%arg20 : memref<!tpu.dma_semaphore, #tpu.memory_space<semaphore_mem>>) src(%dma_wait3A_310 : memref<10112x16xf32, #tpu.memory_space<vmem_shared>>) dst(%arg12 : memref<128x16xf32, #tpu.memory_space<vmem>>)
    %dma_start3A_311 = arith.constant 0 : i32
    %dma_start3A_312 = tpu.memref_slice %arg10[%add3A_304, %dma_start3A_311] : memref<96x128xi32, #tpu.memory_space<vmem>> -> memref<1x128xi32, #tpu.memory_space<vmem>>
    %dma_start3A_313 = tpu.memref_squeeze %dma_start3A_312 : memref<1x128xi32, #tpu.memory_space<vmem>> -> memref<128xi32, #tpu.memory_space<vmem>>
    %dma_start3A_314 = arith.constant 0 : i32
    %dma_start3A_315 = arith.constant 0 : i32
    %dma_start3A_316 = tpu.memref_slice %arg7[%dma_start3A_314, %dma_start3A_315] : memref<10112x16xf32, #tpu.memory_space<vmem_shared>> -> memref<10112x16xf32, #tpu.memory_space<vmem_shared>>
    tpu.enqueue_indirect_dma source(%arg12 : memref<128x16xf32, #tpu.memory_space<vmem>>) target(%dma_start3A_316 : memref<10112x16xf32, #tpu.memory_space<vmem_shared>>) offsets(%dma_start3A_313 : memref<128xi32, #tpu.memory_space<vmem>>) semaphore(%arg28 : memref<!tpu.dma_semaphore, #tpu.memory_space<semaphore_mem>>) {add = true}
    %sub3A_317 = arith.constant 4 : i32
    %sub3A_318 = arith.subi %add3A_304, %sub3A_317 : i32
    %dma_wait3A_319 = arith.constant 0 : i32
    %dma_wait3A_320 = tpu.memref_slice %arg10[%sub3A_318, %dma_wait3A_319] : memref<96x128xi32, #tpu.memory_space<vmem>> -> memref<1x128xi32, #tpu.memory_space<vmem>>
    %dma_wait3A_321 = tpu.memref_squeeze %dma_wait3A_320 : memref<1x128xi32, #tpu.memory_space<vmem>> -> memref<128xi32, #tpu.memory_space<vmem>>
    %dma_wait3A_322 = arith.constant 0 : i32
    %dma_wait3A_323 = arith.constant 0 : i32
    %dma_wait3A_324 = tpu.memref_slice %arg7[%dma_wait3A_322, %dma_wait3A_323] : memref<10112x16xf32, #tpu.memory_space<vmem_shared>> -> memref<10112x16xf32, #tpu.memory_space<vmem_shared>>
    tpu.wait_indirect_dma semaphore(%arg32 : memref<!tpu.dma_semaphore, #tpu.memory_space<semaphore_mem>>) src(%arg16 : memref<128x16xf32, #tpu.memory_space<vmem>>) dst(%dma_wait3A_324 : memref<10112x16xf32, #tpu.memory_space<vmem_shared>>)
    %add3A_325 = arith.constant 4 : i32
    %add3A_326 = arith.addi %add3A_304, %add3A_325 : i32
    %dma_start3A_327 = arith.constant 0 : i32
    %dma_start3A_328 = tpu.memref_slice %arg9[%add3A_326, %dma_start3A_327] : memref<96x128xi32, #tpu.memory_space<vmem>> -> memref<1x128xi32, #tpu.memory_space<vmem>>
    %dma_start3A_329 = tpu.memref_squeeze %dma_start3A_328 : memref<1x128xi32, #tpu.memory_space<vmem>> -> memref<128xi32, #tpu.memory_space<vmem>>
    %dma_start3A_330 = arith.constant 0 : i32
    %dma_start3A_331 = arith.constant 0 : i32
    %dma_start3A_332 = tpu.memref_slice %arg8[%dma_start3A_330, %dma_start3A_331] : memref<10112x16xf32, #tpu.memory_space<vmem_shared>> -> memref<10112x16xf32, #tpu.memory_space<vmem_shared>>
    tpu.enqueue_indirect_dma source(%dma_start3A_332 : memref<10112x16xf32, #tpu.memory_space<vmem_shared>>) target(%arg16 : memref<128x16xf32, #tpu.memory_space<vmem>>) offsets(%dma_start3A_329 : memref<128xi32, #tpu.memory_space<vmem>>) semaphore(%arg24 : memref<!tpu.dma_semaphore, #tpu.memory_space<semaphore_mem>>)
    %add3A_333 = arith.constant 2 : i32
    %add3A_334 = arith.addi %sub3A_272, %add3A_333 : i32
    %dma_wait3A_335 = arith.constant 0 : i32
    %dma_wait3A_336 = tpu.memref_slice %arg9[%add3A_334, %dma_wait3A_335] : memref<96x128xi32, #tpu.memory_space<vmem>> -> memref<1x128xi32, #tpu.memory_space<vmem>>
    %dma_wait3A_337 = tpu.memref_squeeze %dma_wait3A_336 : memref<1x128xi32, #tpu.memory_space<vmem>> -> memref<128xi32, #tpu.memory_space<vmem>>
    %dma_wait3A_338 = arith.constant 0 : i32
    %dma_wait3A_339 = arith.constant 0 : i32
    %dma_wait3A_340 = tpu.memref_slice %arg8[%dma_wait3A_338, %dma_wait3A_339] : memref<10112x16xf32, #tpu.memory_space<vmem_shared>> -> memref<10112x16xf32, #tpu.memory_space<vmem_shared>>
    tpu.wait_indirect_dma semaphore(%arg21 : memref<!tpu.dma_semaphore, #tpu.memory_space<semaphore_mem>>) src(%dma_wait3A_340 : memref<10112x16xf32, #tpu.memory_space<vmem_shared>>) dst(%arg13 : memref<128x16xf32, #tpu.memory_space<vmem>>)
    %dma_start3A_341 = arith.constant 0 : i32
    %dma_start3A_342 = tpu.memref_slice %arg10[%add3A_334, %dma_start3A_341] : memref<96x128xi32, #tpu.memory_space<vmem>> -> memref<1x128xi32, #tpu.memory_space<vmem>>
    %dma_start3A_343 = tpu.memref_squeeze %dma_start3A_342 : memref<1x128xi32, #tpu.memory_space<vmem>> -> memref<128xi32, #tpu.memory_space<vmem>>
    %dma_start3A_344 = arith.constant 0 : i32
    %dma_start3A_345 = arith.constant 0 : i32
    %dma_start3A_346 = tpu.memref_slice %arg7[%dma_start3A_344, %dma_start3A_345] : memref<10112x16xf32, #tpu.memory_space<vmem_shared>> -> memref<10112x16xf32, #tpu.memory_space<vmem_shared>>
    tpu.enqueue_indirect_dma source(%arg13 : memref<128x16xf32, #tpu.memory_space<vmem>>) target(%dma_start3A_346 : memref<10112x16xf32, #tpu.memory_space<vmem_shared>>) offsets(%dma_start3A_343 : memref<128xi32, #tpu.memory_space<vmem>>) semaphore(%arg29 : memref<!tpu.dma_semaphore, #tpu.memory_space<semaphore_mem>>) {add = true}
    %sub3A_347 = arith.constant 4 : i32
    %sub3A_348 = arith.subi %add3A_334, %sub3A_347 : i32
    %dma_wait3A_349 = arith.constant 0 : i32
    %dma_wait3A_350 = tpu.memref_slice %arg10[%sub3A_348, %dma_wait3A_349] : memref<96x128xi32, #tpu.memory_space<vmem>> -> memref<1x128xi32, #tpu.memory_space<vmem>>
    %dma_wait3A_351 = tpu.memref_squeeze %dma_wait3A_350 : memref<1x128xi32, #tpu.memory_space<vmem>> -> memref<128xi32, #tpu.memory_space<vmem>>
    %dma_wait3A_352 = arith.constant 0 : i32
    %dma_wait3A_353 = arith.constant 0 : i32
    %dma_wait3A_354 = tpu.memref_slice %arg7[%dma_wait3A_352, %dma_wait3A_353] : memref<10112x16xf32, #tpu.memory_space<vmem_shared>> -> memref<10112x16xf32, #tpu.memory_space<vmem_shared>>
    tpu.wait_indirect_dma semaphore(%arg33 : memref<!tpu.dma_semaphore, #tpu.memory_space<semaphore_mem>>) src(%arg17 : memref<128x16xf32, #tpu.memory_space<vmem>>) dst(%dma_wait3A_354 : memref<10112x16xf32, #tpu.memory_space<vmem_shared>>)
    %add3A_355 = arith.constant 4 : i32
    %add3A_356 = arith.addi %add3A_334, %add3A_355 : i32
    %dma_start3A_357 = arith.constant 0 : i32
    %dma_start3A_358 = tpu.memref_slice %arg9[%add3A_356, %dma_start3A_357] : memref<96x128xi32, #tpu.memory_space<vmem>> -> memref<1x128xi32, #tpu.memory_space<vmem>>
    %dma_start3A_359 = tpu.memref_squeeze %dma_start3A_358 : memref<1x128xi32, #tpu.memory_space<vmem>> -> memref<128xi32, #tpu.memory_space<vmem>>
    %dma_start3A_360 = arith.constant 0 : i32
    %dma_start3A_361 = arith.constant 0 : i32
    %dma_start3A_362 = tpu.memref_slice %arg8[%dma_start3A_360, %dma_start3A_361] : memref<10112x16xf32, #tpu.memory_space<vmem_shared>> -> memref<10112x16xf32, #tpu.memory_space<vmem_shared>>
    tpu.enqueue_indirect_dma source(%dma_start3A_362 : memref<10112x16xf32, #tpu.memory_space<vmem_shared>>) target(%arg17 : memref<128x16xf32, #tpu.memory_space<vmem>>) offsets(%dma_start3A_359 : memref<128xi32, #tpu.memory_space<vmem>>) semaphore(%arg25 : memref<!tpu.dma_semaphore, #tpu.memory_space<semaphore_mem>>)
    %add3A_363 = arith.constant 3 : i32
    %add3A_364 = arith.addi %sub3A_272, %add3A_363 : i32
    %dma_wait3A_365 = arith.constant 0 : i32
    %dma_wait3A_366 = tpu.memref_slice %arg9[%add3A_364, %dma_wait3A_365] : memref<96x128xi32, #tpu.memory_space<vmem>> -> memref<1x128xi32, #tpu.memory_space<vmem>>
    %dma_wait3A_367 = tpu.memref_squeeze %dma_wait3A_366 : memref<1x128xi32, #tpu.memory_space<vmem>> -> memref<128xi32, #tpu.memory_space<vmem>>
    %dma_wait3A_368 = arith.constant 0 : i32
    %dma_wait3A_369 = arith.constant 0 : i32
    %dma_wait3A_370 = tpu.memref_slice %arg8[%dma_wait3A_368, %dma_wait3A_369] : memref<10112x16xf32, #tpu.memory_space<vmem_shared>> -> memref<10112x16xf32, #tpu.memory_space<vmem_shared>>
    tpu.wait_indirect_dma semaphore(%arg22 : memref<!tpu.dma_semaphore, #tpu.memory_space<semaphore_mem>>) src(%dma_wait3A_370 : memref<10112x16xf32, #tpu.memory_space<vmem_shared>>) dst(%arg14 : memref<128x16xf32, #tpu.memory_space<vmem>>)
    %dma_start3A_371 = arith.constant 0 : i32
    %dma_start3A_372 = tpu.memref_slice %arg10[%add3A_364, %dma_start3A_371] : memref<96x128xi32, #tpu.memory_space<vmem>> -> memref<1x128xi32, #tpu.memory_space<vmem>>
    %dma_start3A_373 = tpu.memref_squeeze %dma_start3A_372 : memref<1x128xi32, #tpu.memory_space<vmem>> -> memref<128xi32, #tpu.memory_space<vmem>>
    %dma_start3A_374 = arith.constant 0 : i32
    %dma_start3A_375 = arith.constant 0 : i32
    %dma_start3A_376 = tpu.memref_slice %arg7[%dma_start3A_374, %dma_start3A_375] : memref<10112x16xf32, #tpu.memory_space<vmem_shared>> -> memref<10112x16xf32, #tpu.memory_space<vmem_shared>>
    tpu.enqueue_indirect_dma source(%arg14 : memref<128x16xf32, #tpu.memory_space<vmem>>) target(%dma_start3A_376 : memref<10112x16xf32, #tpu.memory_space<vmem_shared>>) offsets(%dma_start3A_373 : memref<128xi32, #tpu.memory_space<vmem>>) semaphore(%arg30 : memref<!tpu.dma_semaphore, #tpu.memory_space<semaphore_mem>>) {add = true}
    %sub3A_377 = arith.constant 4 : i32
    %sub3A_378 = arith.subi %add3A_364, %sub3A_377 : i32
    %dma_wait3A_379 = arith.constant 0 : i32
    %dma_wait3A_380 = tpu.memref_slice %arg10[%sub3A_378, %dma_wait3A_379] : memref<96x128xi32, #tpu.memory_space<vmem>> -> memref<1x128xi32, #tpu.memory_space<vmem>>
    %dma_wait3A_381 = tpu.memref_squeeze %dma_wait3A_380 : memref<1x128xi32, #tpu.memory_space<vmem>> -> memref<128xi32, #tpu.memory_space<vmem>>
    %dma_wait3A_382 = arith.constant 0 : i32
    %dma_wait3A_383 = arith.constant 0 : i32
    %dma_wait3A_384 = tpu.memref_slice %arg7[%dma_wait3A_382, %dma_wait3A_383] : memref<10112x16xf32, #tpu.memory_space<vmem_shared>> -> memref<10112x16xf32, #tpu.memory_space<vmem_shared>>
    tpu.wait_indirect_dma semaphore(%arg34 : memref<!tpu.dma_semaphore, #tpu.memory_space<semaphore_mem>>) src(%arg18 : memref<128x16xf32, #tpu.memory_space<vmem>>) dst(%dma_wait3A_384 : memref<10112x16xf32, #tpu.memory_space<vmem_shared>>)
    %add3A_385 = arith.constant 4 : i32
    %add3A_386 = arith.addi %add3A_364, %add3A_385 : i32
    %dma_start3A_387 = arith.constant 0 : i32
    %dma_start3A_388 = tpu.memref_slice %arg9[%add3A_386, %dma_start3A_387] : memref<96x128xi32, #tpu.memory_space<vmem>> -> memref<1x128xi32, #tpu.memory_space<vmem>>
    %dma_start3A_389 = tpu.memref_squeeze %dma_start3A_388 : memref<1x128xi32, #tpu.memory_space<vmem>> -> memref<128xi32, #tpu.memory_space<vmem>>
    %dma_start3A_390 = arith.constant 0 : i32
    %dma_start3A_391 = arith.constant 0 : i32
    %dma_start3A_392 = tpu.memref_slice %arg8[%dma_start3A_390, %dma_start3A_391] : memref<10112x16xf32, #tpu.memory_space<vmem_shared>> -> memref<10112x16xf32, #tpu.memory_space<vmem_shared>>
    tpu.enqueue_indirect_dma source(%dma_start3A_392 : memref<10112x16xf32, #tpu.memory_space<vmem_shared>>) target(%arg18 : memref<128x16xf32, #tpu.memory_space<vmem>>) offsets(%dma_start3A_389 : memref<128xi32, #tpu.memory_space<vmem>>) semaphore(%arg26 : memref<!tpu.dma_semaphore, #tpu.memory_space<semaphore_mem>>)
    %add3A_393 = arith.constant 4 : i32
    %add3A_394 = arith.addi %sub3A_272, %add3A_393 : i32
    %dma_wait3A_395 = arith.constant 0 : i32
    %dma_wait3A_396 = tpu.memref_slice %arg9[%add3A_394, %dma_wait3A_395] : memref<96x128xi32, #tpu.memory_space<vmem>> -> memref<1x128xi32, #tpu.memory_space<vmem>>
    %dma_wait3A_397 = tpu.memref_squeeze %dma_wait3A_396 : memref<1x128xi32, #tpu.memory_space<vmem>> -> memref<128xi32, #tpu.memory_space<vmem>>
    %dma_wait3A_398 = arith.constant 0 : i32
    %dma_wait3A_399 = arith.constant 0 : i32
    %dma_wait3A_400 = tpu.memref_slice %arg8[%dma_wait3A_398, %dma_wait3A_399] : memref<10112x16xf32, #tpu.memory_space<vmem_shared>> -> memref<10112x16xf32, #tpu.memory_space<vmem_shared>>
    tpu.wait_indirect_dma semaphore(%arg23 : memref<!tpu.dma_semaphore, #tpu.memory_space<semaphore_mem>>) src(%dma_wait3A_400 : memref<10112x16xf32, #tpu.memory_space<vmem_shared>>) dst(%arg15 : memref<128x16xf32, #tpu.memory_space<vmem>>)
    %dma_start3A_401 = arith.constant 0 : i32
    %dma_start3A_402 = tpu.memref_slice %arg10[%add3A_394, %dma_start3A_401] : memref<96x128xi32, #tpu.memory_space<vmem>> -> memref<1x128xi32, #tpu.memory_space<vmem>>
    %dma_start3A_403 = tpu.memref_squeeze %dma_start3A_402 : memref<1x128xi32, #tpu.memory_space<vmem>> -> memref<128xi32, #tpu.memory_space<vmem>>
    %dma_start3A_404 = arith.constant 0 : i32
    %dma_start3A_405 = arith.constant 0 : i32
    %dma_start3A_406 = tpu.memref_slice %arg7[%dma_start3A_404, %dma_start3A_405] : memref<10112x16xf32, #tpu.memory_space<vmem_shared>> -> memref<10112x16xf32, #tpu.memory_space<vmem_shared>>
    tpu.enqueue_indirect_dma source(%arg15 : memref<128x16xf32, #tpu.memory_space<vmem>>) target(%dma_start3A_406 : memref<10112x16xf32, #tpu.memory_space<vmem_shared>>) offsets(%dma_start3A_403 : memref<128xi32, #tpu.memory_space<vmem>>) semaphore(%arg31 : memref<!tpu.dma_semaphore, #tpu.memory_space<semaphore_mem>>) {add = true}
    %sub3A_407 = arith.constant 4 : i32
    %sub3A_408 = arith.subi %add3A_394, %sub3A_407 : i32
    %dma_wait3A_409 = arith.constant 0 : i32
    %dma_wait3A_410 = tpu.memref_slice %arg10[%sub3A_408, %dma_wait3A_409] : memref<96x128xi32, #tpu.memory_space<vmem>> -> memref<1x128xi32, #tpu.memory_space<vmem>>
    %dma_wait3A_411 = tpu.memref_squeeze %dma_wait3A_410 : memref<1x128xi32, #tpu.memory_space<vmem>> -> memref<128xi32, #tpu.memory_space<vmem>>
    %dma_wait3A_412 = arith.constant 0 : i32
    %dma_wait3A_413 = arith.constant 0 : i32
    %dma_wait3A_414 = tpu.memref_slice %arg7[%dma_wait3A_412, %dma_wait3A_413] : memref<10112x16xf32, #tpu.memory_space<vmem_shared>> -> memref<10112x16xf32, #tpu.memory_space<vmem_shared>>
    tpu.wait_indirect_dma semaphore(%arg27 : memref<!tpu.dma_semaphore, #tpu.memory_space<semaphore_mem>>) src(%arg11 : memref<128x16xf32, #tpu.memory_space<vmem>>) dst(%dma_wait3A_414 : memref<10112x16xf32, #tpu.memory_space<vmem_shared>>)
    %add3A_415 = arith.constant 5 : i32
    %add3A_416 = arith.addi %sub3A_272, %add3A_415 : i32
    %dma_wait3A_417 = arith.constant 0 : i32
    %dma_wait3A_418 = tpu.memref_slice %arg9[%add3A_416, %dma_wait3A_417] : memref<96x128xi32, #tpu.memory_space<vmem>> -> memref<1x128xi32, #tpu.memory_space<vmem>>
    %dma_wait3A_419 = tpu.memref_squeeze %dma_wait3A_418 : memref<1x128xi32, #tpu.memory_space<vmem>> -> memref<128xi32, #tpu.memory_space<vmem>>
    %dma_wait3A_420 = arith.constant 0 : i32
    %dma_wait3A_421 = arith.constant 0 : i32
    %dma_wait3A_422 = tpu.memref_slice %arg8[%dma_wait3A_420, %dma_wait3A_421] : memref<10112x16xf32, #tpu.memory_space<vmem_shared>> -> memref<10112x16xf32, #tpu.memory_space<vmem_shared>>
    tpu.wait_indirect_dma semaphore(%arg24 : memref<!tpu.dma_semaphore, #tpu.memory_space<semaphore_mem>>) src(%dma_wait3A_422 : memref<10112x16xf32, #tpu.memory_space<vmem_shared>>) dst(%arg16 : memref<128x16xf32, #tpu.memory_space<vmem>>)
    %dma_start3A_423 = arith.constant 0 : i32
    %dma_start3A_424 = tpu.memref_slice %arg10[%add3A_416, %dma_start3A_423] : memref<96x128xi32, #tpu.memory_space<vmem>> -> memref<1x128xi32, #tpu.memory_space<vmem>>
    %dma_start3A_425 = tpu.memref_squeeze %dma_start3A_424 : memref<1x128xi32, #tpu.memory_space<vmem>> -> memref<128xi32, #tpu.memory_space<vmem>>
    %dma_start3A_426 = arith.constant 0 : i32
    %dma_start3A_427 = arith.constant 0 : i32
    %dma_start3A_428 = tpu.memref_slice %arg7[%dma_start3A_426, %dma_start3A_427] : memref<10112x16xf32, #tpu.memory_space<vmem_shared>> -> memref<10112x16xf32, #tpu.memory_space<vmem_shared>>
    tpu.enqueue_indirect_dma source(%arg16 : memref<128x16xf32, #tpu.memory_space<vmem>>) target(%dma_start3A_428 : memref<10112x16xf32, #tpu.memory_space<vmem_shared>>) offsets(%dma_start3A_425 : memref<128xi32, #tpu.memory_space<vmem>>) semaphore(%arg32 : memref<!tpu.dma_semaphore, #tpu.memory_space<semaphore_mem>>) {add = true}
    %sub3A_429 = arith.constant 4 : i32
    %sub3A_430 = arith.subi %add3A_416, %sub3A_429 : i32
    %dma_wait3A_431 = arith.constant 0 : i32
    %dma_wait3A_432 = tpu.memref_slice %arg10[%sub3A_430, %dma_wait3A_431] : memref<96x128xi32, #tpu.memory_space<vmem>> -> memref<1x128xi32, #tpu.memory_space<vmem>>
    %dma_wait3A_433 = tpu.memref_squeeze %dma_wait3A_432 : memref<1x128xi32, #tpu.memory_space<vmem>> -> memref<128xi32, #tpu.memory_space<vmem>>
    %dma_wait3A_434 = arith.constant 0 : i32
    %dma_wait3A_435 = arith.constant 0 : i32
    %dma_wait3A_436 = tpu.memref_slice %arg7[%dma_wait3A_434, %dma_wait3A_435] : memref<10112x16xf32, #tpu.memory_space<vmem_shared>> -> memref<10112x16xf32, #tpu.memory_space<vmem_shared>>
    tpu.wait_indirect_dma semaphore(%arg28 : memref<!tpu.dma_semaphore, #tpu.memory_space<semaphore_mem>>) src(%arg12 : memref<128x16xf32, #tpu.memory_space<vmem>>) dst(%dma_wait3A_436 : memref<10112x16xf32, #tpu.memory_space<vmem_shared>>)
    %add3A_437 = arith.constant 6 : i32
    %add3A_438 = arith.addi %sub3A_272, %add3A_437 : i32
    %dma_wait3A_439 = arith.constant 0 : i32
    %dma_wait3A_440 = tpu.memref_slice %arg9[%add3A_438, %dma_wait3A_439] : memref<96x128xi32, #tpu.memory_space<vmem>> -> memref<1x128xi32, #tpu.memory_space<vmem>>
    %dma_wait3A_441 = tpu.memref_squeeze %dma_wait3A_440 : memref<1x128xi32, #tpu.memory_space<vmem>> -> memref<128xi32, #tpu.memory_space<vmem>>
    %dma_wait3A_442 = arith.constant 0 : i32
    %dma_wait3A_443 = arith.constant 0 : i32
    %dma_wait3A_444 = tpu.memref_slice %arg8[%dma_wait3A_442, %dma_wait3A_443] : memref<10112x16xf32, #tpu.memory_space<vmem_shared>> -> memref<10112x16xf32, #tpu.memory_space<vmem_shared>>
    tpu.wait_indirect_dma semaphore(%arg25 : memref<!tpu.dma_semaphore, #tpu.memory_space<semaphore_mem>>) src(%dma_wait3A_444 : memref<10112x16xf32, #tpu.memory_space<vmem_shared>>) dst(%arg17 : memref<128x16xf32, #tpu.memory_space<vmem>>)
    %dma_start3A_445 = arith.constant 0 : i32
    %dma_start3A_446 = tpu.memref_slice %arg10[%add3A_438, %dma_start3A_445] : memref<96x128xi32, #tpu.memory_space<vmem>> -> memref<1x128xi32, #tpu.memory_space<vmem>>
    %dma_start3A_447 = tpu.memref_squeeze %dma_start3A_446 : memref<1x128xi32, #tpu.memory_space<vmem>> -> memref<128xi32, #tpu.memory_space<vmem>>
    %dma_start3A_448 = arith.constant 0 : i32
    %dma_start3A_449 = arith.constant 0 : i32
    %dma_start3A_450 = tpu.memref_slice %arg7[%dma_start3A_448, %dma_start3A_449] : memref<10112x16xf32, #tpu.memory_space<vmem_shared>> -> memref<10112x16xf32, #tpu.memory_space<vmem_shared>>
    tpu.enqueue_indirect_dma source(%arg17 : memref<128x16xf32, #tpu.memory_space<vmem>>) target(%dma_start3A_450 : memref<10112x16xf32, #tpu.memory_space<vmem_shared>>) offsets(%dma_start3A_447 : memref<128xi32, #tpu.memory_space<vmem>>) semaphore(%arg33 : memref<!tpu.dma_semaphore, #tpu.memory_space<semaphore_mem>>) {add = true}
    %sub3A_451 = arith.constant 4 : i32
    %sub3A_452 = arith.subi %add3A_438, %sub3A_451 : i32
    %dma_wait3A_453 = arith.constant 0 : i32
    %dma_wait3A_454 = tpu.memref_slice %arg10[%sub3A_452, %dma_wait3A_453] : memref<96x128xi32, #tpu.memory_space<vmem>> -> memref<1x128xi32, #tpu.memory_space<vmem>>
    %dma_wait3A_455 = tpu.memref_squeeze %dma_wait3A_454 : memref<1x128xi32, #tpu.memory_space<vmem>> -> memref<128xi32, #tpu.memory_space<vmem>>
    %dma_wait3A_456 = arith.constant 0 : i32
    %dma_wait3A_457 = arith.constant 0 : i32
    %dma_wait3A_458 = tpu.memref_slice %arg7[%dma_wait3A_456, %dma_wait3A_457] : memref<10112x16xf32, #tpu.memory_space<vmem_shared>> -> memref<10112x16xf32, #tpu.memory_space<vmem_shared>>
    tpu.wait_indirect_dma semaphore(%arg29 : memref<!tpu.dma_semaphore, #tpu.memory_space<semaphore_mem>>) src(%arg13 : memref<128x16xf32, #tpu.memory_space<vmem>>) dst(%dma_wait3A_458 : memref<10112x16xf32, #tpu.memory_space<vmem_shared>>)
    %add3A_459 = arith.constant 7 : i32
    %add3A_460 = arith.addi %sub3A_272, %add3A_459 : i32
    %dma_wait3A_461 = arith.constant 0 : i32
    %dma_wait3A_462 = tpu.memref_slice %arg9[%add3A_460, %dma_wait3A_461] : memref<96x128xi32, #tpu.memory_space<vmem>> -> memref<1x128xi32, #tpu.memory_space<vmem>>
    %dma_wait3A_463 = tpu.memref_squeeze %dma_wait3A_462 : memref<1x128xi32, #tpu.memory_space<vmem>> -> memref<128xi32, #tpu.memory_space<vmem>>
    %dma_wait3A_464 = arith.constant 0 : i32
    %dma_wait3A_465 = arith.constant 0 : i32
    %dma_wait3A_466 = tpu.memref_slice %arg8[%dma_wait3A_464, %dma_wait3A_465] : memref<10112x16xf32, #tpu.memory_space<vmem_shared>> -> memref<10112x16xf32, #tpu.memory_space<vmem_shared>>
    tpu.wait_indirect_dma semaphore(%arg26 : memref<!tpu.dma_semaphore, #tpu.memory_space<semaphore_mem>>) src(%dma_wait3A_466 : memref<10112x16xf32, #tpu.memory_space<vmem_shared>>) dst(%arg18 : memref<128x16xf32, #tpu.memory_space<vmem>>)
    %dma_start3A_467 = arith.constant 0 : i32
    %dma_start3A_468 = tpu.memref_slice %arg10[%add3A_460, %dma_start3A_467] : memref<96x128xi32, #tpu.memory_space<vmem>> -> memref<1x128xi32, #tpu.memory_space<vmem>>
    %dma_start3A_469 = tpu.memref_squeeze %dma_start3A_468 : memref<1x128xi32, #tpu.memory_space<vmem>> -> memref<128xi32, #tpu.memory_space<vmem>>
    %dma_start3A_470 = arith.constant 0 : i32
    %dma_start3A_471 = arith.constant 0 : i32
    %dma_start3A_472 = tpu.memref_slice %arg7[%dma_start3A_470, %dma_start3A_471] : memref<10112x16xf32, #tpu.memory_space<vmem_shared>> -> memref<10112x16xf32, #tpu.memory_space<vmem_shared>>
    tpu.enqueue_indirect_dma source(%arg18 : memref<128x16xf32, #tpu.memory_space<vmem>>) target(%dma_start3A_472 : memref<10112x16xf32, #tpu.memory_space<vmem_shared>>) offsets(%dma_start3A_469 : memref<128xi32, #tpu.memory_space<vmem>>) semaphore(%arg34 : memref<!tpu.dma_semaphore, #tpu.memory_space<semaphore_mem>>) {add = true}
    %sub3A_473 = arith.constant 4 : i32
    %sub3A_474 = arith.subi %add3A_460, %sub3A_473 : i32
    %dma_wait3A_475 = arith.constant 0 : i32
    %dma_wait3A_476 = tpu.memref_slice %arg10[%sub3A_474, %dma_wait3A_475] : memref<96x128xi32, #tpu.memory_space<vmem>> -> memref<1x128xi32, #tpu.memory_space<vmem>>
    %dma_wait3A_477 = tpu.memref_squeeze %dma_wait3A_476 : memref<1x128xi32, #tpu.memory_space<vmem>> -> memref<128xi32, #tpu.memory_space<vmem>>
    %dma_wait3A_478 = arith.constant 0 : i32
    %dma_wait3A_479 = arith.constant 0 : i32
    %dma_wait3A_480 = tpu.memref_slice %arg7[%dma_wait3A_478, %dma_wait3A_479] : memref<10112x16xf32, #tpu.memory_space<vmem_shared>> -> memref<10112x16xf32, #tpu.memory_space<vmem_shared>>
    tpu.wait_indirect_dma semaphore(%arg30 : memref<!tpu.dma_semaphore, #tpu.memory_space<semaphore_mem>>) src(%arg14 : memref<128x16xf32, #tpu.memory_space<vmem>>) dst(%dma_wait3A_480 : memref<10112x16xf32, #tpu.memory_space<vmem_shared>>)
    %sub3A_481 = arith.constant 4 : i32
    %sub3A_482 = arith.subi %select_n3A, %sub3A_481 : i32
    %add3A_483 = arith.constant 0 : i32
    %add3A_484 = arith.addi %sub3A_482, %add3A_483 : i32
    %dma_wait3A_485 = arith.constant 0 : i32
    %dma_wait3A_486 = tpu.memref_slice %arg10[%add3A_484, %dma_wait3A_485] : memref<96x128xi32, #tpu.memory_space<vmem>> -> memref<1x128xi32, #tpu.memory_space<vmem>>
    %dma_wait3A_487 = tpu.memref_squeeze %dma_wait3A_486 : memref<1x128xi32, #tpu.memory_space<vmem>> -> memref<128xi32, #tpu.memory_space<vmem>>
    %dma_wait3A_488 = arith.constant 0 : i32
    %dma_wait3A_489 = arith.constant 0 : i32
    %dma_wait3A_490 = tpu.memref_slice %arg7[%dma_wait3A_488, %dma_wait3A_489] : memref<10112x16xf32, #tpu.memory_space<vmem_shared>> -> memref<10112x16xf32, #tpu.memory_space<vmem_shared>>
    tpu.wait_indirect_dma semaphore(%arg31 : memref<!tpu.dma_semaphore, #tpu.memory_space<semaphore_mem>>) src(%arg15 : memref<128x16xf32, #tpu.memory_space<vmem>>) dst(%dma_wait3A_490 : memref<10112x16xf32, #tpu.memory_space<vmem_shared>>)
    %sub3A_491 = arith.constant 4 : i32
    %sub3A_492 = arith.subi %select_n3A, %sub3A_491 : i32
    %add3A_493 = arith.constant 1 : i32
    %add3A_494 = arith.addi %sub3A_492, %add3A_493 : i32
    %dma_wait3A_495 = arith.constant 0 : i32
    %dma_wait3A_496 = tpu.memref_slice %arg10[%add3A_494, %dma_wait3A_495] : memref<96x128xi32, #tpu.memory_space<vmem>> -> memref<1x128xi32, #tpu.memory_space<vmem>>
    %dma_wait3A_497 = tpu.memref_squeeze %dma_wait3A_496 : memref<1x128xi32, #tpu.memory_space<vmem>> -> memref<128xi32, #tpu.memory_space<vmem>>
    %dma_wait3A_498 = arith.constant 0 : i32
    %dma_wait3A_499 = arith.constant 0 : i32
    %dma_wait3A_500 = tpu.memref_slice %arg7[%dma_wait3A_498, %dma_wait3A_499] : memref<10112x16xf32, #tpu.memory_space<vmem_shared>> -> memref<10112x16xf32, #tpu.memory_space<vmem_shared>>
    tpu.wait_indirect_dma semaphore(%arg32 : memref<!tpu.dma_semaphore, #tpu.memory_space<semaphore_mem>>) src(%arg16 : memref<128x16xf32, #tpu.memory_space<vmem>>) dst(%dma_wait3A_500 : memref<10112x16xf32, #tpu.memory_space<vmem_shared>>)
    %sub3A_501 = arith.constant 4 : i32
    %sub3A_502 = arith.subi %select_n3A, %sub3A_501 : i32
    %add3A_503 = arith.constant 2 : i32
    %add3A_504 = arith.addi %sub3A_502, %add3A_503 : i32
    %dma_wait3A_505 = arith.constant 0 : i32
    %dma_wait3A_506 = tpu.memref_slice %arg10[%add3A_504, %dma_wait3A_505] : memref<96x128xi32, #tpu.memory_space<vmem>> -> memref<1x128xi32, #tpu.memory_space<vmem>>
    %dma_wait3A_507 = tpu.memref_squeeze %dma_wait3A_506 : memref<1x128xi32, #tpu.memory_space<vmem>> -> memref<128xi32, #tpu.memory_space<vmem>>
    %dma_wait3A_508 = arith.constant 0 : i32
    %dma_wait3A_509 = arith.constant 0 : i32
    %dma_wait3A_510 = tpu.memref_slice %arg7[%dma_wait3A_508, %dma_wait3A_509] : memref<10112x16xf32, #tpu.memory_space<vmem_shared>> -> memref<10112x16xf32, #tpu.memory_space<vmem_shared>>
    tpu.wait_indirect_dma semaphore(%arg33 : memref<!tpu.dma_semaphore, #tpu.memory_space<semaphore_mem>>) src(%arg17 : memref<128x16xf32, #tpu.memory_space<vmem>>) dst(%dma_wait3A_510 : memref<10112x16xf32, #tpu.memory_space<vmem_shared>>)
    %sub3A_511 = arith.constant 4 : i32
    %sub3A_512 = arith.subi %select_n3A, %sub3A_511 : i32
    %add3A_513 = arith.constant 3 : i32
    %add3A_514 = arith.addi %sub3A_512, %add3A_513 : i32
    %dma_wait3A_515 = arith.constant 0 : i32
    %dma_wait3A_516 = tpu.memref_slice %arg10[%add3A_514, %dma_wait3A_515] : memref<96x128xi32, #tpu.memory_space<vmem>> -> memref<1x128xi32, #tpu.memory_space<vmem>>
    %dma_wait3A_517 = tpu.memref_squeeze %dma_wait3A_516 : memref<1x128xi32, #tpu.memory_space<vmem>> -> memref<128xi32, #tpu.memory_space<vmem>>
    %dma_wait3A_518 = arith.constant 0 : i32
    %dma_wait3A_519 = arith.constant 0 : i32
    %dma_wait3A_520 = tpu.memref_slice %arg7[%dma_wait3A_518, %dma_wait3A_519] : memref<10112x16xf32, #tpu.memory_space<vmem_shared>> -> memref<10112x16xf32, #tpu.memory_space<vmem_shared>>
    tpu.wait_indirect_dma semaphore(%arg34 : memref<!tpu.dma_semaphore, #tpu.memory_space<semaphore_mem>>) src(%arg18 : memref<128x16xf32, #tpu.memory_space<vmem>>) dst(%dma_wait3A_520 : memref<10112x16xf32, #tpu.memory_space<vmem_shared>>)
    %barrier3A_521 = arith.constant 0 : index
    tpu.barrier barrier_id(%barrier3A_521)
    "tpu.region"() ({
      %run_scoped3A = tpu.sem_alloc : memref<!tpu.dma_semaphore, #tpu.memory_space<semaphore_mem>>
      %dma_start3A_522 = arith.constant 0 : i32
      %dma_start3A_523 = tpu.memref_slice %arg6[%arg0, %mul3A_10, %dma_start3A_522] : memref<2x10112x16xf32, #tpu.memory_space<hbm>> -> memref<1x632x16xf32, #tpu.memory_space<hbm>>
      %dma_start3A_524 = tpu.memref_squeeze %dma_start3A_523 : memref<1x632x16xf32, #tpu.memory_space<hbm>> -> memref<632x16xf32, #tpu.memory_space<hbm>>
      %dma_start3A_525 = arith.constant 0 : i32
      %dma_start3A_526 = tpu.memref_slice %arg7[%mul3A_10, %dma_start3A_525] : memref<10112x16xf32, #tpu.memory_space<vmem_shared>> -> memref<632x16xf32, #tpu.memory_space<vmem_shared>>
      tpu.enqueue_dma source(%dma_start3A_526 : memref<632x16xf32, #tpu.memory_space<vmem_shared>>) target(%dma_start3A_524 : memref<632x16xf32, #tpu.memory_space<hbm>>) target_semaphore(%run_scoped3A : memref<!tpu.dma_semaphore, #tpu.memory_space<semaphore_mem>>)
      %dma_wait3A_527 = arith.constant 0 : i32
      %dma_wait3A_528 = tpu.memref_slice %arg6[%arg0, %mul3A_10, %dma_wait3A_527] : memref<2x10112x16xf32, #tpu.memory_space<hbm>> -> memref<1x632x16xf32, #tpu.memory_space<hbm>>
      %dma_wait3A_529 = tpu.memref_squeeze %dma_wait3A_528 : memref<1x632x16xf32, #tpu.memory_space<hbm>> -> memref<632x16xf32, #tpu.memory_space<hbm>>
      %dma_wait3A_530 = arith.constant 0 : i32
      %dma_wait3A_531 = tpu.memref_slice %arg7[%mul3A_10, %dma_wait3A_530] : memref<10112x16xf32, #tpu.memory_space<vmem_shared>> -> memref<632x16xf32, #tpu.memory_space<vmem_shared>>
      tpu.wait_dma2 semaphore(%run_scoped3A : memref<!tpu.dma_semaphore, #tpu.memory_space<semaphore_mem>>) src(%dma_wait3A_531 : memref<632x16xf32, #tpu.memory_space<vmem_shared>>) dst(%dma_wait3A_529 : memref<632x16xf32, #tpu.memory_space<hbm>>)
      tpu.yield
    }) : () -> ()
    return
  }
}

module attributes {stable_mosaic.version = 14 : i64} {
  func.func @_mm1_body(%arg0: memref<1250x1024xf32, #tpu.memory_space<vmem>>, %arg1: memref<1024x128xf32, #tpu.memory_space<vmem>>, %arg2: memref<1250x128xf32, #tpu.memory_space<vmem>>) attributes {dimension_semantics = [], scalar_prefetch = 0 : i64, scratch_operands = 0 : i64, tpu.core_type = #tpu.core_type<tc>} {
    %get3A = arith.constant 0 : index
    %get3A_0 = arith.constant 0 : index
    %get3A_1 = vector.load %arg0[%get3A, %get3A_0] : memref<1250x1024xf32, #tpu.memory_space<vmem>>, vector<1250x1024xf32>
    %get3A_2 = arith.constant 0 : index
    %get3A_3 = arith.constant 0 : index
    %get3A_4 = vector.load %arg1[%get3A_2, %get3A_3] : memref<1024x128xf32, #tpu.memory_space<vmem>>, vector<1024x128xf32>
    %dot_general3A = arith.constant dense<0.000000e+00> : vector<1250x128xf32>
    %dot_general3A_5 = tpu.matmul %get3A_1, %get3A_4, %dot_general3A {dimension_numbers = #tpu.dot_dimension_numbers<[1], [0], [0], [1], [0, 0, 1, 1], [], []>, transpose_lhs_hint = false} : vector<1250x1024xf32>, vector<1024x128xf32>, vector<1250x128xf32> -> vector<1250x128xf32>
    %swap3A = arith.constant 0 : index
    %swap3A_6 = arith.constant 0 : index
    %swap3A_7 = vector.load %arg2[%swap3A, %swap3A_6] : memref<1250x128xf32, #tpu.memory_space<vmem>>, vector<1250x128xf32>
    tpu.vector_store %arg2[%swap3A, %swap3A_6], %dot_general3A_5 {strides = array<i32>} : memref<1250x128xf32, #tpu.memory_space<vmem>>, vector<1250x128xf32>,
    return
  }
}

module attributes {stable_mosaic.version = 14 : i64} {
  func.func @_prep2_body(%arg0: memref<2x1264x128xf32, #tpu.memory_space<vmem>>, %arg1: memref<1250x128xf32, #tpu.memory_space<vmem>>, %arg2: memref<1264x128xf32, #tpu.memory_space<vmem>>, %arg3: memref<1264x128xf32, #tpu.memory_space<vmem>>) attributes {dimension_semantics = [], scalar_prefetch = 0 : i64, scratch_operands = 0 : i64, tpu.core_type = #tpu.core_type<tc>} {
    %get3A = arith.constant 0 : index
    %get3A_0 = arith.constant 0 : index
    %get3A_1 = arith.constant 0 : index
    %get3A_2 = vector.load %arg0[%get3A, %get3A_0, %get3A_1] : memref<2x1264x128xf32, #tpu.memory_space<vmem>>, vector<1x1264x128xf32>
    %get3A_3 = vector.shape_cast %get3A_2 : vector<1x1264x128xf32> to vector<1264x128xf32>
    %get3A_4 = arith.constant 1 : index
    %get3A_5 = arith.constant 0 : index
    %get3A_6 = arith.constant 0 : index
    %get3A_7 = vector.load %arg0[%get3A_4, %get3A_5, %get3A_6] : memref<2x1264x128xf32, #tpu.memory_space<vmem>>, vector<1x1264x128xf32>
    %get3A_8 = vector.shape_cast %get3A_7 : vector<1x1264x128xf32> to vector<1264x128xf32>
    %add3A = arith.addf %get3A_3, %get3A_8 : vector<1264x128xf32>
    %add3A_9 = arith.constant 1.000000e+00 : f32
    %add3A_10 = vector.broadcast %add3A_9 : f32 to vector<1264x128xf32>
    %add3A_11 = arith.addf %add3A, %add3A_10 : vector<1264x128xf32>
    %rsqrt3A = math.rsqrt %add3A_11 : vector<1264x128xf32>
    %swap3A = arith.constant 0 : index
    %swap3A_12 = arith.constant 0 : index
    %swap3A_13 = vector.load %arg2[%swap3A, %swap3A_12] : memref<1264x128xf32, #tpu.memory_space<vmem>>, vector<1264x128xf32>
    tpu.vector_store %arg2[%swap3A, %swap3A_12], %rsqrt3A {strides = array<i32>} : memref<1264x128xf32, #tpu.memory_space<vmem>>, vector<1264x128xf32>,
    %slice3A = vector.extract_strided_slice %rsqrt3A {offsets = [0, 0], sizes = [1250, 128], strides = [1, 1]} : vector<1264x128xf32> to vector<1250x128xf32>
    %get3A_14 = arith.constant 0 : index
    %get3A_15 = arith.constant 0 : index
    %get3A_16 = vector.load %arg1[%get3A_14, %get3A_15] : memref<1250x128xf32, #tpu.memory_space<vmem>>, vector<1250x128xf32>
    %mul3A = arith.mulf %slice3A, %get3A_16 : vector<1250x128xf32>
    %broadcast_in_dim3A = arith.constant 0.000000e+00 : f32
    %broadcast_in_dim3A_17 = vector.broadcast %broadcast_in_dim3A : f32 to vector<14x128xf32>
    %concatenate3A = tpu.concatenate %mul3A, %broadcast_in_dim3A_17 in 0 : vector<1250x128xf32>, vector<14x128xf32> -> vector<1264x128xf32>
    %swap3A_18 = arith.constant 0 : index
    %swap3A_19 = arith.constant 0 : index
    %swap3A_20 = vector.load %arg3[%swap3A_18, %swap3A_19] : memref<1264x128xf32, #tpu.memory_space<vmem>>, vector<1264x128xf32>
    tpu.vector_store %arg3[%swap3A_18, %swap3A_19], %concatenate3A {strides = array<i32>} : memref<1264x128xf32, #tpu.memory_space<vmem>>, vector<1264x128xf32>,
    return
  }
}

module attributes {stable_mosaic.version = 14 : i64} {
  func.func @_mid_body(%arg0: memref<2x1264x128xf32, #tpu.memory_space<vmem>>, %arg1: memref<1264x128xf32, #tpu.memory_space<vmem>>, %arg2: memref<1264x128xf32, #tpu.memory_space<vmem>>, %arg3: memref<1x128xf32, #tpu.memory_space<vmem>>, %arg4: memref<128x128xf32, #tpu.memory_space<vmem>>, %arg5: memref<1264x128xf32, #tpu.memory_space<vmem>>) attributes {dimension_semantics = [], scalar_prefetch = 0 : i64, scratch_operands = 0 : i64, tpu.core_type = #tpu.core_type<tc>} {
    %get3A = arith.constant 0 : index
    %get3A_0 = arith.constant 0 : index
    %get3A_1 = arith.constant 0 : index
    %get3A_2 = vector.load %arg0[%get3A, %get3A_0, %get3A_1] : memref<2x1264x128xf32, #tpu.memory_space<vmem>>, vector<1x1264x128xf32>
    %get3A_3 = vector.shape_cast %get3A_2 : vector<1x1264x128xf32> to vector<1264x128xf32>
    %get3A_4 = arith.constant 1 : index
    %get3A_5 = arith.constant 0 : index
    %get3A_6 = arith.constant 0 : index
    %get3A_7 = vector.load %arg0[%get3A_4, %get3A_5, %get3A_6] : memref<2x1264x128xf32, #tpu.memory_space<vmem>>, vector<1x1264x128xf32>
    %get3A_8 = vector.shape_cast %get3A_7 : vector<1x1264x128xf32> to vector<1264x128xf32>
    %add3A = arith.addf %get3A_3, %get3A_8 : vector<1264x128xf32>
    %get3A_9 = arith.constant 0 : index
    %get3A_10 = arith.constant 0 : index
    %get3A_11 = vector.load %arg1[%get3A_9, %get3A_10] : memref<1264x128xf32, #tpu.memory_space<vmem>>, vector<1264x128xf32>
    %add3A_12 = arith.addf %add3A, %get3A_11 : vector<1264x128xf32>
    %get3A_13 = arith.constant 0 : index
    %get3A_14 = arith.constant 0 : index
    %get3A_15 = vector.load %arg2[%get3A_13, %get3A_14] : memref<1264x128xf32, #tpu.memory_space<vmem>>, vector<1264x128xf32>
    %mul3A = arith.mulf %get3A_15, %add3A_12 : vector<1264x128xf32>
    %get3A_16 = arith.constant 0 : index
    %get3A_17 = arith.constant 0 : index
    %get3A_18 = vector.load %arg3[%get3A_16, %get3A_17] : memref<1x128xf32, #tpu.memory_space<vmem>>, vector<1x128xf32>
    %add3A_19 = vector.broadcast %get3A_18 : vector<1x128xf32> to vector<1264x128xf32>
    %add3A_20 = arith.addf %mul3A, %add3A_19 : vector<1264x128xf32>
    %max3A = arith.constant 0.000000e+00 : f32
    %max3A_21 = vector.broadcast %max3A : f32 to vector<1264x128xf32>
    %max3A_22 = arith.maximumf %add3A_20, %max3A_21 : vector<1264x128xf32>
    %get3A_23 = arith.constant 0 : index
    %get3A_24 = arith.constant 0 : index
    %get3A_25 = vector.load %arg4[%get3A_23, %get3A_24] : memref<128x128xf32, #tpu.memory_space<vmem>>, vector<128x128xf32>
    %dot_general3A = arith.constant dense<0.000000e+00> : vector<1264x128xf32>
    %dot_general3A_26 = tpu.matmul %max3A_22, %get3A_25, %dot_general3A {dimension_numbers = #tpu.dot_dimension_numbers<[1], [0], [0], [1], [0, 0, 1, 1], [], []>, precision = #tpu.contract_precision<fp32>, transpose_lhs_hint = false} : vector<1264x128xf32>, vector<128x128xf32>, vector<1264x128xf32> -> vector<1264x128xf32>
    %get3A_27 = arith.constant 0 : index
    %get3A_28 = arith.constant 0 : index
    %get3A_29 = vector.load %arg2[%get3A_27, %get3A_28] : memref<1264x128xf32, #tpu.memory_space<vmem>>, vector<1264x128xf32>
    %mul3A_30 = arith.mulf %get3A_29, %dot_general3A_26 : vector<1264x128xf32>
    %swap3A = arith.constant 0 : index
    %swap3A_31 = arith.constant 0 : index
    %swap3A_32 = vector.load %arg5[%swap3A, %swap3A_31] : memref<1264x128xf32, #tpu.memory_space<vmem>>, vector<1264x128xf32>
    tpu.vector_store %arg5[%swap3A, %swap3A_31], %mul3A_30 {strides = array<i32>} : memref<1264x128xf32, #tpu.memory_space<vmem>>, vector<1264x128xf32>,
    return
  }
}

module attributes {stable_mosaic.version = 14 : i64} {
  func.func @_final_body(%arg0: memref<2x1264x128xf32, #tpu.memory_space<vmem>>, %arg1: memref<1264x128xf32, #tpu.memory_space<vmem>>, %arg2: memref<1264x128xf32, #tpu.memory_space<vmem>>, %arg3: memref<1x128xf32, #tpu.memory_space<vmem>>, %arg4: memref<1250x128xf32, #tpu.memory_space<vmem>>) attributes {dimension_semantics = [], scalar_prefetch = 0 : i64, scratch_operands = 0 : i64, tpu.core_type = #tpu.core_type<tc>} {
    %get3A = arith.constant 0 : index
    %get3A_0 = arith.constant 0 : index
    %get3A_1 = arith.constant 0 : index
    %get3A_2 = vector.load %arg0[%get3A, %get3A_0, %get3A_1] : memref<2x1264x128xf32, #tpu.memory_space<vmem>>, vector<1x1250x128xf32>
    %get3A_3 = vector.shape_cast %get3A_2 : vector<1x1250x128xf32> to vector<1250x128xf32>
    %get3A_4 = arith.constant 1 : index
    %get3A_5 = arith.constant 0 : index
    %get3A_6 = arith.constant 0 : index
    %get3A_7 = vector.load %arg0[%get3A_4, %get3A_5, %get3A_6] : memref<2x1264x128xf32, #tpu.memory_space<vmem>>, vector<1x1250x128xf32>
    %get3A_8 = vector.shape_cast %get3A_7 : vector<1x1250x128xf32> to vector<1250x128xf32>
    %add3A = arith.addf %get3A_3, %get3A_8 : vector<1250x128xf32>
    %get3A_9 = arith.constant 0 : index
    %get3A_10 = arith.constant 0 : index
    %get3A_11 = vector.load %arg1[%get3A_9, %get3A_10] : memref<1264x128xf32, #tpu.memory_space<vmem>>, vector<1250x128xf32>
    %add3A_12 = arith.addf %add3A, %get3A_11 : vector<1250x128xf32>
    %get3A_13 = arith.constant 0 : index
    %get3A_14 = arith.constant 0 : index
    %get3A_15 = vector.load %arg2[%get3A_13, %get3A_14] : memref<1264x128xf32, #tpu.memory_space<vmem>>, vector<1250x128xf32>
    %mul3A = arith.mulf %get3A_15, %add3A_12 : vector<1250x128xf32>
    %get3A_16 = arith.constant 0 : index
    %get3A_17 = arith.constant 0 : index
    %get3A_18 = vector.load %arg3[%get3A_16, %get3A_17] : memref<1x128xf32, #tpu.memory_space<vmem>>, vector<1x128xf32>
    %add3A_19 = vector.broadcast %get3A_18 : vector<1x128xf32> to vector<1250x128xf32>
    %add3A_20 = arith.addf %mul3A, %add3A_19 : vector<1250x128xf32>
    %swap3A = arith.constant 0 : index
    %swap3A_21 = arith.constant 0 : index
    %swap3A_22 = vector.load %arg4[%swap3A, %swap3A_21] : memref<1250x128xf32, #tpu.memory_space<vmem>>, vector<1250x128xf32>
    tpu.vector_store %arg4[%swap3A, %swap3A_21], %add3A_20 {strides = array<i32>} : memref<1250x128xf32, #tpu.memory_space<vmem>>, vector<1250x128xf32>,
    return
  }
}

</mosaic_0001>

<sc_bundles>
// kernel: kernel.12.cloned.1.call-start
scs
__scs_entry_jumppad:
0x0: {  	(pc) =	sbr.rel $0x88, $3  }
0x1: {  	(tag) =	ssettag $0x0;
	lr =	simm.s32 $0x1  }
0x2: {  	[smem:$0x3F9B] =	sst lr;
	_ =	strace $0xD0000000  }
0x3: {  	_ = 	snop  }
0x4: {  	_ = 	snop  }
0x5: {  	_ = 	snop  }
0x6: {  	_ = 	snop  }
0x7: {  	_ = 	snop  }
__scs_overlays_trampoline_lowered:
0x8: {  	[smem:$0x3FAA] =	sst s0  }
0x9: {  	[smem:$0x3FAB] =	sst s1  }
0xa: {  	[smem:$0x3FAC] =	sst s2  }
0xb: {  	[smem:$0x3FAD] =	sst s3  }
0xc: {  	[smem:$0x3FAE] =	sst s4  }
0xd: {  	[smem:$0x3FAF] =	sst s5  }
0xe: {  	[smem:$0x3FB0] =	sst s6  }
0xf: {  	[smem:$0x3FB1] =	sst s7  }
0x10: {  	[smem:$0x3FB2] =	sst s8  }
0x11: {  	[smem:$0x3FB3] =	sst s9;
	s0 =	simm.s32 @!p0 $0x0  }
0x12: {  	s1 =	sld [smem:$0x3F99];
	s0 =	simm.s32 @p0 $0x1  }
0x13: {  	[smem:$0x3FB4] =	sst s0;
	s0 =	simm.s32 @!p1 $0x0  }
0x14: {  	s2 =	sld [smem:$0x3F98];
	s0 =	simm.s32 @p1 $0x1  }
0x15: {  	[smem:$0x3FB5] =	sst s0;
	s0 =	simm.s32 @!p2 $0x0  }
0x16: {  	s3 =	sld [smem:$0x3FDB];
	s0 =	simm.s32 @p2 $0x1  }
0x17: {  	s4 =	simm.s32 $0x1BF5;
	[smem:$0x3FB7] =	sst s0  }
0x18: {  	s0 =	sld [smem:$0x3F9A];
	_ =	swait.ge [sflag:s4], $0x0  }
0x19: {  	s7 =	sld [smem:$0x3F9B]  }
0x1a: {  	s8 =	sadd.s32 $0xFFFFE003, lr  }
0x1b: {  	s9 =	sadd.s32 $0xFFFFFEF7, lr;
	s5 =	simm.s32 $0xFFFFFFFF;
	p2 =	slt.u32 s8, $0xFFFFF086  }
0x1c: {  	p1 =	slt.u32 s9, $0xF7A;
	s5 =	simm.s32 @!p2 $0x0  }
0x1d: {  	s5 =	simm.s32 @p1 $0x1;
	p0 =	seq.s32 s7, s2  }
0x1e: {  	s7 =	smul.u32 @!p0 $0xF7A, s2;
	p2 =	seq.s32 @!p0 s5, $0x0  }
0x1f: {  	s9 =	smul.u32 $0xF7A, s1;
	s8 =	simm.s32 @!p0 $0x1BF5;
	p2 =	por !p2, p0  }
0x20: {  	[sflag:s8] =	ssyncset.s32 @!p0 $0xFFFFF086;
	s6 =	sadd.s32 @!p0 s3, s7;
	s7 =	simm.s32 @!p0 $0x108  }
0x21: {  	s3 =	sadd.s32 s3, s9;
	s6 =	sadd.s32 @!p0 $0x88, s6;
	s7 =	simm.s32 @p2 $0x1082  }
0x22: {  	[simem:s7], [sflag:s8] =	dma.local @!p0 [hbm:s6], $0xF7A  }
0x23: {  	s9 =	sor.u32 $0xD0000000, s2;
	s6 =	simm.s32 $0x108;
	_ =	swait.ge @!p0 [sflag:s8], $0x0  }
0x24: {  	s3 =	sadd.s32 $0x88, s3;
	s6 =	simm.s32 @!p1 $0x1082;
	[sflag:s4] =	ssyncset.s32 $0xFFFFF086  }
0x25: {  	[simem:s6], [sflag:s4] =	dma.local [hbm:s3], $0xF7A  }
0x26: {  	[smem:$0x3F9B] =	sst s1;
	(tag) =	ssettag s2;
	_ =	strace s9  }
0x27: {  	s1 =	sld [smem:$0x3FAB]  }
0x28: {  	s2 =	sld [smem:$0x3FAC]  }
0x29: {  	s4 =	sld [smem:$0x3FAE]  }
0x2a: {  	p0 =	seq.s32 s5, $0x0;
	s5 =	sld [smem:$0x3FAF]  }
0x2b: {  	s6 =	sld [smem:$0x3FB0]  }
0x2c: {  	s7 =	sld [smem:$0x3FB1]  }
0x2d: {  	s3 =	simm.s32 $0x108;
	s8 =	sld [smem:$0x3FB2]  }
0x2e: {  	s3 =	simm.s32 @!p0 $0x1082;
	s9 =	sld [smem:$0x3FB3]  }
0x2f: {  	lr =	sadd.s32 s0, s3;
	s0 =	sld [smem:$0x3FAA]  }
0x30: {  	s3 =	sld [smem:$0x3FAD]  }
0x31: {  	[smem:$0x3FB6] =	sst s10  }
0x32: {  	s10 =	sld [smem:$0x3FB4];
	_ =	sdelay $0x3  }
0x33: {  	p0 =	seq.s32 s10, $0x1;
	s10 =	sld [smem:$0x3FB6];
	_ =	sdelay $0x3  }
0x34: {  	[smem:$0x3FB6] =	sst s10  }
0x35: {  	s10 =	sld [smem:$0x3FB5];
	_ =	sdelay $0x3  }
0x36: {  	p1 =	seq.s32 s10, $0x1;
	s10 =	sld [smem:$0x3FB6];
	_ =	sdelay $0x3  }
0x37: {  	[smem:$0x3FB6] =	sst s10  }
0x38: {  	s10 =	sld [smem:$0x3FB7]  }
0x39: {  	_ = 	snop;
	(pc) =	sbr.ind lr, $3  }
0x3a: {  	_ = 	snop  }
0x3b: {  	_ = 	snop  }
0x3c: {  	p2 =	seq.s32 s10, $0x1;
	s10 =	sld [smem:$0x3FB6]  }
0x3d: {  	_ =	shalt  }
0x3e: {  	_ =	shalt  }
0x3f: {  	_ =	shalt  }
0x40: {  	_ =	shalt  }
0x41: {  	_ =	shalt  }
0x42: {  	_ =	shalt  }
0x43: {  	_ =	shalt  }
0x44: {  	_ =	shalt  }
0x45: {  	_ =	shalt  }
0x46: {  	_ =	shalt  }
0x47: {  	_ =	shalt  }
0x48: {  	_ =	shalt  }
0x49: {  	_ =	shalt  }
0x4a: {  	_ =	shalt  }
0x4b: {  	_ =	shalt  }
0x4c: {  	_ =	shalt  }
0x4d: {  	_ =	shalt  }
0x4e: {  	_ =	shalt  }
0x4f: {  	_ =	shalt  }
0x50: {  	_ =	shalt  }
0x51: {  	_ =	shalt  }
0x52: {  	_ =	shalt  }
0x53: {  	_ =	shalt  }
0x54: {  	_ =	shalt  }
0x55: {  	_ =	shalt  }
0x56: {  	_ =	shalt  }
0x57: {  	_ =	shalt  }
0x58: {  	_ =	shalt  }
0x59: {  	_ =	shalt  }
0x5a: {  	_ =	shalt  }
0x5b: {  	_ =	shalt  }
0x5c: {  	_ =	shalt  }
0x5d: {  	_ =	shalt  }
0x5e: {  	_ =	shalt  }
0x5f: {  	_ =	shalt  }
0x60: {  	_ =	shalt  }
0x61: {  	_ =	shalt  }
0x62: {  	_ =	shalt  }
0x63: {  	_ =	shalt  }
0x64: {  	_ =	shalt  }
0x65: {  	_ =	shalt  }
0x66: {  	_ =	shalt  }
0x67: {  	_ =	shalt  }
0x68: {  	_ =	shalt  }
0x69: {  	_ =	shalt  }
0x6a: {  	_ =	shalt  }
0x6b: {  	_ =	shalt  }
0x6c: {  	_ =	shalt  }
0x6d: {  	_ =	shalt  }
0x6e: {  	_ =	shalt  }
0x6f: {  	_ =	shalt  }
0x70: {  	_ =	shalt  }
0x71: {  	_ =	shalt  }
0x72: {  	_ =	shalt  }
0x73: {  	_ =	shalt  }
0x74: {  	_ =	shalt  }
0x75: {  	_ =	shalt  }
0x76: {  	_ =	shalt  }
0x77: {  	_ =	shalt  }
0x78: {  	_ =	shalt  }
0x79: {  	_ =	shalt  }
0x7a: {  	_ =	shalt  }
0x7b: {  	_ =	shalt  }
0x7c: {  	_ =	shalt  }
0x7d: {  	_ =	shalt  }
0x7e: {  	_ =	shalt  }
0x7f: {  	_ =	shalt  }
0x80: {  	_ =	shalt  }
0x81: {  	_ =	shalt  }
0x82: {  	_ =	shalt  }
0x83: {  	_ =	shalt  }
0x84: {  	_ =	shalt  }
0x85: {  	_ =	shalt  }
0x86: {  	_ =	shalt  }
0x87: {  	_ =	shalt  }
.Lfunc_end0:
.L_simem_size_0:
called_computation.1_lowered:
.L_overlay_start_0:
0x88: {  	s2 =	sld [smem:$0x3FD9]  }
0x89: {  	s3 =	sld [smem:$0x3FFE];
	_ =	sdelay $0x1  }
0x8a: {  	s1 =	srdreg.scid  }
0x8b: {  	s0 =	sand.u32 $0x1, s1  }
0x8c: {  	s17 =	sshll.u32 s0, $0xA;
	s2 =	sadd.s32 s3, s2  }
0x8d: {  	s2 =	sadd.s32 s2, s17  }
0x8e: {  	[smem:$0x3FC2] =	sst s2  }
0x8f: {  	_ = 	snop  }
0x90: {  	s2 =	sld [smem:$0x3FD0];
	(tm) =	ssettm $0x1  }
0x91: {  	s18 =	sld [smem:$0x3FFB];
	_ =	sdelay $0x3  }
0x92: {  	_ =	strace s18  }
0x93: {  	s3 =	sld [smem:$0x3FFC];
	_ =	sdelay $0x3  }
0x94: {  	_ =	strace s3  }
0x95: {  	s3 =	sld [smem:$0x3FFD];
	_ =	sdelay $0x3  }
0x96: {  	_ =	strace s3  }
0x97: {  	_ =	strace $0x8FFFFFFF  }
0x98: {  	s19 =	sld [smem:$0x3FDB];
	_ =	sdelay $0x1  }
0x99: {  	s4 =	simm.s32 $_scs_section_size  }
0x9a: {  	s5 =	simm.s32 $_size__tile_overlayer_lowered;
	s6 =	simm.s32 $_tile_overlayer_lowered  }
0x9b: {  	s22 =	simm.s32 $0x1BFF;
	s21 =	sshll.u32 s6, $0x1;
	s3 =	sadd.s32 s4, s19  }
0x9c: {  	s7 =	simm.s32 $0x0;
	s20 =	sshll.u32 s5, $0x1;
	s5 =	sadd.s32 s21, s3  }
0x9d: {  	[timem:s7], [sflag:s22] =	dma.local [hbm:s5], s20  }
0x9e: {  	_ =	swait.ge [sflag:s22], s20  }
0x9f: {  	s4 =	ssub.s32 $0x0, s20;
	[sflag:s22] =	ssyncset.done $0x0  }
0xa0: {  	[sflag:s22] =	ssyncadd.s32 s4;
	_ =	sdelay $0x1  }
0xa1: {  	s23 =	simm.s32 $0x1B8B  }
0xa2: {  	_ =	swait.ge [sflag:s23], $0x1  }
0xa3: {  	[sflag:s23] =	ssyncset.done $0x0  }
0xa4: {  	s25 =	simm.s32 $0x1B8E;
	s24 =	sld [smem:$0x3FFE];
	[sflag:s23] =	ssyncadd.s32 $0xFFFFFFFF  }
0xa5: {  	s26 =	simm.s32 $execute0_lowered;
	[smem:$0x3FD2] =	sst s25  }
0xa6: {  	s5 =	sshll.u32 s26, $0x1;
	_ =	strace $0x80000049;
	[dreg:$0x1] =	wrdreg $0xFFFFFFFF  }
0xa7: {  	s28 =	simm.s32 $_size_execute0_lowered;
	s3 =	sadd.s32 s3, s5;
	[dreg:$0x0] =	wrdreg $0x0  }
0xa8: {  	s5 =	sshll.u32 s28, $0x1;
	[dreg:$0x2] =	wrdreg s3  }
0xa9: {  	[dreg:$0x3] =	wrdreg s5  }
0xaa: {  	[dreg:$0x4] =	wrdreg $0xC0  }
0xab: {  	_ =	task [dreg:s7], $0x5FFFF  }
0xac: {  	[dreg:$0x1] =	wrdreg $0xFFFFFFFF  }
0xad: {  	[dreg:$0x0] =	wrdreg $0x60  }
0xae: {  	[dreg:$0x2] =	wrdreg s24  }
0xaf: {  	[dreg:$0x3] =	wrdreg s2  }
0xb0: {  	[dreg:$0x4] =	wrdreg $0x0  }
0xb1: {  	[dreg:$0x5] =	wrdreg $0x27800  }
0xb2: {  	[dreg:$0x6] =	wrdreg $0x9  }
0xb3: {  	_ =	task.clear_ibuf [dreg:s7], $0x7FFFF;
	_ =	strace $0x90000049  }
0xb4: {  	s29 =	simm.s32 $0x9;
	_ =	strace $0x8000004B  }
0xb5: {  	_ =	swait.ge [sflag:s29], $0x1  }
0xb6: {  	[sflag:s29] =	ssyncadd.s32 $0xFFFFFFFF  }
0xb7: {  	_ =	strace $0x9000004B  }
0xb8: {  	_ =	sfence  }
0xb9: {  	s30 =	sld [smem:$0x0];
	_ =	sdelay $0x2  }
0xba: {  	s31 =	sshll.u32 s1, $0xD;
	s1 =	sshrl.u32 s1, $0x2  }
0xbb: {  	s3 =	sand.u32 $0x4000, s31;
	s1 =	sadd.s32 s1, s30  }
0xbc: {  	s0 =	sor.u32 s3, s0;
	s1 =	sshll.u32 s1, $0x11  }
0xbd: {  	s0 =	sor.u32 s1, s0  }
0xbe: {  	s0 =	sadd.s32 $0x8F2B, s0  }
0xbf: {  	[sflag:s0] =	ssyncadd.remote.s32 $0x1  }
0xc0: {  	_ =	sfence.sel $0xFFFF  }
0xc1: {  	[dreg:$0x0] =	wrdreg $0xFFFFFFFF;
	(pc) =	sbr.abs _section_cstart, $3  }
0xc2: {  	[dreg:$0x1] =	wrdreg $0xFFFFFFFF  }
0xc3: {  	_ =	task.clear_ibuf [dreg:s7], $0x2FFFF;
	_ =	strace $0x9FFFFFFF  }
0xc4: {  	(tm) =	ssettm $0x7FFFFFFF  }
0xc5: {  	_ =	shalt  }
tec
execute0_lowered:
.L_overlay_start_1:
0x0: {  	(tag) =	ssettag $0x1  }
0x1: {  	s0 =	rddreg [dreg:$0x0]  }
0x2: {  	s1 =	rddreg [dreg:$0x1];
	s12 =	stileid.u32  }
0x3: {  	s3 =	srdreg.scid;
	s2 =	rddreg [dreg:$0x2];
	s8 =	simm.s32 $0x0  }
0x4: {  	s30 =	simm.s32 $0x80;
	s31 =	simm.s32 $0xAF00;
	s5 =	smul.u32 $0x60, s12  }
0x5: {  	s28 =	simm.s32 $0xE;
	s4 =	sand.u32 $0x1, s3;
	s20 =	smul.u32 $0x2780, s12  }
0x6: {  	s29 =	simm.s32 $0x10;
	s3 =	rddreg [dreg:$0x3];
	s6 =	smul.u32 $0x600, s4  }
0x7: {  	[smem:$0x7FF] =	sst s8;
	s25 =	sshll.u32 s12, $0x6;
	s7 =	smul.u32 s4, s12  }
0x8: {  	s22 =	smul.u32 $0x27800, s4;
	_ =	strace $0x8000004A;
	s10 =	ssub.s32 $0x2, s4  }
0x9: {  	p0 =	seq.s32 s4, $0x0;
	s4 =	simm.s32 $0x60;
	s25 =	sor.u32 $0x1C11, s25  }
0xa: {  	s9 =	sshrl.u32 s20, $0x3;
	s4 =	simm.s32 @!p0 $0x40;
	s24 =	sadd.s32 s20, s2  }
0xb: {  	s26 =	sadd.s32 s20, s3;
	[dreg:$0x8] =	wrdreg s25;
	s5 =	sadd.s32 s6, s5  }
0xc: {  	s23 =	sadd.s32 s9, s0;
	[dreg:$0x6] =	wrdreg s24;
	s1 =	sadd.s32 s1, s9  }
0xd: {  	s9 =	sshll.u32 s4, $0x9;
	s26 =	sshrl.u32 s26, $0x3;
	[dreg:$0x7] =	wrdreg s1  }
0xe: {  	s4 =	sshll.u32 s4, $0x7;
	s6 =	sadd.s32 $0xD000, s23;
	[dreg:$0x1a] =	wrdreg s26  }
0xf: {  	s8 =	simm.s32 $0x2;
	s13 =	sor.u32 $0x4D00, s4;
	[dreg:$0x9] =	wrdreg s6  }
0x10: {  	s11 =	sshrl.u32 s10, $0x1;
	s15 =	sor.u32 $0x4D80, s4;
	[dreg:$0xd] =	wrdreg s13  }
0x11: {  	s21 =	sshll.u32 s7, $0xC;
	s17 =	sor.u32 $0x4E00, s4;
	[dreg:$0xf] =	wrdreg s15  }
0x12: {  	s7 =	sadd.s32 s20, s22;
	s19 =	sor.u32 $0x4E80, s4;
	[dreg:$0x11] =	wrdreg s17  }
0x13: {  	s5 =	sshll.u32 s5, $0x7;
	s20 =	sadd.s32 $0x7D00, s4;
	[dreg:$0x13] =	wrdreg s19  }
0x14: {  	s7 =	sshrl.u32 s7, $0x3;
	s22 =	sadd.s32 $0x7D80, s4;
	[dreg:$0x14] =	wrdreg s20  }
0x15: {  	s23 =	sadd.s32 $0x7E00, s4;
	s4 =	sadd.s32 $0x7E80, s4;
	[dreg:$0x15] =	wrdreg s22  }
0x16: {  	s26 =	simm.s32 $0x11;
	s1 =	simm.s32 $0xBF00;
	[dreg:$0x16] =	wrdreg s23  }
0x17: {  	s5 =	ssub.s32 s5, s21;
	s21 =	sadd.s32 $0xFFFFE000, s9;
	[dreg:$0x17] =	wrdreg s4  }
0x18: {  	s4 =	simm.s32 $0xC700;
	s6 =	simm.s32 $0xCF00;
	s13 =	simm.s32 $0xE700  }
0x19: {  	s15 =	simm.s32 $0x9;
	s17 =	simm.s32 $0xA;
	s5 =	sshrl.u32 s5, $0x3  }
0x1a: {  	s19 =	simm.s32 $0xB;
	[dreg:$0x5] =	wrdreg s21;
	s5 =	sadd.s32 s5, s0  }
0x1b: {  	s0 =	sadd.s32 s7, s0;
	s7 =	ssub.s32 s10, s11;
	s10 =	sadd.s32 $0x17000, s5  }
0x1c: {  	s11 =	sshrl.u32 s9, $0x2;
	s5 =	sadd.s32 $0x2E00, s5;
	[dreg:$0xa] =	wrdreg s10  }
0x1d: {  	s20 =	simm.s32 $0x8;
	s12 =	sadd.s32 $0x7B00, s11;
	[dreg:$0xb] =	wrdreg s5  }
0x1e: {  	s22 =	simm.s32 $0xD;
	s14 =	sadd.s32 $0x7B80, s11;
	[dreg:$0xc] =	wrdreg s12  }
0x1f: {  	s23 =	simm.s32 $0xF;
	s16 =	sadd.s32 $0x7C00, s11;
	[dreg:$0xe] =	wrdreg s14  }
0x20: {  	s21 =	simm.s32 $0xC;
	s18 =	sadd.s32 $0x7C80, s11;
	[dreg:$0x10] =	wrdreg s16  }
0x21: {  	s9 =	simm.s32 $0xD700;
	s0 =	sadd.s32 $0x21200, s0;
	[dreg:$0x12] =	wrdreg s18  }
0x22: {  	s24 =	smax.u32 s7, $0x1;
	s11 =	simm.s32 $0xDF00;
	[dreg:$0x18] =	wrdreg s0  }
0x23: {  	[dreg:$0x19] =	wrdreg s24;
	s0 =	simm.s32 $0xB700;
	s5 =	simm.s32 $0x1  }
0x24: {  	s10 =	simm.s32 $0x3;
	s12 =	simm.s32 $0x4;
	s14 =	simm.s32 $0x5  }
0x25: {  	s16 =	simm.s32 $0x6;
	s18 =	simm.s32 $0x7;
	s24 =	simm.s32 $0x0  }
.LBB2_1:
0x26: {  	[dreg:$0x1b] =	wrdreg s24  }
0x27: {  	s7 =	rddreg [dreg:$0x6]  }
0x28: {  	s24 =	sshrl.u32 s7, $0x3;
	s7 =	rddreg [dreg:$0x7]  }
0x29: {  	[dreg:$0x1c] =	wrdreg s24  }
0x2a: {  	[spmem:s24], [sflag:s25] =	dma.local [hbm:s7], $0x4F0  }
0x2b: {  	_ =	swait.ge [sflag:s26], $0x4F0  }
0x2c: {  	[sflag:s26] =	ssyncset.done $0x0;
	s7 =	rddreg [dreg:$0x9]  }
0x2d: {  	s24 =	simm.s32 $0x11;
	[sflag:s26] =	ssyncadd.s32 $0xFFFFFB10;
	s26 =	rddreg [dreg:$0x1a]  }
0x2e: {  	[spmem:s26], [sflag:s25] =	dma.local [hbm:s7], $0x4F0  }
0x2f: {  	_ =	swait.ge [sflag:s24], $0x4F0  }
0x30: {  	s7 =	simm.s32 $0x0;
	[sflag:s24] =	ssyncset.done $0x0  }
0x31: {  	s26 =	simm.s32 $0x4F00;
	s25 =	rddreg [dreg:$0xa];
	[sflag:s24] =	ssyncadd.s32 $0xFFFFFB10  }
0x32: {  	[tilespmem:s26], [sflag:$0x11] =	stream.linear.gather [hbm4b:s25+s7], $0x3000, $0x38;
	[tilespmem:$0xEF00] =	vst v63  }
0x33: {  	_ =	swait.ge [sflag:s24], $0x3000  }
0x34: {  	[sflag:s24] =	ssyncset.done $0x0  }
0x35: {  	s26 =	simm.s32 $0x7F00;
	s25 =	rddreg [dreg:$0xb];
	[sflag:s24] =	ssyncadd.s32 $0xFFFFD000  }
0x36: {  	[tilespmem:s26], [sflag:$0x11] =	stream.linear.gather [hbm4b:s25+s7], $0x3000, $0x38;
	[tilespmem:$0xEF00] =	vst v63  }
0x37: {  	_ =	swait.ge [sflag:s24], $0x3000  }
0x38: {  	[sflag:s24] =	ssyncset.done $0x0  }
0x39: {  	[sflag:s24] =	ssyncadd.s32 $0xFFFFD000  }
0x3a: {  	s24 =	simm.s32 $0x4F00;
	[bflag:$0x0] =	sbarrier.arrive $0xFFFF  }
0x3b: {  	[tilespmem:s31], [sflag:$0x1] =	stream.indirect.gather [spmem:s3], $0x10, s24, s30, $0xb8;
	[tilespmem:$0xEF00] =	vst v63  }
0x3c: {  	s26 =	simm.s32 $0x4F80  }
0x3d: {  	[tilespmem:s0], [sflag:$0x2] =	stream.indirect.gather [spmem:s3], $0x10, s26, s30, $0xb8;
	[tilespmem:$0xEF00] =	vst v63  }
0x3e: {  	s24 =	simm.s32 $0x5000  }
0x3f: {  	[tilespmem:s1], [sflag:$0x3] =	stream.indirect.gather [spmem:s3], $0x10, s24, s30, $0xb8;
	[tilespmem:$0xEF00] =	vst v63  }
0x40: {  	s26 =	simm.s32 $0x5080  }
0x41: {  	[tilespmem:s4], [sflag:$0x4] =	stream.indirect.gather [spmem:s3], $0x10, s26, s30, $0xb8;
	[tilespmem:$0xEF00] =	vst v63  }
0x42: {  	_ =	swait.ge [sflag:s5], $0x800  }
0x43: {  	[sflag:s5] =	ssyncset.done $0x0  }
0x44: {  	s25 =	simm.s32 $0x7F00;
	[sflag:s5] =	ssyncadd.s32 $0xFFFFF800  }
0x45: {  	[spmem:s2] =	stream.indirect.scatter.add.f32 [tilespmem:s31], [sflag:$0x9], $0x10, s25, s30, $0xb8;
	[tilespmem:$0xEF00] =	vst v63  }
0x46: {  	s24 =	simm.s32 $0x5100  }
0x47: {  	[tilespmem:s6], [sflag:$0x5] =	stream.indirect.gather [spmem:s3], $0x10, s24, s30, $0xb8;
	[tilespmem:$0xEF00] =	vst v63  }
0x48: {  	_ =	swait.ge [sflag:s8], $0x800  }
0x49: {  	[sflag:s8] =	ssyncset.done $0x0  }
0x4a: {  	s25 =	simm.s32 $0x7F80;
	[sflag:s8] =	ssyncadd.s32 $0xFFFFF800  }
0x4b: {  	[spmem:s2] =	stream.indirect.scatter.add.f32 [tilespmem:s0], [sflag:$0xA], $0x10, s25, s30, $0xb8;
	[tilespmem:$0xEF00] =	vst v63  }
0x4c: {  	s26 =	simm.s32 $0x5180  }
0x4d: {  	[tilespmem:s9], [sflag:$0x6] =	stream.indirect.gather [spmem:s3], $0x10, s26, s30, $0xb8;
	[tilespmem:$0xEF00] =	vst v63  }
0x4e: {  	_ =	swait.ge [sflag:s10], $0x800  }
0x4f: {  	[sflag:s10] =	ssyncset.done $0x0  }
0x50: {  	s24 =	simm.s32 $0x8000;
	[sflag:s10] =	ssyncadd.s32 $0xFFFFF800  }
0x51: {  	[spmem:s2] =	stream.indirect.scatter.add.f32 [tilespmem:s1], [sflag:$0xB], $0x10, s24, s30, $0xb8;
	[tilespmem:$0xEF00] =	vst v63  }
0x52: {  	s25 =	simm.s32 $0x5200  }
0x53: {  	[tilespmem:s11], [sflag:$0x7] =	stream.indirect.gather [spmem:s3], $0x10, s25, s30, $0xb8;
	[tilespmem:$0xEF00] =	vst v63  }
0x54: {  	_ =	swait.ge [sflag:s12], $0x800  }
0x55: {  	[sflag:s12] =	ssyncset.done $0x0  }
0x56: {  	s26 =	simm.s32 $0x8080;
	[sflag:s12] =	ssyncadd.s32 $0xFFFFF800  }
0x57: {  	[spmem:s2] =	stream.indirect.scatter.add.f32 [tilespmem:s4], [sflag:$0xC], $0x10, s26, s30, $0xb8;
	[tilespmem:$0xEF00] =	vst v63  }
0x58: {  	s24 =	simm.s32 $0x5280  }
0x59: {  	[tilespmem:s13], [sflag:$0x8] =	stream.indirect.gather [spmem:s3], $0x10, s24, s30, $0xb8;
	[tilespmem:$0xEF00] =	vst v63  }
0x5a: {  	_ =	swait.ge [sflag:s14], $0x800  }
0x5b: {  	[sflag:s14] =	ssyncset.done $0x0  }
0x5c: {  	s25 =	simm.s32 $0x8100;
	[sflag:s14] =	ssyncadd.s32 $0xFFFFF800  }
0x5d: {  	[spmem:s2] =	stream.indirect.scatter.add.f32 [tilespmem:s6], [sflag:$0xD], $0x10, s25, s30, $0xb8;
	[tilespmem:$0xEF00] =	vst v63  }
0x5e: {  	_ =	swait.ge [sflag:s15], $0x800  }
0x5f: {  	[sflag:s15] =	ssyncset.done $0x0  }
0x60: {  	s26 =	simm.s32 $0x5300;
	[sflag:s15] =	ssyncadd.s32 $0xFFFFF800  }
0x61: {  	[tilespmem:s31], [sflag:$0x1] =	stream.indirect.gather [spmem:s3], $0x10, s26, s30, $0xb8;
	[tilespmem:$0xEF00] =	vst v63  }
0x62: {  	_ =	swait.ge [sflag:s16], $0x800  }
0x63: {  	[sflag:s16] =	ssyncset.done $0x0  }
0x64: {  	s24 =	simm.s32 $0x8180;
	[sflag:s16] =	ssyncadd.s32 $0xFFFFF800  }
0x65: {  	[spmem:s2] =	stream.indirect.scatter.add.f32 [tilespmem:s9], [sflag:$0xE], $0x10, s24, s30, $0xb8;
	[tilespmem:$0xEF00] =	vst v63  }
0x66: {  	_ =	swait.ge [sflag:s17], $0x800  }
0x67: {  	[sflag:s17] =	ssyncset.done $0x0  }
0x68: {  	s25 =	simm.s32 $0x5380;
	[sflag:s17] =	ssyncadd.s32 $0xFFFFF800  }
0x69: {  	[tilespmem:s0], [sflag:$0x2] =	stream.indirect.gather [spmem:s3], $0x10, s25, s30, $0xb8;
	[tilespmem:$0xEF00] =	vst v63  }
0x6a: {  	_ =	swait.ge [sflag:s18], $0x800  }
0x6b: {  	[sflag:s18] =	ssyncset.done $0x0  }
0x6c: {  	s26 =	simm.s32 $0x8200;
	[sflag:s18] =	ssyncadd.s32 $0xFFFFF800  }
0x6d: {  	[spmem:s2] =	stream.indirect.scatter.add.f32 [tilespmem:s11], [sflag:$0xF], $0x10, s26, s30, $0xb8;
	[tilespmem:$0xEF00] =	vst v63  }
0x6e: {  	_ =	swait.ge [sflag:s19], $0x800  }
0x6f: {  	[sflag:s19] =	ssyncset.done $0x0  }
0x70: {  	s24 =	simm.s32 $0x5400;
	[sflag:s19] =	ssyncadd.s32 $0xFFFFF800  }
0x71: {  	[tilespmem:s1], [sflag:$0x3] =	stream.indirect.gather [spmem:s3], $0x10, s24, s30, $0xb8;
	[tilespmem:$0xEF00] =	vst v63  }
0x72: {  	_ =	swait.ge [sflag:s20], $0x800  }
0x73: {  	[sflag:s20] =	ssyncset.done $0x0  }
0x74: {  	s25 =	simm.s32 $0x8280;
	[sflag:s20] =	ssyncadd.s32 $0xFFFFF800  }
0x75: {  	[spmem:s2] =	stream.indirect.scatter.add.f32 [tilespmem:s13], [sflag:$0x10], $0x10, s25, s30, $0xb8;
	[tilespmem:$0xEF00] =	vst v63  }
0x76: {  	_ =	swait.ge [sflag:s21], $0x800  }
0x77: {  	[sflag:s21] =	ssyncset.done $0x0  }
0x78: {  	s7 =	simm.s32 $0x0;
	s26 =	simm.s32 $0x5480;
	[sflag:s21] =	ssyncadd.s32 $0xFFFFF800  }
0x79: {  	[tilespmem:s4], [sflag:$0x4] =	stream.indirect.gather [spmem:s3], $0x10, s26, s30, $0xb8;
	[tilespmem:$0xEF00] =	vst v63  }
.LBB2_2:
0x7a: {  	_ =	swait.ge [sflag:s5], $0x800  }
0x7b: {  	s25 =	sshra.s32 s7, $0x2;
	[sflag:s5] =	ssyncset.done $0x0  }
0x7c: {  	s26 =	sadd.s32 $0x8300, s25;
	[sflag:s5] =	ssyncadd.s32 $0xFFFFF800  }
0x7d: {  	[spmem:s2] =	stream.indirect.scatter.add.f32 [tilespmem:s31], [sflag:$0x9], $0x10, s26, s30, $0xb8;
	[tilespmem:$0xEF00] =	vst v63  }
0x7e: {  	_ =	swait.ge [sflag:s22], $0x800  }
0x7f: {  	[sflag:s22] =	ssyncset.done $0x0  }
0x80: {  	s24 =	sadd.s32 $0x5500, s25;
	[sflag:s22] =	ssyncadd.s32 $0xFFFFF800  }
0x81: {  	[tilespmem:s6], [sflag:$0x5] =	stream.indirect.gather [spmem:s3], $0x10, s24, s30, $0xb8;
	[tilespmem:$0xEF00] =	vst v63  }
0x82: {  	_ =	swait.ge [sflag:s8], $0x800  }
0x83: {  	[sflag:s8] =	ssyncset.done $0x0  }
0x84: {  	s24 =	sadd.s32 $0x8380, s25;
	[sflag:s8] =	ssyncadd.s32 $0xFFFFF800  }
0x85: {  	[spmem:s2] =	stream.indirect.scatter.add.f32 [tilespmem:s0], [sflag:$0xA], $0x10, s24, s30, $0xb8;
	[tilespmem:$0xEF00] =	vst v63  }
0x86: {  	_ =	swait.ge [sflag:s28], $0x800  }
0x87: {  	[sflag:s28] =	ssyncset.done $0x0  }
0x88: {  	s24 =	sadd.s32 $0x5580, s25;
	[sflag:s28] =	ssyncadd.s32 $0xFFFFF800  }
0x89: {  	[tilespmem:s9], [sflag:$0x6] =	stream.indirect.gather [spmem:s3], $0x10, s24, s30, $0xb8;
	[tilespmem:$0xEF00] =	vst v63  }
0x8a: {  	_ =	swait.ge [sflag:s10], $0x800  }
0x8b: {  	[sflag:s10] =	ssyncset.done $0x0  }
0x8c: {  	s24 =	sadd.s32 $0x8400, s25;
	[sflag:s10] =	ssyncadd.s32 $0xFFFFF800  }
0x8d: {  	[spmem:s2] =	stream.indirect.scatter.add.f32 [tilespmem:s1], [sflag:$0xB], $0x10, s24, s30, $0xb8;
	[tilespmem:$0xEF00] =	vst v63  }
0x8e: {  	_ =	swait.ge [sflag:s23], $0x800  }
0x8f: {  	[sflag:s23] =	ssyncset.done $0x0  }
0x90: {  	s24 =	sadd.s32 $0x5600, s25;
	[sflag:s23] =	ssyncadd.s32 $0xFFFFF800  }
0x91: {  	[tilespmem:s11], [sflag:$0x7] =	stream.indirect.gather [spmem:s3], $0x10, s24, s30, $0xb8;
	[tilespmem:$0xEF00] =	vst v63  }
0x92: {  	_ =	swait.ge [sflag:s12], $0x800  }
0x93: {  	[sflag:s12] =	ssyncset.done $0x0  }
0x94: {  	s24 =	sadd.s32 $0x8480, s25;
	[sflag:s12] =	ssyncadd.s32 $0xFFFFF800  }
0x95: {  	[spmem:s2] =	stream.indirect.scatter.add.f32 [tilespmem:s4], [sflag:$0xC], $0x10, s24, s30, $0xb8;
	[tilespmem:$0xEF00] =	vst v63  }
0x96: {  	_ =	swait.ge [sflag:s29], $0x800  }
0x97: {  	[sflag:s29] =	ssyncset.done $0x0  }
0x98: {  	s24 =	sadd.s32 $0x5680, s25;
	[sflag:s29] =	ssyncadd.s32 $0xFFFFF800  }
0x99: {  	[tilespmem:s13], [sflag:$0x8] =	stream.indirect.gather [spmem:s3], $0x10, s24, s30, $0xb8;
	[tilespmem:$0xEF00] =	vst v63  }
0x9a: {  	_ =	swait.ge [sflag:s14], $0x800  }
0x9b: {  	[sflag:s14] =	ssyncset.done $0x0  }
0x9c: {  	s24 =	sadd.s32 $0x8500, s25;
	[sflag:s14] =	ssyncadd.s32 $0xFFFFF800  }
0x9d: {  	[spmem:s2] =	stream.indirect.scatter.add.f32 [tilespmem:s6], [sflag:$0xD], $0x10, s24, s30, $0xb8;
	[tilespmem:$0xEF00] =	vst v63  }
0x9e: {  	_ =	swait.ge [sflag:s15], $0x800  }
0x9f: {  	[sflag:s15] =	ssyncset.done $0x0  }
0xa0: {  	s24 =	sadd.s32 $0x5700, s25;
	[sflag:s15] =	ssyncadd.s32 $0xFFFFF800  }
0xa1: {  	[tilespmem:s31], [sflag:$0x1] =	stream.indirect.gather [spmem:s3], $0x10, s24, s30, $0xb8;
	[tilespmem:$0xEF00] =	vst v63  }
0xa2: {  	_ =	swait.ge [sflag:s16], $0x800  }
0xa3: {  	[sflag:s16] =	ssyncset.done $0x0  }
0xa4: {  	s24 =	sadd.s32 $0x8580, s25;
	[sflag:s16] =	ssyncadd.s32 $0xFFFFF800  }
0xa5: {  	[spmem:s2] =	stream.indirect.scatter.add.f32 [tilespmem:s9], [sflag:$0xE], $0x10, s24, s30, $0xb8;
	[tilespmem:$0xEF00] =	vst v63  }
0xa6: {  	_ =	swait.ge [sflag:s17], $0x800  }
0xa7: {  	[sflag:s17] =	ssyncset.done $0x0  }
0xa8: {  	s24 =	sadd.s32 $0x5780, s25;
	[sflag:s17] =	ssyncadd.s32 $0xFFFFF800  }
0xa9: {  	[tilespmem:s0], [sflag:$0x2] =	stream.indirect.gather [spmem:s3], $0x10, s24, s30, $0xb8;
	[tilespmem:$0xEF00] =	vst v63  }
0xaa: {  	_ =	swait.ge [sflag:s18], $0x800  }
0xab: {  	[sflag:s18] =	ssyncset.done $0x0  }
0xac: {  	s24 =	sadd.s32 $0x8600, s25;
	[sflag:s18] =	ssyncadd.s32 $0xFFFFF800  }
0xad: {  	[spmem:s2] =	stream.indirect.scatter.add.f32 [tilespmem:s11], [sflag:$0xF], $0x10, s24, s30, $0xb8;
	[tilespmem:$0xEF00] =	vst v63  }
0xae: {  	_ =	swait.ge [sflag:s19], $0x800  }
0xaf: {  	[sflag:s19] =	ssyncset.done $0x0  }
0xb0: {  	s24 =	sadd.s32 $0x5800, s25;
	[sflag:s19] =	ssyncadd.s32 $0xFFFFF800  }
0xb1: {  	[tilespmem:s1], [sflag:$0x3] =	stream.indirect.gather [spmem:s3], $0x10, s24, s30, $0xb8;
	[tilespmem:$0xEF00] =	vst v63  }
0xb2: {  	_ =	swait.ge [sflag:s20], $0x800  }
0xb3: {  	[sflag:s20] =	ssyncset.done $0x0  }
0xb4: {  	s24 =	sadd.s32 $0x8680, s25;
	[sflag:s20] =	ssyncadd.s32 $0xFFFFF800  }
0xb5: {  	[spmem:s2] =	stream.indirect.scatter.add.f32 [tilespmem:s13], [sflag:$0x10], $0x10, s24, s30, $0xb8;
	[tilespmem:$0xEF00] =	vst v63  }
0xb6: {  	_ =	swait.ge [sflag:s21], $0x800  }
0xb7: {  	s7 =	sadd.s32 $0x1000, s7;
	s24 =	rddreg [dreg:$0x5]  }
0xb8: {  	p0 =	sne.s32 s24, s7  }
.Ltmp0:
0xb9: {  	_ = 	snop;
	(pc) =	sbr.rel @p0 .LBB2_2-.Ltmp0, $4  }
0xba: {  	_ = 	snop  }
0xbb: {  	[sflag:s21] =	ssyncset.done $0x0  }
0xbc: {  	s25 =	sadd.s32 $0x5880, s25;
	[sflag:s21] =	ssyncadd.s32 $0xFFFFF800  }
0xbd: {  	[tilespmem:s4], [sflag:$0x4] =	stream.indirect.gather [spmem:s3], $0x10, s25, s30, $0xb8;
	[tilespmem:$0xEF00] =	vst v63  }
0xbe: {  	_ =	swait.ge [sflag:s5], $0x800  }
0xbf: {  	[sflag:s5] =	ssyncset.done $0x0  }
0xc0: {  	s7 =	rddreg [dreg:$0xc];
	[sflag:s5] =	ssyncadd.s32 $0xFFFFF800  }
0xc1: {  	[spmem:s2] =	stream.indirect.scatter.add.f32 [tilespmem:s31], [sflag:$0x9], $0x10, s7, s30, $0xb8;
	[tilespmem:$0xEF00] =	vst v63  }
0xc2: {  	_ =	swait.ge [sflag:s22], $0x800  }
0xc3: {  	[sflag:s22] =	ssyncset.done $0x0  }
0xc4: {  	s24 =	rddreg [dreg:$0xd];
	[sflag:s22] =	ssyncadd.s32 $0xFFFFF800  }
0xc5: {  	[tilespmem:s6], [sflag:$0x5] =	stream.indirect.gather [spmem:s3], $0x10, s24, s30, $0xb8;
	[tilespmem:$0xEF00] =	vst v63  }
0xc6: {  	_ =	swait.ge [sflag:s8], $0x800  }
0xc7: {  	[sflag:s8] =	ssyncset.done $0x0  }
0xc8: {  	s25 =	rddreg [dreg:$0xe];
	[sflag:s8] =	ssyncadd.s32 $0xFFFFF800  }
0xc9: {  	[spmem:s2] =	stream.indirect.scatter.add.f32 [tilespmem:s0], [sflag:$0xA], $0x10, s25, s30, $0xb8;
	[tilespmem:$0xEF00] =	vst v63  }
0xca: {  	_ =	swait.ge [sflag:s28], $0x800  }
0xcb: {  	[sflag:s28] =	ssyncset.done $0x0  }
0xcc: {  	s26 =	rddreg [dreg:$0xf];
	[sflag:s28] =	ssyncadd.s32 $0xFFFFF800  }
0xcd: {  	[tilespmem:s9], [sflag:$0x6] =	stream.indirect.gather [spmem:s3], $0x10, s26, s30, $0xb8;
	[tilespmem:$0xEF00] =	vst v63  }
0xce: {  	_ =	swait.ge [sflag:s10], $0x800  }
0xcf: {  	[sflag:s10] =	ssyncset.done $0x0  }
0xd0: {  	s24 =	rddreg [dreg:$0x10];
	[sflag:s10] =	ssyncadd.s32 $0xFFFFF800  }
0xd1: {  	[spmem:s2] =	stream.indirect.scatter.add.f32 [tilespmem:s1], [sflag:$0xB], $0x10, s24, s30, $0xb8;
	[tilespmem:$0xEF00] =	vst v63  }
0xd2: {  	_ =	swait.ge [sflag:s23], $0x800  }
0xd3: {  	[sflag:s23] =	ssyncset.done $0x0  }
0xd4: {  	s25 =	rddreg [dreg:$0x11];
	[sflag:s23] =	ssyncadd.s32 $0xFFFFF800  }
0xd5: {  	[tilespmem:s11], [sflag:$0x7] =	stream.indirect.gather [spmem:s3], $0x10, s25, s30, $0xb8;
	[tilespmem:$0xEF00] =	vst v63  }
0xd6: {  	_ =	swait.ge [sflag:s12], $0x800  }
0xd7: {  	[sflag:s12] =	ssyncset.done $0x0  }
0xd8: {  	s26 =	rddreg [dreg:$0x12];
	[sflag:s12] =	ssyncadd.s32 $0xFFFFF800  }
0xd9: {  	[spmem:s2] =	stream.indirect.scatter.add.f32 [tilespmem:s4], [sflag:$0xC], $0x10, s26, s30, $0xb8;
	[tilespmem:$0xEF00] =	vst v63  }
0xda: {  	_ =	swait.ge [sflag:s29], $0x800  }
0xdb: {  	[sflag:s29] =	ssyncset.done $0x0  }
0xdc: {  	s24 =	rddreg [dreg:$0x13];
	[sflag:s29] =	ssyncadd.s32 $0xFFFFF800  }
0xdd: {  	[tilespmem:s13], [sflag:$0x8] =	stream.indirect.gather [spmem:s3], $0x10, s24, s30, $0xb8;
	[tilespmem:$0xEF00] =	vst v63  }
0xde: {  	_ =	swait.ge [sflag:s14], $0x800  }
0xdf: {  	[sflag:s14] =	ssyncset.done $0x0  }
0xe0: {  	s25 =	rddreg [dreg:$0x14];
	[sflag:s14] =	ssyncadd.s32 $0xFFFFF800  }
0xe1: {  	[spmem:s2] =	stream.indirect.scatter.add.f32 [tilespmem:s6], [sflag:$0xD], $0x10, s25, s30, $0xb8;
	[tilespmem:$0xEF00] =	vst v63  }
0xe2: {  	_ =	swait.ge [sflag:s15], $0x800  }
0xe3: {  	[sflag:s15] =	ssyncset.done $0x0  }
0xe4: {  	[sflag:s15] =	ssyncadd.s32 $0xFFFFF800  }
0xe5: {  	_ =	swait.ge [sflag:s16], $0x800  }
0xe6: {  	[sflag:s16] =	ssyncset.done $0x0  }
0xe7: {  	s26 =	rddreg [dreg:$0x15];
	[sflag:s16] =	ssyncadd.s32 $0xFFFFF800  }
0xe8: {  	[spmem:s2] =	stream.indirect.scatter.add.f32 [tilespmem:s9], [sflag:$0xE], $0x10, s26, s30, $0xb8;
	[tilespmem:$0xEF00] =	vst v63  }
0xe9: {  	_ =	swait.ge [sflag:s17], $0x800  }
0xea: {  	[sflag:s17] =	ssyncset.done $0x0  }
0xeb: {  	[sflag:s17] =	ssyncadd.s32 $0xFFFFF800  }
0xec: {  	_ =	swait.ge [sflag:s18], $0x800  }
0xed: {  	[sflag:s18] =	ssyncset.done $0x0  }
0xee: {  	s24 =	rddreg [dreg:$0x16];
	[sflag:s18] =	ssyncadd.s32 $0xFFFFF800  }
0xef: {  	[spmem:s2] =	stream.indirect.scatter.add.f32 [tilespmem:s11], [sflag:$0xF], $0x10, s24, s30, $0xb8;
	[tilespmem:$0xEF00] =	vst v63  }
0xf0: {  	_ =	swait.ge [sflag:s19], $0x800  }
0xf1: {  	[sflag:s19] =	ssyncset.done $0x0  }
0xf2: {  	[sflag:s19] =	ssyncadd.s32 $0xFFFFF800  }
0xf3: {  	_ =	swait.ge [sflag:s20], $0x800  }
0xf4: {  	[sflag:s20] =	ssyncset.done $0x0  }
0xf5: {  	s25 =	rddreg [dreg:$0x17];
	[sflag:s20] =	ssyncadd.s32 $0xFFFFF800  }
0xf6: {  	[spmem:s2] =	stream.indirect.scatter.add.f32 [tilespmem:s13], [sflag:$0x10], $0x10, s25, s30, $0xb8;
	[tilespmem:$0xEF00] =	vst v63  }
0xf7: {  	_ =	swait.ge [sflag:s21], $0x800  }
0xf8: {  	[sflag:s21] =	ssyncset.done $0x0  }
0xf9: {  	[sflag:s21] =	ssyncadd.s32 $0xFFFFF800  }
0xfa: {  	_ =	swait.ge [sflag:s22], $0x800  }
0xfb: {  	[sflag:s22] =	ssyncset.done $0x0  }
0xfc: {  	[sflag:s22] =	ssyncadd.s32 $0xFFFFF800  }
0xfd: {  	_ =	swait.ge [sflag:s28], $0x800  }
0xfe: {  	[sflag:s28] =	ssyncset.done $0x0  }
0xff: {  	[sflag:s28] =	ssyncadd.s32 $0xFFFFF800  }
0x100: {  	_ =	swait.ge [sflag:s23], $0x800  }
0x101: {  	[sflag:s23] =	ssyncset.done $0x0  }
0x102: {  	[sflag:s23] =	ssyncadd.s32 $0xFFFFF800  }
0x103: {  	_ =	swait.ge [sflag:s29], $0x800  }
0x104: {  	[sflag:s29] =	ssyncset.done $0x0  }
0x105: {  	[sflag:s29] =	ssyncadd.s32 $0xFFFFF800  }
0x106: {  	[bflag:$0x0] =	sbarrier.arrive $0xFFFF  }
0x107: {  	s25 =	rddreg [dreg:$0x8]  }
0x108: {  	s26 =	rddreg [dreg:$0x18]  }
0x109: {  	s24 =	rddreg [dreg:$0x1c]  }
0x10a: {  	[hbm:s26], [sflag:s25] =	dma.local [spmem:s24], $0x4F0  }
0x10b: {  	s26 =	simm.s32 $0x11  }
0x10c: {  	_ =	swait.ge [sflag:s26], $0x4F0  }
0x10d: {  	s7 =	rddreg [dreg:$0x1b]  }
0x10e: {  	s24 =	sadd.s32 $0x1, s7;
	s7 =	rddreg [dreg:$0x19]  }
0x10f: {  	p0 =	sne.s32 s24, s7  }
.Ltmp1:
0x110: {  	_ = 	snop;
	(pc) =	sbr.rel @p0 .LBB2_1-.Ltmp1, $3  }
0x111: {  	_ =	sdelay $0x1  }
0x112: {  	[sflag:s26] =	ssyncset.done $0x0  }
0x113: {  	[sflag:s26] =	ssyncadd.s32 $0xFFFFFB10  }
0x114: {  	_ =	sfence.sel $0x180000  }
0x115: {  	[bflag:$0x0] =	sbarrier.arrive $0xFFFF  }
0x116: {  	_ =	strace $0x9000004A  }
0x117: {  	s0 =	stileid.u32;
	[bflag:$0x2] =	sbarrier.arrive $0xFFFF  }
0x118: {  	p0 =	sne.s32 s0, $0x0;
	s0 =	rddreg [dreg:$0x4]  }
0x119: {  	s0 =	sadd.s32 @!p0 $0x100000, s0  }
0x11a: {  	[sflag:s0] =	ssyncadd.tile.s32 @!p0 $0x1;
	_ =	shalt  }
.Lfunc_end2:
_tile_overlayer_lowered:
.L_overlay_start_2:
0x11b: {  	(tag) =	ssettag $0x2  }
0x11c: {  	s0 =	rddreg [dreg:$0x0];
	s2 =	stileid.u32  }
0x11d: {  	s1 =	rddreg [dreg:$0x1];
	p0 =	sne.s32 s2, $0x0  }
0x11e: {  	s3 =	rddreg [dreg:$0x2];
	[bflag:$0x3] =	sbarrier.arrive $0xFFFF;
	s2 =	simm.s32 @!p0 $0x1C11  }
0x11f: {  	[timem:s3], [sflag:s2] =	dma.local @!p0 [hbm:s0], s1  }
0x120: {  	s0 =	simm.s32 @!p0 $0x11  }
0x121: {  	_ =	swait.ge @!p0 [sflag:s0], s1  }
0x122: {  	s1 =	ssub.s32 @!p0 $0x0, s1;
	[sflag:s0] =	ssyncset.done @!p0 $0x0  }
0x123: {  	[sflag:s0] =	ssyncadd.s32 @!p0 s1  }
0x124: {  	[bflag:$0x3] =	sbarrier.arrive $0xFFFF  }
0x125: {  	_ =	shalt  }

// kernel: kernel.15.cloned.1.call-start
scs
__scs_entry_jumppad:
0x0: {  	(pc) =	sbr.rel $0x88, $3  }
0x1: {  	(tag) =	ssettag $0x0;
	lr =	simm.s32 $0x1  }
0x2: {  	[smem:$0x3F9B] =	sst lr;
	_ =	strace $0xD0000000  }
0x3: {  	_ = 	snop  }
0x4: {  	_ = 	snop  }
0x5: {  	_ = 	snop  }
0x6: {  	_ = 	snop  }
0x7: {  	_ = 	snop  }
__scs_overlays_trampoline_lowered:
0x8: {  	[smem:$0x3FAA] =	sst s0  }
0x9: {  	[smem:$0x3FAB] =	sst s1  }
0xa: {  	[smem:$0x3FAC] =	sst s2  }
0xb: {  	[smem:$0x3FAD] =	sst s3  }
0xc: {  	[smem:$0x3FAE] =	sst s4  }
0xd: {  	[smem:$0x3FAF] =	sst s5  }
0xe: {  	[smem:$0x3FB0] =	sst s6  }
0xf: {  	[smem:$0x3FB1] =	sst s7  }
0x10: {  	[smem:$0x3FB2] =	sst s8  }
0x11: {  	[smem:$0x3FB3] =	sst s9;
	s0 =	simm.s32 @!p0 $0x0  }
0x12: {  	s1 =	sld [smem:$0x3F99];
	s0 =	simm.s32 @p0 $0x1  }
0x13: {  	[smem:$0x3FB4] =	sst s0;
	s0 =	simm.s32 @!p1 $0x0  }
0x14: {  	s2 =	sld [smem:$0x3F98];
	s0 =	simm.s32 @p1 $0x1  }
0x15: {  	[smem:$0x3FB5] =	sst s0;
	s0 =	simm.s32 @!p2 $0x0  }
0x16: {  	s3 =	sld [smem:$0x3FDB];
	s0 =	simm.s32 @p2 $0x1  }
0x17: {  	s4 =	simm.s32 $0x1BF5;
	[smem:$0x3FB7] =	sst s0  }
0x18: {  	s0 =	sld [smem:$0x3F9A];
	_ =	swait.ge [sflag:s4], $0x0  }
0x19: {  	s7 =	sld [smem:$0x3F9B]  }
0x1a: {  	s8 =	sadd.s32 $0xFFFFE003, lr  }
0x1b: {  	s9 =	sadd.s32 $0xFFFFFEF7, lr;
	s5 =	simm.s32 $0xFFFFFFFF;
	p2 =	slt.u32 s8, $0xFFFFF086  }
0x1c: {  	p1 =	slt.u32 s9, $0xF7A;
	s5 =	simm.s32 @!p2 $0x0  }
0x1d: {  	s5 =	simm.s32 @p1 $0x1;
	p0 =	seq.s32 s7, s2  }
0x1e: {  	s7 =	smul.u32 @!p0 $0xF7A, s2;
	p2 =	seq.s32 @!p0 s5, $0x0  }
0x1f: {  	s9 =	smul.u32 $0xF7A, s1;
	s8 =	simm.s32 @!p0 $0x1BF5;
	p2 =	por !p2, p0  }
0x20: {  	[sflag:s8] =	ssyncset.s32 @!p0 $0xFFFFF086;
	s6 =	sadd.s32 @!p0 s3, s7;
	s7 =	simm.s32 @!p0 $0x108  }
0x21: {  	s3 =	sadd.s32 s3, s9;
	s6 =	sadd.s32 @!p0 $0x88, s6;
	s7 =	simm.s32 @p2 $0x1082  }
0x22: {  	[simem:s7], [sflag:s8] =	dma.local @!p0 [hbm:s6], $0xF7A  }
0x23: {  	s9 =	sor.u32 $0xD0000000, s2;
	s6 =	simm.s32 $0x108;
	_ =	swait.ge @!p0 [sflag:s8], $0x0  }
0x24: {  	s3 =	sadd.s32 $0x88, s3;
	s6 =	simm.s32 @!p1 $0x1082;
	[sflag:s4] =	ssyncset.s32 $0xFFFFF086  }
0x25: {  	[simem:s6], [sflag:s4] =	dma.local [hbm:s3], $0xF7A  }
0x26: {  	[smem:$0x3F9B] =	sst s1;
	(tag) =	ssettag s2;
	_ =	strace s9  }
0x27: {  	s1 =	sld [smem:$0x3FAB]  }
0x28: {  	s2 =	sld [smem:$0x3FAC]  }
0x29: {  	s4 =	sld [smem:$0x3FAE]  }
0x2a: {  	p0 =	seq.s32 s5, $0x0;
	s5 =	sld [smem:$0x3FAF]  }
0x2b: {  	s6 =	sld [smem:$0x3FB0]  }
0x2c: {  	s7 =	sld [smem:$0x3FB1]  }
0x2d: {  	s3 =	simm.s32 $0x108;
	s8 =	sld [smem:$0x3FB2]  }
0x2e: {  	s3 =	simm.s32 @!p0 $0x1082;
	s9 =	sld [smem:$0x3FB3]  }
0x2f: {  	lr =	sadd.s32 s0, s3;
	s0 =	sld [smem:$0x3FAA]  }
0x30: {  	s3 =	sld [smem:$0x3FAD]  }
0x31: {  	[smem:$0x3FB6] =	sst s10  }
0x32: {  	s10 =	sld [smem:$0x3FB4];
	_ =	sdelay $0x3  }
0x33: {  	p0 =	seq.s32 s10, $0x1;
	s10 =	sld [smem:$0x3FB6];
	_ =	sdelay $0x3  }
0x34: {  	[smem:$0x3FB6] =	sst s10  }
0x35: {  	s10 =	sld [smem:$0x3FB5];
	_ =	sdelay $0x3  }
0x36: {  	p1 =	seq.s32 s10, $0x1;
	s10 =	sld [smem:$0x3FB6];
	_ =	sdelay $0x3  }
0x37: {  	[smem:$0x3FB6] =	sst s10  }
0x38: {  	s10 =	sld [smem:$0x3FB7]  }
0x39: {  	_ = 	snop;
	(pc) =	sbr.ind lr, $3  }
0x3a: {  	_ = 	snop  }
0x3b: {  	_ = 	snop  }
0x3c: {  	p2 =	seq.s32 s10, $0x1;
	s10 =	sld [smem:$0x3FB6]  }
0x3d: {  	_ =	shalt  }
0x3e: {  	_ =	shalt  }
0x3f: {  	_ =	shalt  }
0x40: {  	_ =	shalt  }
0x41: {  	_ =	shalt  }
0x42: {  	_ =	shalt  }
0x43: {  	_ =	shalt  }
0x44: {  	_ =	shalt  }
0x45: {  	_ =	shalt  }
0x46: {  	_ =	shalt  }
0x47: {  	_ =	shalt  }
0x48: {  	_ =	shalt  }
0x49: {  	_ =	shalt  }
0x4a: {  	_ =	shalt  }
0x4b: {  	_ =	shalt  }
0x4c: {  	_ =	shalt  }
0x4d: {  	_ =	shalt  }
0x4e: {  	_ =	shalt  }
0x4f: {  	_ =	shalt  }
0x50: {  	_ =	shalt  }
0x51: {  	_ =	shalt  }
0x52: {  	_ =	shalt  }
0x53: {  	_ =	shalt  }
0x54: {  	_ =	shalt  }
0x55: {  	_ =	shalt  }
0x56: {  	_ =	shalt  }
0x57: {  	_ =	shalt  }
0x58: {  	_ =	shalt  }
0x59: {  	_ =	shalt  }
0x5a: {  	_ =	shalt  }
0x5b: {  	_ =	shalt  }
0x5c: {  	_ =	shalt  }
0x5d: {  	_ =	shalt  }
0x5e: {  	_ =	shalt  }
0x5f: {  	_ =	shalt  }
0x60: {  	_ =	shalt  }
0x61: {  	_ =	shalt  }
0x62: {  	_ =	shalt  }
0x63: {  	_ =	shalt  }
0x64: {  	_ =	shalt  }
0x65: {  	_ =	shalt  }
0x66: {  	_ =	shalt  }
0x67: {  	_ =	shalt  }
0x68: {  	_ =	shalt  }
0x69: {  	_ =	shalt  }
0x6a: {  	_ =	shalt  }
0x6b: {  	_ =	shalt  }
0x6c: {  	_ =	shalt  }
0x6d: {  	_ =	shalt  }
0x6e: {  	_ =	shalt  }
0x6f: {  	_ =	shalt  }
0x70: {  	_ =	shalt  }
0x71: {  	_ =	shalt  }
0x72: {  	_ =	shalt  }
0x73: {  	_ =	shalt  }
0x74: {  	_ =	shalt  }
0x75: {  	_ =	shalt  }
0x76: {  	_ =	shalt  }
0x77: {  	_ =	shalt  }
0x78: {  	_ =	shalt  }
0x79: {  	_ =	shalt  }
0x7a: {  	_ =	shalt  }
0x7b: {  	_ =	shalt  }
0x7c: {  	_ =	shalt  }
0x7d: {  	_ =	shalt  }
0x7e: {  	_ =	shalt  }
0x7f: {  	_ =	shalt  }
0x80: {  	_ =	shalt  }
0x81: {  	_ =	shalt  }
0x82: {  	_ =	shalt  }
0x83: {  	_ =	shalt  }
0x84: {  	_ =	shalt  }
0x85: {  	_ =	shalt  }
0x86: {  	_ =	shalt  }
0x87: {  	_ =	shalt  }
.Lfunc_end0:
.L_simem_size_0:
called_computation.2_lowered:
.L_overlay_start_0:
0x88: {  	s2 =	sld [smem:$0x3FD9]  }
0x89: {  	s3 =	sld [smem:$0x3FFE];
	_ =	sdelay $0x1  }
0x8a: {  	s1 =	srdreg.scid  }
0x8b: {  	s0 =	sand.u32 $0x1, s1  }
0x8c: {  	s17 =	sshll.u32 s0, $0xA;
	s2 =	sadd.s32 s3, s2  }
0x8d: {  	s2 =	sadd.s32 s2, s17  }
0x8e: {  	[smem:$0x3FC2] =	sst s2  }
0x8f: {  	_ = 	snop  }
0x90: {  	s2 =	sld [smem:$0x3FD0];
	(tm) =	ssettm $0x1  }
0x91: {  	s18 =	sld [smem:$0x3FFB];
	_ =	sdelay $0x3  }
0x92: {  	_ =	strace s18  }
0x93: {  	s3 =	sld [smem:$0x3FFC];
	_ =	sdelay $0x3  }
0x94: {  	_ =	strace s3  }
0x95: {  	s3 =	sld [smem:$0x3FFD];
	_ =	sdelay $0x3  }
0x96: {  	_ =	strace s3  }
0x97: {  	_ =	strace $0x8FFFFFFF  }
0x98: {  	s19 =	sld [smem:$0x3FDB];
	_ =	sdelay $0x1  }
0x99: {  	s4 =	simm.s32 $_scs_section_size  }
0x9a: {  	s5 =	simm.s32 $_size__tile_overlayer_lowered;
	s6 =	simm.s32 $_tile_overlayer_lowered  }
0x9b: {  	s22 =	simm.s32 $0x1BFF;
	s21 =	sshll.u32 s6, $0x1;
	s3 =	sadd.s32 s4, s19  }
0x9c: {  	s7 =	simm.s32 $0x0;
	s20 =	sshll.u32 s5, $0x1;
	s5 =	sadd.s32 s21, s3  }
0x9d: {  	[timem:s7], [sflag:s22] =	dma.local [hbm:s5], s20  }
0x9e: {  	_ =	swait.ge [sflag:s22], s20  }
0x9f: {  	s4 =	ssub.s32 $0x0, s20;
	[sflag:s22] =	ssyncset.done $0x0  }
0xa0: {  	[sflag:s22] =	ssyncadd.s32 s4;
	_ =	sdelay $0x1  }
0xa1: {  	s23 =	simm.s32 $0x1B8B  }
0xa2: {  	_ =	swait.ge [sflag:s23], $0x1  }
0xa3: {  	[sflag:s23] =	ssyncset.done $0x0  }
0xa4: {  	s25 =	simm.s32 $0x1B8E;
	s24 =	sld [smem:$0x3FFE];
	[sflag:s23] =	ssyncadd.s32 $0xFFFFFFFF  }
0xa5: {  	s26 =	simm.s32 $execute0_lowered;
	[smem:$0x3FD2] =	sst s25  }
0xa6: {  	s5 =	sshll.u32 s26, $0x1;
	_ =	strace $0x8000004C;
	[dreg:$0x1] =	wrdreg $0xFFFFFFFF  }
0xa7: {  	s28 =	simm.s32 $_size_execute0_lowered;
	s3 =	sadd.s32 s3, s5;
	[dreg:$0x0] =	wrdreg $0x0  }
0xa8: {  	s5 =	sshll.u32 s28, $0x1;
	[dreg:$0x2] =	wrdreg s3  }
0xa9: {  	[dreg:$0x3] =	wrdreg s5  }
0xaa: {  	[dreg:$0x4] =	wrdreg $0xC0  }
0xab: {  	_ =	task [dreg:s7], $0x5FFFF  }
0xac: {  	[dreg:$0x1] =	wrdreg $0xFFFFFFFF  }
0xad: {  	[dreg:$0x0] =	wrdreg $0x60  }
0xae: {  	[dreg:$0x2] =	wrdreg s24  }
0xaf: {  	[dreg:$0x3] =	wrdreg s2  }
0xb0: {  	[dreg:$0x4] =	wrdreg $0x0  }
0xb1: {  	[dreg:$0x5] =	wrdreg $0x27800  }
0xb2: {  	[dreg:$0x6] =	wrdreg $0x9  }
0xb3: {  	_ =	task.clear_ibuf [dreg:s7], $0x7FFFF;
	_ =	strace $0x9000004C  }
0xb4: {  	s29 =	simm.s32 $0x9;
	_ =	strace $0x8000004E  }
0xb5: {  	_ =	swait.ge [sflag:s29], $0x1  }
0xb6: {  	[sflag:s29] =	ssyncadd.s32 $0xFFFFFFFF  }
0xb7: {  	_ =	strace $0x9000004E  }
0xb8: {  	_ =	sfence  }
0xb9: {  	s30 =	sld [smem:$0x0];
	_ =	sdelay $0x2  }
0xba: {  	s31 =	sshll.u32 s1, $0xD;
	s1 =	sshrl.u32 s1, $0x2  }
0xbb: {  	s3 =	sand.u32 $0x4000, s31;
	s1 =	sadd.s32 s1, s30  }
0xbc: {  	s0 =	sor.u32 s3, s0;
	s1 =	sshll.u32 s1, $0x11  }
0xbd: {  	s0 =	sor.u32 s1, s0  }
0xbe: {  	s0 =	sadd.s32 $0x8F2B, s0  }
0xbf: {  	[sflag:s0] =	ssyncadd.remote.s32 $0x1  }
0xc0: {  	_ =	sfence.sel $0xFFFF  }
0xc1: {  	[dreg:$0x0] =	wrdreg $0xFFFFFFFF;
	(pc) =	sbr.abs _section_cstart, $3  }
0xc2: {  	[dreg:$0x1] =	wrdreg $0xFFFFFFFF  }
0xc3: {  	_ =	task.clear_ibuf [dreg:s7], $0x2FFFF;
	_ =	strace $0x9FFFFFFF  }
0xc4: {  	(tm) =	ssettm $0x7FFFFFFF  }
0xc5: {  	_ =	shalt  }
tec
execute0_lowered:
.L_overlay_start_1:
0x0: {  	(tag) =	ssettag $0x1  }
0x1: {  	s0 =	rddreg [dreg:$0x0]  }
0x2: {  	s1 =	rddreg [dreg:$0x1];
	s12 =	stileid.u32  }
0x3: {  	s3 =	srdreg.scid;
	s2 =	rddreg [dreg:$0x2];
	s8 =	simm.s32 $0x0  }
0x4: {  	s30 =	simm.s32 $0x80;
	s31 =	simm.s32 $0xAF00;
	s5 =	smul.u32 $0x60, s12  }
0x5: {  	s28 =	simm.s32 $0xE;
	s4 =	sand.u32 $0x1, s3;
	s20 =	smul.u32 $0x2780, s12  }
0x6: {  	s29 =	simm.s32 $0x10;
	s3 =	rddreg [dreg:$0x3];
	s6 =	smul.u32 $0x600, s4  }
0x7: {  	[smem:$0x7FF] =	sst s8;
	s25 =	sshll.u32 s12, $0x6;
	s7 =	smul.u32 s4, s12  }
0x8: {  	s22 =	smul.u32 $0x27800, s4;
	_ =	strace $0x8000004D;
	s10 =	ssub.s32 $0x2, s4  }
0x9: {  	p0 =	seq.s32 s4, $0x0;
	s4 =	simm.s32 $0x60;
	s25 =	sor.u32 $0x1C11, s25  }
0xa: {  	s9 =	sshrl.u32 s20, $0x3;
	s4 =	simm.s32 @!p0 $0x40;
	s24 =	sadd.s32 s20, s2  }
0xb: {  	s26 =	sadd.s32 s20, s3;
	[dreg:$0x8] =	wrdreg s25;
	s5 =	sadd.s32 s6, s5  }
0xc: {  	s23 =	sadd.s32 s9, s0;
	[dreg:$0x6] =	wrdreg s24;
	s1 =	sadd.s32 s1, s9  }
0xd: {  	s9 =	sshll.u32 s4, $0x9;
	s26 =	sshrl.u32 s26, $0x3;
	[dreg:$0x7] =	wrdreg s1  }
0xe: {  	s4 =	sshll.u32 s4, $0x7;
	s6 =	sadd.s32 $0xD000, s23;
	[dreg:$0x1a] =	wrdreg s26  }
0xf: {  	s8 =	simm.s32 $0x2;
	s13 =	sor.u32 $0x4D00, s4;
	[dreg:$0x9] =	wrdreg s6  }
0x10: {  	s11 =	sshrl.u32 s10, $0x1;
	s15 =	sor.u32 $0x4D80, s4;
	[dreg:$0xd] =	wrdreg s13  }
0x11: {  	s21 =	sshll.u32 s7, $0xC;
	s17 =	sor.u32 $0x4E00, s4;
	[dreg:$0xf] =	wrdreg s15  }
0x12: {  	s7 =	sadd.s32 s20, s22;
	s19 =	sor.u32 $0x4E80, s4;
	[dreg:$0x11] =	wrdreg s17  }
0x13: {  	s5 =	sshll.u32 s5, $0x7;
	s20 =	sadd.s32 $0x7D00, s4;
	[dreg:$0x13] =	wrdreg s19  }
0x14: {  	s7 =	sshrl.u32 s7, $0x3;
	s22 =	sadd.s32 $0x7D80, s4;
	[dreg:$0x14] =	wrdreg s20  }
0x15: {  	s23 =	sadd.s32 $0x7E00, s4;
	s4 =	sadd.s32 $0x7E80, s4;
	[dreg:$0x15] =	wrdreg s22  }
0x16: {  	s26 =	simm.s32 $0x11;
	s1 =	simm.s32 $0xBF00;
	[dreg:$0x16] =	wrdreg s23  }
0x17: {  	s5 =	ssub.s32 s5, s21;
	s21 =	sadd.s32 $0xFFFFE000, s9;
	[dreg:$0x17] =	wrdreg s4  }
0x18: {  	s4 =	simm.s32 $0xC700;
	s6 =	simm.s32 $0xCF00;
	s13 =	simm.s32 $0xE700  }
0x19: {  	s15 =	simm.s32 $0x9;
	s17 =	simm.s32 $0xA;
	s5 =	sshrl.u32 s5, $0x3  }
0x1a: {  	s19 =	simm.s32 $0xB;
	[dreg:$0x5] =	wrdreg s21;
	s5 =	sadd.s32 s5, s0  }
0x1b: {  	s0 =	sadd.s32 s7, s0;
	s7 =	ssub.s32 s10, s11;
	s10 =	sadd.s32 $0x17000, s5  }
0x1c: {  	s11 =	sshrl.u32 s9, $0x2;
	s5 =	sadd.s32 $0x2E00, s5;
	[dreg:$0xa] =	wrdreg s10  }
0x1d: {  	s20 =	simm.s32 $0x8;
	s12 =	sadd.s32 $0x7B00, s11;
	[dreg:$0xb] =	wrdreg s5  }
0x1e: {  	s22 =	simm.s32 $0xD;
	s14 =	sadd.s32 $0x7B80, s11;
	[dreg:$0xc] =	wrdreg s12  }
0x1f: {  	s23 =	simm.s32 $0xF;
	s16 =	sadd.s32 $0x7C00, s11;
	[dreg:$0xe] =	wrdreg s14  }
0x20: {  	s21 =	simm.s32 $0xC;
	s18 =	sadd.s32 $0x7C80, s11;
	[dreg:$0x10] =	wrdreg s16  }
0x21: {  	s9 =	simm.s32 $0xD700;
	s0 =	sadd.s32 $0x21200, s0;
	[dreg:$0x12] =	wrdreg s18  }
0x22: {  	s24 =	smax.u32 s7, $0x1;
	s11 =	simm.s32 $0xDF00;
	[dreg:$0x18] =	wrdreg s0  }
0x23: {  	[dreg:$0x19] =	wrdreg s24;
	s0 =	simm.s32 $0xB700;
	s5 =	simm.s32 $0x1  }
0x24: {  	s10 =	simm.s32 $0x3;
	s12 =	simm.s32 $0x4;
	s14 =	simm.s32 $0x5  }
0x25: {  	s16 =	simm.s32 $0x6;
	s18 =	simm.s32 $0x7;
	s24 =	simm.s32 $0x0  }
.LBB2_1:
0x26: {  	[dreg:$0x1b] =	wrdreg s24  }
0x27: {  	s7 =	rddreg [dreg:$0x6]  }
0x28: {  	s24 =	sshrl.u32 s7, $0x3;
	s7 =	rddreg [dreg:$0x7]  }
0x29: {  	[dreg:$0x1c] =	wrdreg s24  }
0x2a: {  	[spmem:s24], [sflag:s25] =	dma.local [hbm:s7], $0x4F0  }
0x2b: {  	_ =	swait.ge [sflag:s26], $0x4F0  }
0x2c: {  	[sflag:s26] =	ssyncset.done $0x0;
	s7 =	rddreg [dreg:$0x9]  }
0x2d: {  	s24 =	simm.s32 $0x11;
	[sflag:s26] =	ssyncadd.s32 $0xFFFFFB10;
	s26 =	rddreg [dreg:$0x1a]  }
0x2e: {  	[spmem:s26], [sflag:s25] =	dma.local [hbm:s7], $0x4F0  }
0x2f: {  	_ =	swait.ge [sflag:s24], $0x4F0  }
0x30: {  	s7 =	simm.s32 $0x0;
	[sflag:s24] =	ssyncset.done $0x0  }
0x31: {  	s26 =	simm.s32 $0x4F00;
	s25 =	rddreg [dreg:$0xa];
	[sflag:s24] =	ssyncadd.s32 $0xFFFFFB10  }
0x32: {  	[tilespmem:s26], [sflag:$0x11] =	stream.linear.gather [hbm4b:s25+s7], $0x3000, $0x38;
	[tilespmem:$0xEF00] =	vst v63  }
0x33: {  	_ =	swait.ge [sflag:s24], $0x3000  }
0x34: {  	[sflag:s24] =	ssyncset.done $0x0  }
0x35: {  	s26 =	simm.s32 $0x7F00;
	s25 =	rddreg [dreg:$0xb];
	[sflag:s24] =	ssyncadd.s32 $0xFFFFD000  }
0x36: {  	[tilespmem:s26], [sflag:$0x11] =	stream.linear.gather [hbm4b:s25+s7], $0x3000, $0x38;
	[tilespmem:$0xEF00] =	vst v63  }
0x37: {  	_ =	swait.ge [sflag:s24], $0x3000  }
0x38: {  	[sflag:s24] =	ssyncset.done $0x0  }
0x39: {  	[sflag:s24] =	ssyncadd.s32 $0xFFFFD000  }
0x3a: {  	s24 =	simm.s32 $0x4F00;
	[bflag:$0x0] =	sbarrier.arrive $0xFFFF  }
0x3b: {  	[tilespmem:s31], [sflag:$0x1] =	stream.indirect.gather [spmem:s3], $0x10, s24, s30, $0xb8;
	[tilespmem:$0xEF00] =	vst v63  }
0x3c: {  	s26 =	simm.s32 $0x4F80  }
0x3d: {  	[tilespmem:s0], [sflag:$0x2] =	stream.indirect.gather [spmem:s3], $0x10, s26, s30, $0xb8;
	[tilespmem:$0xEF00] =	vst v63  }
0x3e: {  	s24 =	simm.s32 $0x5000  }
0x3f: {  	[tilespmem:s1], [sflag:$0x3] =	stream.indirect.gather [spmem:s3], $0x10, s24, s30, $0xb8;
	[tilespmem:$0xEF00] =	vst v63  }
0x40: {  	s26 =	simm.s32 $0x5080  }
0x41: {  	[tilespmem:s4], [sflag:$0x4] =	stream.indirect.gather [spmem:s3], $0x10, s26, s30, $0xb8;
	[tilespmem:$0xEF00] =	vst v63  }
0x42: {  	_ =	swait.ge [sflag:s5], $0x800  }
0x43: {  	[sflag:s5] =	ssyncset.done $0x0  }
0x44: {  	s25 =	simm.s32 $0x7F00;
	[sflag:s5] =	ssyncadd.s32 $0xFFFFF800  }
0x45: {  	[spmem:s2] =	stream.indirect.scatter.add.f32 [tilespmem:s31], [sflag:$0x9], $0x10, s25, s30, $0xb8;
	[tilespmem:$0xEF00] =	vst v63  }
0x46: {  	s24 =	simm.s32 $0x5100  }
0x47: {  	[tilespmem:s6], [sflag:$0x5] =	stream.indirect.gather [spmem:s3], $0x10, s24, s30, $0xb8;
	[tilespmem:$0xEF00] =	vst v63  }
0x48: {  	_ =	swait.ge [sflag:s8], $0x800  }
0x49: {  	[sflag:s8] =	ssyncset.done $0x0  }
0x4a: {  	s25 =	simm.s32 $0x7F80;
	[sflag:s8] =	ssyncadd.s32 $0xFFFFF800  }
0x4b: {  	[spmem:s2] =	stream.indirect.scatter.add.f32 [tilespmem:s0], [sflag:$0xA], $0x10, s25, s30, $0xb8;
	[tilespmem:$0xEF00] =	vst v63  }
0x4c: {  	s26 =	simm.s32 $0x5180  }
0x4d: {  	[tilespmem:s9], [sflag:$0x6] =	stream.indirect.gather [spmem:s3], $0x10, s26, s30, $0xb8;
	[tilespmem:$0xEF00] =	vst v63  }
0x4e: {  	_ =	swait.ge [sflag:s10], $0x800  }
0x4f: {  	[sflag:s10] =	ssyncset.done $0x0  }
0x50: {  	s24 =	simm.s32 $0x8000;
	[sflag:s10] =	ssyncadd.s32 $0xFFFFF800  }
0x51: {  	[spmem:s2] =	stream.indirect.scatter.add.f32 [tilespmem:s1], [sflag:$0xB], $0x10, s24, s30, $0xb8;
	[tilespmem:$0xEF00] =	vst v63  }
0x52: {  	s25 =	simm.s32 $0x5200  }
0x53: {  	[tilespmem:s11], [sflag:$0x7] =	stream.indirect.gather [spmem:s3], $0x10, s25, s30, $0xb8;
	[tilespmem:$0xEF00] =	vst v63  }
0x54: {  	_ =	swait.ge [sflag:s12], $0x800  }
0x55: {  	[sflag:s12] =	ssyncset.done $0x0  }
0x56: {  	s26 =	simm.s32 $0x8080;
	[sflag:s12] =	ssyncadd.s32 $0xFFFFF800  }
0x57: {  	[spmem:s2] =	stream.indirect.scatter.add.f32 [tilespmem:s4], [sflag:$0xC], $0x10, s26, s30, $0xb8;
	[tilespmem:$0xEF00] =	vst v63  }
0x58: {  	s24 =	simm.s32 $0x5280  }
0x59: {  	[tilespmem:s13], [sflag:$0x8] =	stream.indirect.gather [spmem:s3], $0x10, s24, s30, $0xb8;
	[tilespmem:$0xEF00] =	vst v63  }
0x5a: {  	_ =	swait.ge [sflag:s14], $0x800  }
0x5b: {  	[sflag:s14] =	ssyncset.done $0x0  }
0x5c: {  	s25 =	simm.s32 $0x8100;
	[sflag:s14] =	ssyncadd.s32 $0xFFFFF800  }
0x5d: {  	[spmem:s2] =	stream.indirect.scatter.add.f32 [tilespmem:s6], [sflag:$0xD], $0x10, s25, s30, $0xb8;
	[tilespmem:$0xEF00] =	vst v63  }
0x5e: {  	_ =	swait.ge [sflag:s15], $0x800  }
0x5f: {  	[sflag:s15] =	ssyncset.done $0x0  }
0x60: {  	s26 =	simm.s32 $0x5300;
	[sflag:s15] =	ssyncadd.s32 $0xFFFFF800  }
0x61: {  	[tilespmem:s31], [sflag:$0x1] =	stream.indirect.gather [spmem:s3], $0x10, s26, s30, $0xb8;
	[tilespmem:$0xEF00] =	vst v63  }
0x62: {  	_ =	swait.ge [sflag:s16], $0x800  }
0x63: {  	[sflag:s16] =	ssyncset.done $0x0  }
0x64: {  	s24 =	simm.s32 $0x8180;
	[sflag:s16] =	ssyncadd.s32 $0xFFFFF800  }
0x65: {  	[spmem:s2] =	stream.indirect.scatter.add.f32 [tilespmem:s9], [sflag:$0xE], $0x10, s24, s30, $0xb8;
	[tilespmem:$0xEF00] =	vst v63  }
0x66: {  	_ =	swait.ge [sflag:s17], $0x800  }
0x67: {  	[sflag:s17] =	ssyncset.done $0x0  }
0x68: {  	s25 =	simm.s32 $0x5380;
	[sflag:s17] =	ssyncadd.s32 $0xFFFFF800  }
0x69: {  	[tilespmem:s0], [sflag:$0x2] =	stream.indirect.gather [spmem:s3], $0x10, s25, s30, $0xb8;
	[tilespmem:$0xEF00] =	vst v63  }
0x6a: {  	_ =	swait.ge [sflag:s18], $0x800  }
0x6b: {  	[sflag:s18] =	ssyncset.done $0x0  }
0x6c: {  	s26 =	simm.s32 $0x8200;
	[sflag:s18] =	ssyncadd.s32 $0xFFFFF800  }
0x6d: {  	[spmem:s2] =	stream.indirect.scatter.add.f32 [tilespmem:s11], [sflag:$0xF], $0x10, s26, s30, $0xb8;
	[tilespmem:$0xEF00] =	vst v63  }
0x6e: {  	_ =	swait.ge [sflag:s19], $0x800  }
0x6f: {  	[sflag:s19] =	ssyncset.done $0x0  }
0x70: {  	s24 =	simm.s32 $0x5400;
	[sflag:s19] =	ssyncadd.s32 $0xFFFFF800  }
0x71: {  	[tilespmem:s1], [sflag:$0x3] =	stream.indirect.gather [spmem:s3], $0x10, s24, s30, $0xb8;
	[tilespmem:$0xEF00] =	vst v63  }
0x72: {  	_ =	swait.ge [sflag:s20], $0x800  }
0x73: {  	[sflag:s20] =	ssyncset.done $0x0  }
0x74: {  	s25 =	simm.s32 $0x8280;
	[sflag:s20] =	ssyncadd.s32 $0xFFFFF800  }
0x75: {  	[spmem:s2] =	stream.indirect.scatter.add.f32 [tilespmem:s13], [sflag:$0x10], $0x10, s25, s30, $0xb8;
	[tilespmem:$0xEF00] =	vst v63  }
0x76: {  	_ =	swait.ge [sflag:s21], $0x800  }
0x77: {  	[sflag:s21] =	ssyncset.done $0x0  }
0x78: {  	s7 =	simm.s32 $0x0;
	s26 =	simm.s32 $0x5480;
	[sflag:s21] =	ssyncadd.s32 $0xFFFFF800  }
0x79: {  	[tilespmem:s4], [sflag:$0x4] =	stream.indirect.gather [spmem:s3], $0x10, s26, s30, $0xb8;
	[tilespmem:$0xEF00] =	vst v63  }
.LBB2_2:
0x7a: {  	_ =	swait.ge [sflag:s5], $0x800  }
0x7b: {  	s25 =	sshra.s32 s7, $0x2;
	[sflag:s5] =	ssyncset.done $0x0  }
0x7c: {  	s26 =	sadd.s32 $0x8300, s25;
	[sflag:s5] =	ssyncadd.s32 $0xFFFFF800  }
0x7d: {  	[spmem:s2] =	stream.indirect.scatter.add.f32 [tilespmem:s31], [sflag:$0x9], $0x10, s26, s30, $0xb8;
	[tilespmem:$0xEF00] =	vst v63  }
0x7e: {  	_ =	swait.ge [sflag:s22], $0x800  }
0x7f: {  	[sflag:s22] =	ssyncset.done $0x0  }
0x80: {  	s24 =	sadd.s32 $0x5500, s25;
	[sflag:s22] =	ssyncadd.s32 $0xFFFFF800  }
0x81: {  	[tilespmem:s6], [sflag:$0x5] =	stream.indirect.gather [spmem:s3], $0x10, s24, s30, $0xb8;
	[tilespmem:$0xEF00] =	vst v63  }
0x82: {  	_ =	swait.ge [sflag:s8], $0x800  }
0x83: {  	[sflag:s8] =	ssyncset.done $0x0  }
0x84: {  	s24 =	sadd.s32 $0x8380, s25;
	[sflag:s8] =	ssyncadd.s32 $0xFFFFF800  }
0x85: {  	[spmem:s2] =	stream.indirect.scatter.add.f32 [tilespmem:s0], [sflag:$0xA], $0x10, s24, s30, $0xb8;
	[tilespmem:$0xEF00] =	vst v63  }
0x86: {  	_ =	swait.ge [sflag:s28], $0x800  }
0x87: {  	[sflag:s28] =	ssyncset.done $0x0  }
0x88: {  	s24 =	sadd.s32 $0x5580, s25;
	[sflag:s28] =	ssyncadd.s32 $0xFFFFF800  }
0x89: {  	[tilespmem:s9], [sflag:$0x6] =	stream.indirect.gather [spmem:s3], $0x10, s24, s30, $0xb8;
	[tilespmem:$0xEF00] =	vst v63  }
0x8a: {  	_ =	swait.ge [sflag:s10], $0x800  }
0x8b: {  	[sflag:s10] =	ssyncset.done $0x0  }
0x8c: {  	s24 =	sadd.s32 $0x8400, s25;
	[sflag:s10] =	ssyncadd.s32 $0xFFFFF800  }
0x8d: {  	[spmem:s2] =	stream.indirect.scatter.add.f32 [tilespmem:s1], [sflag:$0xB], $0x10, s24, s30, $0xb8;
	[tilespmem:$0xEF00] =	vst v63  }
0x8e: {  	_ =	swait.ge [sflag:s23], $0x800  }
0x8f: {  	[sflag:s23] =	ssyncset.done $0x0  }
0x90: {  	s24 =	sadd.s32 $0x5600, s25;
	[sflag:s23] =	ssyncadd.s32 $0xFFFFF800  }
0x91: {  	[tilespmem:s11], [sflag:$0x7] =	stream.indirect.gather [spmem:s3], $0x10, s24, s30, $0xb8;
	[tilespmem:$0xEF00] =	vst v63  }
0x92: {  	_ =	swait.ge [sflag:s12], $0x800  }
0x93: {  	[sflag:s12] =	ssyncset.done $0x0  }
0x94: {  	s24 =	sadd.s32 $0x8480, s25;
	[sflag:s12] =	ssyncadd.s32 $0xFFFFF800  }
0x95: {  	[spmem:s2] =	stream.indirect.scatter.add.f32 [tilespmem:s4], [sflag:$0xC], $0x10, s24, s30, $0xb8;
	[tilespmem:$0xEF00] =	vst v63  }
0x96: {  	_ =	swait.ge [sflag:s29], $0x800  }
0x97: {  	[sflag:s29] =	ssyncset.done $0x0  }
0x98: {  	s24 =	sadd.s32 $0x5680, s25;
	[sflag:s29] =	ssyncadd.s32 $0xFFFFF800  }
0x99: {  	[tilespmem:s13], [sflag:$0x8] =	stream.indirect.gather [spmem:s3], $0x10, s24, s30, $0xb8;
	[tilespmem:$0xEF00] =	vst v63  }
0x9a: {  	_ =	swait.ge [sflag:s14], $0x800  }
0x9b: {  	[sflag:s14] =	ssyncset.done $0x0  }
0x9c: {  	s24 =	sadd.s32 $0x8500, s25;
	[sflag:s14] =	ssyncadd.s32 $0xFFFFF800  }
0x9d: {  	[spmem:s2] =	stream.indirect.scatter.add.f32 [tilespmem:s6], [sflag:$0xD], $0x10, s24, s30, $0xb8;
	[tilespmem:$0xEF00] =	vst v63  }
0x9e: {  	_ =	swait.ge [sflag:s15], $0x800  }
0x9f: {  	[sflag:s15] =	ssyncset.done $0x0  }
0xa0: {  	s24 =	sadd.s32 $0x5700, s25;
	[sflag:s15] =	ssyncadd.s32 $0xFFFFF800  }
0xa1: {  	[tilespmem:s31], [sflag:$0x1] =	stream.indirect.gather [spmem:s3], $0x10, s24, s30, $0xb8;
	[tilespmem:$0xEF00] =	vst v63  }
0xa2: {  	_ =	swait.ge [sflag:s16], $0x800  }
0xa3: {  	[sflag:s16] =	ssyncset.done $0x0  }
0xa4: {  	s24 =	sadd.s32 $0x8580, s25;
	[sflag:s16] =	ssyncadd.s32 $0xFFFFF800  }
0xa5: {  	[spmem:s2] =	stream.indirect.scatter.add.f32 [tilespmem:s9], [sflag:$0xE], $0x10, s24, s30, $0xb8;
	[tilespmem:$0xEF00] =	vst v63  }
0xa6: {  	_ =	swait.ge [sflag:s17], $0x800  }
0xa7: {  	[sflag:s17] =	ssyncset.done $0x0  }
0xa8: {  	s24 =	sadd.s32 $0x5780, s25;
	[sflag:s17] =	ssyncadd.s32 $0xFFFFF800  }
0xa9: {  	[tilespmem:s0], [sflag:$0x2] =	stream.indirect.gather [spmem:s3], $0x10, s24, s30, $0xb8;
	[tilespmem:$0xEF00] =	vst v63  }
0xaa: {  	_ =	swait.ge [sflag:s18], $0x800  }
0xab: {  	[sflag:s18] =	ssyncset.done $0x0  }
0xac: {  	s24 =	sadd.s32 $0x8600, s25;
	[sflag:s18] =	ssyncadd.s32 $0xFFFFF800  }
0xad: {  	[spmem:s2] =	stream.indirect.scatter.add.f32 [tilespmem:s11], [sflag:$0xF], $0x10, s24, s30, $0xb8;
	[tilespmem:$0xEF00] =	vst v63  }
0xae: {  	_ =	swait.ge [sflag:s19], $0x800  }
0xaf: {  	[sflag:s19] =	ssyncset.done $0x0  }
0xb0: {  	s24 =	sadd.s32 $0x5800, s25;
	[sflag:s19] =	ssyncadd.s32 $0xFFFFF800  }
0xb1: {  	[tilespmem:s1], [sflag:$0x3] =	stream.indirect.gather [spmem:s3], $0x10, s24, s30, $0xb8;
	[tilespmem:$0xEF00] =	vst v63  }
0xb2: {  	_ =	swait.ge [sflag:s20], $0x800  }
0xb3: {  	[sflag:s20] =	ssyncset.done $0x0  }
0xb4: {  	s24 =	sadd.s32 $0x8680, s25;
	[sflag:s20] =	ssyncadd.s32 $0xFFFFF800  }
0xb5: {  	[spmem:s2] =	stream.indirect.scatter.add.f32 [tilespmem:s13], [sflag:$0x10], $0x10, s24, s30, $0xb8;
	[tilespmem:$0xEF00] =	vst v63  }
0xb6: {  	_ =	swait.ge [sflag:s21], $0x800  }
0xb7: {  	s7 =	sadd.s32 $0x1000, s7;
	s24 =	rddreg [dreg:$0x5]  }
0xb8: {  	p0 =	sne.s32 s24, s7  }
.Ltmp0:
0xb9: {  	_ = 	snop;
	(pc) =	sbr.rel @p0 .LBB2_2-.Ltmp0, $4  }
0xba: {  	_ = 	snop  }
0xbb: {  	[sflag:s21] =	ssyncset.done $0x0  }
0xbc: {  	s25 =	sadd.s32 $0x5880, s25;
	[sflag:s21] =	ssyncadd.s32 $0xFFFFF800  }
0xbd: {  	[tilespmem:s4], [sflag:$0x4] =	stream.indirect.gather [spmem:s3], $0x10, s25, s30, $0xb8;
	[tilespmem:$0xEF00] =	vst v63  }
0xbe: {  	_ =	swait.ge [sflag:s5], $0x800  }
0xbf: {  	[sflag:s5] =	ssyncset.done $0x0  }
0xc0: {  	s7 =	rddreg [dreg:$0xc];
	[sflag:s5] =	ssyncadd.s32 $0xFFFFF800  }
0xc1: {  	[spmem:s2] =	stream.indirect.scatter.add.f32 [tilespmem:s31], [sflag:$0x9], $0x10, s7, s30, $0xb8;
	[tilespmem:$0xEF00] =	vst v63  }
0xc2: {  	_ =	swait.ge [sflag:s22], $0x800  }
0xc3: {  	[sflag:s22] =	ssyncset.done $0x0  }
0xc4: {  	s24 =	rddreg [dreg:$0xd];
	[sflag:s22] =	ssyncadd.s32 $0xFFFFF800  }
0xc5: {  	[tilespmem:s6], [sflag:$0x5] =	stream.indirect.gather [spmem:s3], $0x10, s24, s30, $0xb8;
	[tilespmem:$0xEF00] =	vst v63  }
0xc6: {  	_ =	swait.ge [sflag:s8], $0x800  }
0xc7: {  	[sflag:s8] =	ssyncset.done $0x0  }
0xc8: {  	s25 =	rddreg [dreg:$0xe];
	[sflag:s8] =	ssyncadd.s32 $0xFFFFF800  }
0xc9: {  	[spmem:s2] =	stream.indirect.scatter.add.f32 [tilespmem:s0], [sflag:$0xA], $0x10, s25, s30, $0xb8;
	[tilespmem:$0xEF00] =	vst v63  }
0xca: {  	_ =	swait.ge [sflag:s28], $0x800  }
0xcb: {  	[sflag:s28] =	ssyncset.done $0x0  }
0xcc: {  	s26 =	rddreg [dreg:$0xf];
	[sflag:s28] =	ssyncadd.s32 $0xFFFFF800  }
0xcd: {  	[tilespmem:s9], [sflag:$0x6] =	stream.indirect.gather [spmem:s3], $0x10, s26, s30, $0xb8;
	[tilespmem:$0xEF00] =	vst v63  }
0xce: {  	_ =	swait.ge [sflag:s10], $0x800  }
0xcf: {  	[sflag:s10] =	ssyncset.done $0x0  }
0xd0: {  	s24 =	rddreg [dreg:$0x10];
	[sflag:s10] =	ssyncadd.s32 $0xFFFFF800  }
0xd1: {  	[spmem:s2] =	stream.indirect.scatter.add.f32 [tilespmem:s1], [sflag:$0xB], $0x10, s24, s30, $0xb8;
	[tilespmem:$0xEF00] =	vst v63  }
0xd2: {  	_ =	swait.ge [sflag:s23], $0x800  }
0xd3: {  	[sflag:s23] =	ssyncset.done $0x0  }
0xd4: {  	s25 =	rddreg [dreg:$0x11];
	[sflag:s23] =	ssyncadd.s32 $0xFFFFF800  }
0xd5: {  	[tilespmem:s11], [sflag:$0x7] =	stream.indirect.gather [spmem:s3], $0x10, s25, s30, $0xb8;
	[tilespmem:$0xEF00] =	vst v63  }
0xd6: {  	_ =	swait.ge [sflag:s12], $0x800  }
0xd7: {  	[sflag:s12] =	ssyncset.done $0x0  }
0xd8: {  	s26 =	rddreg [dreg:$0x12];
	[sflag:s12] =	ssyncadd.s32 $0xFFFFF800  }
0xd9: {  	[spmem:s2] =	stream.indirect.scatter.add.f32 [tilespmem:s4], [sflag:$0xC], $0x10, s26, s30, $0xb8;
	[tilespmem:$0xEF00] =	vst v63  }
0xda: {  	_ =	swait.ge [sflag:s29], $0x800  }
0xdb: {  	[sflag:s29] =	ssyncset.done $0x0  }
0xdc: {  	s24 =	rddreg [dreg:$0x13];
	[sflag:s29] =	ssyncadd.s32 $0xFFFFF800  }
0xdd: {  	[tilespmem:s13], [sflag:$0x8] =	stream.indirect.gather [spmem:s3], $0x10, s24, s30, $0xb8;
	[tilespmem:$0xEF00] =	vst v63  }
0xde: {  	_ =	swait.ge [sflag:s14], $0x800  }
0xdf: {  	[sflag:s14] =	ssyncset.done $0x0  }
0xe0: {  	s25 =	rddreg [dreg:$0x14];
	[sflag:s14] =	ssyncadd.s32 $0xFFFFF800  }
0xe1: {  	[spmem:s2] =	stream.indirect.scatter.add.f32 [tilespmem:s6], [sflag:$0xD], $0x10, s25, s30, $0xb8;
	[tilespmem:$0xEF00] =	vst v63  }
0xe2: {  	_ =	swait.ge [sflag:s15], $0x800  }
0xe3: {  	[sflag:s15] =	ssyncset.done $0x0  }
0xe4: {  	[sflag:s15] =	ssyncadd.s32 $0xFFFFF800  }
0xe5: {  	_ =	swait.ge [sflag:s16], $0x800  }
0xe6: {  	[sflag:s16] =	ssyncset.done $0x0  }
0xe7: {  	s26 =	rddreg [dreg:$0x15];
	[sflag:s16] =	ssyncadd.s32 $0xFFFFF800  }
0xe8: {  	[spmem:s2] =	stream.indirect.scatter.add.f32 [tilespmem:s9], [sflag:$0xE], $0x10, s26, s30, $0xb8;
	[tilespmem:$0xEF00] =	vst v63  }
0xe9: {  	_ =	swait.ge [sflag:s17], $0x800  }
0xea: {  	[sflag:s17] =	ssyncset.done $0x0  }
0xeb: {  	[sflag:s17] =	ssyncadd.s32 $0xFFFFF800  }
0xec: {  	_ =	swait.ge [sflag:s18], $0x800  }
0xed: {  	[sflag:s18] =	ssyncset.done $0x0  }
0xee: {  	s24 =	rddreg [dreg:$0x16];
	[sflag:s18] =	ssyncadd.s32 $0xFFFFF800  }
0xef: {  	[spmem:s2] =	stream.indirect.scatter.add.f32 [tilespmem:s11], [sflag:$0xF], $0x10, s24, s30, $0xb8;
	[tilespmem:$0xEF00] =	vst v63  }
0xf0: {  	_ =	swait.ge [sflag:s19], $0x800  }
0xf1: {  	[sflag:s19] =	ssyncset.done $0x0  }
0xf2: {  	[sflag:s19] =	ssyncadd.s32 $0xFFFFF800  }
0xf3: {  	_ =	swait.ge [sflag:s20], $0x800  }
0xf4: {  	[sflag:s20] =	ssyncset.done $0x0  }
0xf5: {  	s25 =	rddreg [dreg:$0x17];
	[sflag:s20] =	ssyncadd.s32 $0xFFFFF800  }
0xf6: {  	[spmem:s2] =	stream.indirect.scatter.add.f32 [tilespmem:s13], [sflag:$0x10], $0x10, s25, s30, $0xb8;
	[tilespmem:$0xEF00] =	vst v63  }
0xf7: {  	_ =	swait.ge [sflag:s21], $0x800  }
0xf8: {  	[sflag:s21] =	ssyncset.done $0x0  }
0xf9: {  	[sflag:s21] =	ssyncadd.s32 $0xFFFFF800  }
0xfa: {  	_ =	swait.ge [sflag:s22], $0x800  }
0xfb: {  	[sflag:s22] =	ssyncset.done $0x0  }
0xfc: {  	[sflag:s22] =	ssyncadd.s32 $0xFFFFF800  }
0xfd: {  	_ =	swait.ge [sflag:s28], $0x800  }
0xfe: {  	[sflag:s28] =	ssyncset.done $0x0  }
0xff: {  	[sflag:s28] =	ssyncadd.s32 $0xFFFFF800  }
0x100: {  	_ =	swait.ge [sflag:s23], $0x800  }
0x101: {  	[sflag:s23] =	ssyncset.done $0x0  }
0x102: {  	[sflag:s23] =	ssyncadd.s32 $0xFFFFF800  }
0x103: {  	_ =	swait.ge [sflag:s29], $0x800  }
0x104: {  	[sflag:s29] =	ssyncset.done $0x0  }
0x105: {  	[sflag:s29] =	ssyncadd.s32 $0xFFFFF800  }
0x106: {  	[bflag:$0x0] =	sbarrier.arrive $0xFFFF  }
0x107: {  	s25 =	rddreg [dreg:$0x8]  }
0x108: {  	s26 =	rddreg [dreg:$0x18]  }
0x109: {  	s24 =	rddreg [dreg:$0x1c]  }
0x10a: {  	[hbm:s26], [sflag:s25] =	dma.local [spmem:s24], $0x4F0  }
0x10b: {  	s26 =	simm.s32 $0x11  }
0x10c: {  	_ =	swait.ge [sflag:s26], $0x4F0  }
0x10d: {  	s7 =	rddreg [dreg:$0x1b]  }
0x10e: {  	s24 =	sadd.s32 $0x1, s7;
	s7 =	rddreg [dreg:$0x19]  }
0x10f: {  	p0 =	sne.s32 s24, s7  }
.Ltmp1:
0x110: {  	_ = 	snop;
	(pc) =	sbr.rel @p0 .LBB2_1-.Ltmp1, $3  }
0x111: {  	_ =	sdelay $0x1  }
0x112: {  	[sflag:s26] =	ssyncset.done $0x0  }
0x113: {  	[sflag:s26] =	ssyncadd.s32 $0xFFFFFB10  }
0x114: {  	_ =	sfence.sel $0x180000  }
0x115: {  	[bflag:$0x0] =	sbarrier.arrive $0xFFFF  }
0x116: {  	_ =	strace $0x9000004D  }
0x117: {  	s0 =	stileid.u32;
	[bflag:$0x2] =	sbarrier.arrive $0xFFFF  }
0x118: {  	p0 =	sne.s32 s0, $0x0;
	s0 =	rddreg [dreg:$0x4]  }
0x119: {  	s0 =	sadd.s32 @!p0 $0x100000, s0  }
0x11a: {  	[sflag:s0] =	ssyncadd.tile.s32 @!p0 $0x1;
	_ =	shalt  }
.Lfunc_end2:
_tile_overlayer_lowered:
.L_overlay_start_2:
0x11b: {  	(tag) =	ssettag $0x2  }
0x11c: {  	s0 =	rddreg [dreg:$0x0];
	s2 =	stileid.u32  }
0x11d: {  	s1 =	rddreg [dreg:$0x1];
	p0 =	sne.s32 s2, $0x0  }
0x11e: {  	s3 =	rddreg [dreg:$0x2];
	[bflag:$0x3] =	sbarrier.arrive $0xFFFF;
	s2 =	simm.s32 @!p0 $0x1C11  }
0x11f: {  	[timem:s3], [sflag:s2] =	dma.local @!p0 [hbm:s0], s1  }
0x120: {  	s0 =	simm.s32 @!p0 $0x11  }
0x121: {  	_ =	swait.ge @!p0 [sflag:s0], s1  }
0x122: {  	s1 =	ssub.s32 @!p0 $0x0, s1;
	[sflag:s0] =	ssyncset.done @!p0 $0x0  }
0x123: {  	[sflag:s0] =	ssyncadd.s32 @!p0 s1  }
0x124: {  	[bflag:$0x3] =	sbarrier.arrive $0xFFFF  }
0x125: {  	_ =	shalt  }

// kernel: kernel.9.cloned.1.call-start
scs
__scs_entry_jumppad:
0x0: {  	(pc) =	sbr.rel $0x88, $3  }
0x1: {  	(tag) =	ssettag $0x0;
	lr =	simm.s32 $0x1  }
0x2: {  	[smem:$0x3F9B] =	sst lr;
	_ =	strace $0xD0000000  }
0x3: {  	_ = 	snop  }
0x4: {  	_ = 	snop  }
0x5: {  	_ = 	snop  }
0x6: {  	_ = 	snop  }
0x7: {  	_ = 	snop  }
__scs_overlays_trampoline_lowered:
0x8: {  	[smem:$0x3FAA] =	sst s0  }
0x9: {  	[smem:$0x3FAB] =	sst s1  }
0xa: {  	[smem:$0x3FAC] =	sst s2  }
0xb: {  	[smem:$0x3FAD] =	sst s3  }
0xc: {  	[smem:$0x3FAE] =	sst s4  }
0xd: {  	[smem:$0x3FAF] =	sst s5  }
0xe: {  	[smem:$0x3FB0] =	sst s6  }
0xf: {  	[smem:$0x3FB1] =	sst s7  }
0x10: {  	[smem:$0x3FB2] =	sst s8  }
0x11: {  	[smem:$0x3FB3] =	sst s9;
	s0 =	simm.s32 @!p0 $0x0  }
0x12: {  	s1 =	sld [smem:$0x3F99];
	s0 =	simm.s32 @p0 $0x1  }
0x13: {  	[smem:$0x3FB4] =	sst s0;
	s0 =	simm.s32 @!p1 $0x0  }
0x14: {  	s2 =	sld [smem:$0x3F98];
	s0 =	simm.s32 @p1 $0x1  }
0x15: {  	[smem:$0x3FB5] =	sst s0;
	s0 =	simm.s32 @!p2 $0x0  }
0x16: {  	s3 =	sld [smem:$0x3FDB];
	s0 =	simm.s32 @p2 $0x1  }
0x17: {  	s4 =	simm.s32 $0x1BF5;
	[smem:$0x3FB7] =	sst s0  }
0x18: {  	s0 =	sld [smem:$0x3F9A];
	_ =	swait.ge [sflag:s4], $0x0  }
0x19: {  	s7 =	sld [smem:$0x3F9B]  }
0x1a: {  	s8 =	sadd.s32 $0xFFFFE003, lr  }
0x1b: {  	s9 =	sadd.s32 $0xFFFFFEF7, lr;
	s5 =	simm.s32 $0xFFFFFFFF;
	p2 =	slt.u32 s8, $0xFFFFF086  }
0x1c: {  	p1 =	slt.u32 s9, $0xF7A;
	s5 =	simm.s32 @!p2 $0x0  }
0x1d: {  	s5 =	simm.s32 @p1 $0x1;
	p0 =	seq.s32 s7, s2  }
0x1e: {  	s7 =	smul.u32 @!p0 $0xF7A, s2;
	p2 =	seq.s32 @!p0 s5, $0x0  }
0x1f: {  	s9 =	smul.u32 $0xF7A, s1;
	s8 =	simm.s32 @!p0 $0x1BF5;
	p2 =	por !p2, p0  }
0x20: {  	[sflag:s8] =	ssyncset.s32 @!p0 $0xFFFFF086;
	s6 =	sadd.s32 @!p0 s3, s7;
	s7 =	simm.s32 @!p0 $0x108  }
0x21: {  	s3 =	sadd.s32 s3, s9;
	s6 =	sadd.s32 @!p0 $0x88, s6;
	s7 =	simm.s32 @p2 $0x1082  }
0x22: {  	[simem:s7], [sflag:s8] =	dma.local @!p0 [hbm:s6], $0xF7A  }
0x23: {  	s9 =	sor.u32 $0xD0000000, s2;
	s6 =	simm.s32 $0x108;
	_ =	swait.ge @!p0 [sflag:s8], $0x0  }
0x24: {  	s3 =	sadd.s32 $0x88, s3;
	s6 =	simm.s32 @!p1 $0x1082;
	[sflag:s4] =	ssyncset.s32 $0xFFFFF086  }
0x25: {  	[simem:s6], [sflag:s4] =	dma.local [hbm:s3], $0xF7A  }
0x26: {  	[smem:$0x3F9B] =	sst s1;
	(tag) =	ssettag s2;
	_ =	strace s9  }
0x27: {  	s1 =	sld [smem:$0x3FAB]  }
0x28: {  	s2 =	sld [smem:$0x3FAC]  }
0x29: {  	s4 =	sld [smem:$0x3FAE]  }
0x2a: {  	p0 =	seq.s32 s5, $0x0;
	s5 =	sld [smem:$0x3FAF]  }
0x2b: {  	s6 =	sld [smem:$0x3FB0]  }
0x2c: {  	s7 =	sld [smem:$0x3FB1]  }
0x2d: {  	s3 =	simm.s32 $0x108;
	s8 =	sld [smem:$0x3FB2]  }
0x2e: {  	s3 =	simm.s32 @!p0 $0x1082;
	s9 =	sld [smem:$0x3FB3]  }
0x2f: {  	lr =	sadd.s32 s0, s3;
	s0 =	sld [smem:$0x3FAA]  }
0x30: {  	s3 =	sld [smem:$0x3FAD]  }
0x31: {  	[smem:$0x3FB6] =	sst s10  }
0x32: {  	s10 =	sld [smem:$0x3FB4];
	_ =	sdelay $0x3  }
0x33: {  	p0 =	seq.s32 s10, $0x1;
	s10 =	sld [smem:$0x3FB6];
	_ =	sdelay $0x3  }
0x34: {  	[smem:$0x3FB6] =	sst s10  }
0x35: {  	s10 =	sld [smem:$0x3FB5];
	_ =	sdelay $0x3  }
0x36: {  	p1 =	seq.s32 s10, $0x1;
	s10 =	sld [smem:$0x3FB6];
	_ =	sdelay $0x3  }
0x37: {  	[smem:$0x3FB6] =	sst s10  }
0x38: {  	s10 =	sld [smem:$0x3FB7]  }
0x39: {  	_ = 	snop;
	(pc) =	sbr.ind lr, $3  }
0x3a: {  	_ = 	snop  }
0x3b: {  	_ = 	snop  }
0x3c: {  	p2 =	seq.s32 s10, $0x1;
	s10 =	sld [smem:$0x3FB6]  }
0x3d: {  	_ =	shalt  }
0x3e: {  	_ =	shalt  }
0x3f: {  	_ =	shalt  }
0x40: {  	_ =	shalt  }
0x41: {  	_ =	shalt  }
0x42: {  	_ =	shalt  }
0x43: {  	_ =	shalt  }
0x44: {  	_ =	shalt  }
0x45: {  	_ =	shalt  }
0x46: {  	_ =	shalt  }
0x47: {  	_ =	shalt  }
0x48: {  	_ =	shalt  }
0x49: {  	_ =	shalt  }
0x4a: {  	_ =	shalt  }
0x4b: {  	_ =	shalt  }
0x4c: {  	_ =	shalt  }
0x4d: {  	_ =	shalt  }
0x4e: {  	_ =	shalt  }
0x4f: {  	_ =	shalt  }
0x50: {  	_ =	shalt  }
0x51: {  	_ =	shalt  }
0x52: {  	_ =	shalt  }
0x53: {  	_ =	shalt  }
0x54: {  	_ =	shalt  }
0x55: {  	_ =	shalt  }
0x56: {  	_ =	shalt  }
0x57: {  	_ =	shalt  }
0x58: {  	_ =	shalt  }
0x59: {  	_ =	shalt  }
0x5a: {  	_ =	shalt  }
0x5b: {  	_ =	shalt  }
0x5c: {  	_ =	shalt  }
0x5d: {  	_ =	shalt  }
0x5e: {  	_ =	shalt  }
0x5f: {  	_ =	shalt  }
0x60: {  	_ =	shalt  }
0x61: {  	_ =	shalt  }
0x62: {  	_ =	shalt  }
0x63: {  	_ =	shalt  }
0x64: {  	_ =	shalt  }
0x65: {  	_ =	shalt  }
0x66: {  	_ =	shalt  }
0x67: {  	_ =	shalt  }
0x68: {  	_ =	shalt  }
0x69: {  	_ =	shalt  }
0x6a: {  	_ =	shalt  }
0x6b: {  	_ =	shalt  }
0x6c: {  	_ =	shalt  }
0x6d: {  	_ =	shalt  }
0x6e: {  	_ =	shalt  }
0x6f: {  	_ =	shalt  }
0x70: {  	_ =	shalt  }
0x71: {  	_ =	shalt  }
0x72: {  	_ =	shalt  }
0x73: {  	_ =	shalt  }
0x74: {  	_ =	shalt  }
0x75: {  	_ =	shalt  }
0x76: {  	_ =	shalt  }
0x77: {  	_ =	shalt  }
0x78: {  	_ =	shalt  }
0x79: {  	_ =	shalt  }
0x7a: {  	_ =	shalt  }
0x7b: {  	_ =	shalt  }
0x7c: {  	_ =	shalt  }
0x7d: {  	_ =	shalt  }
0x7e: {  	_ =	shalt  }
0x7f: {  	_ =	shalt  }
0x80: {  	_ =	shalt  }
0x81: {  	_ =	shalt  }
0x82: {  	_ =	shalt  }
0x83: {  	_ =	shalt  }
0x84: {  	_ =	shalt  }
0x85: {  	_ =	shalt  }
0x86: {  	_ =	shalt  }
0x87: {  	_ =	shalt  }
.Lfunc_end0:
.L_simem_size_0:
called_computation_lowered:
.L_overlay_start_0:
0x88: {  	s2 =	sld [smem:$0x3FD9]  }
0x89: {  	s3 =	sld [smem:$0x3FFE];
	_ =	sdelay $0x1  }
0x8a: {  	s1 =	srdreg.scid  }
0x8b: {  	s0 =	sand.u32 $0x1, s1  }
0x8c: {  	s17 =	sshll.u32 s0, $0xA;
	s2 =	sadd.s32 s3, s2  }
0x8d: {  	s2 =	sadd.s32 s2, s17  }
0x8e: {  	[smem:$0x3FC2] =	sst s2  }
0x8f: {  	_ = 	snop  }
0x90: {  	s2 =	sld [smem:$0x3FD0];
	(tm) =	ssettm $0x1  }
0x91: {  	s18 =	sld [smem:$0x3FFB];
	_ =	sdelay $0x3  }
0x92: {  	_ =	strace s18  }
0x93: {  	s3 =	sld [smem:$0x3FFC];
	_ =	sdelay $0x3  }
0x94: {  	_ =	strace s3  }
0x95: {  	s3 =	sld [smem:$0x3FFD];
	_ =	sdelay $0x3  }
0x96: {  	_ =	strace s3  }
0x97: {  	_ =	strace $0x8FFFFFFF  }
0x98: {  	s19 =	sld [smem:$0x3FDB];
	_ =	sdelay $0x1  }
0x99: {  	s4 =	simm.s32 $_scs_section_size  }
0x9a: {  	s5 =	simm.s32 $_size__tile_overlayer_lowered;
	s6 =	simm.s32 $_tile_overlayer_lowered  }
0x9b: {  	s22 =	simm.s32 $0x1BFF;
	s21 =	sshll.u32 s6, $0x1;
	s3 =	sadd.s32 s4, s19  }
0x9c: {  	s7 =	simm.s32 $0x0;
	s20 =	sshll.u32 s5, $0x1;
	s5 =	sadd.s32 s21, s3  }
0x9d: {  	[timem:s7], [sflag:s22] =	dma.local [hbm:s5], s20  }
0x9e: {  	_ =	swait.ge [sflag:s22], s20  }
0x9f: {  	s4 =	ssub.s32 $0x0, s20;
	[sflag:s22] =	ssyncset.done $0x0  }
0xa0: {  	[sflag:s22] =	ssyncadd.s32 s4;
	_ =	sdelay $0x1  }
0xa1: {  	s23 =	simm.s32 $0x1B8B  }
0xa2: {  	_ =	swait.ge [sflag:s23], $0x1  }
0xa3: {  	[sflag:s23] =	ssyncset.done $0x0  }
0xa4: {  	s25 =	simm.s32 $0x1B8E;
	s24 =	sld [smem:$0x3FFE];
	[sflag:s23] =	ssyncadd.s32 $0xFFFFFFFF  }
0xa5: {  	s26 =	simm.s32 $execute0_lowered;
	[smem:$0x3FD2] =	sst s25  }
0xa6: {  	s5 =	sshll.u32 s26, $0x1;
	_ =	strace $0x80000046;
	[dreg:$0x1] =	wrdreg $0xFFFFFFFF  }
0xa7: {  	s28 =	simm.s32 $_size_execute0_lowered;
	s3 =	sadd.s32 s3, s5;
	[dreg:$0x0] =	wrdreg $0x0  }
0xa8: {  	s5 =	sshll.u32 s28, $0x1;
	[dreg:$0x2] =	wrdreg s3  }
0xa9: {  	[dreg:$0x3] =	wrdreg s5  }
0xaa: {  	[dreg:$0x4] =	wrdreg $0xC0  }
0xab: {  	_ =	task [dreg:s7], $0x5FFFF  }
0xac: {  	[dreg:$0x1] =	wrdreg $0xFFFFFFFF  }
0xad: {  	[dreg:$0x0] =	wrdreg $0x60  }
0xae: {  	[dreg:$0x2] =	wrdreg s24  }
0xaf: {  	[dreg:$0x3] =	wrdreg s2  }
0xb0: {  	[dreg:$0x4] =	wrdreg $0x0  }
0xb1: {  	[dreg:$0x5] =	wrdreg $0x9  }
0xb2: {  	_ =	task.clear_ibuf [dreg:s7], $0x6FFFF;
	_ =	strace $0x90000046  }
0xb3: {  	s29 =	simm.s32 $0x9;
	_ =	strace $0x80000048  }
0xb4: {  	_ =	swait.ge [sflag:s29], $0x1  }
0xb5: {  	[sflag:s29] =	ssyncadd.s32 $0xFFFFFFFF  }
0xb6: {  	_ =	strace $0x90000048  }
0xb7: {  	_ =	sfence  }
0xb8: {  	s30 =	sld [smem:$0x0];
	_ =	sdelay $0x2  }
0xb9: {  	s31 =	sshll.u32 s1, $0xD;
	s1 =	sshrl.u32 s1, $0x2  }
0xba: {  	s3 =	sand.u32 $0x4000, s31;
	s1 =	sadd.s32 s1, s30  }
0xbb: {  	s0 =	sor.u32 s3, s0;
	s1 =	sshll.u32 s1, $0x11  }
0xbc: {  	s0 =	sor.u32 s1, s0  }
0xbd: {  	s0 =	sadd.s32 $0x8F2B, s0  }
0xbe: {  	[sflag:s0] =	ssyncadd.remote.s32 $0x1  }
0xbf: {  	_ =	sfence.sel $0xFFFF  }
0xc0: {  	[dreg:$0x0] =	wrdreg $0xFFFFFFFF;
	(pc) =	sbr.abs _section_cstart, $3  }
0xc1: {  	[dreg:$0x1] =	wrdreg $0xFFFFFFFF  }
0xc2: {  	_ =	task.clear_ibuf [dreg:s7], $0x2FFFF;
	_ =	strace $0x9FFFFFFF  }
0xc3: {  	(tm) =	ssettm $0x7FFFFFFF  }
tec
execute0_lowered:
.L_overlay_start_1:
0x0: {  	(tag) =	ssettag $0x1  }
0x1: {  	s5 =	rddreg [dreg:$0x0];
	s1 =	srdreg.scid  }
0x2: {  	s0 =	stileid.u32;
	s6 =	rddreg [dreg:$0x1]  }
0x3: {  	s2 =	rddreg [dreg:$0x2];
	s3 =	simm.s32 $0x0;
	s13 =	simm.s32 $0x2780  }
0x4: {  	s14 =	simm.s32 $0x5780;
	s15 =	simm.s32 $0x80;
	s4 =	smul.u32 $0x60, s0  }
0x5: {  	s16 =	simm.s32 $0x1;
	s7 =	sand.u32 $0x1, s1;
	s25 =	smul.u32 $0x2780, s0  }
0x6: {  	s17 =	simm.s32 $0x0;
	s1 =	rddreg [dreg:$0x3];
	s8 =	smul.u32 $0x600, s7  }
0x7: {  	[smem:$0x7FF] =	sst s3;
	s31 =	sshll.u32 s0, $0x6;
	s9 =	smul.u32 s7, s0  }
0x8: {  	s10 =	smul.u32 $0x27800, s7;
	_ =	strace $0x80000047;
	s28 =	ssub.s32 $0x2, s7  }
0x9: {  	p0 =	seq.s32 s7, $0x0;
	s7 =	sor.u32 $0x1C02, s31;
	s12 =	sshrl.u32 s28, $0x1  }
0xa: {  	s29 =	sadd.s32 s25, s2;
	s30 =	sshrl.u32 s25, $0x3;
	s4 =	sadd.s32 s8, s4  }
0xb: {  	s9 =	sshll.u32 s9, $0xC;
	s26 =	sadd.s32 s25, s10;
	s4 =	sshll.u32 s4, $0x7  }
0xc: {  	s10 =	ssub.s32 s28, s12;
	s12 =	simm.s32 $0x2;
	s4 =	ssub.s32 s4, s9  }
0xd: {  	s10 =	smax.u32 s10, $0x1;
	s9 =	sshrl.u32 s26, $0x3;
	s4 =	sshrl.u32 s4, $0x3  }
0xe: {  	s9 =	sadd.s32 s9, s5;
	s11 =	sadd.s32 s4, s5;
	s4 =	sadd.s32 $0xD000, s5  }
0xf: {  	s5 =	sadd.s32 s6, s30;
	s6 =	simm.s32 $0xC000;
	s9 =	sadd.s32 $0xD200, s9  }
0x10: {  	s8 =	sadd.s32 $0x2E00, s11;
	s6 =	simm.s32 @!p0 $0x8000;
	s11 =	sshrl.u32 s29, $0x3  }
.LBB2_1:
0x11: {  	[spmem:s11], [sflag:s7] =	dma.local [hbm:s5], $0x4F0  }
0x12: {  	_ =	swait.ge [sflag:s12], $0x4F0  }
0x13: {  	[sflag:s12] =	ssyncset.done $0x0  }
0x14: {  	[sflag:s12] =	ssyncadd.s32 $0xFFFFFB10  }
0x15: {  	[tilespmem:s13], [sflag:$0x2] =	stream.linear.gather [hbm4b:s8+s3], $0x3000, $0x38;
	[tilespmem:$0x5F80] =	vst v63  }
0x16: {  	_ =	swait.ge [sflag:s12], $0x3000  }
0x17: {  	[sflag:s12] =	ssyncset.done $0x0  }
0x18: {  	p1 =	sne.s32 s6, $0x1000;
	[sflag:s12] =	ssyncadd.s32 $0xFFFFD000  }
0x19: {  	[tilespmem:s14], [sflag:$0x2] =	stream.linear.gather [hbm4b:s4+s3], $0x800, $0x38;
	[tilespmem:$0x5F80] =	vst v63  }
.Ltmp0:
0x1a: {  	_ =	swait.ge [sflag:s12], $0x800;
	(pc) =	sbr.rel @!p1 .LBB2_4-.Ltmp0, $4  }
0x1b: {  	[sflag:s12] =	ssyncset.done $0x0  }
0x1c: {  	[sflag:s12] =	ssyncadd.s32 $0xFFFFF800  }
0x1d: {  	[bflag:$0x0] =	sbarrier.arrive $0xFFFF  }
0x1e: {  	s20 =	simm.s32 $0x0;
	p0 =	por $0x0, $0x0  }
0x1f: {  	s18 =	simm.s32 $0x2780  }
0x20: {  	[spmem:s2] =	stream.indirect.scatter.add.f32 [tilespmem:s14], [sflag:$0x1], $0x10, s18, s15, $0xb8;
	[tilespmem:$0x5F80] =	vst v63  }
0x21: {  	s24 =	simm.s32 $0x2800  }
0x22: {  	[spmem:s2] =	stream.indirect.scatter.add.f32 [tilespmem:s14], [sflag:$0x1], $0x10, s24, s15, $0xb8;
	[tilespmem:$0x5F80] =	vst v63  }
0x23: {  	s25 =	simm.s32 $0x2880  }
0x24: {  	[spmem:s2] =	stream.indirect.scatter.add.f32 [tilespmem:s14], [sflag:$0x1], $0x10, s25, s15, $0xb8;
	[tilespmem:$0x5F80] =	vst v63  }
0x25: {  	s26 =	simm.s32 $0x2900  }
0x26: {  	[spmem:s2] =	stream.indirect.scatter.add.f32 [tilespmem:s14], [sflag:$0x1], $0x10, s26, s15, $0xb8;
	[tilespmem:$0x5F80] =	vst v63  }
0x27: {  	s28 =	simm.s32 $0x2980  }
0x28: {  	[spmem:s2] =	stream.indirect.scatter.add.f32 [tilespmem:s14], [sflag:$0x1], $0x10, s28, s15, $0xb8;
	[tilespmem:$0x5F80] =	vst v63  }
0x29: {  	s29 =	simm.s32 $0x2A00  }
0x2a: {  	[spmem:s2] =	stream.indirect.scatter.add.f32 [tilespmem:s14], [sflag:$0x1], $0x10, s29, s15, $0xb8;
	[tilespmem:$0x5F80] =	vst v63  }
0x2b: {  	s30 =	simm.s32 $0x2A80  }
0x2c: {  	[spmem:s2] =	stream.indirect.scatter.add.f32 [tilespmem:s14], [sflag:$0x1], $0x10, s30, s15, $0xb8;
	[tilespmem:$0x5F80] =	vst v63  }
0x2d: {  	s31 =	simm.s32 $0x2B00  }
0x2e: {  	[spmem:s2] =	stream.indirect.scatter.add.f32 [tilespmem:s14], [sflag:$0x1], $0x10, s31, s15, $0xb8;
	[tilespmem:$0x5F80] =	vst v63  }
0x2f: {  	_ =	swait.ge [sflag:s16], $0x800  }
0x30: {  	[sflag:s16] =	ssyncset.done $0x0  }
0x31: {  	[sflag:s16] =	ssyncadd.s32 $0xFFFFF800  }
0x32: {  	_ =	swait.ge [sflag:s16], $0x800  }
0x33: {  	[sflag:s16] =	ssyncset.done $0x0  }
0x34: {  	[sflag:s16] =	ssyncadd.s32 $0xFFFFF800  }
0x35: {  	_ =	swait.ge [sflag:s16], $0x800  }
0x36: {  	[sflag:s16] =	ssyncset.done $0x0  }
0x37: {  	[sflag:s16] =	ssyncadd.s32 $0xFFFFF800  }
0x38: {  	_ =	swait.ge [sflag:s16], $0x800  }
0x39: {  	[sflag:s16] =	ssyncset.done $0x0  }
0x3a: {  	[sflag:s16] =	ssyncadd.s32 $0xFFFFF800  }
0x3b: {  	_ =	swait.ge [sflag:s16], $0x800  }
0x3c: {  	[sflag:s16] =	ssyncset.done $0x0  }
0x3d: {  	[sflag:s16] =	ssyncadd.s32 $0xFFFFF800  }
0x3e: {  	_ =	swait.ge [sflag:s16], $0x800  }
0x3f: {  	[sflag:s16] =	ssyncset.done $0x0  }
0x40: {  	p1 =	sne.s32 s6, $0x2000;
	[sflag:s16] =	ssyncadd.s32 $0xFFFFF800  }
.Ltmp1:
0x41: {  	_ =	swait.ge [sflag:s16], $0x800;
	(pc) =	sbr.rel @!p1 .LBB2_4-.Ltmp1, $4  }
0x42: {  	[sflag:s16] =	ssyncset.done $0x0  }
0x43: {  	[sflag:s16] =	ssyncadd.s32 $0xFFFFF800  }
0x44: {  	s20 =	simm.s32 $0x400;
	_ =	swait.ge [sflag:s16], $0x800  }
0x45: {  	p0 =	por $0x1, $0x1;
	s18 =	simm.s32 $0x2000;
	[sflag:s16] =	ssyncset.done $0x0  }
.LBB2_3:
0x46: {  	s21 =	sadd.s32 $0x2780, s20  }
0x47: {  	[sflag:s16] =	ssyncadd.s32 $0xFFFFF800;
	s19 =	smov.u32 s18;
	s18 =	sadd.s32 $0x1000, s18  }
0x48: {  	[spmem:s2] =	stream.indirect.scatter.add.f32 [tilespmem:s14], [sflag:$0x1], $0x10, s21, s15, $0xb8;
	[tilespmem:$0x5F80] =	vst v63  }
0x49: {  	p1 =	sne.s32 s6, s18;
	s21 =	sadd.s32 $0x2800, s20  }
0x4a: {  	[spmem:s2] =	stream.indirect.scatter.add.f32 [tilespmem:s14], [sflag:$0x1], $0x10, s21, s15, $0xb8;
	[tilespmem:$0x5F80] =	vst v63  }
0x4b: {  	s21 =	sadd.s32 $0x2880, s20  }
0x4c: {  	[spmem:s2] =	stream.indirect.scatter.add.f32 [tilespmem:s14], [sflag:$0x1], $0x10, s21, s15, $0xb8;
	[tilespmem:$0x5F80] =	vst v63  }
0x4d: {  	s21 =	sadd.s32 $0x2900, s20  }
0x4e: {  	[spmem:s2] =	stream.indirect.scatter.add.f32 [tilespmem:s14], [sflag:$0x1], $0x10, s21, s15, $0xb8;
	[tilespmem:$0x5F80] =	vst v63  }
0x4f: {  	s21 =	sadd.s32 $0x2980, s20  }
0x50: {  	[spmem:s2] =	stream.indirect.scatter.add.f32 [tilespmem:s14], [sflag:$0x1], $0x10, s21, s15, $0xb8;
	[tilespmem:$0x5F80] =	vst v63  }
0x51: {  	s21 =	sadd.s32 $0x2A00, s20  }
0x52: {  	[spmem:s2] =	stream.indirect.scatter.add.f32 [tilespmem:s14], [sflag:$0x1], $0x10, s21, s15, $0xb8;
	[tilespmem:$0x5F80] =	vst v63  }
0x53: {  	s21 =	sadd.s32 $0x2A80, s20  }
0x54: {  	[spmem:s2] =	stream.indirect.scatter.add.f32 [tilespmem:s14], [sflag:$0x1], $0x10, s21, s15, $0xb8;
	[tilespmem:$0x5F80] =	vst v63  }
0x55: {  	s20 =	sadd.s32 $0x2B00, s20  }
0x56: {  	[spmem:s2] =	stream.indirect.scatter.add.f32 [tilespmem:s14], [sflag:$0x1], $0x10, s20, s15, $0xb8;
	[tilespmem:$0x5F80] =	vst v63  }
0x57: {  	_ =	swait.ge [sflag:s16], $0x800  }
0x58: {  	[sflag:s16] =	ssyncset.done $0x0  }
0x59: {  	[sflag:s16] =	ssyncadd.s32 $0xFFFFF800  }
0x5a: {  	_ =	swait.ge [sflag:s16], $0x800  }
0x5b: {  	[sflag:s16] =	ssyncset.done $0x0  }
0x5c: {  	[sflag:s16] =	ssyncadd.s32 $0xFFFFF800  }
0x5d: {  	_ =	swait.ge [sflag:s16], $0x800  }
0x5e: {  	[sflag:s16] =	ssyncset.done $0x0  }
0x5f: {  	[sflag:s16] =	ssyncadd.s32 $0xFFFFF800  }
0x60: {  	_ =	swait.ge [sflag:s16], $0x800  }
0x61: {  	[sflag:s16] =	ssyncset.done $0x0  }
0x62: {  	[sflag:s16] =	ssyncadd.s32 $0xFFFFF800  }
0x63: {  	_ =	swait.ge [sflag:s16], $0x800  }
0x64: {  	[sflag:s16] =	ssyncset.done $0x0  }
0x65: {  	[sflag:s16] =	ssyncadd.s32 $0xFFFFF800  }
0x66: {  	_ =	swait.ge [sflag:s16], $0x800  }
0x67: {  	[sflag:s16] =	ssyncset.done $0x0  }
0x68: {  	[sflag:s16] =	ssyncadd.s32 $0xFFFFF800  }
.Ltmp2:
0x69: {  	_ =	swait.ge [sflag:s16], $0x800;
	(pc) =	sbr.rel @p1 .LBB2_3-.Ltmp2, $4  }
0x6a: {  	[sflag:s16] =	ssyncset.done $0x0  }
0x6b: {  	[sflag:s16] =	ssyncadd.s32 $0xFFFFF800  }
0x6c: {  	_ =	swait.ge [sflag:s16], $0x800  }
0x6d: {  	s20 =	sshra.s32 s19, $0x2;
	[sflag:s16] =	ssyncset.done $0x0  }
.LBB2_4:
0x6e: {  	s18 =	sadd.s32 $0x2780, s20;
	[sflag:s16] =	ssyncadd.s32 @p0 $0xFFFFF800  }
0x6f: {  	[spmem:s2] =	stream.indirect.scatter.add.f32 [tilespmem:s14], [sflag:$0x1], $0x10, s18, s15, $0xb8;
	[tilespmem:$0x5F80] =	vst v63  }
0x70: {  	s24 =	sadd.s32 $0x2800, s20  }
0x71: {  	[spmem:s2] =	stream.indirect.scatter.add.f32 [tilespmem:s14], [sflag:$0x1], $0x10, s24, s15, $0xb8;
	[tilespmem:$0x5F80] =	vst v63  }
0x72: {  	s25 =	sadd.s32 $0x2880, s20  }
0x73: {  	[spmem:s2] =	stream.indirect.scatter.add.f32 [tilespmem:s14], [sflag:$0x1], $0x10, s25, s15, $0xb8;
	[tilespmem:$0x5F80] =	vst v63  }
0x74: {  	s26 =	sadd.s32 $0x2900, s20  }
0x75: {  	[spmem:s2] =	stream.indirect.scatter.add.f32 [tilespmem:s14], [sflag:$0x1], $0x10, s26, s15, $0xb8;
	[tilespmem:$0x5F80] =	vst v63  }
0x76: {  	s28 =	sadd.s32 $0x2980, s20  }
0x77: {  	[spmem:s2] =	stream.indirect.scatter.add.f32 [tilespmem:s14], [sflag:$0x1], $0x10, s28, s15, $0xb8;
	[tilespmem:$0x5F80] =	vst v63  }
0x78: {  	s29 =	sadd.s32 $0x2A00, s20  }
0x79: {  	[spmem:s2] =	stream.indirect.scatter.add.f32 [tilespmem:s14], [sflag:$0x1], $0x10, s29, s15, $0xb8;
	[tilespmem:$0x5F80] =	vst v63  }
0x7a: {  	s30 =	sadd.s32 $0x2A80, s20  }
0x7b: {  	[spmem:s2] =	stream.indirect.scatter.add.f32 [tilespmem:s14], [sflag:$0x1], $0x10, s30, s15, $0xb8;
	[tilespmem:$0x5F80] =	vst v63  }
0x7c: {  	s31 =	sadd.s32 $0x2B00, s20  }
0x7d: {  	[spmem:s2] =	stream.indirect.scatter.add.f32 [tilespmem:s14], [sflag:$0x1], $0x10, s31, s15, $0xb8;
	[tilespmem:$0x5F80] =	vst v63  }
0x7e: {  	_ =	swait.ge [sflag:s16], $0x800  }
0x7f: {  	[sflag:s16] =	ssyncset.done $0x0  }
0x80: {  	[sflag:s16] =	ssyncadd.s32 $0xFFFFF800  }
0x81: {  	_ =	swait.ge [sflag:s16], $0x800  }
0x82: {  	[sflag:s16] =	ssyncset.done $0x0  }
0x83: {  	[sflag:s16] =	ssyncadd.s32 $0xFFFFF800  }
0x84: {  	_ =	swait.ge [sflag:s16], $0x800  }
0x85: {  	[sflag:s16] =	ssyncset.done $0x0  }
0x86: {  	[sflag:s16] =	ssyncadd.s32 $0xFFFFF800  }
0x87: {  	_ =	swait.ge [sflag:s16], $0x800  }
0x88: {  	[sflag:s16] =	ssyncset.done $0x0  }
0x89: {  	[sflag:s16] =	ssyncadd.s32 $0xFFFFF800  }
0x8a: {  	_ =	swait.ge [sflag:s16], $0x800  }
0x8b: {  	[sflag:s16] =	ssyncset.done $0x0  }
0x8c: {  	[sflag:s16] =	ssyncadd.s32 $0xFFFFF800  }
0x8d: {  	_ =	swait.ge [sflag:s16], $0x800  }
0x8e: {  	[sflag:s16] =	ssyncset.done $0x0  }
0x8f: {  	[sflag:s16] =	ssyncadd.s32 $0xFFFFF800  }
0x90: {  	_ =	swait.ge [sflag:s16], $0x800  }
0x91: {  	[sflag:s16] =	ssyncset.done $0x0  }
0x92: {  	[sflag:s16] =	ssyncadd.s32 $0xFFFFF800  }
0x93: {  	_ =	swait.ge [sflag:s16], $0x800  }
0x94: {  	s17 =	sadd.s32 $0x1, s17;
	[sflag:s16] =	ssyncset.done $0x0  }
0x95: {  	p0 =	sne.s32 s17, s10;
	[sflag:s16] =	ssyncadd.s32 $0xFFFFF800  }
.Ltmp3:
0x96: {  	[bflag:$0x0] =	sbarrier.arrive $0xFFFF;
	(pc) =	sbr.rel @p0 .LBB2_1-.Ltmp3, $4  }
0x97: {  	[hbm:s9], [sflag:s7] =	dma.local [spmem:s11], $0x4F0  }
0x98: {  	_ =	swait.ge [sflag:s12], $0x4F0  }
0x99: {  	[sflag:s12] =	ssyncset.done $0x0  }
0x9a: {  	[sflag:s12] =	ssyncadd.s32 $0xFFFFFB10  }
0x9b: {  	_ =	sfence.sel $0x180000  }
0x9c: {  	[bflag:$0x0] =	sbarrier.arrive $0xFFFF  }
0x9d: {  	p0 =	sne.s32 s0, $0x0;
	_ =	strace $0x90000047  }
0x9e: {  	s0 =	sadd.s32 @!p0 $0x100000, s1;
	[bflag:$0x2] =	sbarrier.arrive $0xFFFF  }
0x9f: {  	[sflag:s0] =	ssyncadd.tile.s32 @!p0 $0x1;
	_ =	shalt  }
.Lfunc_end2:
_tile_overlayer_lowered:
.L_overlay_start_2:
0xa0: {  	(tag) =	ssettag $0x2  }
0xa1: {  	s0 =	rddreg [dreg:$0x0];
	s2 =	stileid.u32  }
0xa2: {  	s1 =	rddreg [dreg:$0x1];
	p0 =	sne.s32 s2, $0x0  }
0xa3: {  	s3 =	rddreg [dreg:$0x2];
	[bflag:$0x3] =	sbarrier.arrive $0xFFFF;
	s2 =	simm.s32 @!p0 $0x1C02  }
0xa4: {  	[timem:s3], [sflag:s2] =	dma.local @!p0 [hbm:s0], s1  }
0xa5: {  	s0 =	simm.s32 @!p0 $0x2  }
0xa6: {  	_ =	swait.ge @!p0 [sflag:s0], s1  }
0xa7: {  	s1 =	ssub.s32 @!p0 $0x0, s1;
	[sflag:s0] =	ssyncset.done @!p0 $0x0  }
0xa8: {  	[sflag:s0] =	ssyncadd.s32 @!p0 s1  }
0xa9: {  	[bflag:$0x3] =	sbarrier.arrive $0xFFFF  }
0xaa: {  	_ =	shalt  }

</sc_bundles>
